<compile_context>
chip_gen: v7x
topology: tpu7x:2x2x1
jax: 0.10.2.dev20260603
libtpu: 0.0.44.dev20260713+nightly
codegen_flags: <defaults>
</compile_context>

<pallas_src>
import jax
import jax.numpy as jnp
from jax import lax
from jax.experimental import pallas as pl
from jax.experimental.pallas import tpu as pltpu
from jax.experimental.pallas import tpu_sc as plsc

N = 10000
E = 320000
D = 128
G = 256

NC = 2
NS = 16
NW = NC * NS
EW = E // NW
E_PAD = 327680
EWP = E_PAD // NW
CHUNK = 80
NCHUNK = EWP // CHUNK
N_PAD = 10240
RPS = N_PAD // NS
ZROWS = 128

RB = 400
NRB = N // RB


NB = 4


NROUND = NCHUNK // NB
RIDX = NB * CHUNK


def _sc_scatter_body(x_hbm, src_hbm, dst_hbm, zeros_hbm, out_hbm,
                     sb0, sb1, sb2, sb3, sb4, sb5, sb6, sb7,
                     db0, db1, db2, db3, db4, db5, db6, db7,
                     r0, r1, r2, r3,
                     agg_sh, isems, dsems, gsems, ssems):
    cid = lax.axis_index("c")
    sid = lax.axis_index("s")
    wid = sid * NC + cid
    rows = [r0, r1, r2, r3]
    srcB = [[sb0, sb1, sb2, sb3], [sb4, sb5, sb6, sb7]]
    dstB = [[db0, db1, db2, db3], [db4, db5, db6, db7]]

    for j in range(RPS // ZROWS):
        pltpu.sync_copy(zeros_hbm,
                        agg_sh.at[pl.ds(sid * RPS + j * ZROWS, ZROWS)])

    def fetch_src(p, r, b):
        base = wid * EWP + r * RIDX + b * CHUNK
        pltpu.async_copy(src_hbm.at[pl.ds(base, CHUNK)], srcB[p][b],
                         isems.at[p * NB + b])

    def wait_src(p, r, b):
        base = wid * EWP + r * RIDX + b * CHUNK
        pltpu.make_async_copy(src_hbm.at[pl.ds(base, CHUNK)], srcB[p][b],
                              isems.at[p * NB + b]).wait()

    def fetch_dst(p, r, b):
        base = wid * EWP + r * RIDX + b * CHUNK
        pltpu.async_copy(dst_hbm.at[pl.ds(base, CHUNK)], dstB[p][b],
                         dsems.at[p * NB + b])

    def wait_dst(p, r, b):
        base = wid * EWP + r * RIDX + b * CHUNK
        pltpu.make_async_copy(dst_hbm.at[pl.ds(base, CHUNK)], dstB[p][b],
                              dsems.at[p * NB + b]).wait()

    def start_gather(p, b):
        pltpu.async_copy(x_hbm.at[srcB[p][b]], rows[b], gsems.at[b])

    def wait_gather(p, b):
        pltpu.make_async_copy(x_hbm.at[srcB[p][b]], rows[b],
                              gsems.at[b]).wait()

    def start_scatter(p, b):
        pltpu.async_copy(rows[b], agg_sh.at[dstB[p][b]], ssems.at[b],
                         add=True)

    def wait_scatter(p, b):
        pltpu.make_async_copy(rows[b], agg_sh.at[dstB[p][b]],
                              ssems.at[b]).wait()

    for b in range(NB):
        fetch_src(0, 0, b)
        fetch_src(1, 1, b)
        fetch_dst(0, 0, b)
        fetch_dst(1, 1, b)
    plsc.subcore_barrier()
    for b in range(NB):
        wait_src(0, 0, b)
        start_gather(0, b)

    def half(p, r, rn):
        for b in range(NB):
            wait_gather(p, b)
        for b in range(NB):
            wait_dst(p, r, b)
        for b in range(NB):
            start_scatter(p, b)
        for b in range(NB):
            fetch_src(p, rn, b)
        for b in range(NB):
            wait_src(1 - p, r + 1, b)
        for b in range(NB):
            wait_scatter(p, b)
            start_gather(1 - p, b)
        for b in range(NB):
            fetch_dst(p, rn, b)

    def body(t, carry):
        half(0, 2 * t, 2 * t + 2)
        half(1, 2 * t + 1, 2 * t + 3)
        return carry

    lax.fori_loop(0, NROUND // 2 - 1, body, 0)

    rl0, rl1 = NROUND - 2, NROUND - 1
    for b in range(NB):
        wait_gather(0, b)
    for b in range(NB):
        wait_dst(0, rl0, b)
    for b in range(NB):
        start_scatter(0, b)
    for b in range(NB):
        wait_src(1, rl1, b)
    for b in range(NB):
        wait_scatter(0, b)
        start_gather(1, b)
    for b in range(NB):
        wait_gather(1, b)
    for b in range(NB):
        wait_dst(1, rl1, b)
    for b in range(NB):
        start_scatter(1, b)
    for b in range(NB):
        wait_scatter(1, b)

    plsc.subcore_barrier()
    pltpu.sync_copy(agg_sh.at[pl.ds(sid * RPS, RPS)],
                    out_hbm.at[cid, pl.ds(sid * RPS, RPS)])


import functools


@functools.cache
def _get_sc_scatter():
    return pl.kernel(
        _sc_scatter_body,
        out_type=jax.ShapeDtypeStruct((NC, N_PAD, D), jnp.float32),
        mesh=plsc.VectorSubcoreMesh(core_axis_name="c", subcore_axis_name="s",
                                    num_cores=NC, num_subcores=NS),
        scratch_types=(
            [pltpu.VMEM((CHUNK,), jnp.int32) for _ in range(4 * NB)]
            + [pltpu.VMEM((CHUNK, D), jnp.float32) for _ in range(NB)]
            + [pltpu.VMEM_SHARED((N_PAD, D), jnp.float32),
               pltpu.SemaphoreType.DMA((2 * NB,)),
               pltpu.SemaphoreType.DMA((2 * NB,)),
               pltpu.SemaphoreType.DMA((NB,)),
               pltpu.SemaphoreType.DMA((NB,))]),
    )


def _sc_scatter(x, src, dst, zeros):
    return _get_sc_scatter()(x, src, dst, zeros)


def _mlp_body(x_ref, p0_ref, p1_ref, w1_ref, b1_ref, w2_ref, b2_ref, o_ref):
    h = x_ref[...] + p0_ref[0] + p1_ref[0]
    h = jnp.maximum(jnp.dot(h, w1_ref[...], preferred_element_type=jnp.float32) + b1_ref[...], 0.0)
    h = jnp.dot(h, w2_ref[...], preferred_element_type=jnp.float32) + b2_ref[...]
    o_ref[...] = jnp.maximum(h, 0.0)


def _mlp(xp, P, w1, b1, w2, b2):
    row = pl.BlockSpec((RB, D), lambda i: (i, 0))
    p0s = pl.BlockSpec((1, RB, D), lambda i: (0, i, 0))
    p1s = pl.BlockSpec((1, RB, D), lambda i: (1, i, 0))
    full = pl.BlockSpec((D, D), lambda i: (0, 0))
    vec = pl.BlockSpec((1, D), lambda i: (0, 0))
    return pl.pallas_call(
        _mlp_body,
        grid=(NRB,),
        in_specs=[row, p0s, p1s, full, vec, full, vec],
        out_specs=row,
        out_shape=jax.ShapeDtypeStruct((N, D), jnp.float32),
    )(xp, P, P, w1, b1, w2, b2)


def _final_body(h_ref, q0_ref, q1_ref, b_ref, w1_ref, b1_ref, w2_ref, b2_ref,
                fcw_ref, fcb_ref, hw_ref, hb_ref, o_ref, acc_ref, cnt_ref):
    i = pl.program_id(0)

    @pl.when(i == 0)
    def _():
        acc_ref[...] = jnp.zeros_like(acc_ref)
        cnt_ref[...] = jnp.zeros_like(cnt_ref)

    h = h_ref[...] + q0_ref[0] + q1_ref[0]
    h = jnp.maximum(jnp.dot(h, w1_ref[...], preferred_element_type=jnp.float32) + b1_ref[...], 0.0)
    h = jnp.dot(h, w2_ref[...], preferred_element_type=jnp.float32) + b2_ref[...]
    h = jnp.maximum(h, 0.0)

    seg = b_ref[0]
    gids = lax.broadcasted_iota(jnp.int32, (G, RB), 0)
    onehot = (gids == seg).astype(jnp.float32)
    acc_ref[...] += jnp.dot(onehot, h, precision=lax.Precision.HIGHEST, preferred_element_type=jnp.float32)
    cnt_ref[...] += jnp.sum(onehot, axis=1, keepdims=True)

    @pl.when(i == NRB - 1)
    def _():
        counts = jnp.maximum(cnt_ref[...][:, 0:1], 1.0)
        pooled = acc_ref[...] / counts
        s = jnp.maximum(
            jnp.dot(pooled, fcw_ref[...], preferred_element_type=jnp.float32)
            + fcb_ref[...], 0.0)
        o_ref[...] = (jnp.dot(s, hw_ref[...], preferred_element_type=jnp.float32)
                      + hb_ref[...])


def _final(h1, Q, batch3, w1, b1, w2, b2, fcw, fcb, hw, hb):
    row = pl.BlockSpec((RB, D), lambda i: (i, 0))
    q0s = pl.BlockSpec((1, RB, D), lambda i: (0, i, 0))
    q1s = pl.BlockSpec((1, RB, D), lambda i: (1, i, 0))
    full = pl.BlockSpec((D, D), lambda i: (0, 0))
    vec = pl.BlockSpec((1, D), lambda i: (0, 0))
    return pl.pallas_call(
        _final_body,
        grid=(NRB,),
        in_specs=[
            row, q0s, q1s,
            pl.BlockSpec((1, 1, RB), lambda i: (i, 0, 0)),
            full, vec, full, vec,
            full, vec, full, vec,
        ],
        out_specs=pl.BlockSpec((G, D), lambda i: (0, 0)),
        out_shape=jax.ShapeDtypeStruct((G, D), jnp.float32),
        scratch_shapes=[
            pltpu.VMEM((G, D), jnp.float32),
            pltpu.VMEM((G, D), jnp.float32),
        ],
    )(h1, Q, Q, batch3, w1, b1, w2, b2, fcw, fcb, hw, hb)


def kernel(x, edge_index, batch,
           c1_w1, c1_b1, c1_w2, c1_b2,
           c2_w1, c2_b1, c2_w2, c2_b2,
           fc_w, fc_b, hS_w, hS_b, hP_w, hP_b, hN_w, hN_b):
    pad = jnp.arange(E_PAD - E, dtype=jnp.int32)
    src = jnp.concatenate([edge_index[0], pad % N])
    dst = jnp.concatenate([edge_index[1], N + pad % (N_PAD - N)])
    zeros = jnp.zeros((ZROWS, D), jnp.float32)

    P = _sc_scatter(x, src, dst, zeros)
    h1 = _mlp(x, P,
              c1_w1, c1_b1.reshape(1, D), c1_w2, c1_b2.reshape(1, D))
    Q = _sc_scatter(h1, src, dst, zeros)

    batch3 = batch.reshape(NRB, 1, RB)
    fcw = jnp.pad(fc_w, ((0, 0), (0, D - fc_w.shape[1])))
    fcb = jnp.pad(fc_b, (0, D - fc_b.shape[0])).reshape(1, D)
    hw = jnp.concatenate([hS_w, hP_w, hN_w], axis=1)
    hw = jnp.pad(hw, ((0, D - hw.shape[0]), (0, D - hw.shape[1])))
    hb = jnp.concatenate([hS_b, hP_b, hN_b], axis=0)
    hb = jnp.pad(hb, (0, D - hb.shape[0])).reshape(1, D)

    o = _final(h1, Q, batch3,
               c2_w1, c2_b1.reshape(1, D), c2_w2, c2_b2.reshape(1, D),
               fcw, fcb, hw, hb)
    return o[:, 0], o[:, 1], o[:, 2]

# --- scband reference (transcript-rebuilt; emitter-appended) ---
"""Pipeline reference for scband-ginmulti-task-472446402721 (READ-ONLY COPY).

The authoritative reference and input builder live on the scoring server;
editing this copy changes nothing except your own understanding.
"""

import jax, jax.numpy as jnp
import numpy as np

N = 10000
E = 320000
D = 128
G = 256


def setup_inputs(seed: int = 0) -> dict:
    key = jax.random.key(seed)
    ks = jax.random.split(key, 20)
    x = jax.random.normal(ks[0], (N, D), dtype=jnp.float32)
    edge_index = jax.random.randint(ks[1], (2, E), 0, N, dtype=jnp.int32)
    batch = jnp.sort(jax.random.randint(ks[2], (N,), 0, G, dtype=jnp.int32))
    def lin(k, fan_in, fan_out):
        kw, kb = jax.random.split(k)
        bound = 1.0 / np.sqrt(fan_in)
        W = jax.random.uniform(kw, (fan_in, fan_out), jnp.float32, -bound, bound)
        b = jax.random.uniform(kb, (fan_out,), jnp.float32, -bound, bound)
        return W, b
    c1_w1, c1_b1 = lin(ks[3], D, 128)
    c1_w2, c1_b2 = lin(ks[4], 128, 128)
    c2_w1, c2_b1 = lin(ks[5], 128, 128)
    c2_w2, c2_b2 = lin(ks[6], 128, 128)
    fc_w, fc_b = lin(ks[7], 128, 64)
    hS_w, hS_b = lin(ks[8], 64, 1)
    hP_w, hP_b = lin(ks[9], 64, 1)
    hN_w, hN_b = lin(ks[10], 64, 1)
    return {"x": x, "edge_index": edge_index, "batch": batch,
            "c1_w1": c1_w1, "c1_b1": c1_b1, "c1_w2": c1_w2, "c1_b2": c1_b2,
            "c2_w1": c2_w1, "c2_b1": c2_b1, "c2_w2": c2_w2, "c2_b2": c2_b2,
            "fc_w": fc_w, "fc_b": fc_b,
            "hS_w": hS_w, "hS_b": hS_b, "hP_w": hP_w, "hP_b": hP_b,
            "hN_w": hN_w, "hN_b": hN_b}


def _gin_conv(x, edge_index, w1, b1, w2, b2):
    # GINConv with default eps=0: h_i = MLP((1+eps)*x_i + sum_{j->i} x_j)
    src = edge_index[0]
    dst = edge_index[1]
    agg = jnp.zeros_like(x).at[dst].add(x[src])
    h = x + agg
    h = jnp.maximum(h @ w1 + b1, 0.0)
    h = h @ w2 + b2
    return h


def reference(x, edge_index, batch,
              c1_w1, c1_b1, c1_w2, c1_b2,
              c2_w1, c2_b1, c2_w2, c2_b2,
              fc_w, fc_b, hS_w, hS_b, hP_w, hP_b, hN_w, hN_b):
    h = jnp.maximum(_gin_conv(x, edge_index, c1_w1, c1_b1, c1_w2, c1_b2), 0.0)
    h = jnp.maximum(_gin_conv(h, edge_index, c2_w1, c2_b1, c2_w2, c2_b2), 0.0)
    # global mean pool over graphs
    counts = jnp.maximum(jnp.bincount(batch, length=G), 1).astype(h.dtype)
    pooled = jax.ops.segment_sum(h, batch, num_segments=G) / counts[:, None]
    s = jnp.maximum(pooled @ fc_w + fc_b, 0.0)
    out_logS = (s @ hS_w + hS_b).squeeze(-1)
    out_logP = (s @ hP_w + hP_b).squeeze(-1)
    out_NR = (s @ hN_w + hN_b).squeeze(-1)
    return (out_logS, out_logP, out_NR)

if __name__ == "__main__":
    import jax
    _d = setup_inputs()
    print(jax.jit(kernel)(*tuple(_d.values())))

</pallas_src>

<mosaic_0001>
#map = affine_map<(d0, d1) -> (0, 0)>
#map1 = affine_map<(d0, d1) -> (0)>
#map2 = affine_map<(d0, d1) -> (0, 0, 0)>
module attributes {stable_mosaic.version = 14 : i64} {
  func.func @_sc_scatter_body(%arg0: i32, %arg1: i32, %arg2: memref<10000x128xf32, #tpu.memory_space<hbm>>, %arg3: memref<327680xi32, #tpu.memory_space<hbm>>, %arg4: memref<327680xi32, #tpu.memory_space<hbm>>, %arg5: memref<128x128xf32, #tpu.memory_space<hbm>>, %arg6: memref<2x10240x128xf32, #tpu.memory_space<hbm>>, %arg7: memref<80xi32, #tpu.memory_space<vmem>>, %arg8: memref<80xi32, #tpu.memory_space<vmem>>, %arg9: memref<80xi32, #tpu.memory_space<vmem>>, %arg10: memref<80xi32, #tpu.memory_space<vmem>>, %arg11: memref<80xi32, #tpu.memory_space<vmem>>, %arg12: memref<80xi32, #tpu.memory_space<vmem>>, %arg13: memref<80xi32, #tpu.memory_space<vmem>>, %arg14: memref<80xi32, #tpu.memory_space<vmem>>, %arg15: memref<80xi32, #tpu.memory_space<vmem>>, %arg16: memref<80xi32, #tpu.memory_space<vmem>>, %arg17: memref<80xi32, #tpu.memory_space<vmem>>, %arg18: memref<80xi32, #tpu.memory_space<vmem>>, %arg19: memref<80xi32, #tpu.memory_space<vmem>>, %arg20: memref<80xi32, #tpu.memory_space<vmem>>, %arg21: memref<80xi32, #tpu.memory_space<vmem>>, %arg22: memref<80xi32, #tpu.memory_space<vmem>>, %arg23: memref<80x128xf32, #tpu.memory_space<vmem>>, %arg24: memref<80x128xf32, #tpu.memory_space<vmem>>, %arg25: memref<80x128xf32, #tpu.memory_space<vmem>>, %arg26: memref<80x128xf32, #tpu.memory_space<vmem>>, %arg27: memref<10240x128xf32, #tpu.memory_space<vmem_shared>>, %arg28: memref<8x!tpu.dma_semaphore, #tpu.memory_space<semaphore_mem>>, %arg29: memref<8x!tpu.dma_semaphore, #tpu.memory_space<semaphore_mem>>, %arg30: memref<4x!tpu.dma_semaphore, #tpu.memory_space<semaphore_mem>>, %arg31: memref<4x!tpu.dma_semaphore, #tpu.memory_space<semaphore_mem>>) attributes {dimension_semantics = [#tpu.dimension_semantics<core_parallel>, #tpu.dimension_semantics<subcore_parallel>], iteration_bounds = array<i64: 2, 16>, scalar_prefetch = 0 : i64, scratch_operands = 25 : i64, tpu.core_type = #tpu.core_type<sc_vector_subcore>, window_params = [{transform_indices = #map}, {transform_indices = #map1}, {transform_indices = #map1}, {transform_indices = #map}, {transform_indices = #map2}]} {
    %mul3A = arith.constant 2 : i32
    %mul3A_0 = arith.muli %arg1, %mul3A : i32
    %add3A = arith.addi %mul3A_0, %arg0 : i32
    %mul3A_1 = arith.constant 640 : i32
    %mul3A_2 = arith.muli %arg1, %mul3A_1 : i32
    %add3A_3 = arith.constant 0 : i32
    %add3A_4 = arith.addi %mul3A_2, %add3A_3 : i32
    "tpu.region"() ({
      %run_scoped3A = tpu.sem_alloc : memref<!tpu.dma_semaphore, #tpu.memory_space<semaphore_mem>>
      %dma_start3A_573 = arith.constant 0 : i32
      %dma_start3A_574 = tpu.memref_slice %arg27[%add3A_4, %dma_start3A_573] : memref<10240x128xf32, #tpu.memory_space<vmem_shared>> -> memref<128x128xf32, #tpu.memory_space<vmem_shared>>
      tpu.enqueue_dma source(%arg5 : memref<128x128xf32, #tpu.memory_space<hbm>>) target(%dma_start3A_574 : memref<128x128xf32, #tpu.memory_space<vmem_shared>>) target_semaphore(%run_scoped3A : memref<!tpu.dma_semaphore, #tpu.memory_space<semaphore_mem>>)
      %dma_wait3A_575 = arith.constant 0 : i32
      %dma_wait3A_576 = tpu.memref_slice %arg27[%add3A_4, %dma_wait3A_575] : memref<10240x128xf32, #tpu.memory_space<vmem_shared>> -> memref<128x128xf32, #tpu.memory_space<vmem_shared>>
      tpu.wait_dma2 semaphore(%run_scoped3A : memref<!tpu.dma_semaphore, #tpu.memory_space<semaphore_mem>>) src(%arg5 : memref<128x128xf32, #tpu.memory_space<hbm>>) dst(%dma_wait3A_576 : memref<128x128xf32, #tpu.memory_space<vmem_shared>>)
      tpu.yield
    }) : () -> ()
    %mul3A_5 = arith.constant 640 : i32
    %mul3A_6 = arith.muli %arg1, %mul3A_5 : i32
    %add3A_7 = arith.constant 128 : i32
    %add3A_8 = arith.addi %mul3A_6, %add3A_7 : i32
    "tpu.region"() ({
      %run_scoped3A = tpu.sem_alloc : memref<!tpu.dma_semaphore, #tpu.memory_space<semaphore_mem>>
      %dma_start3A_573 = arith.constant 0 : i32
      %dma_start3A_574 = tpu.memref_slice %arg27[%add3A_8, %dma_start3A_573] : memref<10240x128xf32, #tpu.memory_space<vmem_shared>> -> memref<128x128xf32, #tpu.memory_space<vmem_shared>>
      tpu.enqueue_dma source(%arg5 : memref<128x128xf32, #tpu.memory_space<hbm>>) target(%dma_start3A_574 : memref<128x128xf32, #tpu.memory_space<vmem_shared>>) target_semaphore(%run_scoped3A : memref<!tpu.dma_semaphore, #tpu.memory_space<semaphore_mem>>)
      %dma_wait3A_575 = arith.constant 0 : i32
      %dma_wait3A_576 = tpu.memref_slice %arg27[%add3A_8, %dma_wait3A_575] : memref<10240x128xf32, #tpu.memory_space<vmem_shared>> -> memref<128x128xf32, #tpu.memory_space<vmem_shared>>
      tpu.wait_dma2 semaphore(%run_scoped3A : memref<!tpu.dma_semaphore, #tpu.memory_space<semaphore_mem>>) src(%arg5 : memref<128x128xf32, #tpu.memory_space<hbm>>) dst(%dma_wait3A_576 : memref<128x128xf32, #tpu.memory_space<vmem_shared>>)
      tpu.yield
    }) : () -> ()
    %mul3A_9 = arith.constant 640 : i32
    %mul3A_10 = arith.muli %arg1, %mul3A_9 : i32
    %add3A_11 = arith.constant 256 : i32
    %add3A_12 = arith.addi %mul3A_10, %add3A_11 : i32
    "tpu.region"() ({
      %run_scoped3A = tpu.sem_alloc : memref<!tpu.dma_semaphore, #tpu.memory_space<semaphore_mem>>
      %dma_start3A_573 = arith.constant 0 : i32
      %dma_start3A_574 = tpu.memref_slice %arg27[%add3A_12, %dma_start3A_573] : memref<10240x128xf32, #tpu.memory_space<vmem_shared>> -> memref<128x128xf32, #tpu.memory_space<vmem_shared>>
      tpu.enqueue_dma source(%arg5 : memref<128x128xf32, #tpu.memory_space<hbm>>) target(%dma_start3A_574 : memref<128x128xf32, #tpu.memory_space<vmem_shared>>) target_semaphore(%run_scoped3A : memref<!tpu.dma_semaphore, #tpu.memory_space<semaphore_mem>>)
      %dma_wait3A_575 = arith.constant 0 : i32
      %dma_wait3A_576 = tpu.memref_slice %arg27[%add3A_12, %dma_wait3A_575] : memref<10240x128xf32, #tpu.memory_space<vmem_shared>> -> memref<128x128xf32, #tpu.memory_space<vmem_shared>>
      tpu.wait_dma2 semaphore(%run_scoped3A : memref<!tpu.dma_semaphore, #tpu.memory_space<semaphore_mem>>) src(%arg5 : memref<128x128xf32, #tpu.memory_space<hbm>>) dst(%dma_wait3A_576 : memref<128x128xf32, #tpu.memory_space<vmem_shared>>)
      tpu.yield
    }) : () -> ()
    %mul3A_13 = arith.constant 640 : i32
    %mul3A_14 = arith.muli %arg1, %mul3A_13 : i32
    %add3A_15 = arith.constant 384 : i32
    %add3A_16 = arith.addi %mul3A_14, %add3A_15 : i32
    "tpu.region"() ({
      %run_scoped3A = tpu.sem_alloc : memref<!tpu.dma_semaphore, #tpu.memory_space<semaphore_mem>>
      %dma_start3A_573 = arith.constant 0 : i32
      %dma_start3A_574 = tpu.memref_slice %arg27[%add3A_16, %dma_start3A_573] : memref<10240x128xf32, #tpu.memory_space<vmem_shared>> -> memref<128x128xf32, #tpu.memory_space<vmem_shared>>
      tpu.enqueue_dma source(%arg5 : memref<128x128xf32, #tpu.memory_space<hbm>>) target(%dma_start3A_574 : memref<128x128xf32, #tpu.memory_space<vmem_shared>>) target_semaphore(%run_scoped3A : memref<!tpu.dma_semaphore, #tpu.memory_space<semaphore_mem>>)
      %dma_wait3A_575 = arith.constant 0 : i32
      %dma_wait3A_576 = tpu.memref_slice %arg27[%add3A_16, %dma_wait3A_575] : memref<10240x128xf32, #tpu.memory_space<vmem_shared>> -> memref<128x128xf32, #tpu.memory_space<vmem_shared>>
      tpu.wait_dma2 semaphore(%run_scoped3A : memref<!tpu.dma_semaphore, #tpu.memory_space<semaphore_mem>>) src(%arg5 : memref<128x128xf32, #tpu.memory_space<hbm>>) dst(%dma_wait3A_576 : memref<128x128xf32, #tpu.memory_space<vmem_shared>>)
      tpu.yield
    }) : () -> ()
    %mul3A_17 = arith.constant 640 : i32
    %mul3A_18 = arith.muli %arg1, %mul3A_17 : i32
    %add3A_19 = arith.constant 512 : i32
    %add3A_20 = arith.addi %mul3A_18, %add3A_19 : i32
    "tpu.region"() ({
      %run_scoped3A = tpu.sem_alloc : memref<!tpu.dma_semaphore, #tpu.memory_space<semaphore_mem>>
      %dma_start3A_573 = arith.constant 0 : i32
      %dma_start3A_574 = tpu.memref_slice %arg27[%add3A_20, %dma_start3A_573] : memref<10240x128xf32, #tpu.memory_space<vmem_shared>> -> memref<128x128xf32, #tpu.memory_space<vmem_shared>>
      tpu.enqueue_dma source(%arg5 : memref<128x128xf32, #tpu.memory_space<hbm>>) target(%dma_start3A_574 : memref<128x128xf32, #tpu.memory_space<vmem_shared>>) target_semaphore(%run_scoped3A : memref<!tpu.dma_semaphore, #tpu.memory_space<semaphore_mem>>)
      %dma_wait3A_575 = arith.constant 0 : i32
      %dma_wait3A_576 = tpu.memref_slice %arg27[%add3A_20, %dma_wait3A_575] : memref<10240x128xf32, #tpu.memory_space<vmem_shared>> -> memref<128x128xf32, #tpu.memory_space<vmem_shared>>
      tpu.wait_dma2 semaphore(%run_scoped3A : memref<!tpu.dma_semaphore, #tpu.memory_space<semaphore_mem>>) src(%arg5 : memref<128x128xf32, #tpu.memory_space<hbm>>) dst(%dma_wait3A_576 : memref<128x128xf32, #tpu.memory_space<vmem_shared>>)
      tpu.yield
    }) : () -> ()
    %mul3A_21 = arith.constant 10240 : i32
    %mul3A_22 = arith.muli %add3A, %mul3A_21 : i32
    %add3A_23 = arith.constant 0 : i32
    %add3A_24 = arith.addi %mul3A_22, %add3A_23 : i32
    %add3A_25 = arith.constant 0 : i32
    %add3A_26 = arith.addi %add3A_24, %add3A_25 : i32
    %dma_start3A = arith.constant 0 : i32
    %dma_start3A_27 = tpu.memref_slice %arg3[%add3A_26] : memref<327680xi32, #tpu.memory_space<hbm>> -> memref<80xi32, #tpu.memory_space<hbm>>
    %dma_start3A_28 = tpu.memref_slice %arg28[%dma_start3A] : memref<8x!tpu.dma_semaphore, #tpu.memory_space<semaphore_mem>> -> memref<1x!tpu.dma_semaphore, #tpu.memory_space<semaphore_mem>>
    %dma_start3A_29 = tpu.memref_squeeze %dma_start3A_28 : memref<1x!tpu.dma_semaphore, #tpu.memory_space<semaphore_mem>> -> memref<!tpu.dma_semaphore, #tpu.memory_space<semaphore_mem>>
    %dma_start3A_30 = tpu.memref_slice %arg3[%add3A_26] : memref<327680xi32, #tpu.memory_space<hbm>> -> memref<80xi32, #tpu.memory_space<hbm>>
    tpu.enqueue_dma source(%dma_start3A_30 : memref<80xi32, #tpu.memory_space<hbm>>) target(%arg7 : memref<80xi32, #tpu.memory_space<vmem>>) target_semaphore(%dma_start3A_29 : memref<!tpu.dma_semaphore, #tpu.memory_space<semaphore_mem>>)
    %mul3A_31 = arith.constant 10240 : i32
    %mul3A_32 = arith.muli %add3A, %mul3A_31 : i32
    %add3A_33 = arith.constant 320 : i32
    %add3A_34 = arith.addi %mul3A_32, %add3A_33 : i32
    %add3A_35 = arith.constant 0 : i32
    %add3A_36 = arith.addi %add3A_34, %add3A_35 : i32
    %dma_start3A_37 = arith.constant 4 : i32
    %dma_start3A_38 = tpu.memref_slice %arg3[%add3A_36] : memref<327680xi32, #tpu.memory_space<hbm>> -> memref<80xi32, #tpu.memory_space<hbm>>
    %dma_start3A_39 = tpu.memref_slice %arg28[%dma_start3A_37] : memref<8x!tpu.dma_semaphore, #tpu.memory_space<semaphore_mem>> -> memref<1x!tpu.dma_semaphore, #tpu.memory_space<semaphore_mem>>
    %dma_start3A_40 = tpu.memref_squeeze %dma_start3A_39 : memref<1x!tpu.dma_semaphore, #tpu.memory_space<semaphore_mem>> -> memref<!tpu.dma_semaphore, #tpu.memory_space<semaphore_mem>>
    %dma_start3A_41 = tpu.memref_slice %arg3[%add3A_36] : memref<327680xi32, #tpu.memory_space<hbm>> -> memref<80xi32, #tpu.memory_space<hbm>>
    tpu.enqueue_dma source(%dma_start3A_41 : memref<80xi32, #tpu.memory_space<hbm>>) target(%arg11 : memref<80xi32, #tpu.memory_space<vmem>>) target_semaphore(%dma_start3A_40 : memref<!tpu.dma_semaphore, #tpu.memory_space<semaphore_mem>>)
    %mul3A_42 = arith.constant 10240 : i32
    %mul3A_43 = arith.muli %add3A, %mul3A_42 : i32
    %add3A_44 = arith.constant 0 : i32
    %add3A_45 = arith.addi %mul3A_43, %add3A_44 : i32
    %add3A_46 = arith.constant 0 : i32
    %add3A_47 = arith.addi %add3A_45, %add3A_46 : i32
    %dma_start3A_48 = arith.constant 0 : i32
    %dma_start3A_49 = tpu.memref_slice %arg4[%add3A_47] : memref<327680xi32, #tpu.memory_space<hbm>> -> memref<80xi32, #tpu.memory_space<hbm>>
    %dma_start3A_50 = tpu.memref_slice %arg29[%dma_start3A_48] : memref<8x!tpu.dma_semaphore, #tpu.memory_space<semaphore_mem>> -> memref<1x!tpu.dma_semaphore, #tpu.memory_space<semaphore_mem>>
    %dma_start3A_51 = tpu.memref_squeeze %dma_start3A_50 : memref<1x!tpu.dma_semaphore, #tpu.memory_space<semaphore_mem>> -> memref<!tpu.dma_semaphore, #tpu.memory_space<semaphore_mem>>
    %dma_start3A_52 = tpu.memref_slice %arg4[%add3A_47] : memref<327680xi32, #tpu.memory_space<hbm>> -> memref<80xi32, #tpu.memory_space<hbm>>
    tpu.enqueue_dma source(%dma_start3A_52 : memref<80xi32, #tpu.memory_space<hbm>>) target(%arg15 : memref<80xi32, #tpu.memory_space<vmem>>) target_semaphore(%dma_start3A_51 : memref<!tpu.dma_semaphore, #tpu.memory_space<semaphore_mem>>)
    %mul3A_53 = arith.constant 10240 : i32
    %mul3A_54 = arith.muli %add3A, %mul3A_53 : i32
    %add3A_55 = arith.constant 320 : i32
    %add3A_56 = arith.addi %mul3A_54, %add3A_55 : i32
    %add3A_57 = arith.constant 0 : i32
    %add3A_58 = arith.addi %add3A_56, %add3A_57 : i32
    %dma_start3A_59 = arith.constant 4 : i32
    %dma_start3A_60 = tpu.memref_slice %arg4[%add3A_58] : memref<327680xi32, #tpu.memory_space<hbm>> -> memref<80xi32, #tpu.memory_space<hbm>>
    %dma_start3A_61 = tpu.memref_slice %arg29[%dma_start3A_59] : memref<8x!tpu.dma_semaphore, #tpu.memory_space<semaphore_mem>> -> memref<1x!tpu.dma_semaphore, #tpu.memory_space<semaphore_mem>>
    %dma_start3A_62 = tpu.memref_squeeze %dma_start3A_61 : memref<1x!tpu.dma_semaphore, #tpu.memory_space<semaphore_mem>> -> memref<!tpu.dma_semaphore, #tpu.memory_space<semaphore_mem>>
    %dma_start3A_63 = tpu.memref_slice %arg4[%add3A_58] : memref<327680xi32, #tpu.memory_space<hbm>> -> memref<80xi32, #tpu.memory_space<hbm>>
    tpu.enqueue_dma source(%dma_start3A_63 : memref<80xi32, #tpu.memory_space<hbm>>) target(%arg19 : memref<80xi32, #tpu.memory_space<vmem>>) target_semaphore(%dma_start3A_62 : memref<!tpu.dma_semaphore, #tpu.memory_space<semaphore_mem>>)
    %mul3A_64 = arith.constant 10240 : i32
    %mul3A_65 = arith.muli %add3A, %mul3A_64 : i32
    %add3A_66 = arith.constant 0 : i32
    %add3A_67 = arith.addi %mul3A_65, %add3A_66 : i32
    %add3A_68 = arith.constant 80 : i32
    %add3A_69 = arith.addi %add3A_67, %add3A_68 : i32
    %dma_start3A_70 = arith.constant 1 : i32
    %dma_start3A_71 = tpu.memref_slice %arg3[%add3A_69] : memref<327680xi32, #tpu.memory_space<hbm>> -> memref<80xi32, #tpu.memory_space<hbm>>
    %dma_start3A_72 = tpu.memref_slice %arg28[%dma_start3A_70] : memref<8x!tpu.dma_semaphore, #tpu.memory_space<semaphore_mem>> -> memref<1x!tpu.dma_semaphore, #tpu.memory_space<semaphore_mem>>
    %dma_start3A_73 = tpu.memref_squeeze %dma_start3A_72 : memref<1x!tpu.dma_semaphore, #tpu.memory_space<semaphore_mem>> -> memref<!tpu.dma_semaphore, #tpu.memory_space<semaphore_mem>>
    %dma_start3A_74 = tpu.memref_slice %arg3[%add3A_69] : memref<327680xi32, #tpu.memory_space<hbm>> -> memref<80xi32, #tpu.memory_space<hbm>>
    tpu.enqueue_dma source(%dma_start3A_74 : memref<80xi32, #tpu.memory_space<hbm>>) target(%arg8 : memref<80xi32, #tpu.memory_space<vmem>>) target_semaphore(%dma_start3A_73 : memref<!tpu.dma_semaphore, #tpu.memory_space<semaphore_mem>>)
    %mul3A_75 = arith.constant 10240 : i32
    %mul3A_76 = arith.muli %add3A, %mul3A_75 : i32
    %add3A_77 = arith.constant 320 : i32
    %add3A_78 = arith.addi %mul3A_76, %add3A_77 : i32
    %add3A_79 = arith.constant 80 : i32
    %add3A_80 = arith.addi %add3A_78, %add3A_79 : i32
    %dma_start3A_81 = arith.constant 5 : i32
    %dma_start3A_82 = tpu.memref_slice %arg3[%add3A_80] : memref<327680xi32, #tpu.memory_space<hbm>> -> memref<80xi32, #tpu.memory_space<hbm>>
    %dma_start3A_83 = tpu.memref_slice %arg28[%dma_start3A_81] : memref<8x!tpu.dma_semaphore, #tpu.memory_space<semaphore_mem>> -> memref<1x!tpu.dma_semaphore, #tpu.memory_space<semaphore_mem>>
    %dma_start3A_84 = tpu.memref_squeeze %dma_start3A_83 : memref<1x!tpu.dma_semaphore, #tpu.memory_space<semaphore_mem>> -> memref<!tpu.dma_semaphore, #tpu.memory_space<semaphore_mem>>
    %dma_start3A_85 = tpu.memref_slice %arg3[%add3A_80] : memref<327680xi32, #tpu.memory_space<hbm>> -> memref<80xi32, #tpu.memory_space<hbm>>
    tpu.enqueue_dma source(%dma_start3A_85 : memref<80xi32, #tpu.memory_space<hbm>>) target(%arg12 : memref<80xi32, #tpu.memory_space<vmem>>) target_semaphore(%dma_start3A_84 : memref<!tpu.dma_semaphore, #tpu.memory_space<semaphore_mem>>)
    %mul3A_86 = arith.constant 10240 : i32
    %mul3A_87 = arith.muli %add3A, %mul3A_86 : i32
    %add3A_88 = arith.constant 0 : i32
    %add3A_89 = arith.addi %mul3A_87, %add3A_88 : i32
    %add3A_90 = arith.constant 80 : i32
    %add3A_91 = arith.addi %add3A_89, %add3A_90 : i32
    %dma_start3A_92 = arith.constant 1 : i32
    %dma_start3A_93 = tpu.memref_slice %arg4[%add3A_91] : memref<327680xi32, #tpu.memory_space<hbm>> -> memref<80xi32, #tpu.memory_space<hbm>>
    %dma_start3A_94 = tpu.memref_slice %arg29[%dma_start3A_92] : memref<8x!tpu.dma_semaphore, #tpu.memory_space<semaphore_mem>> -> memref<1x!tpu.dma_semaphore, #tpu.memory_space<semaphore_mem>>
    %dma_start3A_95 = tpu.memref_squeeze %dma_start3A_94 : memref<1x!tpu.dma_semaphore, #tpu.memory_space<semaphore_mem>> -> memref<!tpu.dma_semaphore, #tpu.memory_space<semaphore_mem>>
    %dma_start3A_96 = tpu.memref_slice %arg4[%add3A_91] : memref<327680xi32, #tpu.memory_space<hbm>> -> memref<80xi32, #tpu.memory_space<hbm>>
    tpu.enqueue_dma source(%dma_start3A_96 : memref<80xi32, #tpu.memory_space<hbm>>) target(%arg16 : memref<80xi32, #tpu.memory_space<vmem>>) target_semaphore(%dma_start3A_95 : memref<!tpu.dma_semaphore, #tpu.memory_space<semaphore_mem>>)
    %mul3A_97 = arith.constant 10240 : i32
    %mul3A_98 = arith.muli %add3A, %mul3A_97 : i32
    %add3A_99 = arith.constant 320 : i32
    %add3A_100 = arith.addi %mul3A_98, %add3A_99 : i32
    %add3A_101 = arith.constant 80 : i32
    %add3A_102 = arith.addi %add3A_100, %add3A_101 : i32
    %dma_start3A_103 = arith.constant 5 : i32
    %dma_start3A_104 = tpu.memref_slice %arg4[%add3A_102] : memref<327680xi32, #tpu.memory_space<hbm>> -> memref<80xi32, #tpu.memory_space<hbm>>
    %dma_start3A_105 = tpu.memref_slice %arg29[%dma_start3A_103] : memref<8x!tpu.dma_semaphore, #tpu.memory_space<semaphore_mem>> -> memref<1x!tpu.dma_semaphore, #tpu.memory_space<semaphore_mem>>
    %dma_start3A_106 = tpu.memref_squeeze %dma_start3A_105 : memref<1x!tpu.dma_semaphore, #tpu.memory_space<semaphore_mem>> -> memref<!tpu.dma_semaphore, #tpu.memory_space<semaphore_mem>>
    %dma_start3A_107 = tpu.memref_slice %arg4[%add3A_102] : memref<327680xi32, #tpu.memory_space<hbm>> -> memref<80xi32, #tpu.memory_space<hbm>>
    tpu.enqueue_dma source(%dma_start3A_107 : memref<80xi32, #tpu.memory_space<hbm>>) target(%arg20 : memref<80xi32, #tpu.memory_space<vmem>>) target_semaphore(%dma_start3A_106 : memref<!tpu.dma_semaphore, #tpu.memory_space<semaphore_mem>>)
    %mul3A_108 = arith.constant 10240 : i32
    %mul3A_109 = arith.muli %add3A, %mul3A_108 : i32
    %add3A_110 = arith.constant 0 : i32
    %add3A_111 = arith.addi %mul3A_109, %add3A_110 : i32
    %add3A_112 = arith.constant 160 : i32
    %add3A_113 = arith.addi %add3A_111, %add3A_112 : i32
    %dma_start3A_114 = arith.constant 2 : i32
    %dma_start3A_115 = tpu.memref_slice %arg3[%add3A_113] : memref<327680xi32, #tpu.memory_space<hbm>> -> memref<80xi32, #tpu.memory_space<hbm>>
    %dma_start3A_116 = tpu.memref_slice %arg28[%dma_start3A_114] : memref<8x!tpu.dma_semaphore, #tpu.memory_space<semaphore_mem>> -> memref<1x!tpu.dma_semaphore, #tpu.memory_space<semaphore_mem>>
    %dma_start3A_117 = tpu.memref_squeeze %dma_start3A_116 : memref<1x!tpu.dma_semaphore, #tpu.memory_space<semaphore_mem>> -> memref<!tpu.dma_semaphore, #tpu.memory_space<semaphore_mem>>
    %dma_start3A_118 = tpu.memref_slice %arg3[%add3A_113] : memref<327680xi32, #tpu.memory_space<hbm>> -> memref<80xi32, #tpu.memory_space<hbm>>
    tpu.enqueue_dma source(%dma_start3A_118 : memref<80xi32, #tpu.memory_space<hbm>>) target(%arg9 : memref<80xi32, #tpu.memory_space<vmem>>) target_semaphore(%dma_start3A_117 : memref<!tpu.dma_semaphore, #tpu.memory_space<semaphore_mem>>)
    %mul3A_119 = arith.constant 10240 : i32
    %mul3A_120 = arith.muli %add3A, %mul3A_119 : i32
    %add3A_121 = arith.constant 320 : i32
    %add3A_122 = arith.addi %mul3A_120, %add3A_121 : i32
    %add3A_123 = arith.constant 160 : i32
    %add3A_124 = arith.addi %add3A_122, %add3A_123 : i32
    %dma_start3A_125 = arith.constant 6 : i32
    %dma_start3A_126 = tpu.memref_slice %arg3[%add3A_124] : memref<327680xi32, #tpu.memory_space<hbm>> -> memref<80xi32, #tpu.memory_space<hbm>>
    %dma_start3A_127 = tpu.memref_slice %arg28[%dma_start3A_125] : memref<8x!tpu.dma_semaphore, #tpu.memory_space<semaphore_mem>> -> memref<1x!tpu.dma_semaphore, #tpu.memory_space<semaphore_mem>>
    %dma_start3A_128 = tpu.memref_squeeze %dma_start3A_127 : memref<1x!tpu.dma_semaphore, #tpu.memory_space<semaphore_mem>> -> memref<!tpu.dma_semaphore, #tpu.memory_space<semaphore_mem>>
    %dma_start3A_129 = tpu.memref_slice %arg3[%add3A_124] : memref<327680xi32, #tpu.memory_space<hbm>> -> memref<80xi32, #tpu.memory_space<hbm>>
    tpu.enqueue_dma source(%dma_start3A_129 : memref<80xi32, #tpu.memory_space<hbm>>) target(%arg13 : memref<80xi32, #tpu.memory_space<vmem>>) target_semaphore(%dma_start3A_128 : memref<!tpu.dma_semaphore, #tpu.memory_space<semaphore_mem>>)
    %mul3A_130 = arith.constant 10240 : i32
    %mul3A_131 = arith.muli %add3A, %mul3A_130 : i32
    %add3A_132 = arith.constant 0 : i32
    %add3A_133 = arith.addi %mul3A_131, %add3A_132 : i32
    %add3A_134 = arith.constant 160 : i32
    %add3A_135 = arith.addi %add3A_133, %add3A_134 : i32
    %dma_start3A_136 = arith.constant 2 : i32
    %dma_start3A_137 = tpu.memref_slice %arg4[%add3A_135] : memref<327680xi32, #tpu.memory_space<hbm>> -> memref<80xi32, #tpu.memory_space<hbm>>
    %dma_start3A_138 = tpu.memref_slice %arg29[%dma_start3A_136] : memref<8x!tpu.dma_semaphore, #tpu.memory_space<semaphore_mem>> -> memref<1x!tpu.dma_semaphore, #tpu.memory_space<semaphore_mem>>
    %dma_start3A_139 = tpu.memref_squeeze %dma_start3A_138 : memref<1x!tpu.dma_semaphore, #tpu.memory_space<semaphore_mem>> -> memref<!tpu.dma_semaphore, #tpu.memory_space<semaphore_mem>>
    %dma_start3A_140 = tpu.memref_slice %arg4[%add3A_135] : memref<327680xi32, #tpu.memory_space<hbm>> -> memref<80xi32, #tpu.memory_space<hbm>>
    tpu.enqueue_dma source(%dma_start3A_140 : memref<80xi32, #tpu.memory_space<hbm>>) target(%arg17 : memref<80xi32, #tpu.memory_space<vmem>>) target_semaphore(%dma_start3A_139 : memref<!tpu.dma_semaphore, #tpu.memory_space<semaphore_mem>>)
    %mul3A_141 = arith.constant 10240 : i32
    %mul3A_142 = arith.muli %add3A, %mul3A_141 : i32
    %add3A_143 = arith.constant 320 : i32
    %add3A_144 = arith.addi %mul3A_142, %add3A_143 : i32
    %add3A_145 = arith.constant 160 : i32
    %add3A_146 = arith.addi %add3A_144, %add3A_145 : i32
    %dma_start3A_147 = arith.constant 6 : i32
    %dma_start3A_148 = tpu.memref_slice %arg4[%add3A_146] : memref<327680xi32, #tpu.memory_space<hbm>> -> memref<80xi32, #tpu.memory_space<hbm>>
    %dma_start3A_149 = tpu.memref_slice %arg29[%dma_start3A_147] : memref<8x!tpu.dma_semaphore, #tpu.memory_space<semaphore_mem>> -> memref<1x!tpu.dma_semaphore, #tpu.memory_space<semaphore_mem>>
    %dma_start3A_150 = tpu.memref_squeeze %dma_start3A_149 : memref<1x!tpu.dma_semaphore, #tpu.memory_space<semaphore_mem>> -> memref<!tpu.dma_semaphore, #tpu.memory_space<semaphore_mem>>
    %dma_start3A_151 = tpu.memref_slice %arg4[%add3A_146] : memref<327680xi32, #tpu.memory_space<hbm>> -> memref<80xi32, #tpu.memory_space<hbm>>
    tpu.enqueue_dma source(%dma_start3A_151 : memref<80xi32, #tpu.memory_space<hbm>>) target(%arg21 : memref<80xi32, #tpu.memory_space<vmem>>) target_semaphore(%dma_start3A_150 : memref<!tpu.dma_semaphore, #tpu.memory_space<semaphore_mem>>)
    %mul3A_152 = arith.constant 10240 : i32
    %mul3A_153 = arith.muli %add3A, %mul3A_152 : i32
    %add3A_154 = arith.constant 0 : i32
    %add3A_155 = arith.addi %mul3A_153, %add3A_154 : i32
    %add3A_156 = arith.constant 240 : i32
    %add3A_157 = arith.addi %add3A_155, %add3A_156 : i32
    %dma_start3A_158 = arith.constant 3 : i32
    %dma_start3A_159 = tpu.memref_slice %arg3[%add3A_157] : memref<327680xi32, #tpu.memory_space<hbm>> -> memref<80xi32, #tpu.memory_space<hbm>>
    %dma_start3A_160 = tpu.memref_slice %arg28[%dma_start3A_158] : memref<8x!tpu.dma_semaphore, #tpu.memory_space<semaphore_mem>> -> memref<1x!tpu.dma_semaphore, #tpu.memory_space<semaphore_mem>>
    %dma_start3A_161 = tpu.memref_squeeze %dma_start3A_160 : memref<1x!tpu.dma_semaphore, #tpu.memory_space<semaphore_mem>> -> memref<!tpu.dma_semaphore, #tpu.memory_space<semaphore_mem>>
    %dma_start3A_162 = tpu.memref_slice %arg3[%add3A_157] : memref<327680xi32, #tpu.memory_space<hbm>> -> memref<80xi32, #tpu.memory_space<hbm>>
    tpu.enqueue_dma source(%dma_start3A_162 : memref<80xi32, #tpu.memory_space<hbm>>) target(%arg10 : memref<80xi32, #tpu.memory_space<vmem>>) target_semaphore(%dma_start3A_161 : memref<!tpu.dma_semaphore, #tpu.memory_space<semaphore_mem>>)
    %mul3A_163 = arith.constant 10240 : i32
    %mul3A_164 = arith.muli %add3A, %mul3A_163 : i32
    %add3A_165 = arith.constant 320 : i32
    %add3A_166 = arith.addi %mul3A_164, %add3A_165 : i32
    %add3A_167 = arith.constant 240 : i32
    %add3A_168 = arith.addi %add3A_166, %add3A_167 : i32
    %dma_start3A_169 = arith.constant 7 : i32
    %dma_start3A_170 = tpu.memref_slice %arg3[%add3A_168] : memref<327680xi32, #tpu.memory_space<hbm>> -> memref<80xi32, #tpu.memory_space<hbm>>
    %dma_start3A_171 = tpu.memref_slice %arg28[%dma_start3A_169] : memref<8x!tpu.dma_semaphore, #tpu.memory_space<semaphore_mem>> -> memref<1x!tpu.dma_semaphore, #tpu.memory_space<semaphore_mem>>
    %dma_start3A_172 = tpu.memref_squeeze %dma_start3A_171 : memref<1x!tpu.dma_semaphore, #tpu.memory_space<semaphore_mem>> -> memref<!tpu.dma_semaphore, #tpu.memory_space<semaphore_mem>>
    %dma_start3A_173 = tpu.memref_slice %arg3[%add3A_168] : memref<327680xi32, #tpu.memory_space<hbm>> -> memref<80xi32, #tpu.memory_space<hbm>>
    tpu.enqueue_dma source(%dma_start3A_173 : memref<80xi32, #tpu.memory_space<hbm>>) target(%arg14 : memref<80xi32, #tpu.memory_space<vmem>>) target_semaphore(%dma_start3A_172 : memref<!tpu.dma_semaphore, #tpu.memory_space<semaphore_mem>>)
    %mul3A_174 = arith.constant 10240 : i32
    %mul3A_175 = arith.muli %add3A, %mul3A_174 : i32
    %add3A_176 = arith.constant 0 : i32
    %add3A_177 = arith.addi %mul3A_175, %add3A_176 : i32
    %add3A_178 = arith.constant 240 : i32
    %add3A_179 = arith.addi %add3A_177, %add3A_178 : i32
    %dma_start3A_180 = arith.constant 3 : i32
    %dma_start3A_181 = tpu.memref_slice %arg4[%add3A_179] : memref<327680xi32, #tpu.memory_space<hbm>> -> memref<80xi32, #tpu.memory_space<hbm>>
    %dma_start3A_182 = tpu.memref_slice %arg29[%dma_start3A_180] : memref<8x!tpu.dma_semaphore, #tpu.memory_space<semaphore_mem>> -> memref<1x!tpu.dma_semaphore, #tpu.memory_space<semaphore_mem>>
    %dma_start3A_183 = tpu.memref_squeeze %dma_start3A_182 : memref<1x!tpu.dma_semaphore, #tpu.memory_space<semaphore_mem>> -> memref<!tpu.dma_semaphore, #tpu.memory_space<semaphore_mem>>
    %dma_start3A_184 = tpu.memref_slice %arg4[%add3A_179] : memref<327680xi32, #tpu.memory_space<hbm>> -> memref<80xi32, #tpu.memory_space<hbm>>
    tpu.enqueue_dma source(%dma_start3A_184 : memref<80xi32, #tpu.memory_space<hbm>>) target(%arg18 : memref<80xi32, #tpu.memory_space<vmem>>) target_semaphore(%dma_start3A_183 : memref<!tpu.dma_semaphore, #tpu.memory_space<semaphore_mem>>)
    %mul3A_185 = arith.constant 10240 : i32
    %mul3A_186 = arith.muli %add3A, %mul3A_185 : i32
    %add3A_187 = arith.constant 320 : i32
    %add3A_188 = arith.addi %mul3A_186, %add3A_187 : i32
    %add3A_189 = arith.constant 240 : i32
    %add3A_190 = arith.addi %add3A_188, %add3A_189 : i32
    %dma_start3A_191 = arith.constant 7 : i32
    %dma_start3A_192 = tpu.memref_slice %arg4[%add3A_190] : memref<327680xi32, #tpu.memory_space<hbm>> -> memref<80xi32, #tpu.memory_space<hbm>>
    %dma_start3A_193 = tpu.memref_slice %arg29[%dma_start3A_191] : memref<8x!tpu.dma_semaphore, #tpu.memory_space<semaphore_mem>> -> memref<1x!tpu.dma_semaphore, #tpu.memory_space<semaphore_mem>>
    %dma_start3A_194 = tpu.memref_squeeze %dma_start3A_193 : memref<1x!tpu.dma_semaphore, #tpu.memory_space<semaphore_mem>> -> memref<!tpu.dma_semaphore, #tpu.memory_space<semaphore_mem>>
    %dma_start3A_195 = tpu.memref_slice %arg4[%add3A_190] : memref<327680xi32, #tpu.memory_space<hbm>> -> memref<80xi32, #tpu.memory_space<hbm>>
    tpu.enqueue_dma source(%dma_start3A_195 : memref<80xi32, #tpu.memory_space<hbm>>) target(%arg22 : memref<80xi32, #tpu.memory_space<vmem>>) target_semaphore(%dma_start3A_194 : memref<!tpu.dma_semaphore, #tpu.memory_space<semaphore_mem>>)
    %barrier3A = arith.constant 0 : index
    tpu.barrier barrier_id(%barrier3A)
    %mul3A_196 = arith.constant 10240 : i32
    %mul3A_197 = arith.muli %add3A, %mul3A_196 : i32
    %add3A_198 = arith.constant 0 : i32
    %add3A_199 = arith.addi %mul3A_197, %add3A_198 : i32
    %add3A_200 = arith.constant 0 : i32
    %add3A_201 = arith.addi %add3A_199, %add3A_200 : i32
    %dma_wait3A = arith.constant 0 : i32
    %dma_wait3A_202 = tpu.memref_slice %arg3[%add3A_201] : memref<327680xi32, #tpu.memory_space<hbm>> -> memref<80xi32, #tpu.memory_space<hbm>>
    %dma_wait3A_203 = tpu.memref_slice %arg28[%dma_wait3A] : memref<8x!tpu.dma_semaphore, #tpu.memory_space<semaphore_mem>> -> memref<1x!tpu.dma_semaphore, #tpu.memory_space<semaphore_mem>>
    %dma_wait3A_204 = tpu.memref_squeeze %dma_wait3A_203 : memref<1x!tpu.dma_semaphore, #tpu.memory_space<semaphore_mem>> -> memref<!tpu.dma_semaphore, #tpu.memory_space<semaphore_mem>>
    %dma_wait3A_205 = tpu.memref_slice %arg3[%add3A_201] : memref<327680xi32, #tpu.memory_space<hbm>> -> memref<80xi32, #tpu.memory_space<hbm>>
    tpu.wait_dma2 semaphore(%dma_wait3A_204 : memref<!tpu.dma_semaphore, #tpu.memory_space<semaphore_mem>>) src(%dma_wait3A_205 : memref<80xi32, #tpu.memory_space<hbm>>) dst(%arg7 : memref<80xi32, #tpu.memory_space<vmem>>)
    %dma_start3A_206 = arith.constant 0 : i32
    %dma_start3A_207 = arith.constant 0 : i32
    %dma_start3A_208 = arith.constant 0 : i32
    %dma_start3A_209 = tpu.memref_slice %arg2[%dma_start3A_207, %dma_start3A_208] : memref<10000x128xf32, #tpu.memory_space<hbm>> -> memref<10000x128xf32, #tpu.memory_space<hbm>>
    %dma_start3A_210 = tpu.memref_slice %arg30[%dma_start3A_206] : memref<4x!tpu.dma_semaphore, #tpu.memory_space<semaphore_mem>> -> memref<1x!tpu.dma_semaphore, #tpu.memory_space<semaphore_mem>>
    %dma_start3A_211 = tpu.memref_squeeze %dma_start3A_210 : memref<1x!tpu.dma_semaphore, #tpu.memory_space<semaphore_mem>> -> memref<!tpu.dma_semaphore, #tpu.memory_space<semaphore_mem>>
    tpu.enqueue_indirect_dma source(%dma_start3A_209 : memref<10000x128xf32, #tpu.memory_space<hbm>>) target(%arg23 : memref<80x128xf32, #tpu.memory_space<vmem>>) offsets(%arg7 : memref<80xi32, #tpu.memory_space<vmem>>) semaphore(%dma_start3A_211 : memref<!tpu.dma_semaphore, #tpu.memory_space<semaphore_mem>>)
    %mul3A_212 = arith.constant 10240 : i32
    %mul3A_213 = arith.muli %add3A, %mul3A_212 : i32
    %add3A_214 = arith.constant 0 : i32
    %add3A_215 = arith.addi %mul3A_213, %add3A_214 : i32
    %add3A_216 = arith.constant 80 : i32
    %add3A_217 = arith.addi %add3A_215, %add3A_216 : i32
    %dma_wait3A_218 = arith.constant 1 : i32
    %dma_wait3A_219 = tpu.memref_slice %arg3[%add3A_217] : memref<327680xi32, #tpu.memory_space<hbm>> -> memref<80xi32, #tpu.memory_space<hbm>>
    %dma_wait3A_220 = tpu.memref_slice %arg28[%dma_wait3A_218] : memref<8x!tpu.dma_semaphore, #tpu.memory_space<semaphore_mem>> -> memref<1x!tpu.dma_semaphore, #tpu.memory_space<semaphore_mem>>
    %dma_wait3A_221 = tpu.memref_squeeze %dma_wait3A_220 : memref<1x!tpu.dma_semaphore, #tpu.memory_space<semaphore_mem>> -> memref<!tpu.dma_semaphore, #tpu.memory_space<semaphore_mem>>
    %dma_wait3A_222 = tpu.memref_slice %arg3[%add3A_217] : memref<327680xi32, #tpu.memory_space<hbm>> -> memref<80xi32, #tpu.memory_space<hbm>>
    tpu.wait_dma2 semaphore(%dma_wait3A_221 : memref<!tpu.dma_semaphore, #tpu.memory_space<semaphore_mem>>) src(%dma_wait3A_222 : memref<80xi32, #tpu.memory_space<hbm>>) dst(%arg8 : memref<80xi32, #tpu.memory_space<vmem>>)
    %dma_start3A_223 = arith.constant 1 : i32
    %dma_start3A_224 = arith.constant 0 : i32
    %dma_start3A_225 = arith.constant 0 : i32
    %dma_start3A_226 = tpu.memref_slice %arg2[%dma_start3A_224, %dma_start3A_225] : memref<10000x128xf32, #tpu.memory_space<hbm>> -> memref<10000x128xf32, #tpu.memory_space<hbm>>
    %dma_start3A_227 = tpu.memref_slice %arg30[%dma_start3A_223] : memref<4x!tpu.dma_semaphore, #tpu.memory_space<semaphore_mem>> -> memref<1x!tpu.dma_semaphore, #tpu.memory_space<semaphore_mem>>
    %dma_start3A_228 = tpu.memref_squeeze %dma_start3A_227 : memref<1x!tpu.dma_semaphore, #tpu.memory_space<semaphore_mem>> -> memref<!tpu.dma_semaphore, #tpu.memory_space<semaphore_mem>>
    tpu.enqueue_indirect_dma source(%dma_start3A_226 : memref<10000x128xf32, #tpu.memory_space<hbm>>) target(%arg24 : memref<80x128xf32, #tpu.memory_space<vmem>>) offsets(%arg8 : memref<80xi32, #tpu.memory_space<vmem>>) semaphore(%dma_start3A_228 : memref<!tpu.dma_semaphore, #tpu.memory_space<semaphore_mem>>)
    %mul3A_229 = arith.constant 10240 : i32
    %mul3A_230 = arith.muli %add3A, %mul3A_229 : i32
    %add3A_231 = arith.constant 0 : i32
    %add3A_232 = arith.addi %mul3A_230, %add3A_231 : i32
    %add3A_233 = arith.constant 160 : i32
    %add3A_234 = arith.addi %add3A_232, %add3A_233 : i32
    %dma_wait3A_235 = arith.constant 2 : i32
    %dma_wait3A_236 = tpu.memref_slice %arg3[%add3A_234] : memref<327680xi32, #tpu.memory_space<hbm>> -> memref<80xi32, #tpu.memory_space<hbm>>
    %dma_wait3A_237 = tpu.memref_slice %arg28[%dma_wait3A_235] : memref<8x!tpu.dma_semaphore, #tpu.memory_space<semaphore_mem>> -> memref<1x!tpu.dma_semaphore, #tpu.memory_space<semaphore_mem>>
    %dma_wait3A_238 = tpu.memref_squeeze %dma_wait3A_237 : memref<1x!tpu.dma_semaphore, #tpu.memory_space<semaphore_mem>> -> memref<!tpu.dma_semaphore, #tpu.memory_space<semaphore_mem>>
    %dma_wait3A_239 = tpu.memref_slice %arg3[%add3A_234] : memref<327680xi32, #tpu.memory_space<hbm>> -> memref<80xi32, #tpu.memory_space<hbm>>
    tpu.wait_dma2 semaphore(%dma_wait3A_238 : memref<!tpu.dma_semaphore, #tpu.memory_space<semaphore_mem>>) src(%dma_wait3A_239 : memref<80xi32, #tpu.memory_space<hbm>>) dst(%arg9 : memref<80xi32, #tpu.memory_space<vmem>>)
    %dma_start3A_240 = arith.constant 2 : i32
    %dma_start3A_241 = arith.constant 0 : i32
    %dma_start3A_242 = arith.constant 0 : i32
    %dma_start3A_243 = tpu.memref_slice %arg2[%dma_start3A_241, %dma_start3A_242] : memref<10000x128xf32, #tpu.memory_space<hbm>> -> memref<10000x128xf32, #tpu.memory_space<hbm>>
    %dma_start3A_244 = tpu.memref_slice %arg30[%dma_start3A_240] : memref<4x!tpu.dma_semaphore, #tpu.memory_space<semaphore_mem>> -> memref<1x!tpu.dma_semaphore, #tpu.memory_space<semaphore_mem>>
    %dma_start3A_245 = tpu.memref_squeeze %dma_start3A_244 : memref<1x!tpu.dma_semaphore, #tpu.memory_space<semaphore_mem>> -> memref<!tpu.dma_semaphore, #tpu.memory_space<semaphore_mem>>
    tpu.enqueue_indirect_dma source(%dma_start3A_243 : memref<10000x128xf32, #tpu.memory_space<hbm>>) target(%arg25 : memref<80x128xf32, #tpu.memory_space<vmem>>) offsets(%arg9 : memref<80xi32, #tpu.memory_space<vmem>>) semaphore(%dma_start3A_245 : memref<!tpu.dma_semaphore, #tpu.memory_space<semaphore_mem>>)
    %mul3A_246 = arith.constant 10240 : i32
    %mul3A_247 = arith.muli %add3A, %mul3A_246 : i32
    %add3A_248 = arith.constant 0 : i32
    %add3A_249 = arith.addi %mul3A_247, %add3A_248 : i32
    %add3A_250 = arith.constant 240 : i32
    %add3A_251 = arith.addi %add3A_249, %add3A_250 : i32
    %dma_wait3A_252 = arith.constant 3 : i32
    %dma_wait3A_253 = tpu.memref_slice %arg3[%add3A_251] : memref<327680xi32, #tpu.memory_space<hbm>> -> memref<80xi32, #tpu.memory_space<hbm>>
    %dma_wait3A_254 = tpu.memref_slice %arg28[%dma_wait3A_252] : memref<8x!tpu.dma_semaphore, #tpu.memory_space<semaphore_mem>> -> memref<1x!tpu.dma_semaphore, #tpu.memory_space<semaphore_mem>>
    %dma_wait3A_255 = tpu.memref_squeeze %dma_wait3A_254 : memref<1x!tpu.dma_semaphore, #tpu.memory_space<semaphore_mem>> -> memref<!tpu.dma_semaphore, #tpu.memory_space<semaphore_mem>>
    %dma_wait3A_256 = tpu.memref_slice %arg3[%add3A_251] : memref<327680xi32, #tpu.memory_space<hbm>> -> memref<80xi32, #tpu.memory_space<hbm>>
    tpu.wait_dma2 semaphore(%dma_wait3A_255 : memref<!tpu.dma_semaphore, #tpu.memory_space<semaphore_mem>>) src(%dma_wait3A_256 : memref<80xi32, #tpu.memory_space<hbm>>) dst(%arg10 : memref<80xi32, #tpu.memory_space<vmem>>)
    %dma_start3A_257 = arith.constant 3 : i32
    %dma_start3A_258 = arith.constant 0 : i32
    %dma_start3A_259 = arith.constant 0 : i32
    %dma_start3A_260 = tpu.memref_slice %arg2[%dma_start3A_258, %dma_start3A_259] : memref<10000x128xf32, #tpu.memory_space<hbm>> -> memref<10000x128xf32, #tpu.memory_space<hbm>>
    %dma_start3A_261 = tpu.memref_slice %arg30[%dma_start3A_257] : memref<4x!tpu.dma_semaphore, #tpu.memory_space<semaphore_mem>> -> memref<1x!tpu.dma_semaphore, #tpu.memory_space<semaphore_mem>>
    %dma_start3A_262 = tpu.memref_squeeze %dma_start3A_261 : memref<1x!tpu.dma_semaphore, #tpu.memory_space<semaphore_mem>> -> memref<!tpu.dma_semaphore, #tpu.memory_space<semaphore_mem>>
    tpu.enqueue_indirect_dma source(%dma_start3A_260 : memref<10000x128xf32, #tpu.memory_space<hbm>>) target(%arg26 : memref<80x128xf32, #tpu.memory_space<vmem>>) offsets(%arg10 : memref<80xi32, #tpu.memory_space<vmem>>) semaphore(%dma_start3A_262 : memref<!tpu.dma_semaphore, #tpu.memory_space<semaphore_mem>>)
    %scan3A = arith.constant 0 : i32
    %scan3A_263 = arith.constant 0 : i32
    %scan3A_264 = arith.constant 15 : i32
    %scan3A_265 = arith.addi %scan3A_263, %scan3A_264 : i32
    %scan3A_266 = arith.constant 1 : i32
    scf.for %scan3A_573 = %scan3A_263 to %scan3A_265 step %scan3A_266  : i32 {
      %mul3A_574 = arith.constant 2 : i32
      %mul3A_575 = arith.muli %mul3A_574, %scan3A_573 : i32
      %mul3A_576 = arith.constant 2 : i32
      %mul3A_577 = arith.muli %mul3A_576, %scan3A_573 : i32
      %add3A_578 = arith.constant 2 : i32
      %add3A_579 = arith.addi %mul3A_577, %add3A_578 : i32
      %dma_wait3A_580 = arith.constant 0 : i32
      %dma_wait3A_581 = arith.constant 0 : i32
      %dma_wait3A_582 = arith.constant 0 : i32
      %dma_wait3A_583 = tpu.memref_slice %arg2[%dma_wait3A_581, %dma_wait3A_582] : memref<10000x128xf32, #tpu.memory_space<hbm>> -> memref<10000x128xf32, #tpu.memory_space<hbm>>
      %dma_wait3A_584 = tpu.memref_slice %arg30[%dma_wait3A_580] : memref<4x!tpu.dma_semaphore, #tpu.memory_space<semaphore_mem>> -> memref<1x!tpu.dma_semaphore, #tpu.memory_space<semaphore_mem>>
      %dma_wait3A_585 = tpu.memref_squeeze %dma_wait3A_584 : memref<1x!tpu.dma_semaphore, #tpu.memory_space<semaphore_mem>> -> memref<!tpu.dma_semaphore, #tpu.memory_space<semaphore_mem>>
      tpu.wait_indirect_dma semaphore(%dma_wait3A_585 : memref<!tpu.dma_semaphore, #tpu.memory_space<semaphore_mem>>) src(%dma_wait3A_583 : memref<10000x128xf32, #tpu.memory_space<hbm>>) dst(%arg23 : memref<80x128xf32, #tpu.memory_space<vmem>>)
      %dma_wait3A_586 = arith.constant 1 : i32
      %dma_wait3A_587 = arith.constant 0 : i32
      %dma_wait3A_588 = arith.constant 0 : i32
      %dma_wait3A_589 = tpu.memref_slice %arg2[%dma_wait3A_587, %dma_wait3A_588] : memref<10000x128xf32, #tpu.memory_space<hbm>> -> memref<10000x128xf32, #tpu.memory_space<hbm>>
      %dma_wait3A_590 = tpu.memref_slice %arg30[%dma_wait3A_586] : memref<4x!tpu.dma_semaphore, #tpu.memory_space<semaphore_mem>> -> memref<1x!tpu.dma_semaphore, #tpu.memory_space<semaphore_mem>>
      %dma_wait3A_591 = tpu.memref_squeeze %dma_wait3A_590 : memref<1x!tpu.dma_semaphore, #tpu.memory_space<semaphore_mem>> -> memref<!tpu.dma_semaphore, #tpu.memory_space<semaphore_mem>>
      tpu.wait_indirect_dma semaphore(%dma_wait3A_591 : memref<!tpu.dma_semaphore, #tpu.memory_space<semaphore_mem>>) src(%dma_wait3A_589 : memref<10000x128xf32, #tpu.memory_space<hbm>>) dst(%arg24 : memref<80x128xf32, #tpu.memory_space<vmem>>)
      %dma_wait3A_592 = arith.constant 2 : i32
      %dma_wait3A_593 = arith.constant 0 : i32
      %dma_wait3A_594 = arith.constant 0 : i32
      %dma_wait3A_595 = tpu.memref_slice %arg2[%dma_wait3A_593, %dma_wait3A_594] : memref<10000x128xf32, #tpu.memory_space<hbm>> -> memref<10000x128xf32, #tpu.memory_space<hbm>>
      %dma_wait3A_596 = tpu.memref_slice %arg30[%dma_wait3A_592] : memref<4x!tpu.dma_semaphore, #tpu.memory_space<semaphore_mem>> -> memref<1x!tpu.dma_semaphore, #tpu.memory_space<semaphore_mem>>
      %dma_wait3A_597 = tpu.memref_squeeze %dma_wait3A_596 : memref<1x!tpu.dma_semaphore, #tpu.memory_space<semaphore_mem>> -> memref<!tpu.dma_semaphore, #tpu.memory_space<semaphore_mem>>
      tpu.wait_indirect_dma semaphore(%dma_wait3A_597 : memref<!tpu.dma_semaphore, #tpu.memory_space<semaphore_mem>>) src(%dma_wait3A_595 : memref<10000x128xf32, #tpu.memory_space<hbm>>) dst(%arg25 : memref<80x128xf32, #tpu.memory_space<vmem>>)
      %dma_wait3A_598 = arith.constant 3 : i32
      %dma_wait3A_599 = arith.constant 0 : i32
      %dma_wait3A_600 = arith.constant 0 : i32
      %dma_wait3A_601 = tpu.memref_slice %arg2[%dma_wait3A_599, %dma_wait3A_600] : memref<10000x128xf32, #tpu.memory_space<hbm>> -> memref<10000x128xf32, #tpu.memory_space<hbm>>
      %dma_wait3A_602 = tpu.memref_slice %arg30[%dma_wait3A_598] : memref<4x!tpu.dma_semaphore, #tpu.memory_space<semaphore_mem>> -> memref<1x!tpu.dma_semaphore, #tpu.memory_space<semaphore_mem>>
      %dma_wait3A_603 = tpu.memref_squeeze %dma_wait3A_602 : memref<1x!tpu.dma_semaphore, #tpu.memory_space<semaphore_mem>> -> memref<!tpu.dma_semaphore, #tpu.memory_space<semaphore_mem>>
      tpu.wait_indirect_dma semaphore(%dma_wait3A_603 : memref<!tpu.dma_semaphore, #tpu.memory_space<semaphore_mem>>) src(%dma_wait3A_601 : memref<10000x128xf32, #tpu.memory_space<hbm>>) dst(%arg26 : memref<80x128xf32, #tpu.memory_space<vmem>>)
      %mul3A_604 = arith.constant 10240 : i32
      %mul3A_605 = arith.muli %add3A, %mul3A_604 : i32
      %mul3A_606 = arith.constant 320 : i32
      %mul3A_607 = arith.muli %mul3A_575, %mul3A_606 : i32
      %add3A_608 = arith.addi %mul3A_605, %mul3A_607 : i32
      %add3A_609 = arith.constant 0 : i32
      %add3A_610 = arith.addi %add3A_608, %add3A_609 : i32
      %dma_wait3A_611 = arith.constant 0 : i32
      %dma_wait3A_612 = tpu.memref_slice %arg4[%add3A_610] : memref<327680xi32, #tpu.memory_space<hbm>> -> memref<80xi32, #tpu.memory_space<hbm>>
      %dma_wait3A_613 = tpu.memref_slice %arg29[%dma_wait3A_611] : memref<8x!tpu.dma_semaphore, #tpu.memory_space<semaphore_mem>> -> memref<1x!tpu.dma_semaphore, #tpu.memory_space<semaphore_mem>>
      %dma_wait3A_614 = tpu.memref_squeeze %dma_wait3A_613 : memref<1x!tpu.dma_semaphore, #tpu.memory_space<semaphore_mem>> -> memref<!tpu.dma_semaphore, #tpu.memory_space<semaphore_mem>>
      %dma_wait3A_615 = tpu.memref_slice %arg4[%add3A_610] : memref<327680xi32, #tpu.memory_space<hbm>> -> memref<80xi32, #tpu.memory_space<hbm>>
      tpu.wait_dma2 semaphore(%dma_wait3A_614 : memref<!tpu.dma_semaphore, #tpu.memory_space<semaphore_mem>>) src(%dma_wait3A_615 : memref<80xi32, #tpu.memory_space<hbm>>) dst(%arg15 : memref<80xi32, #tpu.memory_space<vmem>>)
      %mul3A_616 = arith.constant 10240 : i32
      %mul3A_617 = arith.muli %add3A, %mul3A_616 : i32
      %mul3A_618 = arith.constant 320 : i32
      %mul3A_619 = arith.muli %mul3A_575, %mul3A_618 : i32
      %add3A_620 = arith.addi %mul3A_617, %mul3A_619 : i32
      %add3A_621 = arith.constant 80 : i32
      %add3A_622 = arith.addi %add3A_620, %add3A_621 : i32
      %dma_wait3A_623 = arith.constant 1 : i32
      %dma_wait3A_624 = tpu.memref_slice %arg4[%add3A_622] : memref<327680xi32, #tpu.memory_space<hbm>> -> memref<80xi32, #tpu.memory_space<hbm>>
      %dma_wait3A_625 = tpu.memref_slice %arg29[%dma_wait3A_623] : memref<8x!tpu.dma_semaphore, #tpu.memory_space<semaphore_mem>> -> memref<1x!tpu.dma_semaphore, #tpu.memory_space<semaphore_mem>>
      %dma_wait3A_626 = tpu.memref_squeeze %dma_wait3A_625 : memref<1x!tpu.dma_semaphore, #tpu.memory_space<semaphore_mem>> -> memref<!tpu.dma_semaphore, #tpu.memory_space<semaphore_mem>>
      %dma_wait3A_627 = tpu.memref_slice %arg4[%add3A_622] : memref<327680xi32, #tpu.memory_space<hbm>> -> memref<80xi32, #tpu.memory_space<hbm>>
      tpu.wait_dma2 semaphore(%dma_wait3A_626 : memref<!tpu.dma_semaphore, #tpu.memory_space<semaphore_mem>>) src(%dma_wait3A_627 : memref<80xi32, #tpu.memory_space<hbm>>) dst(%arg16 : memref<80xi32, #tpu.memory_space<vmem>>)
      %mul3A_628 = arith.constant 10240 : i32
      %mul3A_629 = arith.muli %add3A, %mul3A_628 : i32
      %mul3A_630 = arith.constant 320 : i32
      %mul3A_631 = arith.muli %mul3A_575, %mul3A_630 : i32
      %add3A_632 = arith.addi %mul3A_629, %mul3A_631 : i32
      %add3A_633 = arith.constant 160 : i32
      %add3A_634 = arith.addi %add3A_632, %add3A_633 : i32
      %dma_wait3A_635 = arith.constant 2 : i32
      %dma_wait3A_636 = tpu.memref_slice %arg4[%add3A_634] : memref<327680xi32, #tpu.memory_space<hbm>> -> memref<80xi32, #tpu.memory_space<hbm>>
      %dma_wait3A_637 = tpu.memref_slice %arg29[%dma_wait3A_635] : memref<8x!tpu.dma_semaphore, #tpu.memory_space<semaphore_mem>> -> memref<1x!tpu.dma_semaphore, #tpu.memory_space<semaphore_mem>>
      %dma_wait3A_638 = tpu.memref_squeeze %dma_wait3A_637 : memref<1x!tpu.dma_semaphore, #tpu.memory_space<semaphore_mem>> -> memref<!tpu.dma_semaphore, #tpu.memory_space<semaphore_mem>>
      %dma_wait3A_639 = tpu.memref_slice %arg4[%add3A_634] : memref<327680xi32, #tpu.memory_space<hbm>> -> memref<80xi32, #tpu.memory_space<hbm>>
      tpu.wait_dma2 semaphore(%dma_wait3A_638 : memref<!tpu.dma_semaphore, #tpu.memory_space<semaphore_mem>>) src(%dma_wait3A_639 : memref<80xi32, #tpu.memory_space<hbm>>) dst(%arg17 : memref<80xi32, #tpu.memory_space<vmem>>)
      %mul3A_640 = arith.constant 10240 : i32
      %mul3A_641 = arith.muli %add3A, %mul3A_640 : i32
      %mul3A_642 = arith.constant 320 : i32
      %mul3A_643 = arith.muli %mul3A_575, %mul3A_642 : i32
      %add3A_644 = arith.addi %mul3A_641, %mul3A_643 : i32
      %add3A_645 = arith.constant 240 : i32
      %add3A_646 = arith.addi %add3A_644, %add3A_645 : i32
      %dma_wait3A_647 = arith.constant 3 : i32
      %dma_wait3A_648 = tpu.memref_slice %arg4[%add3A_646] : memref<327680xi32, #tpu.memory_space<hbm>> -> memref<80xi32, #tpu.memory_space<hbm>>
      %dma_wait3A_649 = tpu.memref_slice %arg29[%dma_wait3A_647] : memref<8x!tpu.dma_semaphore, #tpu.memory_space<semaphore_mem>> -> memref<1x!tpu.dma_semaphore, #tpu.memory_space<semaphore_mem>>
      %dma_wait3A_650 = tpu.memref_squeeze %dma_wait3A_649 : memref<1x!tpu.dma_semaphore, #tpu.memory_space<semaphore_mem>> -> memref<!tpu.dma_semaphore, #tpu.memory_space<semaphore_mem>>
      %dma_wait3A_651 = tpu.memref_slice %arg4[%add3A_646] : memref<327680xi32, #tpu.memory_space<hbm>> -> memref<80xi32, #tpu.memory_space<hbm>>
      tpu.wait_dma2 semaphore(%dma_wait3A_650 : memref<!tpu.dma_semaphore, #tpu.memory_space<semaphore_mem>>) src(%dma_wait3A_651 : memref<80xi32, #tpu.memory_space<hbm>>) dst(%arg18 : memref<80xi32, #tpu.memory_space<vmem>>)
      %dma_start3A_652 = arith.constant 0 : i32
      %dma_start3A_653 = arith.constant 0 : i32
      %dma_start3A_654 = arith.constant 0 : i32
      %dma_start3A_655 = tpu.memref_slice %arg27[%dma_start3A_653, %dma_start3A_654] : memref<10240x128xf32, #tpu.memory_space<vmem_shared>> -> memref<10240x128xf32, #tpu.memory_space<vmem_shared>>
      %dma_start3A_656 = tpu.memref_slice %arg31[%dma_start3A_652] : memref<4x!tpu.dma_semaphore, #tpu.memory_space<semaphore_mem>> -> memref<1x!tpu.dma_semaphore, #tpu.memory_space<semaphore_mem>>
      %dma_start3A_657 = tpu.memref_squeeze %dma_start3A_656 : memref<1x!tpu.dma_semaphore, #tpu.memory_space<semaphore_mem>> -> memref<!tpu.dma_semaphore, #tpu.memory_space<semaphore_mem>>
      tpu.enqueue_indirect_dma source(%arg23 : memref<80x128xf32, #tpu.memory_space<vmem>>) target(%dma_start3A_655 : memref<10240x128xf32, #tpu.memory_space<vmem_shared>>) offsets(%arg15 : memref<80xi32, #tpu.memory_space<vmem>>) semaphore(%dma_start3A_657 : memref<!tpu.dma_semaphore, #tpu.memory_space<semaphore_mem>>) {add = true}
      %dma_start3A_658 = arith.constant 1 : i32
      %dma_start3A_659 = arith.constant 0 : i32
      %dma_start3A_660 = arith.constant 0 : i32
      %dma_start3A_661 = tpu.memref_slice %arg27[%dma_start3A_659, %dma_start3A_660] : memref<10240x128xf32, #tpu.memory_space<vmem_shared>> -> memref<10240x128xf32, #tpu.memory_space<vmem_shared>>
      %dma_start3A_662 = tpu.memref_slice %arg31[%dma_start3A_658] : memref<4x!tpu.dma_semaphore, #tpu.memory_space<semaphore_mem>> -> memref<1x!tpu.dma_semaphore, #tpu.memory_space<semaphore_mem>>
      %dma_start3A_663 = tpu.memref_squeeze %dma_start3A_662 : memref<1x!tpu.dma_semaphore, #tpu.memory_space<semaphore_mem>> -> memref<!tpu.dma_semaphore, #tpu.memory_space<semaphore_mem>>
      tpu.enqueue_indirect_dma source(%arg24 : memref<80x128xf32, #tpu.memory_space<vmem>>) target(%dma_start3A_661 : memref<10240x128xf32, #tpu.memory_space<vmem_shared>>) offsets(%arg16 : memref<80xi32, #tpu.memory_space<vmem>>) semaphore(%dma_start3A_663 : memref<!tpu.dma_semaphore, #tpu.memory_space<semaphore_mem>>) {add = true}
      %dma_start3A_664 = arith.constant 2 : i32
      %dma_start3A_665 = arith.constant 0 : i32
      %dma_start3A_666 = arith.constant 0 : i32
      %dma_start3A_667 = tpu.memref_slice %arg27[%dma_start3A_665, %dma_start3A_666] : memref<10240x128xf32, #tpu.memory_space<vmem_shared>> -> memref<10240x128xf32, #tpu.memory_space<vmem_shared>>
      %dma_start3A_668 = tpu.memref_slice %arg31[%dma_start3A_664] : memref<4x!tpu.dma_semaphore, #tpu.memory_space<semaphore_mem>> -> memref<1x!tpu.dma_semaphore, #tpu.memory_space<semaphore_mem>>
      %dma_start3A_669 = tpu.memref_squeeze %dma_start3A_668 : memref<1x!tpu.dma_semaphore, #tpu.memory_space<semaphore_mem>> -> memref<!tpu.dma_semaphore, #tpu.memory_space<semaphore_mem>>
      tpu.enqueue_indirect_dma source(%arg25 : memref<80x128xf32, #tpu.memory_space<vmem>>) target(%dma_start3A_667 : memref<10240x128xf32, #tpu.memory_space<vmem_shared>>) offsets(%arg17 : memref<80xi32, #tpu.memory_space<vmem>>) semaphore(%dma_start3A_669 : memref<!tpu.dma_semaphore, #tpu.memory_space<semaphore_mem>>) {add = true}
      %dma_start3A_670 = arith.constant 3 : i32
      %dma_start3A_671 = arith.constant 0 : i32
      %dma_start3A_672 = arith.constant 0 : i32
      %dma_start3A_673 = tpu.memref_slice %arg27[%dma_start3A_671, %dma_start3A_672] : memref<10240x128xf32, #tpu.memory_space<vmem_shared>> -> memref<10240x128xf32, #tpu.memory_space<vmem_shared>>
      %dma_start3A_674 = tpu.memref_slice %arg31[%dma_start3A_670] : memref<4x!tpu.dma_semaphore, #tpu.memory_space<semaphore_mem>> -> memref<1x!tpu.dma_semaphore, #tpu.memory_space<semaphore_mem>>
      %dma_start3A_675 = tpu.memref_squeeze %dma_start3A_674 : memref<1x!tpu.dma_semaphore, #tpu.memory_space<semaphore_mem>> -> memref<!tpu.dma_semaphore, #tpu.memory_space<semaphore_mem>>
      tpu.enqueue_indirect_dma source(%arg26 : memref<80x128xf32, #tpu.memory_space<vmem>>) target(%dma_start3A_673 : memref<10240x128xf32, #tpu.memory_space<vmem_shared>>) offsets(%arg18 : memref<80xi32, #tpu.memory_space<vmem>>) semaphore(%dma_start3A_675 : memref<!tpu.dma_semaphore, #tpu.memory_space<semaphore_mem>>) {add = true}
      %mul3A_676 = arith.constant 10240 : i32
      %mul3A_677 = arith.muli %add3A, %mul3A_676 : i32
      %mul3A_678 = arith.constant 320 : i32
      %mul3A_679 = arith.muli %add3A_579, %mul3A_678 : i32
      %add3A_680 = arith.addi %mul3A_677, %mul3A_679 : i32
      %add3A_681 = arith.constant 0 : i32
      %add3A_682 = arith.addi %add3A_680, %add3A_681 : i32
      %dma_start3A_683 = arith.constant 0 : i32
      %dma_start3A_684 = tpu.memref_slice %arg3[%add3A_682] : memref<327680xi32, #tpu.memory_space<hbm>> -> memref<80xi32, #tpu.memory_space<hbm>>
      %dma_start3A_685 = tpu.memref_slice %arg28[%dma_start3A_683] : memref<8x!tpu.dma_semaphore, #tpu.memory_space<semaphore_mem>> -> memref<1x!tpu.dma_semaphore, #tpu.memory_space<semaphore_mem>>
      %dma_start3A_686 = tpu.memref_squeeze %dma_start3A_685 : memref<1x!tpu.dma_semaphore, #tpu.memory_space<semaphore_mem>> -> memref<!tpu.dma_semaphore, #tpu.memory_space<semaphore_mem>>
      %dma_start3A_687 = tpu.memref_slice %arg3[%add3A_682] : memref<327680xi32, #tpu.memory_space<hbm>> -> memref<80xi32, #tpu.memory_space<hbm>>
      tpu.enqueue_dma source(%dma_start3A_687 : memref<80xi32, #tpu.memory_space<hbm>>) target(%arg7 : memref<80xi32, #tpu.memory_space<vmem>>) target_semaphore(%dma_start3A_686 : memref<!tpu.dma_semaphore, #tpu.memory_space<semaphore_mem>>)
      %mul3A_688 = arith.constant 10240 : i32
      %mul3A_689 = arith.muli %add3A, %mul3A_688 : i32
      %mul3A_690 = arith.constant 320 : i32
      %mul3A_691 = arith.muli %add3A_579, %mul3A_690 : i32
      %add3A_692 = arith.addi %mul3A_689, %mul3A_691 : i32
      %add3A_693 = arith.constant 80 : i32
      %add3A_694 = arith.addi %add3A_692, %add3A_693 : i32
      %dma_start3A_695 = arith.constant 1 : i32
      %dma_start3A_696 = tpu.memref_slice %arg3[%add3A_694] : memref<327680xi32, #tpu.memory_space<hbm>> -> memref<80xi32, #tpu.memory_space<hbm>>
      %dma_start3A_697 = tpu.memref_slice %arg28[%dma_start3A_695] : memref<8x!tpu.dma_semaphore, #tpu.memory_space<semaphore_mem>> -> memref<1x!tpu.dma_semaphore, #tpu.memory_space<semaphore_mem>>
      %dma_start3A_698 = tpu.memref_squeeze %dma_start3A_697 : memref<1x!tpu.dma_semaphore, #tpu.memory_space<semaphore_mem>> -> memref<!tpu.dma_semaphore, #tpu.memory_space<semaphore_mem>>
      %dma_start3A_699 = tpu.memref_slice %arg3[%add3A_694] : memref<327680xi32, #tpu.memory_space<hbm>> -> memref<80xi32, #tpu.memory_space<hbm>>
      tpu.enqueue_dma source(%dma_start3A_699 : memref<80xi32, #tpu.memory_space<hbm>>) target(%arg8 : memref<80xi32, #tpu.memory_space<vmem>>) target_semaphore(%dma_start3A_698 : memref<!tpu.dma_semaphore, #tpu.memory_space<semaphore_mem>>)
      %mul3A_700 = arith.constant 10240 : i32
      %mul3A_701 = arith.muli %add3A, %mul3A_700 : i32
      %mul3A_702 = arith.constant 320 : i32
      %mul3A_703 = arith.muli %add3A_579, %mul3A_702 : i32
      %add3A_704 = arith.addi %mul3A_701, %mul3A_703 : i32
      %add3A_705 = arith.constant 160 : i32
      %add3A_706 = arith.addi %add3A_704, %add3A_705 : i32
      %dma_start3A_707 = arith.constant 2 : i32
      %dma_start3A_708 = tpu.memref_slice %arg3[%add3A_706] : memref<327680xi32, #tpu.memory_space<hbm>> -> memref<80xi32, #tpu.memory_space<hbm>>
      %dma_start3A_709 = tpu.memref_slice %arg28[%dma_start3A_707] : memref<8x!tpu.dma_semaphore, #tpu.memory_space<semaphore_mem>> -> memref<1x!tpu.dma_semaphore, #tpu.memory_space<semaphore_mem>>
      %dma_start3A_710 = tpu.memref_squeeze %dma_start3A_709 : memref<1x!tpu.dma_semaphore, #tpu.memory_space<semaphore_mem>> -> memref<!tpu.dma_semaphore, #tpu.memory_space<semaphore_mem>>
      %dma_start3A_711 = tpu.memref_slice %arg3[%add3A_706] : memref<327680xi32, #tpu.memory_space<hbm>> -> memref<80xi32, #tpu.memory_space<hbm>>
      tpu.enqueue_dma source(%dma_start3A_711 : memref<80xi32, #tpu.memory_space<hbm>>) target(%arg9 : memref<80xi32, #tpu.memory_space<vmem>>) target_semaphore(%dma_start3A_710 : memref<!tpu.dma_semaphore, #tpu.memory_space<semaphore_mem>>)
      %mul3A_712 = arith.constant 10240 : i32
      %mul3A_713 = arith.muli %add3A, %mul3A_712 : i32
      %mul3A_714 = arith.constant 320 : i32
      %mul3A_715 = arith.muli %add3A_579, %mul3A_714 : i32
      %add3A_716 = arith.addi %mul3A_713, %mul3A_715 : i32
      %add3A_717 = arith.constant 240 : i32
      %add3A_718 = arith.addi %add3A_716, %add3A_717 : i32
      %dma_start3A_719 = arith.constant 3 : i32
      %dma_start3A_720 = tpu.memref_slice %arg3[%add3A_718] : memref<327680xi32, #tpu.memory_space<hbm>> -> memref<80xi32, #tpu.memory_space<hbm>>
      %dma_start3A_721 = tpu.memref_slice %arg28[%dma_start3A_719] : memref<8x!tpu.dma_semaphore, #tpu.memory_space<semaphore_mem>> -> memref<1x!tpu.dma_semaphore, #tpu.memory_space<semaphore_mem>>
      %dma_start3A_722 = tpu.memref_squeeze %dma_start3A_721 : memref<1x!tpu.dma_semaphore, #tpu.memory_space<semaphore_mem>> -> memref<!tpu.dma_semaphore, #tpu.memory_space<semaphore_mem>>
      %dma_start3A_723 = tpu.memref_slice %arg3[%add3A_718] : memref<327680xi32, #tpu.memory_space<hbm>> -> memref<80xi32, #tpu.memory_space<hbm>>
      tpu.enqueue_dma source(%dma_start3A_723 : memref<80xi32, #tpu.memory_space<hbm>>) target(%arg10 : memref<80xi32, #tpu.memory_space<vmem>>) target_semaphore(%dma_start3A_722 : memref<!tpu.dma_semaphore, #tpu.memory_space<semaphore_mem>>)
      %add3A_724 = arith.constant 1 : i32
      %add3A_725 = arith.addi %mul3A_575, %add3A_724 : i32
      %mul3A_726 = arith.constant 10240 : i32
      %mul3A_727 = arith.muli %add3A, %mul3A_726 : i32
      %mul3A_728 = arith.constant 320 : i32
      %mul3A_729 = arith.muli %add3A_725, %mul3A_728 : i32
      %add3A_730 = arith.addi %mul3A_727, %mul3A_729 : i32
      %add3A_731 = arith.constant 0 : i32
      %add3A_732 = arith.addi %add3A_730, %add3A_731 : i32
      %dma_wait3A_733 = arith.constant 4 : i32
      %dma_wait3A_734 = tpu.memref_slice %arg3[%add3A_732] : memref<327680xi32, #tpu.memory_space<hbm>> -> memref<80xi32, #tpu.memory_space<hbm>>
      %dma_wait3A_735 = tpu.memref_slice %arg28[%dma_wait3A_733] : memref<8x!tpu.dma_semaphore, #tpu.memory_space<semaphore_mem>> -> memref<1x!tpu.dma_semaphore, #tpu.memory_space<semaphore_mem>>
      %dma_wait3A_736 = tpu.memref_squeeze %dma_wait3A_735 : memref<1x!tpu.dma_semaphore, #tpu.memory_space<semaphore_mem>> -> memref<!tpu.dma_semaphore, #tpu.memory_space<semaphore_mem>>
      %dma_wait3A_737 = tpu.memref_slice %arg3[%add3A_732] : memref<327680xi32, #tpu.memory_space<hbm>> -> memref<80xi32, #tpu.memory_space<hbm>>
      tpu.wait_dma2 semaphore(%dma_wait3A_736 : memref<!tpu.dma_semaphore, #tpu.memory_space<semaphore_mem>>) src(%dma_wait3A_737 : memref<80xi32, #tpu.memory_space<hbm>>) dst(%arg11 : memref<80xi32, #tpu.memory_space<vmem>>)
      %add3A_738 = arith.constant 1 : i32
      %add3A_739 = arith.addi %mul3A_575, %add3A_738 : i32
      %mul3A_740 = arith.constant 10240 : i32
      %mul3A_741 = arith.muli %add3A, %mul3A_740 : i32
      %mul3A_742 = arith.constant 320 : i32
      %mul3A_743 = arith.muli %add3A_739, %mul3A_742 : i32
      %add3A_744 = arith.addi %mul3A_741, %mul3A_743 : i32
      %add3A_745 = arith.constant 80 : i32
      %add3A_746 = arith.addi %add3A_744, %add3A_745 : i32
      %dma_wait3A_747 = arith.constant 5 : i32
      %dma_wait3A_748 = tpu.memref_slice %arg3[%add3A_746] : memref<327680xi32, #tpu.memory_space<hbm>> -> memref<80xi32, #tpu.memory_space<hbm>>
      %dma_wait3A_749 = tpu.memref_slice %arg28[%dma_wait3A_747] : memref<8x!tpu.dma_semaphore, #tpu.memory_space<semaphore_mem>> -> memref<1x!tpu.dma_semaphore, #tpu.memory_space<semaphore_mem>>
      %dma_wait3A_750 = tpu.memref_squeeze %dma_wait3A_749 : memref<1x!tpu.dma_semaphore, #tpu.memory_space<semaphore_mem>> -> memref<!tpu.dma_semaphore, #tpu.memory_space<semaphore_mem>>
      %dma_wait3A_751 = tpu.memref_slice %arg3[%add3A_746] : memref<327680xi32, #tpu.memory_space<hbm>> -> memref<80xi32, #tpu.memory_space<hbm>>
      tpu.wait_dma2 semaphore(%dma_wait3A_750 : memref<!tpu.dma_semaphore, #tpu.memory_space<semaphore_mem>>) src(%dma_wait3A_751 : memref<80xi32, #tpu.memory_space<hbm>>) dst(%arg12 : memref<80xi32, #tpu.memory_space<vmem>>)
      %add3A_752 = arith.constant 1 : i32
      %add3A_753 = arith.addi %mul3A_575, %add3A_752 : i32
      %mul3A_754 = arith.constant 10240 : i32
      %mul3A_755 = arith.muli %add3A, %mul3A_754 : i32
      %mul3A_756 = arith.constant 320 : i32
      %mul3A_757 = arith.muli %add3A_753, %mul3A_756 : i32
      %add3A_758 = arith.addi %mul3A_755, %mul3A_757 : i32
      %add3A_759 = arith.constant 160 : i32
      %add3A_760 = arith.addi %add3A_758, %add3A_759 : i32
      %dma_wait3A_761 = arith.constant 6 : i32
      %dma_wait3A_762 = tpu.memref_slice %arg3[%add3A_760] : memref<327680xi32, #tpu.memory_space<hbm>> -> memref<80xi32, #tpu.memory_space<hbm>>
      %dma_wait3A_763 = tpu.memref_slice %arg28[%dma_wait3A_761] : memref<8x!tpu.dma_semaphore, #tpu.memory_space<semaphore_mem>> -> memref<1x!tpu.dma_semaphore, #tpu.memory_space<semaphore_mem>>
      %dma_wait3A_764 = tpu.memref_squeeze %dma_wait3A_763 : memref<1x!tpu.dma_semaphore, #tpu.memory_space<semaphore_mem>> -> memref<!tpu.dma_semaphore, #tpu.memory_space<semaphore_mem>>
      %dma_wait3A_765 = tpu.memref_slice %arg3[%add3A_760] : memref<327680xi32, #tpu.memory_space<hbm>> -> memref<80xi32, #tpu.memory_space<hbm>>
      tpu.wait_dma2 semaphore(%dma_wait3A_764 : memref<!tpu.dma_semaphore, #tpu.memory_space<semaphore_mem>>) src(%dma_wait3A_765 : memref<80xi32, #tpu.memory_space<hbm>>) dst(%arg13 : memref<80xi32, #tpu.memory_space<vmem>>)
      %add3A_766 = arith.constant 1 : i32
      %add3A_767 = arith.addi %mul3A_575, %add3A_766 : i32
      %mul3A_768 = arith.constant 10240 : i32
      %mul3A_769 = arith.muli %add3A, %mul3A_768 : i32
      %mul3A_770 = arith.constant 320 : i32
      %mul3A_771 = arith.muli %add3A_767, %mul3A_770 : i32
      %add3A_772 = arith.addi %mul3A_769, %mul3A_771 : i32
      %add3A_773 = arith.constant 240 : i32
      %add3A_774 = arith.addi %add3A_772, %add3A_773 : i32
      %dma_wait3A_775 = arith.constant 7 : i32
      %dma_wait3A_776 = tpu.memref_slice %arg3[%add3A_774] : memref<327680xi32, #tpu.memory_space<hbm>> -> memref<80xi32, #tpu.memory_space<hbm>>
      %dma_wait3A_777 = tpu.memref_slice %arg28[%dma_wait3A_775] : memref<8x!tpu.dma_semaphore, #tpu.memory_space<semaphore_mem>> -> memref<1x!tpu.dma_semaphore, #tpu.memory_space<semaphore_mem>>
      %dma_wait3A_778 = tpu.memref_squeeze %dma_wait3A_777 : memref<1x!tpu.dma_semaphore, #tpu.memory_space<semaphore_mem>> -> memref<!tpu.dma_semaphore, #tpu.memory_space<semaphore_mem>>
      %dma_wait3A_779 = tpu.memref_slice %arg3[%add3A_774] : memref<327680xi32, #tpu.memory_space<hbm>> -> memref<80xi32, #tpu.memory_space<hbm>>
      tpu.wait_dma2 semaphore(%dma_wait3A_778 : memref<!tpu.dma_semaphore, #tpu.memory_space<semaphore_mem>>) src(%dma_wait3A_779 : memref<80xi32, #tpu.memory_space<hbm>>) dst(%arg14 : memref<80xi32, #tpu.memory_space<vmem>>)
      %dma_wait3A_780 = arith.constant 0 : i32
      %dma_wait3A_781 = arith.constant 0 : i32
      %dma_wait3A_782 = arith.constant 0 : i32
      %dma_wait3A_783 = tpu.memref_slice %arg27[%dma_wait3A_781, %dma_wait3A_782] : memref<10240x128xf32, #tpu.memory_space<vmem_shared>> -> memref<10240x128xf32, #tpu.memory_space<vmem_shared>>
      %dma_wait3A_784 = tpu.memref_slice %arg31[%dma_wait3A_780] : memref<4x!tpu.dma_semaphore, #tpu.memory_space<semaphore_mem>> -> memref<1x!tpu.dma_semaphore, #tpu.memory_space<semaphore_mem>>
      %dma_wait3A_785 = tpu.memref_squeeze %dma_wait3A_784 : memref<1x!tpu.dma_semaphore, #tpu.memory_space<semaphore_mem>> -> memref<!tpu.dma_semaphore, #tpu.memory_space<semaphore_mem>>
      tpu.wait_indirect_dma semaphore(%dma_wait3A_785 : memref<!tpu.dma_semaphore, #tpu.memory_space<semaphore_mem>>) src(%arg23 : memref<80x128xf32, #tpu.memory_space<vmem>>) dst(%dma_wait3A_783 : memref<10240x128xf32, #tpu.memory_space<vmem_shared>>)
      %dma_start3A_786 = arith.constant 0 : i32
      %dma_start3A_787 = arith.constant 0 : i32
      %dma_start3A_788 = arith.constant 0 : i32
      %dma_start3A_789 = tpu.memref_slice %arg2[%dma_start3A_787, %dma_start3A_788] : memref<10000x128xf32, #tpu.memory_space<hbm>> -> memref<10000x128xf32, #tpu.memory_space<hbm>>
      %dma_start3A_790 = tpu.memref_slice %arg30[%dma_start3A_786] : memref<4x!tpu.dma_semaphore, #tpu.memory_space<semaphore_mem>> -> memref<1x!tpu.dma_semaphore, #tpu.memory_space<semaphore_mem>>
      %dma_start3A_791 = tpu.memref_squeeze %dma_start3A_790 : memref<1x!tpu.dma_semaphore, #tpu.memory_space<semaphore_mem>> -> memref<!tpu.dma_semaphore, #tpu.memory_space<semaphore_mem>>
      tpu.enqueue_indirect_dma source(%dma_start3A_789 : memref<10000x128xf32, #tpu.memory_space<hbm>>) target(%arg23 : memref<80x128xf32, #tpu.memory_space<vmem>>) offsets(%arg11 : memref<80xi32, #tpu.memory_space<vmem>>) semaphore(%dma_start3A_791 : memref<!tpu.dma_semaphore, #tpu.memory_space<semaphore_mem>>)
      %dma_wait3A_792 = arith.constant 1 : i32
      %dma_wait3A_793 = arith.constant 0 : i32
      %dma_wait3A_794 = arith.constant 0 : i32
      %dma_wait3A_795 = tpu.memref_slice %arg27[%dma_wait3A_793, %dma_wait3A_794] : memref<10240x128xf32, #tpu.memory_space<vmem_shared>> -> memref<10240x128xf32, #tpu.memory_space<vmem_shared>>
      %dma_wait3A_796 = tpu.memref_slice %arg31[%dma_wait3A_792] : memref<4x!tpu.dma_semaphore, #tpu.memory_space<semaphore_mem>> -> memref<1x!tpu.dma_semaphore, #tpu.memory_space<semaphore_mem>>
      %dma_wait3A_797 = tpu.memref_squeeze %dma_wait3A_796 : memref<1x!tpu.dma_semaphore, #tpu.memory_space<semaphore_mem>> -> memref<!tpu.dma_semaphore, #tpu.memory_space<semaphore_mem>>
      tpu.wait_indirect_dma semaphore(%dma_wait3A_797 : memref<!tpu.dma_semaphore, #tpu.memory_space<semaphore_mem>>) src(%arg24 : memref<80x128xf32, #tpu.memory_space<vmem>>) dst(%dma_wait3A_795 : memref<10240x128xf32, #tpu.memory_space<vmem_shared>>)
      %dma_start3A_798 = arith.constant 1 : i32
      %dma_start3A_799 = arith.constant 0 : i32
      %dma_start3A_800 = arith.constant 0 : i32
      %dma_start3A_801 = tpu.memref_slice %arg2[%dma_start3A_799, %dma_start3A_800] : memref<10000x128xf32, #tpu.memory_space<hbm>> -> memref<10000x128xf32, #tpu.memory_space<hbm>>
      %dma_start3A_802 = tpu.memref_slice %arg30[%dma_start3A_798] : memref<4x!tpu.dma_semaphore, #tpu.memory_space<semaphore_mem>> -> memref<1x!tpu.dma_semaphore, #tpu.memory_space<semaphore_mem>>
      %dma_start3A_803 = tpu.memref_squeeze %dma_start3A_802 : memref<1x!tpu.dma_semaphore, #tpu.memory_space<semaphore_mem>> -> memref<!tpu.dma_semaphore, #tpu.memory_space<semaphore_mem>>
      tpu.enqueue_indirect_dma source(%dma_start3A_801 : memref<10000x128xf32, #tpu.memory_space<hbm>>) target(%arg24 : memref<80x128xf32, #tpu.memory_space<vmem>>) offsets(%arg12 : memref<80xi32, #tpu.memory_space<vmem>>) semaphore(%dma_start3A_803 : memref<!tpu.dma_semaphore, #tpu.memory_space<semaphore_mem>>)
      %dma_wait3A_804 = arith.constant 2 : i32
      %dma_wait3A_805 = arith.constant 0 : i32
      %dma_wait3A_806 = arith.constant 0 : i32
      %dma_wait3A_807 = tpu.memref_slice %arg27[%dma_wait3A_805, %dma_wait3A_806] : memref<10240x128xf32, #tpu.memory_space<vmem_shared>> -> memref<10240x128xf32, #tpu.memory_space<vmem_shared>>
      %dma_wait3A_808 = tpu.memref_slice %arg31[%dma_wait3A_804] : memref<4x!tpu.dma_semaphore, #tpu.memory_space<semaphore_mem>> -> memref<1x!tpu.dma_semaphore, #tpu.memory_space<semaphore_mem>>
      %dma_wait3A_809 = tpu.memref_squeeze %dma_wait3A_808 : memref<1x!tpu.dma_semaphore, #tpu.memory_space<semaphore_mem>> -> memref<!tpu.dma_semaphore, #tpu.memory_space<semaphore_mem>>
      tpu.wait_indirect_dma semaphore(%dma_wait3A_809 : memref<!tpu.dma_semaphore, #tpu.memory_space<semaphore_mem>>) src(%arg25 : memref<80x128xf32, #tpu.memory_space<vmem>>) dst(%dma_wait3A_807 : memref<10240x128xf32, #tpu.memory_space<vmem_shared>>)
      %dma_start3A_810 = arith.constant 2 : i32
      %dma_start3A_811 = arith.constant 0 : i32
      %dma_start3A_812 = arith.constant 0 : i32
      %dma_start3A_813 = tpu.memref_slice %arg2[%dma_start3A_811, %dma_start3A_812] : memref<10000x128xf32, #tpu.memory_space<hbm>> -> memref<10000x128xf32, #tpu.memory_space<hbm>>
      %dma_start3A_814 = tpu.memref_slice %arg30[%dma_start3A_810] : memref<4x!tpu.dma_semaphore, #tpu.memory_space<semaphore_mem>> -> memref<1x!tpu.dma_semaphore, #tpu.memory_space<semaphore_mem>>
      %dma_start3A_815 = tpu.memref_squeeze %dma_start3A_814 : memref<1x!tpu.dma_semaphore, #tpu.memory_space<semaphore_mem>> -> memref<!tpu.dma_semaphore, #tpu.memory_space<semaphore_mem>>
      tpu.enqueue_indirect_dma source(%dma_start3A_813 : memref<10000x128xf32, #tpu.memory_space<hbm>>) target(%arg25 : memref<80x128xf32, #tpu.memory_space<vmem>>) offsets(%arg13 : memref<80xi32, #tpu.memory_space<vmem>>) semaphore(%dma_start3A_815 : memref<!tpu.dma_semaphore, #tpu.memory_space<semaphore_mem>>)
      %dma_wait3A_816 = arith.constant 3 : i32
      %dma_wait3A_817 = arith.constant 0 : i32
      %dma_wait3A_818 = arith.constant 0 : i32
      %dma_wait3A_819 = tpu.memref_slice %arg27[%dma_wait3A_817, %dma_wait3A_818] : memref<10240x128xf32, #tpu.memory_space<vmem_shared>> -> memref<10240x128xf32, #tpu.memory_space<vmem_shared>>
      %dma_wait3A_820 = tpu.memref_slice %arg31[%dma_wait3A_816] : memref<4x!tpu.dma_semaphore, #tpu.memory_space<semaphore_mem>> -> memref<1x!tpu.dma_semaphore, #tpu.memory_space<semaphore_mem>>
      %dma_wait3A_821 = tpu.memref_squeeze %dma_wait3A_820 : memref<1x!tpu.dma_semaphore, #tpu.memory_space<semaphore_mem>> -> memref<!tpu.dma_semaphore, #tpu.memory_space<semaphore_mem>>
      tpu.wait_indirect_dma semaphore(%dma_wait3A_821 : memref<!tpu.dma_semaphore, #tpu.memory_space<semaphore_mem>>) src(%arg26 : memref<80x128xf32, #tpu.memory_space<vmem>>) dst(%dma_wait3A_819 : memref<10240x128xf32, #tpu.memory_space<vmem_shared>>)
      %dma_start3A_822 = arith.constant 3 : i32
      %dma_start3A_823 = arith.constant 0 : i32
      %dma_start3A_824 = arith.constant 0 : i32
      %dma_start3A_825 = tpu.memref_slice %arg2[%dma_start3A_823, %dma_start3A_824] : memref<10000x128xf32, #tpu.memory_space<hbm>> -> memref<10000x128xf32, #tpu.memory_space<hbm>>
      %dma_start3A_826 = tpu.memref_slice %arg30[%dma_start3A_822] : memref<4x!tpu.dma_semaphore, #tpu.memory_space<semaphore_mem>> -> memref<1x!tpu.dma_semaphore, #tpu.memory_space<semaphore_mem>>
      %dma_start3A_827 = tpu.memref_squeeze %dma_start3A_826 : memref<1x!tpu.dma_semaphore, #tpu.memory_space<semaphore_mem>> -> memref<!tpu.dma_semaphore, #tpu.memory_space<semaphore_mem>>
      tpu.enqueue_indirect_dma source(%dma_start3A_825 : memref<10000x128xf32, #tpu.memory_space<hbm>>) target(%arg26 : memref<80x128xf32, #tpu.memory_space<vmem>>) offsets(%arg14 : memref<80xi32, #tpu.memory_space<vmem>>) semaphore(%dma_start3A_827 : memref<!tpu.dma_semaphore, #tpu.memory_space<semaphore_mem>>)
      %mul3A_828 = arith.constant 10240 : i32
      %mul3A_829 = arith.muli %add3A, %mul3A_828 : i32
      %mul3A_830 = arith.constant 320 : i32
      %mul3A_831 = arith.muli %add3A_579, %mul3A_830 : i32
      %add3A_832 = arith.addi %mul3A_829, %mul3A_831 : i32
      %add3A_833 = arith.constant 0 : i32
      %add3A_834 = arith.addi %add3A_832, %add3A_833 : i32
      %dma_start3A_835 = arith.constant 0 : i32
      %dma_start3A_836 = tpu.memref_slice %arg4[%add3A_834] : memref<327680xi32, #tpu.memory_space<hbm>> -> memref<80xi32, #tpu.memory_space<hbm>>
      %dma_start3A_837 = tpu.memref_slice %arg29[%dma_start3A_835] : memref<8x!tpu.dma_semaphore, #tpu.memory_space<semaphore_mem>> -> memref<1x!tpu.dma_semaphore, #tpu.memory_space<semaphore_mem>>
      %dma_start3A_838 = tpu.memref_squeeze %dma_start3A_837 : memref<1x!tpu.dma_semaphore, #tpu.memory_space<semaphore_mem>> -> memref<!tpu.dma_semaphore, #tpu.memory_space<semaphore_mem>>
      %dma_start3A_839 = tpu.memref_slice %arg4[%add3A_834] : memref<327680xi32, #tpu.memory_space<hbm>> -> memref<80xi32, #tpu.memory_space<hbm>>
      tpu.enqueue_dma source(%dma_start3A_839 : memref<80xi32, #tpu.memory_space<hbm>>) target(%arg15 : memref<80xi32, #tpu.memory_space<vmem>>) target_semaphore(%dma_start3A_838 : memref<!tpu.dma_semaphore, #tpu.memory_space<semaphore_mem>>)
      %mul3A_840 = arith.constant 10240 : i32
      %mul3A_841 = arith.muli %add3A, %mul3A_840 : i32
      %mul3A_842 = arith.constant 320 : i32
      %mul3A_843 = arith.muli %add3A_579, %mul3A_842 : i32
      %add3A_844 = arith.addi %mul3A_841, %mul3A_843 : i32
      %add3A_845 = arith.constant 80 : i32
      %add3A_846 = arith.addi %add3A_844, %add3A_845 : i32
      %dma_start3A_847 = arith.constant 1 : i32
      %dma_start3A_848 = tpu.memref_slice %arg4[%add3A_846] : memref<327680xi32, #tpu.memory_space<hbm>> -> memref<80xi32, #tpu.memory_space<hbm>>
      %dma_start3A_849 = tpu.memref_slice %arg29[%dma_start3A_847] : memref<8x!tpu.dma_semaphore, #tpu.memory_space<semaphore_mem>> -> memref<1x!tpu.dma_semaphore, #tpu.memory_space<semaphore_mem>>
      %dma_start3A_850 = tpu.memref_squeeze %dma_start3A_849 : memref<1x!tpu.dma_semaphore, #tpu.memory_space<semaphore_mem>> -> memref<!tpu.dma_semaphore, #tpu.memory_space<semaphore_mem>>
      %dma_start3A_851 = tpu.memref_slice %arg4[%add3A_846] : memref<327680xi32, #tpu.memory_space<hbm>> -> memref<80xi32, #tpu.memory_space<hbm>>
      tpu.enqueue_dma source(%dma_start3A_851 : memref<80xi32, #tpu.memory_space<hbm>>) target(%arg16 : memref<80xi32, #tpu.memory_space<vmem>>) target_semaphore(%dma_start3A_850 : memref<!tpu.dma_semaphore, #tpu.memory_space<semaphore_mem>>)
      %mul3A_852 = arith.constant 10240 : i32
      %mul3A_853 = arith.muli %add3A, %mul3A_852 : i32
      %mul3A_854 = arith.constant 320 : i32
      %mul3A_855 = arith.muli %add3A_579, %mul3A_854 : i32
      %add3A_856 = arith.addi %mul3A_853, %mul3A_855 : i32
      %add3A_857 = arith.constant 160 : i32
      %add3A_858 = arith.addi %add3A_856, %add3A_857 : i32
      %dma_start3A_859 = arith.constant 2 : i32
      %dma_start3A_860 = tpu.memref_slice %arg4[%add3A_858] : memref<327680xi32, #tpu.memory_space<hbm>> -> memref<80xi32, #tpu.memory_space<hbm>>
      %dma_start3A_861 = tpu.memref_slice %arg29[%dma_start3A_859] : memref<8x!tpu.dma_semaphore, #tpu.memory_space<semaphore_mem>> -> memref<1x!tpu.dma_semaphore, #tpu.memory_space<semaphore_mem>>
      %dma_start3A_862 = tpu.memref_squeeze %dma_start3A_861 : memref<1x!tpu.dma_semaphore, #tpu.memory_space<semaphore_mem>> -> memref<!tpu.dma_semaphore, #tpu.memory_space<semaphore_mem>>
      %dma_start3A_863 = tpu.memref_slice %arg4[%add3A_858] : memref<327680xi32, #tpu.memory_space<hbm>> -> memref<80xi32, #tpu.memory_space<hbm>>
      tpu.enqueue_dma source(%dma_start3A_863 : memref<80xi32, #tpu.memory_space<hbm>>) target(%arg17 : memref<80xi32, #tpu.memory_space<vmem>>) target_semaphore(%dma_start3A_862 : memref<!tpu.dma_semaphore, #tpu.memory_space<semaphore_mem>>)
      %mul3A_864 = arith.constant 10240 : i32
      %mul3A_865 = arith.muli %add3A, %mul3A_864 : i32
      %mul3A_866 = arith.constant 320 : i32
      %mul3A_867 = arith.muli %add3A_579, %mul3A_866 : i32
      %add3A_868 = arith.addi %mul3A_865, %mul3A_867 : i32
      %add3A_869 = arith.constant 240 : i32
      %add3A_870 = arith.addi %add3A_868, %add3A_869 : i32
      %dma_start3A_871 = arith.constant 3 : i32
      %dma_start3A_872 = tpu.memref_slice %arg4[%add3A_870] : memref<327680xi32, #tpu.memory_space<hbm>> -> memref<80xi32, #tpu.memory_space<hbm>>
      %dma_start3A_873 = tpu.memref_slice %arg29[%dma_start3A_871] : memref<8x!tpu.dma_semaphore, #tpu.memory_space<semaphore_mem>> -> memref<1x!tpu.dma_semaphore, #tpu.memory_space<semaphore_mem>>
      %dma_start3A_874 = tpu.memref_squeeze %dma_start3A_873 : memref<1x!tpu.dma_semaphore, #tpu.memory_space<semaphore_mem>> -> memref<!tpu.dma_semaphore, #tpu.memory_space<semaphore_mem>>
      %dma_start3A_875 = tpu.memref_slice %arg4[%add3A_870] : memref<327680xi32, #tpu.memory_space<hbm>> -> memref<80xi32, #tpu.memory_space<hbm>>
      tpu.enqueue_dma source(%dma_start3A_875 : memref<80xi32, #tpu.memory_space<hbm>>) target(%arg18 : memref<80xi32, #tpu.memory_space<vmem>>) target_semaphore(%dma_start3A_874 : memref<!tpu.dma_semaphore, #tpu.memory_space<semaphore_mem>>)
      %mul3A_876 = arith.constant 2 : i32
      %mul3A_877 = arith.muli %mul3A_876, %scan3A_573 : i32
      %add3A_878 = arith.constant 1 : i32
      %add3A_879 = arith.addi %mul3A_877, %add3A_878 : i32
      %mul3A_880 = arith.constant 2 : i32
      %mul3A_881 = arith.muli %mul3A_880, %scan3A_573 : i32
      %add3A_882 = arith.constant 3 : i32
      %add3A_883 = arith.addi %mul3A_881, %add3A_882 : i32
      %dma_wait3A_884 = arith.constant 0 : i32
      %dma_wait3A_885 = arith.constant 0 : i32
      %dma_wait3A_886 = arith.constant 0 : i32
      %dma_wait3A_887 = tpu.memref_slice %arg2[%dma_wait3A_885, %dma_wait3A_886] : memref<10000x128xf32, #tpu.memory_space<hbm>> -> memref<10000x128xf32, #tpu.memory_space<hbm>>
      %dma_wait3A_888 = tpu.memref_slice %arg30[%dma_wait3A_884] : memref<4x!tpu.dma_semaphore, #tpu.memory_space<semaphore_mem>> -> memref<1x!tpu.dma_semaphore, #tpu.memory_space<semaphore_mem>>
      %dma_wait3A_889 = tpu.memref_squeeze %dma_wait3A_888 : memref<1x!tpu.dma_semaphore, #tpu.memory_space<semaphore_mem>> -> memref<!tpu.dma_semaphore, #tpu.memory_space<semaphore_mem>>
      tpu.wait_indirect_dma semaphore(%dma_wait3A_889 : memref<!tpu.dma_semaphore, #tpu.memory_space<semaphore_mem>>) src(%dma_wait3A_887 : memref<10000x128xf32, #tpu.memory_space<hbm>>) dst(%arg23 : memref<80x128xf32, #tpu.memory_space<vmem>>)
      %dma_wait3A_890 = arith.constant 1 : i32
      %dma_wait3A_891 = arith.constant 0 : i32
      %dma_wait3A_892 = arith.constant 0 : i32
      %dma_wait3A_893 = tpu.memref_slice %arg2[%dma_wait3A_891, %dma_wait3A_892] : memref<10000x128xf32, #tpu.memory_space<hbm>> -> memref<10000x128xf32, #tpu.memory_space<hbm>>
      %dma_wait3A_894 = tpu.memref_slice %arg30[%dma_wait3A_890] : memref<4x!tpu.dma_semaphore, #tpu.memory_space<semaphore_mem>> -> memref<1x!tpu.dma_semaphore, #tpu.memory_space<semaphore_mem>>
      %dma_wait3A_895 = tpu.memref_squeeze %dma_wait3A_894 : memref<1x!tpu.dma_semaphore, #tpu.memory_space<semaphore_mem>> -> memref<!tpu.dma_semaphore, #tpu.memory_space<semaphore_mem>>
      tpu.wait_indirect_dma semaphore(%dma_wait3A_895 : memref<!tpu.dma_semaphore, #tpu.memory_space<semaphore_mem>>) src(%dma_wait3A_893 : memref<10000x128xf32, #tpu.memory_space<hbm>>) dst(%arg24 : memref<80x128xf32, #tpu.memory_space<vmem>>)
      %dma_wait3A_896 = arith.constant 2 : i32
      %dma_wait3A_897 = arith.constant 0 : i32
      %dma_wait3A_898 = arith.constant 0 : i32
      %dma_wait3A_899 = tpu.memref_slice %arg2[%dma_wait3A_897, %dma_wait3A_898] : memref<10000x128xf32, #tpu.memory_space<hbm>> -> memref<10000x128xf32, #tpu.memory_space<hbm>>
      %dma_wait3A_900 = tpu.memref_slice %arg30[%dma_wait3A_896] : memref<4x!tpu.dma_semaphore, #tpu.memory_space<semaphore_mem>> -> memref<1x!tpu.dma_semaphore, #tpu.memory_space<semaphore_mem>>
      %dma_wait3A_901 = tpu.memref_squeeze %dma_wait3A_900 : memref<1x!tpu.dma_semaphore, #tpu.memory_space<semaphore_mem>> -> memref<!tpu.dma_semaphore, #tpu.memory_space<semaphore_mem>>
      tpu.wait_indirect_dma semaphore(%dma_wait3A_901 : memref<!tpu.dma_semaphore, #tpu.memory_space<semaphore_mem>>) src(%dma_wait3A_899 : memref<10000x128xf32, #tpu.memory_space<hbm>>) dst(%arg25 : memref<80x128xf32, #tpu.memory_space<vmem>>)
      %dma_wait3A_902 = arith.constant 3 : i32
      %dma_wait3A_903 = arith.constant 0 : i32
      %dma_wait3A_904 = arith.constant 0 : i32
      %dma_wait3A_905 = tpu.memref_slice %arg2[%dma_wait3A_903, %dma_wait3A_904] : memref<10000x128xf32, #tpu.memory_space<hbm>> -> memref<10000x128xf32, #tpu.memory_space<hbm>>
      %dma_wait3A_906 = tpu.memref_slice %arg30[%dma_wait3A_902] : memref<4x!tpu.dma_semaphore, #tpu.memory_space<semaphore_mem>> -> memref<1x!tpu.dma_semaphore, #tpu.memory_space<semaphore_mem>>
      %dma_wait3A_907 = tpu.memref_squeeze %dma_wait3A_906 : memref<1x!tpu.dma_semaphore, #tpu.memory_space<semaphore_mem>> -> memref<!tpu.dma_semaphore, #tpu.memory_space<semaphore_mem>>
      tpu.wait_indirect_dma semaphore(%dma_wait3A_907 : memref<!tpu.dma_semaphore, #tpu.memory_space<semaphore_mem>>) src(%dma_wait3A_905 : memref<10000x128xf32, #tpu.memory_space<hbm>>) dst(%arg26 : memref<80x128xf32, #tpu.memory_space<vmem>>)
      %mul3A_908 = arith.constant 10240 : i32
      %mul3A_909 = arith.muli %add3A, %mul3A_908 : i32
      %mul3A_910 = arith.constant 320 : i32
      %mul3A_911 = arith.muli %add3A_879, %mul3A_910 : i32
      %add3A_912 = arith.addi %mul3A_909, %mul3A_911 : i32
      %add3A_913 = arith.constant 0 : i32
      %add3A_914 = arith.addi %add3A_912, %add3A_913 : i32
      %dma_wait3A_915 = arith.constant 4 : i32
      %dma_wait3A_916 = tpu.memref_slice %arg4[%add3A_914] : memref<327680xi32, #tpu.memory_space<hbm>> -> memref<80xi32, #tpu.memory_space<hbm>>
      %dma_wait3A_917 = tpu.memref_slice %arg29[%dma_wait3A_915] : memref<8x!tpu.dma_semaphore, #tpu.memory_space<semaphore_mem>> -> memref<1x!tpu.dma_semaphore, #tpu.memory_space<semaphore_mem>>
      %dma_wait3A_918 = tpu.memref_squeeze %dma_wait3A_917 : memref<1x!tpu.dma_semaphore, #tpu.memory_space<semaphore_mem>> -> memref<!tpu.dma_semaphore, #tpu.memory_space<semaphore_mem>>
      %dma_wait3A_919 = tpu.memref_slice %arg4[%add3A_914] : memref<327680xi32, #tpu.memory_space<hbm>> -> memref<80xi32, #tpu.memory_space<hbm>>
      tpu.wait_dma2 semaphore(%dma_wait3A_918 : memref<!tpu.dma_semaphore, #tpu.memory_space<semaphore_mem>>) src(%dma_wait3A_919 : memref<80xi32, #tpu.memory_space<hbm>>) dst(%arg19 : memref<80xi32, #tpu.memory_space<vmem>>)
      %mul3A_920 = arith.constant 10240 : i32
      %mul3A_921 = arith.muli %add3A, %mul3A_920 : i32
      %mul3A_922 = arith.constant 320 : i32
      %mul3A_923 = arith.muli %add3A_879, %mul3A_922 : i32
      %add3A_924 = arith.addi %mul3A_921, %mul3A_923 : i32
      %add3A_925 = arith.constant 80 : i32
      %add3A_926 = arith.addi %add3A_924, %add3A_925 : i32
      %dma_wait3A_927 = arith.constant 5 : i32
      %dma_wait3A_928 = tpu.memref_slice %arg4[%add3A_926] : memref<327680xi32, #tpu.memory_space<hbm>> -> memref<80xi32, #tpu.memory_space<hbm>>
      %dma_wait3A_929 = tpu.memref_slice %arg29[%dma_wait3A_927] : memref<8x!tpu.dma_semaphore, #tpu.memory_space<semaphore_mem>> -> memref<1x!tpu.dma_semaphore, #tpu.memory_space<semaphore_mem>>
      %dma_wait3A_930 = tpu.memref_squeeze %dma_wait3A_929 : memref<1x!tpu.dma_semaphore, #tpu.memory_space<semaphore_mem>> -> memref<!tpu.dma_semaphore, #tpu.memory_space<semaphore_mem>>
      %dma_wait3A_931 = tpu.memref_slice %arg4[%add3A_926] : memref<327680xi32, #tpu.memory_space<hbm>> -> memref<80xi32, #tpu.memory_space<hbm>>
      tpu.wait_dma2 semaphore(%dma_wait3A_930 : memref<!tpu.dma_semaphore, #tpu.memory_space<semaphore_mem>>) src(%dma_wait3A_931 : memref<80xi32, #tpu.memory_space<hbm>>) dst(%arg20 : memref<80xi32, #tpu.memory_space<vmem>>)
      %mul3A_932 = arith.constant 10240 : i32
      %mul3A_933 = arith.muli %add3A, %mul3A_932 : i32
      %mul3A_934 = arith.constant 320 : i32
      %mul3A_935 = arith.muli %add3A_879, %mul3A_934 : i32
      %add3A_936 = arith.addi %mul3A_933, %mul3A_935 : i32
      %add3A_937 = arith.constant 160 : i32
      %add3A_938 = arith.addi %add3A_936, %add3A_937 : i32
      %dma_wait3A_939 = arith.constant 6 : i32
      %dma_wait3A_940 = tpu.memref_slice %arg4[%add3A_938] : memref<327680xi32, #tpu.memory_space<hbm>> -> memref<80xi32, #tpu.memory_space<hbm>>
      %dma_wait3A_941 = tpu.memref_slice %arg29[%dma_wait3A_939] : memref<8x!tpu.dma_semaphore, #tpu.memory_space<semaphore_mem>> -> memref<1x!tpu.dma_semaphore, #tpu.memory_space<semaphore_mem>>
      %dma_wait3A_942 = tpu.memref_squeeze %dma_wait3A_941 : memref<1x!tpu.dma_semaphore, #tpu.memory_space<semaphore_mem>> -> memref<!tpu.dma_semaphore, #tpu.memory_space<semaphore_mem>>
      %dma_wait3A_943 = tpu.memref_slice %arg4[%add3A_938] : memref<327680xi32, #tpu.memory_space<hbm>> -> memref<80xi32, #tpu.memory_space<hbm>>
      tpu.wait_dma2 semaphore(%dma_wait3A_942 : memref<!tpu.dma_semaphore, #tpu.memory_space<semaphore_mem>>) src(%dma_wait3A_943 : memref<80xi32, #tpu.memory_space<hbm>>) dst(%arg21 : memref<80xi32, #tpu.memory_space<vmem>>)
      %mul3A_944 = arith.constant 10240 : i32
      %mul3A_945 = arith.muli %add3A, %mul3A_944 : i32
      %mul3A_946 = arith.constant 320 : i32
      %mul3A_947 = arith.muli %add3A_879, %mul3A_946 : i32
      %add3A_948 = arith.addi %mul3A_945, %mul3A_947 : i32
      %add3A_949 = arith.constant 240 : i32
      %add3A_950 = arith.addi %add3A_948, %add3A_949 : i32
      %dma_wait3A_951 = arith.constant 7 : i32
      %dma_wait3A_952 = tpu.memref_slice %arg4[%add3A_950] : memref<327680xi32, #tpu.memory_space<hbm>> -> memref<80xi32, #tpu.memory_space<hbm>>
      %dma_wait3A_953 = tpu.memref_slice %arg29[%dma_wait3A_951] : memref<8x!tpu.dma_semaphore, #tpu.memory_space<semaphore_mem>> -> memref<1x!tpu.dma_semaphore, #tpu.memory_space<semaphore_mem>>
      %dma_wait3A_954 = tpu.memref_squeeze %dma_wait3A_953 : memref<1x!tpu.dma_semaphore, #tpu.memory_space<semaphore_mem>> -> memref<!tpu.dma_semaphore, #tpu.memory_space<semaphore_mem>>
      %dma_wait3A_955 = tpu.memref_slice %arg4[%add3A_950] : memref<327680xi32, #tpu.memory_space<hbm>> -> memref<80xi32, #tpu.memory_space<hbm>>
      tpu.wait_dma2 semaphore(%dma_wait3A_954 : memref<!tpu.dma_semaphore, #tpu.memory_space<semaphore_mem>>) src(%dma_wait3A_955 : memref<80xi32, #tpu.memory_space<hbm>>) dst(%arg22 : memref<80xi32, #tpu.memory_space<vmem>>)
      %dma_start3A_956 = arith.constant 0 : i32
      %dma_start3A_957 = arith.constant 0 : i32
      %dma_start3A_958 = arith.constant 0 : i32
      %dma_start3A_959 = tpu.memref_slice %arg27[%dma_start3A_957, %dma_start3A_958] : memref<10240x128xf32, #tpu.memory_space<vmem_shared>> -> memref<10240x128xf32, #tpu.memory_space<vmem_shared>>
      %dma_start3A_960 = tpu.memref_slice %arg31[%dma_start3A_956] : memref<4x!tpu.dma_semaphore, #tpu.memory_space<semaphore_mem>> -> memref<1x!tpu.dma_semaphore, #tpu.memory_space<semaphore_mem>>
      %dma_start3A_961 = tpu.memref_squeeze %dma_start3A_960 : memref<1x!tpu.dma_semaphore, #tpu.memory_space<semaphore_mem>> -> memref<!tpu.dma_semaphore, #tpu.memory_space<semaphore_mem>>
      tpu.enqueue_indirect_dma source(%arg23 : memref<80x128xf32, #tpu.memory_space<vmem>>) target(%dma_start3A_959 : memref<10240x128xf32, #tpu.memory_space<vmem_shared>>) offsets(%arg19 : memref<80xi32, #tpu.memory_space<vmem>>) semaphore(%dma_start3A_961 : memref<!tpu.dma_semaphore, #tpu.memory_space<semaphore_mem>>) {add = true}
      %dma_start3A_962 = arith.constant 1 : i32
      %dma_start3A_963 = arith.constant 0 : i32
      %dma_start3A_964 = arith.constant 0 : i32
      %dma_start3A_965 = tpu.memref_slice %arg27[%dma_start3A_963, %dma_start3A_964] : memref<10240x128xf32, #tpu.memory_space<vmem_shared>> -> memref<10240x128xf32, #tpu.memory_space<vmem_shared>>
      %dma_start3A_966 = tpu.memref_slice %arg31[%dma_start3A_962] : memref<4x!tpu.dma_semaphore, #tpu.memory_space<semaphore_mem>> -> memref<1x!tpu.dma_semaphore, #tpu.memory_space<semaphore_mem>>
      %dma_start3A_967 = tpu.memref_squeeze %dma_start3A_966 : memref<1x!tpu.dma_semaphore, #tpu.memory_space<semaphore_mem>> -> memref<!tpu.dma_semaphore, #tpu.memory_space<semaphore_mem>>
      tpu.enqueue_indirect_dma source(%arg24 : memref<80x128xf32, #tpu.memory_space<vmem>>) target(%dma_start3A_965 : memref<10240x128xf32, #tpu.memory_space<vmem_shared>>) offsets(%arg20 : memref<80xi32, #tpu.memory_space<vmem>>) semaphore(%dma_start3A_967 : memref<!tpu.dma_semaphore, #tpu.memory_space<semaphore_mem>>) {add = true}
      %dma_start3A_968 = arith.constant 2 : i32
      %dma_start3A_969 = arith.constant 0 : i32
      %dma_start3A_970 = arith.constant 0 : i32
      %dma_start3A_971 = tpu.memref_slice %arg27[%dma_start3A_969, %dma_start3A_970] : memref<10240x128xf32, #tpu.memory_space<vmem_shared>> -> memref<10240x128xf32, #tpu.memory_space<vmem_shared>>
      %dma_start3A_972 = tpu.memref_slice %arg31[%dma_start3A_968] : memref<4x!tpu.dma_semaphore, #tpu.memory_space<semaphore_mem>> -> memref<1x!tpu.dma_semaphore, #tpu.memory_space<semaphore_mem>>
      %dma_start3A_973 = tpu.memref_squeeze %dma_start3A_972 : memref<1x!tpu.dma_semaphore, #tpu.memory_space<semaphore_mem>> -> memref<!tpu.dma_semaphore, #tpu.memory_space<semaphore_mem>>
      tpu.enqueue_indirect_dma source(%arg25 : memref<80x128xf32, #tpu.memory_space<vmem>>) target(%dma_start3A_971 : memref<10240x128xf32, #tpu.memory_space<vmem_shared>>) offsets(%arg21 : memref<80xi32, #tpu.memory_space<vmem>>) semaphore(%dma_start3A_973 : memref<!tpu.dma_semaphore, #tpu.memory_space<semaphore_mem>>) {add = true}
      %dma_start3A_974 = arith.constant 3 : i32
      %dma_start3A_975 = arith.constant 0 : i32
      %dma_start3A_976 = arith.constant 0 : i32
      %dma_start3A_977 = tpu.memref_slice %arg27[%dma_start3A_975, %dma_start3A_976] : memref<10240x128xf32, #tpu.memory_space<vmem_shared>> -> memref<10240x128xf32, #tpu.memory_space<vmem_shared>>
      %dma_start3A_978 = tpu.memref_slice %arg31[%dma_start3A_974] : memref<4x!tpu.dma_semaphore, #tpu.memory_space<semaphore_mem>> -> memref<1x!tpu.dma_semaphore, #tpu.memory_space<semaphore_mem>>
      %dma_start3A_979 = tpu.memref_squeeze %dma_start3A_978 : memref<1x!tpu.dma_semaphore, #tpu.memory_space<semaphore_mem>> -> memref<!tpu.dma_semaphore, #tpu.memory_space<semaphore_mem>>
      tpu.enqueue_indirect_dma source(%arg26 : memref<80x128xf32, #tpu.memory_space<vmem>>) target(%dma_start3A_977 : memref<10240x128xf32, #tpu.memory_space<vmem_shared>>) offsets(%arg22 : memref<80xi32, #tpu.memory_space<vmem>>) semaphore(%dma_start3A_979 : memref<!tpu.dma_semaphore, #tpu.memory_space<semaphore_mem>>) {add = true}
      %mul3A_980 = arith.constant 10240 : i32
      %mul3A_981 = arith.muli %add3A, %mul3A_980 : i32
      %mul3A_982 = arith.constant 320 : i32
      %mul3A_983 = arith.muli %add3A_883, %mul3A_982 : i32
      %add3A_984 = arith.addi %mul3A_981, %mul3A_983 : i32
      %add3A_985 = arith.constant 0 : i32
      %add3A_986 = arith.addi %add3A_984, %add3A_985 : i32
      %dma_start3A_987 = arith.constant 4 : i32
      %dma_start3A_988 = tpu.memref_slice %arg3[%add3A_986] : memref<327680xi32, #tpu.memory_space<hbm>> -> memref<80xi32, #tpu.memory_space<hbm>>
      %dma_start3A_989 = tpu.memref_slice %arg28[%dma_start3A_987] : memref<8x!tpu.dma_semaphore, #tpu.memory_space<semaphore_mem>> -> memref<1x!tpu.dma_semaphore, #tpu.memory_space<semaphore_mem>>
      %dma_start3A_990 = tpu.memref_squeeze %dma_start3A_989 : memref<1x!tpu.dma_semaphore, #tpu.memory_space<semaphore_mem>> -> memref<!tpu.dma_semaphore, #tpu.memory_space<semaphore_mem>>
      %dma_start3A_991 = tpu.memref_slice %arg3[%add3A_986] : memref<327680xi32, #tpu.memory_space<hbm>> -> memref<80xi32, #tpu.memory_space<hbm>>
      tpu.enqueue_dma source(%dma_start3A_991 : memref<80xi32, #tpu.memory_space<hbm>>) target(%arg11 : memref<80xi32, #tpu.memory_space<vmem>>) target_semaphore(%dma_start3A_990 : memref<!tpu.dma_semaphore, #tpu.memory_space<semaphore_mem>>)
      %mul3A_992 = arith.constant 10240 : i32
      %mul3A_993 = arith.muli %add3A, %mul3A_992 : i32
      %mul3A_994 = arith.constant 320 : i32
      %mul3A_995 = arith.muli %add3A_883, %mul3A_994 : i32
      %add3A_996 = arith.addi %mul3A_993, %mul3A_995 : i32
      %add3A_997 = arith.constant 80 : i32
      %add3A_998 = arith.addi %add3A_996, %add3A_997 : i32
      %dma_start3A_999 = arith.constant 5 : i32
      %dma_start3A_1000 = tpu.memref_slice %arg3[%add3A_998] : memref<327680xi32, #tpu.memory_space<hbm>> -> memref<80xi32, #tpu.memory_space<hbm>>
      %dma_start3A_1001 = tpu.memref_slice %arg28[%dma_start3A_999] : memref<8x!tpu.dma_semaphore, #tpu.memory_space<semaphore_mem>> -> memref<1x!tpu.dma_semaphore, #tpu.memory_space<semaphore_mem>>
      %dma_start3A_1002 = tpu.memref_squeeze %dma_start3A_1001 : memref<1x!tpu.dma_semaphore, #tpu.memory_space<semaphore_mem>> -> memref<!tpu.dma_semaphore, #tpu.memory_space<semaphore_mem>>
      %dma_start3A_1003 = tpu.memref_slice %arg3[%add3A_998] : memref<327680xi32, #tpu.memory_space<hbm>> -> memref<80xi32, #tpu.memory_space<hbm>>
      tpu.enqueue_dma source(%dma_start3A_1003 : memref<80xi32, #tpu.memory_space<hbm>>) target(%arg12 : memref<80xi32, #tpu.memory_space<vmem>>) target_semaphore(%dma_start3A_1002 : memref<!tpu.dma_semaphore, #tpu.memory_space<semaphore_mem>>)
      %mul3A_1004 = arith.constant 10240 : i32
      %mul3A_1005 = arith.muli %add3A, %mul3A_1004 : i32
      %mul3A_1006 = arith.constant 320 : i32
      %mul3A_1007 = arith.muli %add3A_883, %mul3A_1006 : i32
      %add3A_1008 = arith.addi %mul3A_1005, %mul3A_1007 : i32
      %add3A_1009 = arith.constant 160 : i32
      %add3A_1010 = arith.addi %add3A_1008, %add3A_1009 : i32
      %dma_start3A_1011 = arith.constant 6 : i32
      %dma_start3A_1012 = tpu.memref_slice %arg3[%add3A_1010] : memref<327680xi32, #tpu.memory_space<hbm>> -> memref<80xi32, #tpu.memory_space<hbm>>
      %dma_start3A_1013 = tpu.memref_slice %arg28[%dma_start3A_1011] : memref<8x!tpu.dma_semaphore, #tpu.memory_space<semaphore_mem>> -> memref<1x!tpu.dma_semaphore, #tpu.memory_space<semaphore_mem>>
      %dma_start3A_1014 = tpu.memref_squeeze %dma_start3A_1013 : memref<1x!tpu.dma_semaphore, #tpu.memory_space<semaphore_mem>> -> memref<!tpu.dma_semaphore, #tpu.memory_space<semaphore_mem>>
      %dma_start3A_1015 = tpu.memref_slice %arg3[%add3A_1010] : memref<327680xi32, #tpu.memory_space<hbm>> -> memref<80xi32, #tpu.memory_space<hbm>>
      tpu.enqueue_dma source(%dma_start3A_1015 : memref<80xi32, #tpu.memory_space<hbm>>) target(%arg13 : memref<80xi32, #tpu.memory_space<vmem>>) target_semaphore(%dma_start3A_1014 : memref<!tpu.dma_semaphore, #tpu.memory_space<semaphore_mem>>)
      %mul3A_1016 = arith.constant 10240 : i32
      %mul3A_1017 = arith.muli %add3A, %mul3A_1016 : i32
      %mul3A_1018 = arith.constant 320 : i32
      %mul3A_1019 = arith.muli %add3A_883, %mul3A_1018 : i32
      %add3A_1020 = arith.addi %mul3A_1017, %mul3A_1019 : i32
      %add3A_1021 = arith.constant 240 : i32
      %add3A_1022 = arith.addi %add3A_1020, %add3A_1021 : i32
      %dma_start3A_1023 = arith.constant 7 : i32
      %dma_start3A_1024 = tpu.memref_slice %arg3[%add3A_1022] : memref<327680xi32, #tpu.memory_space<hbm>> -> memref<80xi32, #tpu.memory_space<hbm>>
      %dma_start3A_1025 = tpu.memref_slice %arg28[%dma_start3A_1023] : memref<8x!tpu.dma_semaphore, #tpu.memory_space<semaphore_mem>> -> memref<1x!tpu.dma_semaphore, #tpu.memory_space<semaphore_mem>>
      %dma_start3A_1026 = tpu.memref_squeeze %dma_start3A_1025 : memref<1x!tpu.dma_semaphore, #tpu.memory_space<semaphore_mem>> -> memref<!tpu.dma_semaphore, #tpu.memory_space<semaphore_mem>>
      %dma_start3A_1027 = tpu.memref_slice %arg3[%add3A_1022] : memref<327680xi32, #tpu.memory_space<hbm>> -> memref<80xi32, #tpu.memory_space<hbm>>
      tpu.enqueue_dma source(%dma_start3A_1027 : memref<80xi32, #tpu.memory_space<hbm>>) target(%arg14 : memref<80xi32, #tpu.memory_space<vmem>>) target_semaphore(%dma_start3A_1026 : memref<!tpu.dma_semaphore, #tpu.memory_space<semaphore_mem>>)
      %add3A_1028 = arith.constant 1 : i32
      %add3A_1029 = arith.addi %add3A_879, %add3A_1028 : i32
      %mul3A_1030 = arith.constant 10240 : i32
      %mul3A_1031 = arith.muli %add3A, %mul3A_1030 : i32
      %mul3A_1032 = arith.constant 320 : i32
      %mul3A_1033 = arith.muli %add3A_1029, %mul3A_1032 : i32
      %add3A_1034 = arith.addi %mul3A_1031, %mul3A_1033 : i32
      %add3A_1035 = arith.constant 0 : i32
      %add3A_1036 = arith.addi %add3A_1034, %add3A_1035 : i32
      %dma_wait3A_1037 = arith.constant 0 : i32
      %dma_wait3A_1038 = tpu.memref_slice %arg3[%add3A_1036] : memref<327680xi32, #tpu.memory_space<hbm>> -> memref<80xi32, #tpu.memory_space<hbm>>
      %dma_wait3A_1039 = tpu.memref_slice %arg28[%dma_wait3A_1037] : memref<8x!tpu.dma_semaphore, #tpu.memory_space<semaphore_mem>> -> memref<1x!tpu.dma_semaphore, #tpu.memory_space<semaphore_mem>>
      %dma_wait3A_1040 = tpu.memref_squeeze %dma_wait3A_1039 : memref<1x!tpu.dma_semaphore, #tpu.memory_space<semaphore_mem>> -> memref<!tpu.dma_semaphore, #tpu.memory_space<semaphore_mem>>
      %dma_wait3A_1041 = tpu.memref_slice %arg3[%add3A_1036] : memref<327680xi32, #tpu.memory_space<hbm>> -> memref<80xi32, #tpu.memory_space<hbm>>
      tpu.wait_dma2 semaphore(%dma_wait3A_1040 : memref<!tpu.dma_semaphore, #tpu.memory_space<semaphore_mem>>) src(%dma_wait3A_1041 : memref<80xi32, #tpu.memory_space<hbm>>) dst(%arg7 : memref<80xi32, #tpu.memory_space<vmem>>)
      %add3A_1042 = arith.constant 1 : i32
      %add3A_1043 = arith.addi %add3A_879, %add3A_1042 : i32
      %mul3A_1044 = arith.constant 10240 : i32
      %mul3A_1045 = arith.muli %add3A, %mul3A_1044 : i32
      %mul3A_1046 = arith.constant 320 : i32
      %mul3A_1047 = arith.muli %add3A_1043, %mul3A_1046 : i32
      %add3A_1048 = arith.addi %mul3A_1045, %mul3A_1047 : i32
      %add3A_1049 = arith.constant 80 : i32
      %add3A_1050 = arith.addi %add3A_1048, %add3A_1049 : i32
      %dma_wait3A_1051 = arith.constant 1 : i32
      %dma_wait3A_1052 = tpu.memref_slice %arg3[%add3A_1050] : memref<327680xi32, #tpu.memory_space<hbm>> -> memref<80xi32, #tpu.memory_space<hbm>>
      %dma_wait3A_1053 = tpu.memref_slice %arg28[%dma_wait3A_1051] : memref<8x!tpu.dma_semaphore, #tpu.memory_space<semaphore_mem>> -> memref<1x!tpu.dma_semaphore, #tpu.memory_space<semaphore_mem>>
      %dma_wait3A_1054 = tpu.memref_squeeze %dma_wait3A_1053 : memref<1x!tpu.dma_semaphore, #tpu.memory_space<semaphore_mem>> -> memref<!tpu.dma_semaphore, #tpu.memory_space<semaphore_mem>>
      %dma_wait3A_1055 = tpu.memref_slice %arg3[%add3A_1050] : memref<327680xi32, #tpu.memory_space<hbm>> -> memref<80xi32, #tpu.memory_space<hbm>>
      tpu.wait_dma2 semaphore(%dma_wait3A_1054 : memref<!tpu.dma_semaphore, #tpu.memory_space<semaphore_mem>>) src(%dma_wait3A_1055 : memref<80xi32, #tpu.memory_space<hbm>>) dst(%arg8 : memref<80xi32, #tpu.memory_space<vmem>>)
      %add3A_1056 = arith.constant 1 : i32
      %add3A_1057 = arith.addi %add3A_879, %add3A_1056 : i32
      %mul3A_1058 = arith.constant 10240 : i32
      %mul3A_1059 = arith.muli %add3A, %mul3A_1058 : i32
      %mul3A_1060 = arith.constant 320 : i32
      %mul3A_1061 = arith.muli %add3A_1057, %mul3A_1060 : i32
      %add3A_1062 = arith.addi %mul3A_1059, %mul3A_1061 : i32
      %add3A_1063 = arith.constant 160 : i32
      %add3A_1064 = arith.addi %add3A_1062, %add3A_1063 : i32
      %dma_wait3A_1065 = arith.constant 2 : i32
      %dma_wait3A_1066 = tpu.memref_slice %arg3[%add3A_1064] : memref<327680xi32, #tpu.memory_space<hbm>> -> memref<80xi32, #tpu.memory_space<hbm>>
      %dma_wait3A_1067 = tpu.memref_slice %arg28[%dma_wait3A_1065] : memref<8x!tpu.dma_semaphore, #tpu.memory_space<semaphore_mem>> -> memref<1x!tpu.dma_semaphore, #tpu.memory_space<semaphore_mem>>
      %dma_wait3A_1068 = tpu.memref_squeeze %dma_wait3A_1067 : memref<1x!tpu.dma_semaphore, #tpu.memory_space<semaphore_mem>> -> memref<!tpu.dma_semaphore, #tpu.memory_space<semaphore_mem>>
      %dma_wait3A_1069 = tpu.memref_slice %arg3[%add3A_1064] : memref<327680xi32, #tpu.memory_space<hbm>> -> memref<80xi32, #tpu.memory_space<hbm>>
      tpu.wait_dma2 semaphore(%dma_wait3A_1068 : memref<!tpu.dma_semaphore, #tpu.memory_space<semaphore_mem>>) src(%dma_wait3A_1069 : memref<80xi32, #tpu.memory_space<hbm>>) dst(%arg9 : memref<80xi32, #tpu.memory_space<vmem>>)
      %add3A_1070 = arith.constant 1 : i32
      %add3A_1071 = arith.addi %add3A_879, %add3A_1070 : i32
      %mul3A_1072 = arith.constant 10240 : i32
      %mul3A_1073 = arith.muli %add3A, %mul3A_1072 : i32
      %mul3A_1074 = arith.constant 320 : i32
      %mul3A_1075 = arith.muli %add3A_1071, %mul3A_1074 : i32
      %add3A_1076 = arith.addi %mul3A_1073, %mul3A_1075 : i32
      %add3A_1077 = arith.constant 240 : i32
      %add3A_1078 = arith.addi %add3A_1076, %add3A_1077 : i32
      %dma_wait3A_1079 = arith.constant 3 : i32
      %dma_wait3A_1080 = tpu.memref_slice %arg3[%add3A_1078] : memref<327680xi32, #tpu.memory_space<hbm>> -> memref<80xi32, #tpu.memory_space<hbm>>
      %dma_wait3A_1081 = tpu.memref_slice %arg28[%dma_wait3A_1079] : memref<8x!tpu.dma_semaphore, #tpu.memory_space<semaphore_mem>> -> memref<1x!tpu.dma_semaphore, #tpu.memory_space<semaphore_mem>>
      %dma_wait3A_1082 = tpu.memref_squeeze %dma_wait3A_1081 : memref<1x!tpu.dma_semaphore, #tpu.memory_space<semaphore_mem>> -> memref<!tpu.dma_semaphore, #tpu.memory_space<semaphore_mem>>
      %dma_wait3A_1083 = tpu.memref_slice %arg3[%add3A_1078] : memref<327680xi32, #tpu.memory_space<hbm>> -> memref<80xi32, #tpu.memory_space<hbm>>
      tpu.wait_dma2 semaphore(%dma_wait3A_1082 : memref<!tpu.dma_semaphore, #tpu.memory_space<semaphore_mem>>) src(%dma_wait3A_1083 : memref<80xi32, #tpu.memory_space<hbm>>) dst(%arg10 : memref<80xi32, #tpu.memory_space<vmem>>)
      %dma_wait3A_1084 = arith.constant 0 : i32
      %dma_wait3A_1085 = arith.constant 0 : i32
      %dma_wait3A_1086 = arith.constant 0 : i32
      %dma_wait3A_1087 = tpu.memref_slice %arg27[%dma_wait3A_1085, %dma_wait3A_1086] : memref<10240x128xf32, #tpu.memory_space<vmem_shared>> -> memref<10240x128xf32, #tpu.memory_space<vmem_shared>>
      %dma_wait3A_1088 = tpu.memref_slice %arg31[%dma_wait3A_1084] : memref<4x!tpu.dma_semaphore, #tpu.memory_space<semaphore_mem>> -> memref<1x!tpu.dma_semaphore, #tpu.memory_space<semaphore_mem>>
      %dma_wait3A_1089 = tpu.memref_squeeze %dma_wait3A_1088 : memref<1x!tpu.dma_semaphore, #tpu.memory_space<semaphore_mem>> -> memref<!tpu.dma_semaphore, #tpu.memory_space<semaphore_mem>>
      tpu.wait_indirect_dma semaphore(%dma_wait3A_1089 : memref<!tpu.dma_semaphore, #tpu.memory_space<semaphore_mem>>) src(%arg23 : memref<80x128xf32, #tpu.memory_space<vmem>>) dst(%dma_wait3A_1087 : memref<10240x128xf32, #tpu.memory_space<vmem_shared>>)
      %dma_start3A_1090 = arith.constant 0 : i32
      %dma_start3A_1091 = arith.constant 0 : i32
      %dma_start3A_1092 = arith.constant 0 : i32
      %dma_start3A_1093 = tpu.memref_slice %arg2[%dma_start3A_1091, %dma_start3A_1092] : memref<10000x128xf32, #tpu.memory_space<hbm>> -> memref<10000x128xf32, #tpu.memory_space<hbm>>
      %dma_start3A_1094 = tpu.memref_slice %arg30[%dma_start3A_1090] : memref<4x!tpu.dma_semaphore, #tpu.memory_space<semaphore_mem>> -> memref<1x!tpu.dma_semaphore, #tpu.memory_space<semaphore_mem>>
      %dma_start3A_1095 = tpu.memref_squeeze %dma_start3A_1094 : memref<1x!tpu.dma_semaphore, #tpu.memory_space<semaphore_mem>> -> memref<!tpu.dma_semaphore, #tpu.memory_space<semaphore_mem>>
      tpu.enqueue_indirect_dma source(%dma_start3A_1093 : memref<10000x128xf32, #tpu.memory_space<hbm>>) target(%arg23 : memref<80x128xf32, #tpu.memory_space<vmem>>) offsets(%arg7 : memref<80xi32, #tpu.memory_space<vmem>>) semaphore(%dma_start3A_1095 : memref<!tpu.dma_semaphore, #tpu.memory_space<semaphore_mem>>)
      %dma_wait3A_1096 = arith.constant 1 : i32
      %dma_wait3A_1097 = arith.constant 0 : i32
      %dma_wait3A_1098 = arith.constant 0 : i32
      %dma_wait3A_1099 = tpu.memref_slice %arg27[%dma_wait3A_1097, %dma_wait3A_1098] : memref<10240x128xf32, #tpu.memory_space<vmem_shared>> -> memref<10240x128xf32, #tpu.memory_space<vmem_shared>>
      %dma_wait3A_1100 = tpu.memref_slice %arg31[%dma_wait3A_1096] : memref<4x!tpu.dma_semaphore, #tpu.memory_space<semaphore_mem>> -> memref<1x!tpu.dma_semaphore, #tpu.memory_space<semaphore_mem>>
      %dma_wait3A_1101 = tpu.memref_squeeze %dma_wait3A_1100 : memref<1x!tpu.dma_semaphore, #tpu.memory_space<semaphore_mem>> -> memref<!tpu.dma_semaphore, #tpu.memory_space<semaphore_mem>>
      tpu.wait_indirect_dma semaphore(%dma_wait3A_1101 : memref<!tpu.dma_semaphore, #tpu.memory_space<semaphore_mem>>) src(%arg24 : memref<80x128xf32, #tpu.memory_space<vmem>>) dst(%dma_wait3A_1099 : memref<10240x128xf32, #tpu.memory_space<vmem_shared>>)
      %dma_start3A_1102 = arith.constant 1 : i32
      %dma_start3A_1103 = arith.constant 0 : i32
      %dma_start3A_1104 = arith.constant 0 : i32
      %dma_start3A_1105 = tpu.memref_slice %arg2[%dma_start3A_1103, %dma_start3A_1104] : memref<10000x128xf32, #tpu.memory_space<hbm>> -> memref<10000x128xf32, #tpu.memory_space<hbm>>
      %dma_start3A_1106 = tpu.memref_slice %arg30[%dma_start3A_1102] : memref<4x!tpu.dma_semaphore, #tpu.memory_space<semaphore_mem>> -> memref<1x!tpu.dma_semaphore, #tpu.memory_space<semaphore_mem>>
      %dma_start3A_1107 = tpu.memref_squeeze %dma_start3A_1106 : memref<1x!tpu.dma_semaphore, #tpu.memory_space<semaphore_mem>> -> memref<!tpu.dma_semaphore, #tpu.memory_space<semaphore_mem>>
      tpu.enqueue_indirect_dma source(%dma_start3A_1105 : memref<10000x128xf32, #tpu.memory_space<hbm>>) target(%arg24 : memref<80x128xf32, #tpu.memory_space<vmem>>) offsets(%arg8 : memref<80xi32, #tpu.memory_space<vmem>>) semaphore(%dma_start3A_1107 : memref<!tpu.dma_semaphore, #tpu.memory_space<semaphore_mem>>)
      %dma_wait3A_1108 = arith.constant 2 : i32
      %dma_wait3A_1109 = arith.constant 0 : i32
      %dma_wait3A_1110 = arith.constant 0 : i32
      %dma_wait3A_1111 = tpu.memref_slice %arg27[%dma_wait3A_1109, %dma_wait3A_1110] : memref<10240x128xf32, #tpu.memory_space<vmem_shared>> -> memref<10240x128xf32, #tpu.memory_space<vmem_shared>>
      %dma_wait3A_1112 = tpu.memref_slice %arg31[%dma_wait3A_1108] : memref<4x!tpu.dma_semaphore, #tpu.memory_space<semaphore_mem>> -> memref<1x!tpu.dma_semaphore, #tpu.memory_space<semaphore_mem>>
      %dma_wait3A_1113 = tpu.memref_squeeze %dma_wait3A_1112 : memref<1x!tpu.dma_semaphore, #tpu.memory_space<semaphore_mem>> -> memref<!tpu.dma_semaphore, #tpu.memory_space<semaphore_mem>>
      tpu.wait_indirect_dma semaphore(%dma_wait3A_1113 : memref<!tpu.dma_semaphore, #tpu.memory_space<semaphore_mem>>) src(%arg25 : memref<80x128xf32, #tpu.memory_space<vmem>>) dst(%dma_wait3A_1111 : memref<10240x128xf32, #tpu.memory_space<vmem_shared>>)
      %dma_start3A_1114 = arith.constant 2 : i32
      %dma_start3A_1115 = arith.constant 0 : i32
      %dma_start3A_1116 = arith.constant 0 : i32
      %dma_start3A_1117 = tpu.memref_slice %arg2[%dma_start3A_1115, %dma_start3A_1116] : memref<10000x128xf32, #tpu.memory_space<hbm>> -> memref<10000x128xf32, #tpu.memory_space<hbm>>
      %dma_start3A_1118 = tpu.memref_slice %arg30[%dma_start3A_1114] : memref<4x!tpu.dma_semaphore, #tpu.memory_space<semaphore_mem>> -> memref<1x!tpu.dma_semaphore, #tpu.memory_space<semaphore_mem>>
      %dma_start3A_1119 = tpu.memref_squeeze %dma_start3A_1118 : memref<1x!tpu.dma_semaphore, #tpu.memory_space<semaphore_mem>> -> memref<!tpu.dma_semaphore, #tpu.memory_space<semaphore_mem>>
      tpu.enqueue_indirect_dma source(%dma_start3A_1117 : memref<10000x128xf32, #tpu.memory_space<hbm>>) target(%arg25 : memref<80x128xf32, #tpu.memory_space<vmem>>) offsets(%arg9 : memref<80xi32, #tpu.memory_space<vmem>>) semaphore(%dma_start3A_1119 : memref<!tpu.dma_semaphore, #tpu.memory_space<semaphore_mem>>)
      %dma_wait3A_1120 = arith.constant 3 : i32
      %dma_wait3A_1121 = arith.constant 0 : i32
      %dma_wait3A_1122 = arith.constant 0 : i32
      %dma_wait3A_1123 = tpu.memref_slice %arg27[%dma_wait3A_1121, %dma_wait3A_1122] : memref<10240x128xf32, #tpu.memory_space<vmem_shared>> -> memref<10240x128xf32, #tpu.memory_space<vmem_shared>>
      %dma_wait3A_1124 = tpu.memref_slice %arg31[%dma_wait3A_1120] : memref<4x!tpu.dma_semaphore, #tpu.memory_space<semaphore_mem>> -> memref<1x!tpu.dma_semaphore, #tpu.memory_space<semaphore_mem>>
      %dma_wait3A_1125 = tpu.memref_squeeze %dma_wait3A_1124 : memref<1x!tpu.dma_semaphore, #tpu.memory_space<semaphore_mem>> -> memref<!tpu.dma_semaphore, #tpu.memory_space<semaphore_mem>>
      tpu.wait_indirect_dma semaphore(%dma_wait3A_1125 : memref<!tpu.dma_semaphore, #tpu.memory_space<semaphore_mem>>) src(%arg26 : memref<80x128xf32, #tpu.memory_space<vmem>>) dst(%dma_wait3A_1123 : memref<10240x128xf32, #tpu.memory_space<vmem_shared>>)
      %dma_start3A_1126 = arith.constant 3 : i32
      %dma_start3A_1127 = arith.constant 0 : i32
      %dma_start3A_1128 = arith.constant 0 : i32
      %dma_start3A_1129 = tpu.memref_slice %arg2[%dma_start3A_1127, %dma_start3A_1128] : memref<10000x128xf32, #tpu.memory_space<hbm>> -> memref<10000x128xf32, #tpu.memory_space<hbm>>
      %dma_start3A_1130 = tpu.memref_slice %arg30[%dma_start3A_1126] : memref<4x!tpu.dma_semaphore, #tpu.memory_space<semaphore_mem>> -> memref<1x!tpu.dma_semaphore, #tpu.memory_space<semaphore_mem>>
      %dma_start3A_1131 = tpu.memref_squeeze %dma_start3A_1130 : memref<1x!tpu.dma_semaphore, #tpu.memory_space<semaphore_mem>> -> memref<!tpu.dma_semaphore, #tpu.memory_space<semaphore_mem>>
      tpu.enqueue_indirect_dma source(%dma_start3A_1129 : memref<10000x128xf32, #tpu.memory_space<hbm>>) target(%arg26 : memref<80x128xf32, #tpu.memory_space<vmem>>) offsets(%arg10 : memref<80xi32, #tpu.memory_space<vmem>>) semaphore(%dma_start3A_1131 : memref<!tpu.dma_semaphore, #tpu.memory_space<semaphore_mem>>)
      %mul3A_1132 = arith.constant 10240 : i32
      %mul3A_1133 = arith.muli %add3A, %mul3A_1132 : i32
      %mul3A_1134 = arith.constant 320 : i32
      %mul3A_1135 = arith.muli %add3A_883, %mul3A_1134 : i32
      %add3A_1136 = arith.addi %mul3A_1133, %mul3A_1135 : i32
      %add3A_1137 = arith.constant 0 : i32
      %add3A_1138 = arith.addi %add3A_1136, %add3A_1137 : i32
      %dma_start3A_1139 = arith.constant 4 : i32
      %dma_start3A_1140 = tpu.memref_slice %arg4[%add3A_1138] : memref<327680xi32, #tpu.memory_space<hbm>> -> memref<80xi32, #tpu.memory_space<hbm>>
      %dma_start3A_1141 = tpu.memref_slice %arg29[%dma_start3A_1139] : memref<8x!tpu.dma_semaphore, #tpu.memory_space<semaphore_mem>> -> memref<1x!tpu.dma_semaphore, #tpu.memory_space<semaphore_mem>>
      %dma_start3A_1142 = tpu.memref_squeeze %dma_start3A_1141 : memref<1x!tpu.dma_semaphore, #tpu.memory_space<semaphore_mem>> -> memref<!tpu.dma_semaphore, #tpu.memory_space<semaphore_mem>>
      %dma_start3A_1143 = tpu.memref_slice %arg4[%add3A_1138] : memref<327680xi32, #tpu.memory_space<hbm>> -> memref<80xi32, #tpu.memory_space<hbm>>
      tpu.enqueue_dma source(%dma_start3A_1143 : memref<80xi32, #tpu.memory_space<hbm>>) target(%arg19 : memref<80xi32, #tpu.memory_space<vmem>>) target_semaphore(%dma_start3A_1142 : memref<!tpu.dma_semaphore, #tpu.memory_space<semaphore_mem>>)
      %mul3A_1144 = arith.constant 10240 : i32
      %mul3A_1145 = arith.muli %add3A, %mul3A_1144 : i32
      %mul3A_1146 = arith.constant 320 : i32
      %mul3A_1147 = arith.muli %add3A_883, %mul3A_1146 : i32
      %add3A_1148 = arith.addi %mul3A_1145, %mul3A_1147 : i32
      %add3A_1149 = arith.constant 80 : i32
      %add3A_1150 = arith.addi %add3A_1148, %add3A_1149 : i32
      %dma_start3A_1151 = arith.constant 5 : i32
      %dma_start3A_1152 = tpu.memref_slice %arg4[%add3A_1150] : memref<327680xi32, #tpu.memory_space<hbm>> -> memref<80xi32, #tpu.memory_space<hbm>>
      %dma_start3A_1153 = tpu.memref_slice %arg29[%dma_start3A_1151] : memref<8x!tpu.dma_semaphore, #tpu.memory_space<semaphore_mem>> -> memref<1x!tpu.dma_semaphore, #tpu.memory_space<semaphore_mem>>
      %dma_start3A_1154 = tpu.memref_squeeze %dma_start3A_1153 : memref<1x!tpu.dma_semaphore, #tpu.memory_space<semaphore_mem>> -> memref<!tpu.dma_semaphore, #tpu.memory_space<semaphore_mem>>
      %dma_start3A_1155 = tpu.memref_slice %arg4[%add3A_1150] : memref<327680xi32, #tpu.memory_space<hbm>> -> memref<80xi32, #tpu.memory_space<hbm>>
      tpu.enqueue_dma source(%dma_start3A_1155 : memref<80xi32, #tpu.memory_space<hbm>>) target(%arg20 : memref<80xi32, #tpu.memory_space<vmem>>) target_semaphore(%dma_start3A_1154 : memref<!tpu.dma_semaphore, #tpu.memory_space<semaphore_mem>>)
      %mul3A_1156 = arith.constant 10240 : i32
      %mul3A_1157 = arith.muli %add3A, %mul3A_1156 : i32
      %mul3A_1158 = arith.constant 320 : i32
      %mul3A_1159 = arith.muli %add3A_883, %mul3A_1158 : i32
      %add3A_1160 = arith.addi %mul3A_1157, %mul3A_1159 : i32
      %add3A_1161 = arith.constant 160 : i32
      %add3A_1162 = arith.addi %add3A_1160, %add3A_1161 : i32
      %dma_start3A_1163 = arith.constant 6 : i32
      %dma_start3A_1164 = tpu.memref_slice %arg4[%add3A_1162] : memref<327680xi32, #tpu.memory_space<hbm>> -> memref<80xi32, #tpu.memory_space<hbm>>
      %dma_start3A_1165 = tpu.memref_slice %arg29[%dma_start3A_1163] : memref<8x!tpu.dma_semaphore, #tpu.memory_space<semaphore_mem>> -> memref<1x!tpu.dma_semaphore, #tpu.memory_space<semaphore_mem>>
      %dma_start3A_1166 = tpu.memref_squeeze %dma_start3A_1165 : memref<1x!tpu.dma_semaphore, #tpu.memory_space<semaphore_mem>> -> memref<!tpu.dma_semaphore, #tpu.memory_space<semaphore_mem>>
      %dma_start3A_1167 = tpu.memref_slice %arg4[%add3A_1162] : memref<327680xi32, #tpu.memory_space<hbm>> -> memref<80xi32, #tpu.memory_space<hbm>>
      tpu.enqueue_dma source(%dma_start3A_1167 : memref<80xi32, #tpu.memory_space<hbm>>) target(%arg21 : memref<80xi32, #tpu.memory_space<vmem>>) target_semaphore(%dma_start3A_1166 : memref<!tpu.dma_semaphore, #tpu.memory_space<semaphore_mem>>)
      %mul3A_1168 = arith.constant 10240 : i32
      %mul3A_1169 = arith.muli %add3A, %mul3A_1168 : i32
      %mul3A_1170 = arith.constant 320 : i32
      %mul3A_1171 = arith.muli %add3A_883, %mul3A_1170 : i32
      %add3A_1172 = arith.addi %mul3A_1169, %mul3A_1171 : i32
      %add3A_1173 = arith.constant 240 : i32
      %add3A_1174 = arith.addi %add3A_1172, %add3A_1173 : i32
      %dma_start3A_1175 = arith.constant 7 : i32
      %dma_start3A_1176 = tpu.memref_slice %arg4[%add3A_1174] : memref<327680xi32, #tpu.memory_space<hbm>> -> memref<80xi32, #tpu.memory_space<hbm>>
      %dma_start3A_1177 = tpu.memref_slice %arg29[%dma_start3A_1175] : memref<8x!tpu.dma_semaphore, #tpu.memory_space<semaphore_mem>> -> memref<1x!tpu.dma_semaphore, #tpu.memory_space<semaphore_mem>>
      %dma_start3A_1178 = tpu.memref_squeeze %dma_start3A_1177 : memref<1x!tpu.dma_semaphore, #tpu.memory_space<semaphore_mem>> -> memref<!tpu.dma_semaphore, #tpu.memory_space<semaphore_mem>>
      %dma_start3A_1179 = tpu.memref_slice %arg4[%add3A_1174] : memref<327680xi32, #tpu.memory_space<hbm>> -> memref<80xi32, #tpu.memory_space<hbm>>
      tpu.enqueue_dma source(%dma_start3A_1179 : memref<80xi32, #tpu.memory_space<hbm>>) target(%arg22 : memref<80xi32, #tpu.memory_space<vmem>>) target_semaphore(%dma_start3A_1178 : memref<!tpu.dma_semaphore, #tpu.memory_space<semaphore_mem>>)
    }
    %scan3A_267 = arith.constant 15 : i32
    %dma_wait3A_268 = arith.constant 0 : i32
    %dma_wait3A_269 = arith.constant 0 : i32
    %dma_wait3A_270 = arith.constant 0 : i32
    %dma_wait3A_271 = tpu.memref_slice %arg2[%dma_wait3A_269, %dma_wait3A_270] : memref<10000x128xf32, #tpu.memory_space<hbm>> -> memref<10000x128xf32, #tpu.memory_space<hbm>>
    %dma_wait3A_272 = tpu.memref_slice %arg30[%dma_wait3A_268] : memref<4x!tpu.dma_semaphore, #tpu.memory_space<semaphore_mem>> -> memref<1x!tpu.dma_semaphore, #tpu.memory_space<semaphore_mem>>
    %dma_wait3A_273 = tpu.memref_squeeze %dma_wait3A_272 : memref<1x!tpu.dma_semaphore, #tpu.memory_space<semaphore_mem>> -> memref<!tpu.dma_semaphore, #tpu.memory_space<semaphore_mem>>
    tpu.wait_indirect_dma semaphore(%dma_wait3A_273 : memref<!tpu.dma_semaphore, #tpu.memory_space<semaphore_mem>>) src(%dma_wait3A_271 : memref<10000x128xf32, #tpu.memory_space<hbm>>) dst(%arg23 : memref<80x128xf32, #tpu.memory_space<vmem>>)
    %dma_wait3A_274 = arith.constant 1 : i32
    %dma_wait3A_275 = arith.constant 0 : i32
    %dma_wait3A_276 = arith.constant 0 : i32
    %dma_wait3A_277 = tpu.memref_slice %arg2[%dma_wait3A_275, %dma_wait3A_276] : memref<10000x128xf32, #tpu.memory_space<hbm>> -> memref<10000x128xf32, #tpu.memory_space<hbm>>
    %dma_wait3A_278 = tpu.memref_slice %arg30[%dma_wait3A_274] : memref<4x!tpu.dma_semaphore, #tpu.memory_space<semaphore_mem>> -> memref<1x!tpu.dma_semaphore, #tpu.memory_space<semaphore_mem>>
    %dma_wait3A_279 = tpu.memref_squeeze %dma_wait3A_278 : memref<1x!tpu.dma_semaphore, #tpu.memory_space<semaphore_mem>> -> memref<!tpu.dma_semaphore, #tpu.memory_space<semaphore_mem>>
    tpu.wait_indirect_dma semaphore(%dma_wait3A_279 : memref<!tpu.dma_semaphore, #tpu.memory_space<semaphore_mem>>) src(%dma_wait3A_277 : memref<10000x128xf32, #tpu.memory_space<hbm>>) dst(%arg24 : memref<80x128xf32, #tpu.memory_space<vmem>>)
    %dma_wait3A_280 = arith.constant 2 : i32
    %dma_wait3A_281 = arith.constant 0 : i32
    %dma_wait3A_282 = arith.constant 0 : i32
    %dma_wait3A_283 = tpu.memref_slice %arg2[%dma_wait3A_281, %dma_wait3A_282] : memref<10000x128xf32, #tpu.memory_space<hbm>> -> memref<10000x128xf32, #tpu.memory_space<hbm>>
    %dma_wait3A_284 = tpu.memref_slice %arg30[%dma_wait3A_280] : memref<4x!tpu.dma_semaphore, #tpu.memory_space<semaphore_mem>> -> memref<1x!tpu.dma_semaphore, #tpu.memory_space<semaphore_mem>>
    %dma_wait3A_285 = tpu.memref_squeeze %dma_wait3A_284 : memref<1x!tpu.dma_semaphore, #tpu.memory_space<semaphore_mem>> -> memref<!tpu.dma_semaphore, #tpu.memory_space<semaphore_mem>>
    tpu.wait_indirect_dma semaphore(%dma_wait3A_285 : memref<!tpu.dma_semaphore, #tpu.memory_space<semaphore_mem>>) src(%dma_wait3A_283 : memref<10000x128xf32, #tpu.memory_space<hbm>>) dst(%arg25 : memref<80x128xf32, #tpu.memory_space<vmem>>)
    %dma_wait3A_286 = arith.constant 3 : i32
    %dma_wait3A_287 = arith.constant 0 : i32
    %dma_wait3A_288 = arith.constant 0 : i32
    %dma_wait3A_289 = tpu.memref_slice %arg2[%dma_wait3A_287, %dma_wait3A_288] : memref<10000x128xf32, #tpu.memory_space<hbm>> -> memref<10000x128xf32, #tpu.memory_space<hbm>>
    %dma_wait3A_290 = tpu.memref_slice %arg30[%dma_wait3A_286] : memref<4x!tpu.dma_semaphore, #tpu.memory_space<semaphore_mem>> -> memref<1x!tpu.dma_semaphore, #tpu.memory_space<semaphore_mem>>
    %dma_wait3A_291 = tpu.memref_squeeze %dma_wait3A_290 : memref<1x!tpu.dma_semaphore, #tpu.memory_space<semaphore_mem>> -> memref<!tpu.dma_semaphore, #tpu.memory_space<semaphore_mem>>
    tpu.wait_indirect_dma semaphore(%dma_wait3A_291 : memref<!tpu.dma_semaphore, #tpu.memory_space<semaphore_mem>>) src(%dma_wait3A_289 : memref<10000x128xf32, #tpu.memory_space<hbm>>) dst(%arg26 : memref<80x128xf32, #tpu.memory_space<vmem>>)
    %mul3A_292 = arith.constant 10240 : i32
    %mul3A_293 = arith.muli %add3A, %mul3A_292 : i32
    %add3A_294 = arith.constant 9600 : i32
    %add3A_295 = arith.addi %mul3A_293, %add3A_294 : i32
    %add3A_296 = arith.constant 0 : i32
    %add3A_297 = arith.addi %add3A_295, %add3A_296 : i32
    %dma_wait3A_298 = arith.constant 0 : i32
    %dma_wait3A_299 = tpu.memref_slice %arg4[%add3A_297] : memref<327680xi32, #tpu.memory_space<hbm>> -> memref<80xi32, #tpu.memory_space<hbm>>
    %dma_wait3A_300 = tpu.memref_slice %arg29[%dma_wait3A_298] : memref<8x!tpu.dma_semaphore, #tpu.memory_space<semaphore_mem>> -> memref<1x!tpu.dma_semaphore, #tpu.memory_space<semaphore_mem>>
    %dma_wait3A_301 = tpu.memref_squeeze %dma_wait3A_300 : memref<1x!tpu.dma_semaphore, #tpu.memory_space<semaphore_mem>> -> memref<!tpu.dma_semaphore, #tpu.memory_space<semaphore_mem>>
    %dma_wait3A_302 = tpu.memref_slice %arg4[%add3A_297] : memref<327680xi32, #tpu.memory_space<hbm>> -> memref<80xi32, #tpu.memory_space<hbm>>
    tpu.wait_dma2 semaphore(%dma_wait3A_301 : memref<!tpu.dma_semaphore, #tpu.memory_space<semaphore_mem>>) src(%dma_wait3A_302 : memref<80xi32, #tpu.memory_space<hbm>>) dst(%arg15 : memref<80xi32, #tpu.memory_space<vmem>>)
    %mul3A_303 = arith.constant 10240 : i32
    %mul3A_304 = arith.muli %add3A, %mul3A_303 : i32
    %add3A_305 = arith.constant 9600 : i32
    %add3A_306 = arith.addi %mul3A_304, %add3A_305 : i32
    %add3A_307 = arith.constant 80 : i32
    %add3A_308 = arith.addi %add3A_306, %add3A_307 : i32
    %dma_wait3A_309 = arith.constant 1 : i32
    %dma_wait3A_310 = tpu.memref_slice %arg4[%add3A_308] : memref<327680xi32, #tpu.memory_space<hbm>> -> memref<80xi32, #tpu.memory_space<hbm>>
    %dma_wait3A_311 = tpu.memref_slice %arg29[%dma_wait3A_309] : memref<8x!tpu.dma_semaphore, #tpu.memory_space<semaphore_mem>> -> memref<1x!tpu.dma_semaphore, #tpu.memory_space<semaphore_mem>>
    %dma_wait3A_312 = tpu.memref_squeeze %dma_wait3A_311 : memref<1x!tpu.dma_semaphore, #tpu.memory_space<semaphore_mem>> -> memref<!tpu.dma_semaphore, #tpu.memory_space<semaphore_mem>>
    %dma_wait3A_313 = tpu.memref_slice %arg4[%add3A_308] : memref<327680xi32, #tpu.memory_space<hbm>> -> memref<80xi32, #tpu.memory_space<hbm>>
    tpu.wait_dma2 semaphore(%dma_wait3A_312 : memref<!tpu.dma_semaphore, #tpu.memory_space<semaphore_mem>>) src(%dma_wait3A_313 : memref<80xi32, #tpu.memory_space<hbm>>) dst(%arg16 : memref<80xi32, #tpu.memory_space<vmem>>)
    %mul3A_314 = arith.constant 10240 : i32
    %mul3A_315 = arith.muli %add3A, %mul3A_314 : i32
    %add3A_316 = arith.constant 9600 : i32
    %add3A_317 = arith.addi %mul3A_315, %add3A_316 : i32
    %add3A_318 = arith.constant 160 : i32
    %add3A_319 = arith.addi %add3A_317, %add3A_318 : i32
    %dma_wait3A_320 = arith.constant 2 : i32
    %dma_wait3A_321 = tpu.memref_slice %arg4[%add3A_319] : memref<327680xi32, #tpu.memory_space<hbm>> -> memref<80xi32, #tpu.memory_space<hbm>>
    %dma_wait3A_322 = tpu.memref_slice %arg29[%dma_wait3A_320] : memref<8x!tpu.dma_semaphore, #tpu.memory_space<semaphore_mem>> -> memref<1x!tpu.dma_semaphore, #tpu.memory_space<semaphore_mem>>
    %dma_wait3A_323 = tpu.memref_squeeze %dma_wait3A_322 : memref<1x!tpu.dma_semaphore, #tpu.memory_space<semaphore_mem>> -> memref<!tpu.dma_semaphore, #tpu.memory_space<semaphore_mem>>
    %dma_wait3A_324 = tpu.memref_slice %arg4[%add3A_319] : memref<327680xi32, #tpu.memory_space<hbm>> -> memref<80xi32, #tpu.memory_space<hbm>>
    tpu.wait_dma2 semaphore(%dma_wait3A_323 : memref<!tpu.dma_semaphore, #tpu.memory_space<semaphore_mem>>) src(%dma_wait3A_324 : memref<80xi32, #tpu.memory_space<hbm>>) dst(%arg17 : memref<80xi32, #tpu.memory_space<vmem>>)
    %mul3A_325 = arith.constant 10240 : i32
    %mul3A_326 = arith.muli %add3A, %mul3A_325 : i32
    %add3A_327 = arith.constant 9600 : i32
    %add3A_328 = arith.addi %mul3A_326, %add3A_327 : i32
    %add3A_329 = arith.constant 240 : i32
    %add3A_330 = arith.addi %add3A_328, %add3A_329 : i32
    %dma_wait3A_331 = arith.constant 3 : i32
    %dma_wait3A_332 = tpu.memref_slice %arg4[%add3A_330] : memref<327680xi32, #tpu.memory_space<hbm>> -> memref<80xi32, #tpu.memory_space<hbm>>
    %dma_wait3A_333 = tpu.memref_slice %arg29[%dma_wait3A_331] : memref<8x!tpu.dma_semaphore, #tpu.memory_space<semaphore_mem>> -> memref<1x!tpu.dma_semaphore, #tpu.memory_space<semaphore_mem>>
    %dma_wait3A_334 = tpu.memref_squeeze %dma_wait3A_333 : memref<1x!tpu.dma_semaphore, #tpu.memory_space<semaphore_mem>> -> memref<!tpu.dma_semaphore, #tpu.memory_space<semaphore_mem>>
    %dma_wait3A_335 = tpu.memref_slice %arg4[%add3A_330] : memref<327680xi32, #tpu.memory_space<hbm>> -> memref<80xi32, #tpu.memory_space<hbm>>
    tpu.wait_dma2 semaphore(%dma_wait3A_334 : memref<!tpu.dma_semaphore, #tpu.memory_space<semaphore_mem>>) src(%dma_wait3A_335 : memref<80xi32, #tpu.memory_space<hbm>>) dst(%arg18 : memref<80xi32, #tpu.memory_space<vmem>>)
    %dma_start3A_336 = arith.constant 0 : i32
    %dma_start3A_337 = arith.constant 0 : i32
    %dma_start3A_338 = arith.constant 0 : i32
    %dma_start3A_339 = tpu.memref_slice %arg27[%dma_start3A_337, %dma_start3A_338] : memref<10240x128xf32, #tpu.memory_space<vmem_shared>> -> memref<10240x128xf32, #tpu.memory_space<vmem_shared>>
    %dma_start3A_340 = tpu.memref_slice %arg31[%dma_start3A_336] : memref<4x!tpu.dma_semaphore, #tpu.memory_space<semaphore_mem>> -> memref<1x!tpu.dma_semaphore, #tpu.memory_space<semaphore_mem>>
    %dma_start3A_341 = tpu.memref_squeeze %dma_start3A_340 : memref<1x!tpu.dma_semaphore, #tpu.memory_space<semaphore_mem>> -> memref<!tpu.dma_semaphore, #tpu.memory_space<semaphore_mem>>
    tpu.enqueue_indirect_dma source(%arg23 : memref<80x128xf32, #tpu.memory_space<vmem>>) target(%dma_start3A_339 : memref<10240x128xf32, #tpu.memory_space<vmem_shared>>) offsets(%arg15 : memref<80xi32, #tpu.memory_space<vmem>>) semaphore(%dma_start3A_341 : memref<!tpu.dma_semaphore, #tpu.memory_space<semaphore_mem>>) {add = true}
    %dma_start3A_342 = arith.constant 1 : i32
    %dma_start3A_343 = arith.constant 0 : i32
    %dma_start3A_344 = arith.constant 0 : i32
    %dma_start3A_345 = tpu.memref_slice %arg27[%dma_start3A_343, %dma_start3A_344] : memref<10240x128xf32, #tpu.memory_space<vmem_shared>> -> memref<10240x128xf32, #tpu.memory_space<vmem_shared>>
    %dma_start3A_346 = tpu.memref_slice %arg31[%dma_start3A_342] : memref<4x!tpu.dma_semaphore, #tpu.memory_space<semaphore_mem>> -> memref<1x!tpu.dma_semaphore, #tpu.memory_space<semaphore_mem>>
    %dma_start3A_347 = tpu.memref_squeeze %dma_start3A_346 : memref<1x!tpu.dma_semaphore, #tpu.memory_space<semaphore_mem>> -> memref<!tpu.dma_semaphore, #tpu.memory_space<semaphore_mem>>
    tpu.enqueue_indirect_dma source(%arg24 : memref<80x128xf32, #tpu.memory_space<vmem>>) target(%dma_start3A_345 : memref<10240x128xf32, #tpu.memory_space<vmem_shared>>) offsets(%arg16 : memref<80xi32, #tpu.memory_space<vmem>>) semaphore(%dma_start3A_347 : memref<!tpu.dma_semaphore, #tpu.memory_space<semaphore_mem>>) {add = true}
    %dma_start3A_348 = arith.constant 2 : i32
    %dma_start3A_349 = arith.constant 0 : i32
    %dma_start3A_350 = arith.constant 0 : i32
    %dma_start3A_351 = tpu.memref_slice %arg27[%dma_start3A_349, %dma_start3A_350] : memref<10240x128xf32, #tpu.memory_space<vmem_shared>> -> memref<10240x128xf32, #tpu.memory_space<vmem_shared>>
    %dma_start3A_352 = tpu.memref_slice %arg31[%dma_start3A_348] : memref<4x!tpu.dma_semaphore, #tpu.memory_space<semaphore_mem>> -> memref<1x!tpu.dma_semaphore, #tpu.memory_space<semaphore_mem>>
    %dma_start3A_353 = tpu.memref_squeeze %dma_start3A_352 : memref<1x!tpu.dma_semaphore, #tpu.memory_space<semaphore_mem>> -> memref<!tpu.dma_semaphore, #tpu.memory_space<semaphore_mem>>
    tpu.enqueue_indirect_dma source(%arg25 : memref<80x128xf32, #tpu.memory_space<vmem>>) target(%dma_start3A_351 : memref<10240x128xf32, #tpu.memory_space<vmem_shared>>) offsets(%arg17 : memref<80xi32, #tpu.memory_space<vmem>>) semaphore(%dma_start3A_353 : memref<!tpu.dma_semaphore, #tpu.memory_space<semaphore_mem>>) {add = true}
    %dma_start3A_354 = arith.constant 3 : i32
    %dma_start3A_355 = arith.constant 0 : i32
    %dma_start3A_356 = arith.constant 0 : i32
    %dma_start3A_357 = tpu.memref_slice %arg27[%dma_start3A_355, %dma_start3A_356] : memref<10240x128xf32, #tpu.memory_space<vmem_shared>> -> memref<10240x128xf32, #tpu.memory_space<vmem_shared>>
    %dma_start3A_358 = tpu.memref_slice %arg31[%dma_start3A_354] : memref<4x!tpu.dma_semaphore, #tpu.memory_space<semaphore_mem>> -> memref<1x!tpu.dma_semaphore, #tpu.memory_space<semaphore_mem>>
    %dma_start3A_359 = tpu.memref_squeeze %dma_start3A_358 : memref<1x!tpu.dma_semaphore, #tpu.memory_space<semaphore_mem>> -> memref<!tpu.dma_semaphore, #tpu.memory_space<semaphore_mem>>
    tpu.enqueue_indirect_dma source(%arg26 : memref<80x128xf32, #tpu.memory_space<vmem>>) target(%dma_start3A_357 : memref<10240x128xf32, #tpu.memory_space<vmem_shared>>) offsets(%arg18 : memref<80xi32, #tpu.memory_space<vmem>>) semaphore(%dma_start3A_359 : memref<!tpu.dma_semaphore, #tpu.memory_space<semaphore_mem>>) {add = true}
    %mul3A_360 = arith.constant 10240 : i32
    %mul3A_361 = arith.muli %add3A, %mul3A_360 : i32
    %add3A_362 = arith.constant 9920 : i32
    %add3A_363 = arith.addi %mul3A_361, %add3A_362 : i32
    %add3A_364 = arith.constant 0 : i32
    %add3A_365 = arith.addi %add3A_363, %add3A_364 : i32
    %dma_wait3A_366 = arith.constant 4 : i32
    %dma_wait3A_367 = tpu.memref_slice %arg3[%add3A_365] : memref<327680xi32, #tpu.memory_space<hbm>> -> memref<80xi32, #tpu.memory_space<hbm>>
    %dma_wait3A_368 = tpu.memref_slice %arg28[%dma_wait3A_366] : memref<8x!tpu.dma_semaphore, #tpu.memory_space<semaphore_mem>> -> memref<1x!tpu.dma_semaphore, #tpu.memory_space<semaphore_mem>>
    %dma_wait3A_369 = tpu.memref_squeeze %dma_wait3A_368 : memref<1x!tpu.dma_semaphore, #tpu.memory_space<semaphore_mem>> -> memref<!tpu.dma_semaphore, #tpu.memory_space<semaphore_mem>>
    %dma_wait3A_370 = tpu.memref_slice %arg3[%add3A_365] : memref<327680xi32, #tpu.memory_space<hbm>> -> memref<80xi32, #tpu.memory_space<hbm>>
    tpu.wait_dma2 semaphore(%dma_wait3A_369 : memref<!tpu.dma_semaphore, #tpu.memory_space<semaphore_mem>>) src(%dma_wait3A_370 : memref<80xi32, #tpu.memory_space<hbm>>) dst(%arg11 : memref<80xi32, #tpu.memory_space<vmem>>)
    %mul3A_371 = arith.constant 10240 : i32
    %mul3A_372 = arith.muli %add3A, %mul3A_371 : i32
    %add3A_373 = arith.constant 9920 : i32
    %add3A_374 = arith.addi %mul3A_372, %add3A_373 : i32
    %add3A_375 = arith.constant 80 : i32
    %add3A_376 = arith.addi %add3A_374, %add3A_375 : i32
    %dma_wait3A_377 = arith.constant 5 : i32
    %dma_wait3A_378 = tpu.memref_slice %arg3[%add3A_376] : memref<327680xi32, #tpu.memory_space<hbm>> -> memref<80xi32, #tpu.memory_space<hbm>>
    %dma_wait3A_379 = tpu.memref_slice %arg28[%dma_wait3A_377] : memref<8x!tpu.dma_semaphore, #tpu.memory_space<semaphore_mem>> -> memref<1x!tpu.dma_semaphore, #tpu.memory_space<semaphore_mem>>
    %dma_wait3A_380 = tpu.memref_squeeze %dma_wait3A_379 : memref<1x!tpu.dma_semaphore, #tpu.memory_space<semaphore_mem>> -> memref<!tpu.dma_semaphore, #tpu.memory_space<semaphore_mem>>
    %dma_wait3A_381 = tpu.memref_slice %arg3[%add3A_376] : memref<327680xi32, #tpu.memory_space<hbm>> -> memref<80xi32, #tpu.memory_space<hbm>>
    tpu.wait_dma2 semaphore(%dma_wait3A_380 : memref<!tpu.dma_semaphore, #tpu.memory_space<semaphore_mem>>) src(%dma_wait3A_381 : memref<80xi32, #tpu.memory_space<hbm>>) dst(%arg12 : memref<80xi32, #tpu.memory_space<vmem>>)
    %mul3A_382 = arith.constant 10240 : i32
    %mul3A_383 = arith.muli %add3A, %mul3A_382 : i32
    %add3A_384 = arith.constant 9920 : i32
    %add3A_385 = arith.addi %mul3A_383, %add3A_384 : i32
    %add3A_386 = arith.constant 160 : i32
    %add3A_387 = arith.addi %add3A_385, %add3A_386 : i32
    %dma_wait3A_388 = arith.constant 6 : i32
    %dma_wait3A_389 = tpu.memref_slice %arg3[%add3A_387] : memref<327680xi32, #tpu.memory_space<hbm>> -> memref<80xi32, #tpu.memory_space<hbm>>
    %dma_wait3A_390 = tpu.memref_slice %arg28[%dma_wait3A_388] : memref<8x!tpu.dma_semaphore, #tpu.memory_space<semaphore_mem>> -> memref<1x!tpu.dma_semaphore, #tpu.memory_space<semaphore_mem>>
    %dma_wait3A_391 = tpu.memref_squeeze %dma_wait3A_390 : memref<1x!tpu.dma_semaphore, #tpu.memory_space<semaphore_mem>> -> memref<!tpu.dma_semaphore, #tpu.memory_space<semaphore_mem>>
    %dma_wait3A_392 = tpu.memref_slice %arg3[%add3A_387] : memref<327680xi32, #tpu.memory_space<hbm>> -> memref<80xi32, #tpu.memory_space<hbm>>
    tpu.wait_dma2 semaphore(%dma_wait3A_391 : memref<!tpu.dma_semaphore, #tpu.memory_space<semaphore_mem>>) src(%dma_wait3A_392 : memref<80xi32, #tpu.memory_space<hbm>>) dst(%arg13 : memref<80xi32, #tpu.memory_space<vmem>>)
    %mul3A_393 = arith.constant 10240 : i32
    %mul3A_394 = arith.muli %add3A, %mul3A_393 : i32
    %add3A_395 = arith.constant 9920 : i32
    %add3A_396 = arith.addi %mul3A_394, %add3A_395 : i32
    %add3A_397 = arith.constant 240 : i32
    %add3A_398 = arith.addi %add3A_396, %add3A_397 : i32
    %dma_wait3A_399 = arith.constant 7 : i32
    %dma_wait3A_400 = tpu.memref_slice %arg3[%add3A_398] : memref<327680xi32, #tpu.memory_space<hbm>> -> memref<80xi32, #tpu.memory_space<hbm>>
    %dma_wait3A_401 = tpu.memref_slice %arg28[%dma_wait3A_399] : memref<8x!tpu.dma_semaphore, #tpu.memory_space<semaphore_mem>> -> memref<1x!tpu.dma_semaphore, #tpu.memory_space<semaphore_mem>>
    %dma_wait3A_402 = tpu.memref_squeeze %dma_wait3A_401 : memref<1x!tpu.dma_semaphore, #tpu.memory_space<semaphore_mem>> -> memref<!tpu.dma_semaphore, #tpu.memory_space<semaphore_mem>>
    %dma_wait3A_403 = tpu.memref_slice %arg3[%add3A_398] : memref<327680xi32, #tpu.memory_space<hbm>> -> memref<80xi32, #tpu.memory_space<hbm>>
    tpu.wait_dma2 semaphore(%dma_wait3A_402 : memref<!tpu.dma_semaphore, #tpu.memory_space<semaphore_mem>>) src(%dma_wait3A_403 : memref<80xi32, #tpu.memory_space<hbm>>) dst(%arg14 : memref<80xi32, #tpu.memory_space<vmem>>)
    %dma_wait3A_404 = arith.constant 0 : i32
    %dma_wait3A_405 = arith.constant 0 : i32
    %dma_wait3A_406 = arith.constant 0 : i32
    %dma_wait3A_407 = tpu.memref_slice %arg27[%dma_wait3A_405, %dma_wait3A_406] : memref<10240x128xf32, #tpu.memory_space<vmem_shared>> -> memref<10240x128xf32, #tpu.memory_space<vmem_shared>>
    %dma_wait3A_408 = tpu.memref_slice %arg31[%dma_wait3A_404] : memref<4x!tpu.dma_semaphore, #tpu.memory_space<semaphore_mem>> -> memref<1x!tpu.dma_semaphore, #tpu.memory_space<semaphore_mem>>
    %dma_wait3A_409 = tpu.memref_squeeze %dma_wait3A_408 : memref<1x!tpu.dma_semaphore, #tpu.memory_space<semaphore_mem>> -> memref<!tpu.dma_semaphore, #tpu.memory_space<semaphore_mem>>
    tpu.wait_indirect_dma semaphore(%dma_wait3A_409 : memref<!tpu.dma_semaphore, #tpu.memory_space<semaphore_mem>>) src(%arg23 : memref<80x128xf32, #tpu.memory_space<vmem>>) dst(%dma_wait3A_407 : memref<10240x128xf32, #tpu.memory_space<vmem_shared>>)
    %dma_start3A_410 = arith.constant 0 : i32
    %dma_start3A_411 = arith.constant 0 : i32
    %dma_start3A_412 = arith.constant 0 : i32
    %dma_start3A_413 = tpu.memref_slice %arg2[%dma_start3A_411, %dma_start3A_412] : memref<10000x128xf32, #tpu.memory_space<hbm>> -> memref<10000x128xf32, #tpu.memory_space<hbm>>
    %dma_start3A_414 = tpu.memref_slice %arg30[%dma_start3A_410] : memref<4x!tpu.dma_semaphore, #tpu.memory_space<semaphore_mem>> -> memref<1x!tpu.dma_semaphore, #tpu.memory_space<semaphore_mem>>
    %dma_start3A_415 = tpu.memref_squeeze %dma_start3A_414 : memref<1x!tpu.dma_semaphore, #tpu.memory_space<semaphore_mem>> -> memref<!tpu.dma_semaphore, #tpu.memory_space<semaphore_mem>>
    tpu.enqueue_indirect_dma source(%dma_start3A_413 : memref<10000x128xf32, #tpu.memory_space<hbm>>) target(%arg23 : memref<80x128xf32, #tpu.memory_space<vmem>>) offsets(%arg11 : memref<80xi32, #tpu.memory_space<vmem>>) semaphore(%dma_start3A_415 : memref<!tpu.dma_semaphore, #tpu.memory_space<semaphore_mem>>)
    %dma_wait3A_416 = arith.constant 1 : i32
    %dma_wait3A_417 = arith.constant 0 : i32
    %dma_wait3A_418 = arith.constant 0 : i32
    %dma_wait3A_419 = tpu.memref_slice %arg27[%dma_wait3A_417, %dma_wait3A_418] : memref<10240x128xf32, #tpu.memory_space<vmem_shared>> -> memref<10240x128xf32, #tpu.memory_space<vmem_shared>>
    %dma_wait3A_420 = tpu.memref_slice %arg31[%dma_wait3A_416] : memref<4x!tpu.dma_semaphore, #tpu.memory_space<semaphore_mem>> -> memref<1x!tpu.dma_semaphore, #tpu.memory_space<semaphore_mem>>
    %dma_wait3A_421 = tpu.memref_squeeze %dma_wait3A_420 : memref<1x!tpu.dma_semaphore, #tpu.memory_space<semaphore_mem>> -> memref<!tpu.dma_semaphore, #tpu.memory_space<semaphore_mem>>
    tpu.wait_indirect_dma semaphore(%dma_wait3A_421 : memref<!tpu.dma_semaphore, #tpu.memory_space<semaphore_mem>>) src(%arg24 : memref<80x128xf32, #tpu.memory_space<vmem>>) dst(%dma_wait3A_419 : memref<10240x128xf32, #tpu.memory_space<vmem_shared>>)
    %dma_start3A_422 = arith.constant 1 : i32
    %dma_start3A_423 = arith.constant 0 : i32
    %dma_start3A_424 = arith.constant 0 : i32
    %dma_start3A_425 = tpu.memref_slice %arg2[%dma_start3A_423, %dma_start3A_424] : memref<10000x128xf32, #tpu.memory_space<hbm>> -> memref<10000x128xf32, #tpu.memory_space<hbm>>
    %dma_start3A_426 = tpu.memref_slice %arg30[%dma_start3A_422] : memref<4x!tpu.dma_semaphore, #tpu.memory_space<semaphore_mem>> -> memref<1x!tpu.dma_semaphore, #tpu.memory_space<semaphore_mem>>
    %dma_start3A_427 = tpu.memref_squeeze %dma_start3A_426 : memref<1x!tpu.dma_semaphore, #tpu.memory_space<semaphore_mem>> -> memref<!tpu.dma_semaphore, #tpu.memory_space<semaphore_mem>>
    tpu.enqueue_indirect_dma source(%dma_start3A_425 : memref<10000x128xf32, #tpu.memory_space<hbm>>) target(%arg24 : memref<80x128xf32, #tpu.memory_space<vmem>>) offsets(%arg12 : memref<80xi32, #tpu.memory_space<vmem>>) semaphore(%dma_start3A_427 : memref<!tpu.dma_semaphore, #tpu.memory_space<semaphore_mem>>)
    %dma_wait3A_428 = arith.constant 2 : i32
    %dma_wait3A_429 = arith.constant 0 : i32
    %dma_wait3A_430 = arith.constant 0 : i32
    %dma_wait3A_431 = tpu.memref_slice %arg27[%dma_wait3A_429, %dma_wait3A_430] : memref<10240x128xf32, #tpu.memory_space<vmem_shared>> -> memref<10240x128xf32, #tpu.memory_space<vmem_shared>>
    %dma_wait3A_432 = tpu.memref_slice %arg31[%dma_wait3A_428] : memref<4x!tpu.dma_semaphore, #tpu.memory_space<semaphore_mem>> -> memref<1x!tpu.dma_semaphore, #tpu.memory_space<semaphore_mem>>
    %dma_wait3A_433 = tpu.memref_squeeze %dma_wait3A_432 : memref<1x!tpu.dma_semaphore, #tpu.memory_space<semaphore_mem>> -> memref<!tpu.dma_semaphore, #tpu.memory_space<semaphore_mem>>
    tpu.wait_indirect_dma semaphore(%dma_wait3A_433 : memref<!tpu.dma_semaphore, #tpu.memory_space<semaphore_mem>>) src(%arg25 : memref<80x128xf32, #tpu.memory_space<vmem>>) dst(%dma_wait3A_431 : memref<10240x128xf32, #tpu.memory_space<vmem_shared>>)
    %dma_start3A_434 = arith.constant 2 : i32
    %dma_start3A_435 = arith.constant 0 : i32
    %dma_start3A_436 = arith.constant 0 : i32
    %dma_start3A_437 = tpu.memref_slice %arg2[%dma_start3A_435, %dma_start3A_436] : memref<10000x128xf32, #tpu.memory_space<hbm>> -> memref<10000x128xf32, #tpu.memory_space<hbm>>
    %dma_start3A_438 = tpu.memref_slice %arg30[%dma_start3A_434] : memref<4x!tpu.dma_semaphore, #tpu.memory_space<semaphore_mem>> -> memref<1x!tpu.dma_semaphore, #tpu.memory_space<semaphore_mem>>
    %dma_start3A_439 = tpu.memref_squeeze %dma_start3A_438 : memref<1x!tpu.dma_semaphore, #tpu.memory_space<semaphore_mem>> -> memref<!tpu.dma_semaphore, #tpu.memory_space<semaphore_mem>>
    tpu.enqueue_indirect_dma source(%dma_start3A_437 : memref<10000x128xf32, #tpu.memory_space<hbm>>) target(%arg25 : memref<80x128xf32, #tpu.memory_space<vmem>>) offsets(%arg13 : memref<80xi32, #tpu.memory_space<vmem>>) semaphore(%dma_start3A_439 : memref<!tpu.dma_semaphore, #tpu.memory_space<semaphore_mem>>)
    %dma_wait3A_440 = arith.constant 3 : i32
    %dma_wait3A_441 = arith.constant 0 : i32
    %dma_wait3A_442 = arith.constant 0 : i32
    %dma_wait3A_443 = tpu.memref_slice %arg27[%dma_wait3A_441, %dma_wait3A_442] : memref<10240x128xf32, #tpu.memory_space<vmem_shared>> -> memref<10240x128xf32, #tpu.memory_space<vmem_shared>>
    %dma_wait3A_444 = tpu.memref_slice %arg31[%dma_wait3A_440] : memref<4x!tpu.dma_semaphore, #tpu.memory_space<semaphore_mem>> -> memref<1x!tpu.dma_semaphore, #tpu.memory_space<semaphore_mem>>
    %dma_wait3A_445 = tpu.memref_squeeze %dma_wait3A_444 : memref<1x!tpu.dma_semaphore, #tpu.memory_space<semaphore_mem>> -> memref<!tpu.dma_semaphore, #tpu.memory_space<semaphore_mem>>
    tpu.wait_indirect_dma semaphore(%dma_wait3A_445 : memref<!tpu.dma_semaphore, #tpu.memory_space<semaphore_mem>>) src(%arg26 : memref<80x128xf32, #tpu.memory_space<vmem>>) dst(%dma_wait3A_443 : memref<10240x128xf32, #tpu.memory_space<vmem_shared>>)
    %dma_start3A_446 = arith.constant 3 : i32
    %dma_start3A_447 = arith.constant 0 : i32
    %dma_start3A_448 = arith.constant 0 : i32
    %dma_start3A_449 = tpu.memref_slice %arg2[%dma_start3A_447, %dma_start3A_448] : memref<10000x128xf32, #tpu.memory_space<hbm>> -> memref<10000x128xf32, #tpu.memory_space<hbm>>
    %dma_start3A_450 = tpu.memref_slice %arg30[%dma_start3A_446] : memref<4x!tpu.dma_semaphore, #tpu.memory_space<semaphore_mem>> -> memref<1x!tpu.dma_semaphore, #tpu.memory_space<semaphore_mem>>
    %dma_start3A_451 = tpu.memref_squeeze %dma_start3A_450 : memref<1x!tpu.dma_semaphore, #tpu.memory_space<semaphore_mem>> -> memref<!tpu.dma_semaphore, #tpu.memory_space<semaphore_mem>>
    tpu.enqueue_indirect_dma source(%dma_start3A_449 : memref<10000x128xf32, #tpu.memory_space<hbm>>) target(%arg26 : memref<80x128xf32, #tpu.memory_space<vmem>>) offsets(%arg14 : memref<80xi32, #tpu.memory_space<vmem>>) semaphore(%dma_start3A_451 : memref<!tpu.dma_semaphore, #tpu.memory_space<semaphore_mem>>)
    %dma_wait3A_452 = arith.constant 0 : i32
    %dma_wait3A_453 = arith.constant 0 : i32
    %dma_wait3A_454 = arith.constant 0 : i32
    %dma_wait3A_455 = tpu.memref_slice %arg2[%dma_wait3A_453, %dma_wait3A_454] : memref<10000x128xf32, #tpu.memory_space<hbm>> -> memref<10000x128xf32, #tpu.memory_space<hbm>>
    %dma_wait3A_456 = tpu.memref_slice %arg30[%dma_wait3A_452] : memref<4x!tpu.dma_semaphore, #tpu.memory_space<semaphore_mem>> -> memref<1x!tpu.dma_semaphore, #tpu.memory_space<semaphore_mem>>
    %dma_wait3A_457 = tpu.memref_squeeze %dma_wait3A_456 : memref<1x!tpu.dma_semaphore, #tpu.memory_space<semaphore_mem>> -> memref<!tpu.dma_semaphore, #tpu.memory_space<semaphore_mem>>
    tpu.wait_indirect_dma semaphore(%dma_wait3A_457 : memref<!tpu.dma_semaphore, #tpu.memory_space<semaphore_mem>>) src(%dma_wait3A_455 : memref<10000x128xf32, #tpu.memory_space<hbm>>) dst(%arg23 : memref<80x128xf32, #tpu.memory_space<vmem>>)
    %dma_wait3A_458 = arith.constant 1 : i32
    %dma_wait3A_459 = arith.constant 0 : i32
    %dma_wait3A_460 = arith.constant 0 : i32
    %dma_wait3A_461 = tpu.memref_slice %arg2[%dma_wait3A_459, %dma_wait3A_460] : memref<10000x128xf32, #tpu.memory_space<hbm>> -> memref<10000x128xf32, #tpu.memory_space<hbm>>
    %dma_wait3A_462 = tpu.memref_slice %arg30[%dma_wait3A_458] : memref<4x!tpu.dma_semaphore, #tpu.memory_space<semaphore_mem>> -> memref<1x!tpu.dma_semaphore, #tpu.memory_space<semaphore_mem>>
    %dma_wait3A_463 = tpu.memref_squeeze %dma_wait3A_462 : memref<1x!tpu.dma_semaphore, #tpu.memory_space<semaphore_mem>> -> memref<!tpu.dma_semaphore, #tpu.memory_space<semaphore_mem>>
    tpu.wait_indirect_dma semaphore(%dma_wait3A_463 : memref<!tpu.dma_semaphore, #tpu.memory_space<semaphore_mem>>) src(%dma_wait3A_461 : memref<10000x128xf32, #tpu.memory_space<hbm>>) dst(%arg24 : memref<80x128xf32, #tpu.memory_space<vmem>>)
    %dma_wait3A_464 = arith.constant 2 : i32
    %dma_wait3A_465 = arith.constant 0 : i32
    %dma_wait3A_466 = arith.constant 0 : i32
    %dma_wait3A_467 = tpu.memref_slice %arg2[%dma_wait3A_465, %dma_wait3A_466] : memref<10000x128xf32, #tpu.memory_space<hbm>> -> memref<10000x128xf32, #tpu.memory_space<hbm>>
    %dma_wait3A_468 = tpu.memref_slice %arg30[%dma_wait3A_464] : memref<4x!tpu.dma_semaphore, #tpu.memory_space<semaphore_mem>> -> memref<1x!tpu.dma_semaphore, #tpu.memory_space<semaphore_mem>>
    %dma_wait3A_469 = tpu.memref_squeeze %dma_wait3A_468 : memref<1x!tpu.dma_semaphore, #tpu.memory_space<semaphore_mem>> -> memref<!tpu.dma_semaphore, #tpu.memory_space<semaphore_mem>>
    tpu.wait_indirect_dma semaphore(%dma_wait3A_469 : memref<!tpu.dma_semaphore, #tpu.memory_space<semaphore_mem>>) src(%dma_wait3A_467 : memref<10000x128xf32, #tpu.memory_space<hbm>>) dst(%arg25 : memref<80x128xf32, #tpu.memory_space<vmem>>)
    %dma_wait3A_470 = arith.constant 3 : i32
    %dma_wait3A_471 = arith.constant 0 : i32
    %dma_wait3A_472 = arith.constant 0 : i32
    %dma_wait3A_473 = tpu.memref_slice %arg2[%dma_wait3A_471, %dma_wait3A_472] : memref<10000x128xf32, #tpu.memory_space<hbm>> -> memref<10000x128xf32, #tpu.memory_space<hbm>>
    %dma_wait3A_474 = tpu.memref_slice %arg30[%dma_wait3A_470] : memref<4x!tpu.dma_semaphore, #tpu.memory_space<semaphore_mem>> -> memref<1x!tpu.dma_semaphore, #tpu.memory_space<semaphore_mem>>
    %dma_wait3A_475 = tpu.memref_squeeze %dma_wait3A_474 : memref<1x!tpu.dma_semaphore, #tpu.memory_space<semaphore_mem>> -> memref<!tpu.dma_semaphore, #tpu.memory_space<semaphore_mem>>
    tpu.wait_indirect_dma semaphore(%dma_wait3A_475 : memref<!tpu.dma_semaphore, #tpu.memory_space<semaphore_mem>>) src(%dma_wait3A_473 : memref<10000x128xf32, #tpu.memory_space<hbm>>) dst(%arg26 : memref<80x128xf32, #tpu.memory_space<vmem>>)
    %mul3A_476 = arith.constant 10240 : i32
    %mul3A_477 = arith.muli %add3A, %mul3A_476 : i32
    %add3A_478 = arith.constant 9920 : i32
    %add3A_479 = arith.addi %mul3A_477, %add3A_478 : i32
    %add3A_480 = arith.constant 0 : i32
    %add3A_481 = arith.addi %add3A_479, %add3A_480 : i32
    %dma_wait3A_482 = arith.constant 4 : i32
    %dma_wait3A_483 = tpu.memref_slice %arg4[%add3A_481] : memref<327680xi32, #tpu.memory_space<hbm>> -> memref<80xi32, #tpu.memory_space<hbm>>
    %dma_wait3A_484 = tpu.memref_slice %arg29[%dma_wait3A_482] : memref<8x!tpu.dma_semaphore, #tpu.memory_space<semaphore_mem>> -> memref<1x!tpu.dma_semaphore, #tpu.memory_space<semaphore_mem>>
    %dma_wait3A_485 = tpu.memref_squeeze %dma_wait3A_484 : memref<1x!tpu.dma_semaphore, #tpu.memory_space<semaphore_mem>> -> memref<!tpu.dma_semaphore, #tpu.memory_space<semaphore_mem>>
    %dma_wait3A_486 = tpu.memref_slice %arg4[%add3A_481] : memref<327680xi32, #tpu.memory_space<hbm>> -> memref<80xi32, #tpu.memory_space<hbm>>
    tpu.wait_dma2 semaphore(%dma_wait3A_485 : memref<!tpu.dma_semaphore, #tpu.memory_space<semaphore_mem>>) src(%dma_wait3A_486 : memref<80xi32, #tpu.memory_space<hbm>>) dst(%arg19 : memref<80xi32, #tpu.memory_space<vmem>>)
    %mul3A_487 = arith.constant 10240 : i32
    %mul3A_488 = arith.muli %add3A, %mul3A_487 : i32
    %add3A_489 = arith.constant 9920 : i32
    %add3A_490 = arith.addi %mul3A_488, %add3A_489 : i32
    %add3A_491 = arith.constant 80 : i32
    %add3A_492 = arith.addi %add3A_490, %add3A_491 : i32
    %dma_wait3A_493 = arith.constant 5 : i32
    %dma_wait3A_494 = tpu.memref_slice %arg4[%add3A_492] : memref<327680xi32, #tpu.memory_space<hbm>> -> memref<80xi32, #tpu.memory_space<hbm>>
    %dma_wait3A_495 = tpu.memref_slice %arg29[%dma_wait3A_493] : memref<8x!tpu.dma_semaphore, #tpu.memory_space<semaphore_mem>> -> memref<1x!tpu.dma_semaphore, #tpu.memory_space<semaphore_mem>>
    %dma_wait3A_496 = tpu.memref_squeeze %dma_wait3A_495 : memref<1x!tpu.dma_semaphore, #tpu.memory_space<semaphore_mem>> -> memref<!tpu.dma_semaphore, #tpu.memory_space<semaphore_mem>>
    %dma_wait3A_497 = tpu.memref_slice %arg4[%add3A_492] : memref<327680xi32, #tpu.memory_space<hbm>> -> memref<80xi32, #tpu.memory_space<hbm>>
    tpu.wait_dma2 semaphore(%dma_wait3A_496 : memref<!tpu.dma_semaphore, #tpu.memory_space<semaphore_mem>>) src(%dma_wait3A_497 : memref<80xi32, #tpu.memory_space<hbm>>) dst(%arg20 : memref<80xi32, #tpu.memory_space<vmem>>)
    %mul3A_498 = arith.constant 10240 : i32
    %mul3A_499 = arith.muli %add3A, %mul3A_498 : i32
    %add3A_500 = arith.constant 9920 : i32
    %add3A_501 = arith.addi %mul3A_499, %add3A_500 : i32
    %add3A_502 = arith.constant 160 : i32
    %add3A_503 = arith.addi %add3A_501, %add3A_502 : i32
    %dma_wait3A_504 = arith.constant 6 : i32
    %dma_wait3A_505 = tpu.memref_slice %arg4[%add3A_503] : memref<327680xi32, #tpu.memory_space<hbm>> -> memref<80xi32, #tpu.memory_space<hbm>>
    %dma_wait3A_506 = tpu.memref_slice %arg29[%dma_wait3A_504] : memref<8x!tpu.dma_semaphore, #tpu.memory_space<semaphore_mem>> -> memref<1x!tpu.dma_semaphore, #tpu.memory_space<semaphore_mem>>
    %dma_wait3A_507 = tpu.memref_squeeze %dma_wait3A_506 : memref<1x!tpu.dma_semaphore, #tpu.memory_space<semaphore_mem>> -> memref<!tpu.dma_semaphore, #tpu.memory_space<semaphore_mem>>
    %dma_wait3A_508 = tpu.memref_slice %arg4[%add3A_503] : memref<327680xi32, #tpu.memory_space<hbm>> -> memref<80xi32, #tpu.memory_space<hbm>>
    tpu.wait_dma2 semaphore(%dma_wait3A_507 : memref<!tpu.dma_semaphore, #tpu.memory_space<semaphore_mem>>) src(%dma_wait3A_508 : memref<80xi32, #tpu.memory_space<hbm>>) dst(%arg21 : memref<80xi32, #tpu.memory_space<vmem>>)
    %mul3A_509 = arith.constant 10240 : i32
    %mul3A_510 = arith.muli %add3A, %mul3A_509 : i32
    %add3A_511 = arith.constant 9920 : i32
    %add3A_512 = arith.addi %mul3A_510, %add3A_511 : i32
    %add3A_513 = arith.constant 240 : i32
    %add3A_514 = arith.addi %add3A_512, %add3A_513 : i32
    %dma_wait3A_515 = arith.constant 7 : i32
    %dma_wait3A_516 = tpu.memref_slice %arg4[%add3A_514] : memref<327680xi32, #tpu.memory_space<hbm>> -> memref<80xi32, #tpu.memory_space<hbm>>
    %dma_wait3A_517 = tpu.memref_slice %arg29[%dma_wait3A_515] : memref<8x!tpu.dma_semaphore, #tpu.memory_space<semaphore_mem>> -> memref<1x!tpu.dma_semaphore, #tpu.memory_space<semaphore_mem>>
    %dma_wait3A_518 = tpu.memref_squeeze %dma_wait3A_517 : memref<1x!tpu.dma_semaphore, #tpu.memory_space<semaphore_mem>> -> memref<!tpu.dma_semaphore, #tpu.memory_space<semaphore_mem>>
    %dma_wait3A_519 = tpu.memref_slice %arg4[%add3A_514] : memref<327680xi32, #tpu.memory_space<hbm>> -> memref<80xi32, #tpu.memory_space<hbm>>
    tpu.wait_dma2 semaphore(%dma_wait3A_518 : memref<!tpu.dma_semaphore, #tpu.memory_space<semaphore_mem>>) src(%dma_wait3A_519 : memref<80xi32, #tpu.memory_space<hbm>>) dst(%arg22 : memref<80xi32, #tpu.memory_space<vmem>>)
    %dma_start3A_520 = arith.constant 0 : i32
    %dma_start3A_521 = arith.constant 0 : i32
    %dma_start3A_522 = arith.constant 0 : i32
    %dma_start3A_523 = tpu.memref_slice %arg27[%dma_start3A_521, %dma_start3A_522] : memref<10240x128xf32, #tpu.memory_space<vmem_shared>> -> memref<10240x128xf32, #tpu.memory_space<vmem_shared>>
    %dma_start3A_524 = tpu.memref_slice %arg31[%dma_start3A_520] : memref<4x!tpu.dma_semaphore, #tpu.memory_space<semaphore_mem>> -> memref<1x!tpu.dma_semaphore, #tpu.memory_space<semaphore_mem>>
    %dma_start3A_525 = tpu.memref_squeeze %dma_start3A_524 : memref<1x!tpu.dma_semaphore, #tpu.memory_space<semaphore_mem>> -> memref<!tpu.dma_semaphore, #tpu.memory_space<semaphore_mem>>
    tpu.enqueue_indirect_dma source(%arg23 : memref<80x128xf32, #tpu.memory_space<vmem>>) target(%dma_start3A_523 : memref<10240x128xf32, #tpu.memory_space<vmem_shared>>) offsets(%arg19 : memref<80xi32, #tpu.memory_space<vmem>>) semaphore(%dma_start3A_525 : memref<!tpu.dma_semaphore, #tpu.memory_space<semaphore_mem>>) {add = true}
    %dma_start3A_526 = arith.constant 1 : i32
    %dma_start3A_527 = arith.constant 0 : i32
    %dma_start3A_528 = arith.constant 0 : i32
    %dma_start3A_529 = tpu.memref_slice %arg27[%dma_start3A_527, %dma_start3A_528] : memref<10240x128xf32, #tpu.memory_space<vmem_shared>> -> memref<10240x128xf32, #tpu.memory_space<vmem_shared>>
    %dma_start3A_530 = tpu.memref_slice %arg31[%dma_start3A_526] : memref<4x!tpu.dma_semaphore, #tpu.memory_space<semaphore_mem>> -> memref<1x!tpu.dma_semaphore, #tpu.memory_space<semaphore_mem>>
    %dma_start3A_531 = tpu.memref_squeeze %dma_start3A_530 : memref<1x!tpu.dma_semaphore, #tpu.memory_space<semaphore_mem>> -> memref<!tpu.dma_semaphore, #tpu.memory_space<semaphore_mem>>
    tpu.enqueue_indirect_dma source(%arg24 : memref<80x128xf32, #tpu.memory_space<vmem>>) target(%dma_start3A_529 : memref<10240x128xf32, #tpu.memory_space<vmem_shared>>) offsets(%arg20 : memref<80xi32, #tpu.memory_space<vmem>>) semaphore(%dma_start3A_531 : memref<!tpu.dma_semaphore, #tpu.memory_space<semaphore_mem>>) {add = true}
    %dma_start3A_532 = arith.constant 2 : i32
    %dma_start3A_533 = arith.constant 0 : i32
    %dma_start3A_534 = arith.constant 0 : i32
    %dma_start3A_535 = tpu.memref_slice %arg27[%dma_start3A_533, %dma_start3A_534] : memref<10240x128xf32, #tpu.memory_space<vmem_shared>> -> memref<10240x128xf32, #tpu.memory_space<vmem_shared>>
    %dma_start3A_536 = tpu.memref_slice %arg31[%dma_start3A_532] : memref<4x!tpu.dma_semaphore, #tpu.memory_space<semaphore_mem>> -> memref<1x!tpu.dma_semaphore, #tpu.memory_space<semaphore_mem>>
    %dma_start3A_537 = tpu.memref_squeeze %dma_start3A_536 : memref<1x!tpu.dma_semaphore, #tpu.memory_space<semaphore_mem>> -> memref<!tpu.dma_semaphore, #tpu.memory_space<semaphore_mem>>
    tpu.enqueue_indirect_dma source(%arg25 : memref<80x128xf32, #tpu.memory_space<vmem>>) target(%dma_start3A_535 : memref<10240x128xf32, #tpu.memory_space<vmem_shared>>) offsets(%arg21 : memref<80xi32, #tpu.memory_space<vmem>>) semaphore(%dma_start3A_537 : memref<!tpu.dma_semaphore, #tpu.memory_space<semaphore_mem>>) {add = true}
    %dma_start3A_538 = arith.constant 3 : i32
    %dma_start3A_539 = arith.constant 0 : i32
    %dma_start3A_540 = arith.constant 0 : i32
    %dma_start3A_541 = tpu.memref_slice %arg27[%dma_start3A_539, %dma_start3A_540] : memref<10240x128xf32, #tpu.memory_space<vmem_shared>> -> memref<10240x128xf32, #tpu.memory_space<vmem_shared>>
    %dma_start3A_542 = tpu.memref_slice %arg31[%dma_start3A_538] : memref<4x!tpu.dma_semaphore, #tpu.memory_space<semaphore_mem>> -> memref<1x!tpu.dma_semaphore, #tpu.memory_space<semaphore_mem>>
    %dma_start3A_543 = tpu.memref_squeeze %dma_start3A_542 : memref<1x!tpu.dma_semaphore, #tpu.memory_space<semaphore_mem>> -> memref<!tpu.dma_semaphore, #tpu.memory_space<semaphore_mem>>
    tpu.enqueue_indirect_dma source(%arg26 : memref<80x128xf32, #tpu.memory_space<vmem>>) target(%dma_start3A_541 : memref<10240x128xf32, #tpu.memory_space<vmem_shared>>) offsets(%arg22 : memref<80xi32, #tpu.memory_space<vmem>>) semaphore(%dma_start3A_543 : memref<!tpu.dma_semaphore, #tpu.memory_space<semaphore_mem>>) {add = true}
    %dma_wait3A_544 = arith.constant 0 : i32
    %dma_wait3A_545 = arith.constant 0 : i32
    %dma_wait3A_546 = arith.constant 0 : i32
    %dma_wait3A_547 = tpu.memref_slice %arg27[%dma_wait3A_545, %dma_wait3A_546] : memref<10240x128xf32, #tpu.memory_space<vmem_shared>> -> memref<10240x128xf32, #tpu.memory_space<vmem_shared>>
    %dma_wait3A_548 = tpu.memref_slice %arg31[%dma_wait3A_544] : memref<4x!tpu.dma_semaphore, #tpu.memory_space<semaphore_mem>> -> memref<1x!tpu.dma_semaphore, #tpu.memory_space<semaphore_mem>>
    %dma_wait3A_549 = tpu.memref_squeeze %dma_wait3A_548 : memref<1x!tpu.dma_semaphore, #tpu.memory_space<semaphore_mem>> -> memref<!tpu.dma_semaphore, #tpu.memory_space<semaphore_mem>>
    tpu.wait_indirect_dma semaphore(%dma_wait3A_549 : memref<!tpu.dma_semaphore, #tpu.memory_space<semaphore_mem>>) src(%arg23 : memref<80x128xf32, #tpu.memory_space<vmem>>) dst(%dma_wait3A_547 : memref<10240x128xf32, #tpu.memory_space<vmem_shared>>)
    %dma_wait3A_550 = arith.constant 1 : i32
    %dma_wait3A_551 = arith.constant 0 : i32
    %dma_wait3A_552 = arith.constant 0 : i32
    %dma_wait3A_553 = tpu.memref_slice %arg27[%dma_wait3A_551, %dma_wait3A_552] : memref<10240x128xf32, #tpu.memory_space<vmem_shared>> -> memref<10240x128xf32, #tpu.memory_space<vmem_shared>>
    %dma_wait3A_554 = tpu.memref_slice %arg31[%dma_wait3A_550] : memref<4x!tpu.dma_semaphore, #tpu.memory_space<semaphore_mem>> -> memref<1x!tpu.dma_semaphore, #tpu.memory_space<semaphore_mem>>
    %dma_wait3A_555 = tpu.memref_squeeze %dma_wait3A_554 : memref<1x!tpu.dma_semaphore, #tpu.memory_space<semaphore_mem>> -> memref<!tpu.dma_semaphore, #tpu.memory_space<semaphore_mem>>
    tpu.wait_indirect_dma semaphore(%dma_wait3A_555 : memref<!tpu.dma_semaphore, #tpu.memory_space<semaphore_mem>>) src(%arg24 : memref<80x128xf32, #tpu.memory_space<vmem>>) dst(%dma_wait3A_553 : memref<10240x128xf32, #tpu.memory_space<vmem_shared>>)
    %dma_wait3A_556 = arith.constant 2 : i32
    %dma_wait3A_557 = arith.constant 0 : i32
    %dma_wait3A_558 = arith.constant 0 : i32
    %dma_wait3A_559 = tpu.memref_slice %arg27[%dma_wait3A_557, %dma_wait3A_558] : memref<10240x128xf32, #tpu.memory_space<vmem_shared>> -> memref<10240x128xf32, #tpu.memory_space<vmem_shared>>
    %dma_wait3A_560 = tpu.memref_slice %arg31[%dma_wait3A_556] : memref<4x!tpu.dma_semaphore, #tpu.memory_space<semaphore_mem>> -> memref<1x!tpu.dma_semaphore, #tpu.memory_space<semaphore_mem>>
    %dma_wait3A_561 = tpu.memref_squeeze %dma_wait3A_560 : memref<1x!tpu.dma_semaphore, #tpu.memory_space<semaphore_mem>> -> memref<!tpu.dma_semaphore, #tpu.memory_space<semaphore_mem>>
    tpu.wait_indirect_dma semaphore(%dma_wait3A_561 : memref<!tpu.dma_semaphore, #tpu.memory_space<semaphore_mem>>) src(%arg25 : memref<80x128xf32, #tpu.memory_space<vmem>>) dst(%dma_wait3A_559 : memref<10240x128xf32, #tpu.memory_space<vmem_shared>>)
    %dma_wait3A_562 = arith.constant 3 : i32
    %dma_wait3A_563 = arith.constant 0 : i32
    %dma_wait3A_564 = arith.constant 0 : i32
    %dma_wait3A_565 = tpu.memref_slice %arg27[%dma_wait3A_563, %dma_wait3A_564] : memref<10240x128xf32, #tpu.memory_space<vmem_shared>> -> memref<10240x128xf32, #tpu.memory_space<vmem_shared>>
    %dma_wait3A_566 = tpu.memref_slice %arg31[%dma_wait3A_562] : memref<4x!tpu.dma_semaphore, #tpu.memory_space<semaphore_mem>> -> memref<1x!tpu.dma_semaphore, #tpu.memory_space<semaphore_mem>>
    %dma_wait3A_567 = tpu.memref_squeeze %dma_wait3A_566 : memref<1x!tpu.dma_semaphore, #tpu.memory_space<semaphore_mem>> -> memref<!tpu.dma_semaphore, #tpu.memory_space<semaphore_mem>>
    tpu.wait_indirect_dma semaphore(%dma_wait3A_567 : memref<!tpu.dma_semaphore, #tpu.memory_space<semaphore_mem>>) src(%arg26 : memref<80x128xf32, #tpu.memory_space<vmem>>) dst(%dma_wait3A_565 : memref<10240x128xf32, #tpu.memory_space<vmem_shared>>)
    %barrier3A_568 = arith.constant 0 : index
    tpu.barrier barrier_id(%barrier3A_568)
    %mul3A_569 = arith.constant 640 : i32
    %mul3A_570 = arith.muli %arg1, %mul3A_569 : i32
    %mul3A_571 = arith.constant 640 : i32
    %mul3A_572 = arith.muli %arg1, %mul3A_571 : i32
    "tpu.region"() ({
      %run_scoped3A = tpu.sem_alloc : memref<!tpu.dma_semaphore, #tpu.memory_space<semaphore_mem>>
      %dma_start3A_573 = arith.constant 0 : i32
      %dma_start3A_574 = tpu.memref_slice %arg6[%arg0, %mul3A_572, %dma_start3A_573] : memref<2x10240x128xf32, #tpu.memory_space<hbm>> -> memref<1x640x128xf32, #tpu.memory_space<hbm>>
      %dma_start3A_575 = tpu.memref_squeeze %dma_start3A_574 : memref<1x640x128xf32, #tpu.memory_space<hbm>> -> memref<640x128xf32, #tpu.memory_space<hbm>>
      %dma_start3A_576 = arith.constant 0 : i32
      %dma_start3A_577 = tpu.memref_slice %arg27[%mul3A_570, %dma_start3A_576] : memref<10240x128xf32, #tpu.memory_space<vmem_shared>> -> memref<640x128xf32, #tpu.memory_space<vmem_shared>>
      tpu.enqueue_dma source(%dma_start3A_577 : memref<640x128xf32, #tpu.memory_space<vmem_shared>>) target(%dma_start3A_575 : memref<640x128xf32, #tpu.memory_space<hbm>>) target_semaphore(%run_scoped3A : memref<!tpu.dma_semaphore, #tpu.memory_space<semaphore_mem>>)
      %dma_wait3A_578 = arith.constant 0 : i32
      %dma_wait3A_579 = tpu.memref_slice %arg6[%arg0, %mul3A_572, %dma_wait3A_578] : memref<2x10240x128xf32, #tpu.memory_space<hbm>> -> memref<1x640x128xf32, #tpu.memory_space<hbm>>
      %dma_wait3A_580 = tpu.memref_squeeze %dma_wait3A_579 : memref<1x640x128xf32, #tpu.memory_space<hbm>> -> memref<640x128xf32, #tpu.memory_space<hbm>>
      %dma_wait3A_581 = arith.constant 0 : i32
      %dma_wait3A_582 = tpu.memref_slice %arg27[%mul3A_570, %dma_wait3A_581] : memref<10240x128xf32, #tpu.memory_space<vmem_shared>> -> memref<640x128xf32, #tpu.memory_space<vmem_shared>>
      tpu.wait_dma2 semaphore(%run_scoped3A : memref<!tpu.dma_semaphore, #tpu.memory_space<semaphore_mem>>) src(%dma_wait3A_582 : memref<640x128xf32, #tpu.memory_space<vmem_shared>>) dst(%dma_wait3A_580 : memref<640x128xf32, #tpu.memory_space<hbm>>)
      tpu.yield
    }) : () -> ()
    return
  }
}

#map = affine_map<(d0, d1) -> (0, 0)>
#map1 = affine_map<(d0, d1) -> (0)>
#map2 = affine_map<(d0, d1) -> (0, 0, 0)>
module attributes {stable_mosaic.version = 14 : i64} {
  func.func @_sc_scatter_body(%arg0: i32, %arg1: i32, %arg2: memref<10000x128xf32, #tpu.memory_space<hbm>>, %arg3: memref<327680xi32, #tpu.memory_space<hbm>>, %arg4: memref<327680xi32, #tpu.memory_space<hbm>>, %arg5: memref<128x128xf32, #tpu.memory_space<hbm>>, %arg6: memref<2x10240x128xf32, #tpu.memory_space<hbm>>, %arg7: memref<80xi32, #tpu.memory_space<vmem>>, %arg8: memref<80xi32, #tpu.memory_space<vmem>>, %arg9: memref<80xi32, #tpu.memory_space<vmem>>, %arg10: memref<80xi32, #tpu.memory_space<vmem>>, %arg11: memref<80xi32, #tpu.memory_space<vmem>>, %arg12: memref<80xi32, #tpu.memory_space<vmem>>, %arg13: memref<80xi32, #tpu.memory_space<vmem>>, %arg14: memref<80xi32, #tpu.memory_space<vmem>>, %arg15: memref<80xi32, #tpu.memory_space<vmem>>, %arg16: memref<80xi32, #tpu.memory_space<vmem>>, %arg17: memref<80xi32, #tpu.memory_space<vmem>>, %arg18: memref<80xi32, #tpu.memory_space<vmem>>, %arg19: memref<80xi32, #tpu.memory_space<vmem>>, %arg20: memref<80xi32, #tpu.memory_space<vmem>>, %arg21: memref<80xi32, #tpu.memory_space<vmem>>, %arg22: memref<80xi32, #tpu.memory_space<vmem>>, %arg23: memref<80x128xf32, #tpu.memory_space<vmem>>, %arg24: memref<80x128xf32, #tpu.memory_space<vmem>>, %arg25: memref<80x128xf32, #tpu.memory_space<vmem>>, %arg26: memref<80x128xf32, #tpu.memory_space<vmem>>, %arg27: memref<10240x128xf32, #tpu.memory_space<vmem_shared>>, %arg28: memref<8x!tpu.dma_semaphore, #tpu.memory_space<semaphore_mem>>, %arg29: memref<8x!tpu.dma_semaphore, #tpu.memory_space<semaphore_mem>>, %arg30: memref<4x!tpu.dma_semaphore, #tpu.memory_space<semaphore_mem>>, %arg31: memref<4x!tpu.dma_semaphore, #tpu.memory_space<semaphore_mem>>) attributes {dimension_semantics = [#tpu.dimension_semantics<core_parallel>, #tpu.dimension_semantics<subcore_parallel>], iteration_bounds = array<i64: 2, 16>, scalar_prefetch = 0 : i64, scratch_operands = 25 : i64, tpu.core_type = #tpu.core_type<sc_vector_subcore>, window_params = [{transform_indices = #map}, {transform_indices = #map1}, {transform_indices = #map1}, {transform_indices = #map}, {transform_indices = #map2}]} {
    %mul3A = arith.constant 2 : i32
    %mul3A_0 = arith.muli %arg1, %mul3A : i32
    %add3A = arith.addi %mul3A_0, %arg0 : i32
    %mul3A_1 = arith.constant 640 : i32
    %mul3A_2 = arith.muli %arg1, %mul3A_1 : i32
    %add3A_3 = arith.constant 0 : i32
    %add3A_4 = arith.addi %mul3A_2, %add3A_3 : i32
    "tpu.region"() ({
      %run_scoped3A = tpu.sem_alloc : memref<!tpu.dma_semaphore, #tpu.memory_space<semaphore_mem>>
      %dma_start3A_573 = arith.constant 0 : i32
      %dma_start3A_574 = tpu.memref_slice %arg27[%add3A_4, %dma_start3A_573] : memref<10240x128xf32, #tpu.memory_space<vmem_shared>> -> memref<128x128xf32, #tpu.memory_space<vmem_shared>>
      tpu.enqueue_dma source(%arg5 : memref<128x128xf32, #tpu.memory_space<hbm>>) target(%dma_start3A_574 : memref<128x128xf32, #tpu.memory_space<vmem_shared>>) target_semaphore(%run_scoped3A : memref<!tpu.dma_semaphore, #tpu.memory_space<semaphore_mem>>)
      %dma_wait3A_575 = arith.constant 0 : i32
      %dma_wait3A_576 = tpu.memref_slice %arg27[%add3A_4, %dma_wait3A_575] : memref<10240x128xf32, #tpu.memory_space<vmem_shared>> -> memref<128x128xf32, #tpu.memory_space<vmem_shared>>
      tpu.wait_dma2 semaphore(%run_scoped3A : memref<!tpu.dma_semaphore, #tpu.memory_space<semaphore_mem>>) src(%arg5 : memref<128x128xf32, #tpu.memory_space<hbm>>) dst(%dma_wait3A_576 : memref<128x128xf32, #tpu.memory_space<vmem_shared>>)
      tpu.yield
    }) : () -> ()
    %mul3A_5 = arith.constant 640 : i32
    %mul3A_6 = arith.muli %arg1, %mul3A_5 : i32
    %add3A_7 = arith.constant 128 : i32
    %add3A_8 = arith.addi %mul3A_6, %add3A_7 : i32
    "tpu.region"() ({
      %run_scoped3A = tpu.sem_alloc : memref<!tpu.dma_semaphore, #tpu.memory_space<semaphore_mem>>
      %dma_start3A_573 = arith.constant 0 : i32
      %dma_start3A_574 = tpu.memref_slice %arg27[%add3A_8, %dma_start3A_573] : memref<10240x128xf32, #tpu.memory_space<vmem_shared>> -> memref<128x128xf32, #tpu.memory_space<vmem_shared>>
      tpu.enqueue_dma source(%arg5 : memref<128x128xf32, #tpu.memory_space<hbm>>) target(%dma_start3A_574 : memref<128x128xf32, #tpu.memory_space<vmem_shared>>) target_semaphore(%run_scoped3A : memref<!tpu.dma_semaphore, #tpu.memory_space<semaphore_mem>>)
      %dma_wait3A_575 = arith.constant 0 : i32
      %dma_wait3A_576 = tpu.memref_slice %arg27[%add3A_8, %dma_wait3A_575] : memref<10240x128xf32, #tpu.memory_space<vmem_shared>> -> memref<128x128xf32, #tpu.memory_space<vmem_shared>>
      tpu.wait_dma2 semaphore(%run_scoped3A : memref<!tpu.dma_semaphore, #tpu.memory_space<semaphore_mem>>) src(%arg5 : memref<128x128xf32, #tpu.memory_space<hbm>>) dst(%dma_wait3A_576 : memref<128x128xf32, #tpu.memory_space<vmem_shared>>)
      tpu.yield
    }) : () -> ()
    %mul3A_9 = arith.constant 640 : i32
    %mul3A_10 = arith.muli %arg1, %mul3A_9 : i32
    %add3A_11 = arith.constant 256 : i32
    %add3A_12 = arith.addi %mul3A_10, %add3A_11 : i32
    "tpu.region"() ({
      %run_scoped3A = tpu.sem_alloc : memref<!tpu.dma_semaphore, #tpu.memory_space<semaphore_mem>>
      %dma_start3A_573 = arith.constant 0 : i32
      %dma_start3A_574 = tpu.memref_slice %arg27[%add3A_12, %dma_start3A_573] : memref<10240x128xf32, #tpu.memory_space<vmem_shared>> -> memref<128x128xf32, #tpu.memory_space<vmem_shared>>
      tpu.enqueue_dma source(%arg5 : memref<128x128xf32, #tpu.memory_space<hbm>>) target(%dma_start3A_574 : memref<128x128xf32, #tpu.memory_space<vmem_shared>>) target_semaphore(%run_scoped3A : memref<!tpu.dma_semaphore, #tpu.memory_space<semaphore_mem>>)
      %dma_wait3A_575 = arith.constant 0 : i32
      %dma_wait3A_576 = tpu.memref_slice %arg27[%add3A_12, %dma_wait3A_575] : memref<10240x128xf32, #tpu.memory_space<vmem_shared>> -> memref<128x128xf32, #tpu.memory_space<vmem_shared>>
      tpu.wait_dma2 semaphore(%run_scoped3A : memref<!tpu.dma_semaphore, #tpu.memory_space<semaphore_mem>>) src(%arg5 : memref<128x128xf32, #tpu.memory_space<hbm>>) dst(%dma_wait3A_576 : memref<128x128xf32, #tpu.memory_space<vmem_shared>>)
      tpu.yield
    }) : () -> ()
    %mul3A_13 = arith.constant 640 : i32
    %mul3A_14 = arith.muli %arg1, %mul3A_13 : i32
    %add3A_15 = arith.constant 384 : i32
    %add3A_16 = arith.addi %mul3A_14, %add3A_15 : i32
    "tpu.region"() ({
      %run_scoped3A = tpu.sem_alloc : memref<!tpu.dma_semaphore, #tpu.memory_space<semaphore_mem>>
      %dma_start3A_573 = arith.constant 0 : i32
      %dma_start3A_574 = tpu.memref_slice %arg27[%add3A_16, %dma_start3A_573] : memref<10240x128xf32, #tpu.memory_space<vmem_shared>> -> memref<128x128xf32, #tpu.memory_space<vmem_shared>>
      tpu.enqueue_dma source(%arg5 : memref<128x128xf32, #tpu.memory_space<hbm>>) target(%dma_start3A_574 : memref<128x128xf32, #tpu.memory_space<vmem_shared>>) target_semaphore(%run_scoped3A : memref<!tpu.dma_semaphore, #tpu.memory_space<semaphore_mem>>)
      %dma_wait3A_575 = arith.constant 0 : i32
      %dma_wait3A_576 = tpu.memref_slice %arg27[%add3A_16, %dma_wait3A_575] : memref<10240x128xf32, #tpu.memory_space<vmem_shared>> -> memref<128x128xf32, #tpu.memory_space<vmem_shared>>
      tpu.wait_dma2 semaphore(%run_scoped3A : memref<!tpu.dma_semaphore, #tpu.memory_space<semaphore_mem>>) src(%arg5 : memref<128x128xf32, #tpu.memory_space<hbm>>) dst(%dma_wait3A_576 : memref<128x128xf32, #tpu.memory_space<vmem_shared>>)
      tpu.yield
    }) : () -> ()
    %mul3A_17 = arith.constant 640 : i32
    %mul3A_18 = arith.muli %arg1, %mul3A_17 : i32
    %add3A_19 = arith.constant 512 : i32
    %add3A_20 = arith.addi %mul3A_18, %add3A_19 : i32
    "tpu.region"() ({
      %run_scoped3A = tpu.sem_alloc : memref<!tpu.dma_semaphore, #tpu.memory_space<semaphore_mem>>
      %dma_start3A_573 = arith.constant 0 : i32
      %dma_start3A_574 = tpu.memref_slice %arg27[%add3A_20, %dma_start3A_573] : memref<10240x128xf32, #tpu.memory_space<vmem_shared>> -> memref<128x128xf32, #tpu.memory_space<vmem_shared>>
      tpu.enqueue_dma source(%arg5 : memref<128x128xf32, #tpu.memory_space<hbm>>) target(%dma_start3A_574 : memref<128x128xf32, #tpu.memory_space<vmem_shared>>) target_semaphore(%run_scoped3A : memref<!tpu.dma_semaphore, #tpu.memory_space<semaphore_mem>>)
      %dma_wait3A_575 = arith.constant 0 : i32
      %dma_wait3A_576 = tpu.memref_slice %arg27[%add3A_20, %dma_wait3A_575] : memref<10240x128xf32, #tpu.memory_space<vmem_shared>> -> memref<128x128xf32, #tpu.memory_space<vmem_shared>>
      tpu.wait_dma2 semaphore(%run_scoped3A : memref<!tpu.dma_semaphore, #tpu.memory_space<semaphore_mem>>) src(%arg5 : memref<128x128xf32, #tpu.memory_space<hbm>>) dst(%dma_wait3A_576 : memref<128x128xf32, #tpu.memory_space<vmem_shared>>)
      tpu.yield
    }) : () -> ()
    %mul3A_21 = arith.constant 10240 : i32
    %mul3A_22 = arith.muli %add3A, %mul3A_21 : i32
    %add3A_23 = arith.constant 0 : i32
    %add3A_24 = arith.addi %mul3A_22, %add3A_23 : i32
    %add3A_25 = arith.constant 0 : i32
    %add3A_26 = arith.addi %add3A_24, %add3A_25 : i32
    %dma_start3A = arith.constant 0 : i32
    %dma_start3A_27 = tpu.memref_slice %arg3[%add3A_26] : memref<327680xi32, #tpu.memory_space<hbm>> -> memref<80xi32, #tpu.memory_space<hbm>>
    %dma_start3A_28 = tpu.memref_slice %arg28[%dma_start3A] : memref<8x!tpu.dma_semaphore, #tpu.memory_space<semaphore_mem>> -> memref<1x!tpu.dma_semaphore, #tpu.memory_space<semaphore_mem>>
    %dma_start3A_29 = tpu.memref_squeeze %dma_start3A_28 : memref<1x!tpu.dma_semaphore, #tpu.memory_space<semaphore_mem>> -> memref<!tpu.dma_semaphore, #tpu.memory_space<semaphore_mem>>
    %dma_start3A_30 = tpu.memref_slice %arg3[%add3A_26] : memref<327680xi32, #tpu.memory_space<hbm>> -> memref<80xi32, #tpu.memory_space<hbm>>
    tpu.enqueue_dma source(%dma_start3A_30 : memref<80xi32, #tpu.memory_space<hbm>>) target(%arg7 : memref<80xi32, #tpu.memory_space<vmem>>) target_semaphore(%dma_start3A_29 : memref<!tpu.dma_semaphore, #tpu.memory_space<semaphore_mem>>)
    %mul3A_31 = arith.constant 10240 : i32
    %mul3A_32 = arith.muli %add3A, %mul3A_31 : i32
    %add3A_33 = arith.constant 320 : i32
    %add3A_34 = arith.addi %mul3A_32, %add3A_33 : i32
    %add3A_35 = arith.constant 0 : i32
    %add3A_36 = arith.addi %add3A_34, %add3A_35 : i32
    %dma_start3A_37 = arith.constant 4 : i32
    %dma_start3A_38 = tpu.memref_slice %arg3[%add3A_36] : memref<327680xi32, #tpu.memory_space<hbm>> -> memref<80xi32, #tpu.memory_space<hbm>>
    %dma_start3A_39 = tpu.memref_slice %arg28[%dma_start3A_37] : memref<8x!tpu.dma_semaphore, #tpu.memory_space<semaphore_mem>> -> memref<1x!tpu.dma_semaphore, #tpu.memory_space<semaphore_mem>>
    %dma_start3A_40 = tpu.memref_squeeze %dma_start3A_39 : memref<1x!tpu.dma_semaphore, #tpu.memory_space<semaphore_mem>> -> memref<!tpu.dma_semaphore, #tpu.memory_space<semaphore_mem>>
    %dma_start3A_41 = tpu.memref_slice %arg3[%add3A_36] : memref<327680xi32, #tpu.memory_space<hbm>> -> memref<80xi32, #tpu.memory_space<hbm>>
    tpu.enqueue_dma source(%dma_start3A_41 : memref<80xi32, #tpu.memory_space<hbm>>) target(%arg11 : memref<80xi32, #tpu.memory_space<vmem>>) target_semaphore(%dma_start3A_40 : memref<!tpu.dma_semaphore, #tpu.memory_space<semaphore_mem>>)
    %mul3A_42 = arith.constant 10240 : i32
    %mul3A_43 = arith.muli %add3A, %mul3A_42 : i32
    %add3A_44 = arith.constant 0 : i32
    %add3A_45 = arith.addi %mul3A_43, %add3A_44 : i32
    %add3A_46 = arith.constant 0 : i32
    %add3A_47 = arith.addi %add3A_45, %add3A_46 : i32
    %dma_start3A_48 = arith.constant 0 : i32
    %dma_start3A_49 = tpu.memref_slice %arg4[%add3A_47] : memref<327680xi32, #tpu.memory_space<hbm>> -> memref<80xi32, #tpu.memory_space<hbm>>
    %dma_start3A_50 = tpu.memref_slice %arg29[%dma_start3A_48] : memref<8x!tpu.dma_semaphore, #tpu.memory_space<semaphore_mem>> -> memref<1x!tpu.dma_semaphore, #tpu.memory_space<semaphore_mem>>
    %dma_start3A_51 = tpu.memref_squeeze %dma_start3A_50 : memref<1x!tpu.dma_semaphore, #tpu.memory_space<semaphore_mem>> -> memref<!tpu.dma_semaphore, #tpu.memory_space<semaphore_mem>>
    %dma_start3A_52 = tpu.memref_slice %arg4[%add3A_47] : memref<327680xi32, #tpu.memory_space<hbm>> -> memref<80xi32, #tpu.memory_space<hbm>>
    tpu.enqueue_dma source(%dma_start3A_52 : memref<80xi32, #tpu.memory_space<hbm>>) target(%arg15 : memref<80xi32, #tpu.memory_space<vmem>>) target_semaphore(%dma_start3A_51 : memref<!tpu.dma_semaphore, #tpu.memory_space<semaphore_mem>>)
    %mul3A_53 = arith.constant 10240 : i32
    %mul3A_54 = arith.muli %add3A, %mul3A_53 : i32
    %add3A_55 = arith.constant 320 : i32
    %add3A_56 = arith.addi %mul3A_54, %add3A_55 : i32
    %add3A_57 = arith.constant 0 : i32
    %add3A_58 = arith.addi %add3A_56, %add3A_57 : i32
    %dma_start3A_59 = arith.constant 4 : i32
    %dma_start3A_60 = tpu.memref_slice %arg4[%add3A_58] : memref<327680xi32, #tpu.memory_space<hbm>> -> memref<80xi32, #tpu.memory_space<hbm>>
    %dma_start3A_61 = tpu.memref_slice %arg29[%dma_start3A_59] : memref<8x!tpu.dma_semaphore, #tpu.memory_space<semaphore_mem>> -> memref<1x!tpu.dma_semaphore, #tpu.memory_space<semaphore_mem>>
    %dma_start3A_62 = tpu.memref_squeeze %dma_start3A_61 : memref<1x!tpu.dma_semaphore, #tpu.memory_space<semaphore_mem>> -> memref<!tpu.dma_semaphore, #tpu.memory_space<semaphore_mem>>
    %dma_start3A_63 = tpu.memref_slice %arg4[%add3A_58] : memref<327680xi32, #tpu.memory_space<hbm>> -> memref<80xi32, #tpu.memory_space<hbm>>
    tpu.enqueue_dma source(%dma_start3A_63 : memref<80xi32, #tpu.memory_space<hbm>>) target(%arg19 : memref<80xi32, #tpu.memory_space<vmem>>) target_semaphore(%dma_start3A_62 : memref<!tpu.dma_semaphore, #tpu.memory_space<semaphore_mem>>)
    %mul3A_64 = arith.constant 10240 : i32
    %mul3A_65 = arith.muli %add3A, %mul3A_64 : i32
    %add3A_66 = arith.constant 0 : i32
    %add3A_67 = arith.addi %mul3A_65, %add3A_66 : i32
    %add3A_68 = arith.constant 80 : i32
    %add3A_69 = arith.addi %add3A_67, %add3A_68 : i32
    %dma_start3A_70 = arith.constant 1 : i32
    %dma_start3A_71 = tpu.memref_slice %arg3[%add3A_69] : memref<327680xi32, #tpu.memory_space<hbm>> -> memref<80xi32, #tpu.memory_space<hbm>>
    %dma_start3A_72 = tpu.memref_slice %arg28[%dma_start3A_70] : memref<8x!tpu.dma_semaphore, #tpu.memory_space<semaphore_mem>> -> memref<1x!tpu.dma_semaphore, #tpu.memory_space<semaphore_mem>>
    %dma_start3A_73 = tpu.memref_squeeze %dma_start3A_72 : memref<1x!tpu.dma_semaphore, #tpu.memory_space<semaphore_mem>> -> memref<!tpu.dma_semaphore, #tpu.memory_space<semaphore_mem>>
    %dma_start3A_74 = tpu.memref_slice %arg3[%add3A_69] : memref<327680xi32, #tpu.memory_space<hbm>> -> memref<80xi32, #tpu.memory_space<hbm>>
    tpu.enqueue_dma source(%dma_start3A_74 : memref<80xi32, #tpu.memory_space<hbm>>) target(%arg8 : memref<80xi32, #tpu.memory_space<vmem>>) target_semaphore(%dma_start3A_73 : memref<!tpu.dma_semaphore, #tpu.memory_space<semaphore_mem>>)
    %mul3A_75 = arith.constant 10240 : i32
    %mul3A_76 = arith.muli %add3A, %mul3A_75 : i32
    %add3A_77 = arith.constant 320 : i32
    %add3A_78 = arith.addi %mul3A_76, %add3A_77 : i32
    %add3A_79 = arith.constant 80 : i32
    %add3A_80 = arith.addi %add3A_78, %add3A_79 : i32
    %dma_start3A_81 = arith.constant 5 : i32
    %dma_start3A_82 = tpu.memref_slice %arg3[%add3A_80] : memref<327680xi32, #tpu.memory_space<hbm>> -> memref<80xi32, #tpu.memory_space<hbm>>
    %dma_start3A_83 = tpu.memref_slice %arg28[%dma_start3A_81] : memref<8x!tpu.dma_semaphore, #tpu.memory_space<semaphore_mem>> -> memref<1x!tpu.dma_semaphore, #tpu.memory_space<semaphore_mem>>
    %dma_start3A_84 = tpu.memref_squeeze %dma_start3A_83 : memref<1x!tpu.dma_semaphore, #tpu.memory_space<semaphore_mem>> -> memref<!tpu.dma_semaphore, #tpu.memory_space<semaphore_mem>>
    %dma_start3A_85 = tpu.memref_slice %arg3[%add3A_80] : memref<327680xi32, #tpu.memory_space<hbm>> -> memref<80xi32, #tpu.memory_space<hbm>>
    tpu.enqueue_dma source(%dma_start3A_85 : memref<80xi32, #tpu.memory_space<hbm>>) target(%arg12 : memref<80xi32, #tpu.memory_space<vmem>>) target_semaphore(%dma_start3A_84 : memref<!tpu.dma_semaphore, #tpu.memory_space<semaphore_mem>>)
    %mul3A_86 = arith.constant 10240 : i32
    %mul3A_87 = arith.muli %add3A, %mul3A_86 : i32
    %add3A_88 = arith.constant 0 : i32
    %add3A_89 = arith.addi %mul3A_87, %add3A_88 : i32
    %add3A_90 = arith.constant 80 : i32
    %add3A_91 = arith.addi %add3A_89, %add3A_90 : i32
    %dma_start3A_92 = arith.constant 1 : i32
    %dma_start3A_93 = tpu.memref_slice %arg4[%add3A_91] : memref<327680xi32, #tpu.memory_space<hbm>> -> memref<80xi32, #tpu.memory_space<hbm>>
    %dma_start3A_94 = tpu.memref_slice %arg29[%dma_start3A_92] : memref<8x!tpu.dma_semaphore, #tpu.memory_space<semaphore_mem>> -> memref<1x!tpu.dma_semaphore, #tpu.memory_space<semaphore_mem>>
    %dma_start3A_95 = tpu.memref_squeeze %dma_start3A_94 : memref<1x!tpu.dma_semaphore, #tpu.memory_space<semaphore_mem>> -> memref<!tpu.dma_semaphore, #tpu.memory_space<semaphore_mem>>
    %dma_start3A_96 = tpu.memref_slice %arg4[%add3A_91] : memref<327680xi32, #tpu.memory_space<hbm>> -> memref<80xi32, #tpu.memory_space<hbm>>
    tpu.enqueue_dma source(%dma_start3A_96 : memref<80xi32, #tpu.memory_space<hbm>>) target(%arg16 : memref<80xi32, #tpu.memory_space<vmem>>) target_semaphore(%dma_start3A_95 : memref<!tpu.dma_semaphore, #tpu.memory_space<semaphore_mem>>)
    %mul3A_97 = arith.constant 10240 : i32
    %mul3A_98 = arith.muli %add3A, %mul3A_97 : i32
    %add3A_99 = arith.constant 320 : i32
    %add3A_100 = arith.addi %mul3A_98, %add3A_99 : i32
    %add3A_101 = arith.constant 80 : i32
    %add3A_102 = arith.addi %add3A_100, %add3A_101 : i32
    %dma_start3A_103 = arith.constant 5 : i32
    %dma_start3A_104 = tpu.memref_slice %arg4[%add3A_102] : memref<327680xi32, #tpu.memory_space<hbm>> -> memref<80xi32, #tpu.memory_space<hbm>>
    %dma_start3A_105 = tpu.memref_slice %arg29[%dma_start3A_103] : memref<8x!tpu.dma_semaphore, #tpu.memory_space<semaphore_mem>> -> memref<1x!tpu.dma_semaphore, #tpu.memory_space<semaphore_mem>>
    %dma_start3A_106 = tpu.memref_squeeze %dma_start3A_105 : memref<1x!tpu.dma_semaphore, #tpu.memory_space<semaphore_mem>> -> memref<!tpu.dma_semaphore, #tpu.memory_space<semaphore_mem>>
    %dma_start3A_107 = tpu.memref_slice %arg4[%add3A_102] : memref<327680xi32, #tpu.memory_space<hbm>> -> memref<80xi32, #tpu.memory_space<hbm>>
    tpu.enqueue_dma source(%dma_start3A_107 : memref<80xi32, #tpu.memory_space<hbm>>) target(%arg20 : memref<80xi32, #tpu.memory_space<vmem>>) target_semaphore(%dma_start3A_106 : memref<!tpu.dma_semaphore, #tpu.memory_space<semaphore_mem>>)
    %mul3A_108 = arith.constant 10240 : i32
    %mul3A_109 = arith.muli %add3A, %mul3A_108 : i32
    %add3A_110 = arith.constant 0 : i32
    %add3A_111 = arith.addi %mul3A_109, %add3A_110 : i32
    %add3A_112 = arith.constant 160 : i32
    %add3A_113 = arith.addi %add3A_111, %add3A_112 : i32
    %dma_start3A_114 = arith.constant 2 : i32
    %dma_start3A_115 = tpu.memref_slice %arg3[%add3A_113] : memref<327680xi32, #tpu.memory_space<hbm>> -> memref<80xi32, #tpu.memory_space<hbm>>
    %dma_start3A_116 = tpu.memref_slice %arg28[%dma_start3A_114] : memref<8x!tpu.dma_semaphore, #tpu.memory_space<semaphore_mem>> -> memref<1x!tpu.dma_semaphore, #tpu.memory_space<semaphore_mem>>
    %dma_start3A_117 = tpu.memref_squeeze %dma_start3A_116 : memref<1x!tpu.dma_semaphore, #tpu.memory_space<semaphore_mem>> -> memref<!tpu.dma_semaphore, #tpu.memory_space<semaphore_mem>>
    %dma_start3A_118 = tpu.memref_slice %arg3[%add3A_113] : memref<327680xi32, #tpu.memory_space<hbm>> -> memref<80xi32, #tpu.memory_space<hbm>>
    tpu.enqueue_dma source(%dma_start3A_118 : memref<80xi32, #tpu.memory_space<hbm>>) target(%arg9 : memref<80xi32, #tpu.memory_space<vmem>>) target_semaphore(%dma_start3A_117 : memref<!tpu.dma_semaphore, #tpu.memory_space<semaphore_mem>>)
    %mul3A_119 = arith.constant 10240 : i32
    %mul3A_120 = arith.muli %add3A, %mul3A_119 : i32
    %add3A_121 = arith.constant 320 : i32
    %add3A_122 = arith.addi %mul3A_120, %add3A_121 : i32
    %add3A_123 = arith.constant 160 : i32
    %add3A_124 = arith.addi %add3A_122, %add3A_123 : i32
    %dma_start3A_125 = arith.constant 6 : i32
    %dma_start3A_126 = tpu.memref_slice %arg3[%add3A_124] : memref<327680xi32, #tpu.memory_space<hbm>> -> memref<80xi32, #tpu.memory_space<hbm>>
    %dma_start3A_127 = tpu.memref_slice %arg28[%dma_start3A_125] : memref<8x!tpu.dma_semaphore, #tpu.memory_space<semaphore_mem>> -> memref<1x!tpu.dma_semaphore, #tpu.memory_space<semaphore_mem>>
    %dma_start3A_128 = tpu.memref_squeeze %dma_start3A_127 : memref<1x!tpu.dma_semaphore, #tpu.memory_space<semaphore_mem>> -> memref<!tpu.dma_semaphore, #tpu.memory_space<semaphore_mem>>
    %dma_start3A_129 = tpu.memref_slice %arg3[%add3A_124] : memref<327680xi32, #tpu.memory_space<hbm>> -> memref<80xi32, #tpu.memory_space<hbm>>
    tpu.enqueue_dma source(%dma_start3A_129 : memref<80xi32, #tpu.memory_space<hbm>>) target(%arg13 : memref<80xi32, #tpu.memory_space<vmem>>) target_semaphore(%dma_start3A_128 : memref<!tpu.dma_semaphore, #tpu.memory_space<semaphore_mem>>)
    %mul3A_130 = arith.constant 10240 : i32
    %mul3A_131 = arith.muli %add3A, %mul3A_130 : i32
    %add3A_132 = arith.constant 0 : i32
    %add3A_133 = arith.addi %mul3A_131, %add3A_132 : i32
    %add3A_134 = arith.constant 160 : i32
    %add3A_135 = arith.addi %add3A_133, %add3A_134 : i32
    %dma_start3A_136 = arith.constant 2 : i32
    %dma_start3A_137 = tpu.memref_slice %arg4[%add3A_135] : memref<327680xi32, #tpu.memory_space<hbm>> -> memref<80xi32, #tpu.memory_space<hbm>>
    %dma_start3A_138 = tpu.memref_slice %arg29[%dma_start3A_136] : memref<8x!tpu.dma_semaphore, #tpu.memory_space<semaphore_mem>> -> memref<1x!tpu.dma_semaphore, #tpu.memory_space<semaphore_mem>>
    %dma_start3A_139 = tpu.memref_squeeze %dma_start3A_138 : memref<1x!tpu.dma_semaphore, #tpu.memory_space<semaphore_mem>> -> memref<!tpu.dma_semaphore, #tpu.memory_space<semaphore_mem>>
    %dma_start3A_140 = tpu.memref_slice %arg4[%add3A_135] : memref<327680xi32, #tpu.memory_space<hbm>> -> memref<80xi32, #tpu.memory_space<hbm>>
    tpu.enqueue_dma source(%dma_start3A_140 : memref<80xi32, #tpu.memory_space<hbm>>) target(%arg17 : memref<80xi32, #tpu.memory_space<vmem>>) target_semaphore(%dma_start3A_139 : memref<!tpu.dma_semaphore, #tpu.memory_space<semaphore_mem>>)
    %mul3A_141 = arith.constant 10240 : i32
    %mul3A_142 = arith.muli %add3A, %mul3A_141 : i32
    %add3A_143 = arith.constant 320 : i32
    %add3A_144 = arith.addi %mul3A_142, %add3A_143 : i32
    %add3A_145 = arith.constant 160 : i32
    %add3A_146 = arith.addi %add3A_144, %add3A_145 : i32
    %dma_start3A_147 = arith.constant 6 : i32
    %dma_start3A_148 = tpu.memref_slice %arg4[%add3A_146] : memref<327680xi32, #tpu.memory_space<hbm>> -> memref<80xi32, #tpu.memory_space<hbm>>
    %dma_start3A_149 = tpu.memref_slice %arg29[%dma_start3A_147] : memref<8x!tpu.dma_semaphore, #tpu.memory_space<semaphore_mem>> -> memref<1x!tpu.dma_semaphore, #tpu.memory_space<semaphore_mem>>
    %dma_start3A_150 = tpu.memref_squeeze %dma_start3A_149 : memref<1x!tpu.dma_semaphore, #tpu.memory_space<semaphore_mem>> -> memref<!tpu.dma_semaphore, #tpu.memory_space<semaphore_mem>>
    %dma_start3A_151 = tpu.memref_slice %arg4[%add3A_146] : memref<327680xi32, #tpu.memory_space<hbm>> -> memref<80xi32, #tpu.memory_space<hbm>>
    tpu.enqueue_dma source(%dma_start3A_151 : memref<80xi32, #tpu.memory_space<hbm>>) target(%arg21 : memref<80xi32, #tpu.memory_space<vmem>>) target_semaphore(%dma_start3A_150 : memref<!tpu.dma_semaphore, #tpu.memory_space<semaphore_mem>>)
    %mul3A_152 = arith.constant 10240 : i32
    %mul3A_153 = arith.muli %add3A, %mul3A_152 : i32
    %add3A_154 = arith.constant 0 : i32
    %add3A_155 = arith.addi %mul3A_153, %add3A_154 : i32
    %add3A_156 = arith.constant 240 : i32
    %add3A_157 = arith.addi %add3A_155, %add3A_156 : i32
    %dma_start3A_158 = arith.constant 3 : i32
    %dma_start3A_159 = tpu.memref_slice %arg3[%add3A_157] : memref<327680xi32, #tpu.memory_space<hbm>> -> memref<80xi32, #tpu.memory_space<hbm>>
    %dma_start3A_160 = tpu.memref_slice %arg28[%dma_start3A_158] : memref<8x!tpu.dma_semaphore, #tpu.memory_space<semaphore_mem>> -> memref<1x!tpu.dma_semaphore, #tpu.memory_space<semaphore_mem>>
    %dma_start3A_161 = tpu.memref_squeeze %dma_start3A_160 : memref<1x!tpu.dma_semaphore, #tpu.memory_space<semaphore_mem>> -> memref<!tpu.dma_semaphore, #tpu.memory_space<semaphore_mem>>
    %dma_start3A_162 = tpu.memref_slice %arg3[%add3A_157] : memref<327680xi32, #tpu.memory_space<hbm>> -> memref<80xi32, #tpu.memory_space<hbm>>
    tpu.enqueue_dma source(%dma_start3A_162 : memref<80xi32, #tpu.memory_space<hbm>>) target(%arg10 : memref<80xi32, #tpu.memory_space<vmem>>) target_semaphore(%dma_start3A_161 : memref<!tpu.dma_semaphore, #tpu.memory_space<semaphore_mem>>)
    %mul3A_163 = arith.constant 10240 : i32
    %mul3A_164 = arith.muli %add3A, %mul3A_163 : i32
    %add3A_165 = arith.constant 320 : i32
    %add3A_166 = arith.addi %mul3A_164, %add3A_165 : i32
    %add3A_167 = arith.constant 240 : i32
    %add3A_168 = arith.addi %add3A_166, %add3A_167 : i32
    %dma_start3A_169 = arith.constant 7 : i32
    %dma_start3A_170 = tpu.memref_slice %arg3[%add3A_168] : memref<327680xi32, #tpu.memory_space<hbm>> -> memref<80xi32, #tpu.memory_space<hbm>>
    %dma_start3A_171 = tpu.memref_slice %arg28[%dma_start3A_169] : memref<8x!tpu.dma_semaphore, #tpu.memory_space<semaphore_mem>> -> memref<1x!tpu.dma_semaphore, #tpu.memory_space<semaphore_mem>>
    %dma_start3A_172 = tpu.memref_squeeze %dma_start3A_171 : memref<1x!tpu.dma_semaphore, #tpu.memory_space<semaphore_mem>> -> memref<!tpu.dma_semaphore, #tpu.memory_space<semaphore_mem>>
    %dma_start3A_173 = tpu.memref_slice %arg3[%add3A_168] : memref<327680xi32, #tpu.memory_space<hbm>> -> memref<80xi32, #tpu.memory_space<hbm>>
    tpu.enqueue_dma source(%dma_start3A_173 : memref<80xi32, #tpu.memory_space<hbm>>) target(%arg14 : memref<80xi32, #tpu.memory_space<vmem>>) target_semaphore(%dma_start3A_172 : memref<!tpu.dma_semaphore, #tpu.memory_space<semaphore_mem>>)
    %mul3A_174 = arith.constant 10240 : i32
    %mul3A_175 = arith.muli %add3A, %mul3A_174 : i32
    %add3A_176 = arith.constant 0 : i32
    %add3A_177 = arith.addi %mul3A_175, %add3A_176 : i32
    %add3A_178 = arith.constant 240 : i32
    %add3A_179 = arith.addi %add3A_177, %add3A_178 : i32
    %dma_start3A_180 = arith.constant 3 : i32
    %dma_start3A_181 = tpu.memref_slice %arg4[%add3A_179] : memref<327680xi32, #tpu.memory_space<hbm>> -> memref<80xi32, #tpu.memory_space<hbm>>
    %dma_start3A_182 = tpu.memref_slice %arg29[%dma_start3A_180] : memref<8x!tpu.dma_semaphore, #tpu.memory_space<semaphore_mem>> -> memref<1x!tpu.dma_semaphore, #tpu.memory_space<semaphore_mem>>
    %dma_start3A_183 = tpu.memref_squeeze %dma_start3A_182 : memref<1x!tpu.dma_semaphore, #tpu.memory_space<semaphore_mem>> -> memref<!tpu.dma_semaphore, #tpu.memory_space<semaphore_mem>>
    %dma_start3A_184 = tpu.memref_slice %arg4[%add3A_179] : memref<327680xi32, #tpu.memory_space<hbm>> -> memref<80xi32, #tpu.memory_space<hbm>>
    tpu.enqueue_dma source(%dma_start3A_184 : memref<80xi32, #tpu.memory_space<hbm>>) target(%arg18 : memref<80xi32, #tpu.memory_space<vmem>>) target_semaphore(%dma_start3A_183 : memref<!tpu.dma_semaphore, #tpu.memory_space<semaphore_mem>>)
    %mul3A_185 = arith.constant 10240 : i32
    %mul3A_186 = arith.muli %add3A, %mul3A_185 : i32
    %add3A_187 = arith.constant 320 : i32
    %add3A_188 = arith.addi %mul3A_186, %add3A_187 : i32
    %add3A_189 = arith.constant 240 : i32
    %add3A_190 = arith.addi %add3A_188, %add3A_189 : i32
    %dma_start3A_191 = arith.constant 7 : i32
    %dma_start3A_192 = tpu.memref_slice %arg4[%add3A_190] : memref<327680xi32, #tpu.memory_space<hbm>> -> memref<80xi32, #tpu.memory_space<hbm>>
    %dma_start3A_193 = tpu.memref_slice %arg29[%dma_start3A_191] : memref<8x!tpu.dma_semaphore, #tpu.memory_space<semaphore_mem>> -> memref<1x!tpu.dma_semaphore, #tpu.memory_space<semaphore_mem>>
    %dma_start3A_194 = tpu.memref_squeeze %dma_start3A_193 : memref<1x!tpu.dma_semaphore, #tpu.memory_space<semaphore_mem>> -> memref<!tpu.dma_semaphore, #tpu.memory_space<semaphore_mem>>
    %dma_start3A_195 = tpu.memref_slice %arg4[%add3A_190] : memref<327680xi32, #tpu.memory_space<hbm>> -> memref<80xi32, #tpu.memory_space<hbm>>
    tpu.enqueue_dma source(%dma_start3A_195 : memref<80xi32, #tpu.memory_space<hbm>>) target(%arg22 : memref<80xi32, #tpu.memory_space<vmem>>) target_semaphore(%dma_start3A_194 : memref<!tpu.dma_semaphore, #tpu.memory_space<semaphore_mem>>)
    %barrier3A = arith.constant 0 : index
    tpu.barrier barrier_id(%barrier3A)
    %mul3A_196 = arith.constant 10240 : i32
    %mul3A_197 = arith.muli %add3A, %mul3A_196 : i32
    %add3A_198 = arith.constant 0 : i32
    %add3A_199 = arith.addi %mul3A_197, %add3A_198 : i32
    %add3A_200 = arith.constant 0 : i32
    %add3A_201 = arith.addi %add3A_199, %add3A_200 : i32
    %dma_wait3A = arith.constant 0 : i32
    %dma_wait3A_202 = tpu.memref_slice %arg3[%add3A_201] : memref<327680xi32, #tpu.memory_space<hbm>> -> memref<80xi32, #tpu.memory_space<hbm>>
    %dma_wait3A_203 = tpu.memref_slice %arg28[%dma_wait3A] : memref<8x!tpu.dma_semaphore, #tpu.memory_space<semaphore_mem>> -> memref<1x!tpu.dma_semaphore, #tpu.memory_space<semaphore_mem>>
    %dma_wait3A_204 = tpu.memref_squeeze %dma_wait3A_203 : memref<1x!tpu.dma_semaphore, #tpu.memory_space<semaphore_mem>> -> memref<!tpu.dma_semaphore, #tpu.memory_space<semaphore_mem>>
    %dma_wait3A_205 = tpu.memref_slice %arg3[%add3A_201] : memref<327680xi32, #tpu.memory_space<hbm>> -> memref<80xi32, #tpu.memory_space<hbm>>
    tpu.wait_dma2 semaphore(%dma_wait3A_204 : memref<!tpu.dma_semaphore, #tpu.memory_space<semaphore_mem>>) src(%dma_wait3A_205 : memref<80xi32, #tpu.memory_space<hbm>>) dst(%arg7 : memref<80xi32, #tpu.memory_space<vmem>>)
    %dma_start3A_206 = arith.constant 0 : i32
    %dma_start3A_207 = arith.constant 0 : i32
    %dma_start3A_208 = arith.constant 0 : i32
    %dma_start3A_209 = tpu.memref_slice %arg2[%dma_start3A_207, %dma_start3A_208] : memref<10000x128xf32, #tpu.memory_space<hbm>> -> memref<10000x128xf32, #tpu.memory_space<hbm>>
    %dma_start3A_210 = tpu.memref_slice %arg30[%dma_start3A_206] : memref<4x!tpu.dma_semaphore, #tpu.memory_space<semaphore_mem>> -> memref<1x!tpu.dma_semaphore, #tpu.memory_space<semaphore_mem>>
    %dma_start3A_211 = tpu.memref_squeeze %dma_start3A_210 : memref<1x!tpu.dma_semaphore, #tpu.memory_space<semaphore_mem>> -> memref<!tpu.dma_semaphore, #tpu.memory_space<semaphore_mem>>
    tpu.enqueue_indirect_dma source(%dma_start3A_209 : memref<10000x128xf32, #tpu.memory_space<hbm>>) target(%arg23 : memref<80x128xf32, #tpu.memory_space<vmem>>) offsets(%arg7 : memref<80xi32, #tpu.memory_space<vmem>>) semaphore(%dma_start3A_211 : memref<!tpu.dma_semaphore, #tpu.memory_space<semaphore_mem>>)
    %mul3A_212 = arith.constant 10240 : i32
    %mul3A_213 = arith.muli %add3A, %mul3A_212 : i32
    %add3A_214 = arith.constant 0 : i32
    %add3A_215 = arith.addi %mul3A_213, %add3A_214 : i32
    %add3A_216 = arith.constant 80 : i32
    %add3A_217 = arith.addi %add3A_215, %add3A_216 : i32
    %dma_wait3A_218 = arith.constant 1 : i32
    %dma_wait3A_219 = tpu.memref_slice %arg3[%add3A_217] : memref<327680xi32, #tpu.memory_space<hbm>> -> memref<80xi32, #tpu.memory_space<hbm>>
    %dma_wait3A_220 = tpu.memref_slice %arg28[%dma_wait3A_218] : memref<8x!tpu.dma_semaphore, #tpu.memory_space<semaphore_mem>> -> memref<1x!tpu.dma_semaphore, #tpu.memory_space<semaphore_mem>>
    %dma_wait3A_221 = tpu.memref_squeeze %dma_wait3A_220 : memref<1x!tpu.dma_semaphore, #tpu.memory_space<semaphore_mem>> -> memref<!tpu.dma_semaphore, #tpu.memory_space<semaphore_mem>>
    %dma_wait3A_222 = tpu.memref_slice %arg3[%add3A_217] : memref<327680xi32, #tpu.memory_space<hbm>> -> memref<80xi32, #tpu.memory_space<hbm>>
    tpu.wait_dma2 semaphore(%dma_wait3A_221 : memref<!tpu.dma_semaphore, #tpu.memory_space<semaphore_mem>>) src(%dma_wait3A_222 : memref<80xi32, #tpu.memory_space<hbm>>) dst(%arg8 : memref<80xi32, #tpu.memory_space<vmem>>)
    %dma_start3A_223 = arith.constant 1 : i32
    %dma_start3A_224 = arith.constant 0 : i32
    %dma_start3A_225 = arith.constant 0 : i32
    %dma_start3A_226 = tpu.memref_slice %arg2[%dma_start3A_224, %dma_start3A_225] : memref<10000x128xf32, #tpu.memory_space<hbm>> -> memref<10000x128xf32, #tpu.memory_space<hbm>>
    %dma_start3A_227 = tpu.memref_slice %arg30[%dma_start3A_223] : memref<4x!tpu.dma_semaphore, #tpu.memory_space<semaphore_mem>> -> memref<1x!tpu.dma_semaphore, #tpu.memory_space<semaphore_mem>>
    %dma_start3A_228 = tpu.memref_squeeze %dma_start3A_227 : memref<1x!tpu.dma_semaphore, #tpu.memory_space<semaphore_mem>> -> memref<!tpu.dma_semaphore, #tpu.memory_space<semaphore_mem>>
    tpu.enqueue_indirect_dma source(%dma_start3A_226 : memref<10000x128xf32, #tpu.memory_space<hbm>>) target(%arg24 : memref<80x128xf32, #tpu.memory_space<vmem>>) offsets(%arg8 : memref<80xi32, #tpu.memory_space<vmem>>) semaphore(%dma_start3A_228 : memref<!tpu.dma_semaphore, #tpu.memory_space<semaphore_mem>>)
    %mul3A_229 = arith.constant 10240 : i32
    %mul3A_230 = arith.muli %add3A, %mul3A_229 : i32
    %add3A_231 = arith.constant 0 : i32
    %add3A_232 = arith.addi %mul3A_230, %add3A_231 : i32
    %add3A_233 = arith.constant 160 : i32
    %add3A_234 = arith.addi %add3A_232, %add3A_233 : i32
    %dma_wait3A_235 = arith.constant 2 : i32
    %dma_wait3A_236 = tpu.memref_slice %arg3[%add3A_234] : memref<327680xi32, #tpu.memory_space<hbm>> -> memref<80xi32, #tpu.memory_space<hbm>>
    %dma_wait3A_237 = tpu.memref_slice %arg28[%dma_wait3A_235] : memref<8x!tpu.dma_semaphore, #tpu.memory_space<semaphore_mem>> -> memref<1x!tpu.dma_semaphore, #tpu.memory_space<semaphore_mem>>
    %dma_wait3A_238 = tpu.memref_squeeze %dma_wait3A_237 : memref<1x!tpu.dma_semaphore, #tpu.memory_space<semaphore_mem>> -> memref<!tpu.dma_semaphore, #tpu.memory_space<semaphore_mem>>
    %dma_wait3A_239 = tpu.memref_slice %arg3[%add3A_234] : memref<327680xi32, #tpu.memory_space<hbm>> -> memref<80xi32, #tpu.memory_space<hbm>>
    tpu.wait_dma2 semaphore(%dma_wait3A_238 : memref<!tpu.dma_semaphore, #tpu.memory_space<semaphore_mem>>) src(%dma_wait3A_239 : memref<80xi32, #tpu.memory_space<hbm>>) dst(%arg9 : memref<80xi32, #tpu.memory_space<vmem>>)
    %dma_start3A_240 = arith.constant 2 : i32
    %dma_start3A_241 = arith.constant 0 : i32
    %dma_start3A_242 = arith.constant 0 : i32
    %dma_start3A_243 = tpu.memref_slice %arg2[%dma_start3A_241, %dma_start3A_242] : memref<10000x128xf32, #tpu.memory_space<hbm>> -> memref<10000x128xf32, #tpu.memory_space<hbm>>
    %dma_start3A_244 = tpu.memref_slice %arg30[%dma_start3A_240] : memref<4x!tpu.dma_semaphore, #tpu.memory_space<semaphore_mem>> -> memref<1x!tpu.dma_semaphore, #tpu.memory_space<semaphore_mem>>
    %dma_start3A_245 = tpu.memref_squeeze %dma_start3A_244 : memref<1x!tpu.dma_semaphore, #tpu.memory_space<semaphore_mem>> -> memref<!tpu.dma_semaphore, #tpu.memory_space<semaphore_mem>>
    tpu.enqueue_indirect_dma source(%dma_start3A_243 : memref<10000x128xf32, #tpu.memory_space<hbm>>) target(%arg25 : memref<80x128xf32, #tpu.memory_space<vmem>>) offsets(%arg9 : memref<80xi32, #tpu.memory_space<vmem>>) semaphore(%dma_start3A_245 : memref<!tpu.dma_semaphore, #tpu.memory_space<semaphore_mem>>)
    %mul3A_246 = arith.constant 10240 : i32
    %mul3A_247 = arith.muli %add3A, %mul3A_246 : i32
    %add3A_248 = arith.constant 0 : i32
    %add3A_249 = arith.addi %mul3A_247, %add3A_248 : i32
    %add3A_250 = arith.constant 240 : i32
    %add3A_251 = arith.addi %add3A_249, %add3A_250 : i32
    %dma_wait3A_252 = arith.constant 3 : i32
    %dma_wait3A_253 = tpu.memref_slice %arg3[%add3A_251] : memref<327680xi32, #tpu.memory_space<hbm>> -> memref<80xi32, #tpu.memory_space<hbm>>
    %dma_wait3A_254 = tpu.memref_slice %arg28[%dma_wait3A_252] : memref<8x!tpu.dma_semaphore, #tpu.memory_space<semaphore_mem>> -> memref<1x!tpu.dma_semaphore, #tpu.memory_space<semaphore_mem>>
    %dma_wait3A_255 = tpu.memref_squeeze %dma_wait3A_254 : memref<1x!tpu.dma_semaphore, #tpu.memory_space<semaphore_mem>> -> memref<!tpu.dma_semaphore, #tpu.memory_space<semaphore_mem>>
    %dma_wait3A_256 = tpu.memref_slice %arg3[%add3A_251] : memref<327680xi32, #tpu.memory_space<hbm>> -> memref<80xi32, #tpu.memory_space<hbm>>
    tpu.wait_dma2 semaphore(%dma_wait3A_255 : memref<!tpu.dma_semaphore, #tpu.memory_space<semaphore_mem>>) src(%dma_wait3A_256 : memref<80xi32, #tpu.memory_space<hbm>>) dst(%arg10 : memref<80xi32, #tpu.memory_space<vmem>>)
    %dma_start3A_257 = arith.constant 3 : i32
    %dma_start3A_258 = arith.constant 0 : i32
    %dma_start3A_259 = arith.constant 0 : i32
    %dma_start3A_260 = tpu.memref_slice %arg2[%dma_start3A_258, %dma_start3A_259] : memref<10000x128xf32, #tpu.memory_space<hbm>> -> memref<10000x128xf32, #tpu.memory_space<hbm>>
    %dma_start3A_261 = tpu.memref_slice %arg30[%dma_start3A_257] : memref<4x!tpu.dma_semaphore, #tpu.memory_space<semaphore_mem>> -> memref<1x!tpu.dma_semaphore, #tpu.memory_space<semaphore_mem>>
    %dma_start3A_262 = tpu.memref_squeeze %dma_start3A_261 : memref<1x!tpu.dma_semaphore, #tpu.memory_space<semaphore_mem>> -> memref<!tpu.dma_semaphore, #tpu.memory_space<semaphore_mem>>
    tpu.enqueue_indirect_dma source(%dma_start3A_260 : memref<10000x128xf32, #tpu.memory_space<hbm>>) target(%arg26 : memref<80x128xf32, #tpu.memory_space<vmem>>) offsets(%arg10 : memref<80xi32, #tpu.memory_space<vmem>>) semaphore(%dma_start3A_262 : memref<!tpu.dma_semaphore, #tpu.memory_space<semaphore_mem>>)
    %scan3A = arith.constant 0 : i32
    %scan3A_263 = arith.constant 0 : i32
    %scan3A_264 = arith.constant 15 : i32
    %scan3A_265 = arith.addi %scan3A_263, %scan3A_264 : i32
    %scan3A_266 = arith.constant 1 : i32
    scf.for %scan3A_573 = %scan3A_263 to %scan3A_265 step %scan3A_266  : i32 {
      %mul3A_574 = arith.constant 2 : i32
      %mul3A_575 = arith.muli %mul3A_574, %scan3A_573 : i32
      %mul3A_576 = arith.constant 2 : i32
      %mul3A_577 = arith.muli %mul3A_576, %scan3A_573 : i32
      %add3A_578 = arith.constant 2 : i32
      %add3A_579 = arith.addi %mul3A_577, %add3A_578 : i32
      %dma_wait3A_580 = arith.constant 0 : i32
      %dma_wait3A_581 = arith.constant 0 : i32
      %dma_wait3A_582 = arith.constant 0 : i32
      %dma_wait3A_583 = tpu.memref_slice %arg2[%dma_wait3A_581, %dma_wait3A_582] : memref<10000x128xf32, #tpu.memory_space<hbm>> -> memref<10000x128xf32, #tpu.memory_space<hbm>>
      %dma_wait3A_584 = tpu.memref_slice %arg30[%dma_wait3A_580] : memref<4x!tpu.dma_semaphore, #tpu.memory_space<semaphore_mem>> -> memref<1x!tpu.dma_semaphore, #tpu.memory_space<semaphore_mem>>
      %dma_wait3A_585 = tpu.memref_squeeze %dma_wait3A_584 : memref<1x!tpu.dma_semaphore, #tpu.memory_space<semaphore_mem>> -> memref<!tpu.dma_semaphore, #tpu.memory_space<semaphore_mem>>
      tpu.wait_indirect_dma semaphore(%dma_wait3A_585 : memref<!tpu.dma_semaphore, #tpu.memory_space<semaphore_mem>>) src(%dma_wait3A_583 : memref<10000x128xf32, #tpu.memory_space<hbm>>) dst(%arg23 : memref<80x128xf32, #tpu.memory_space<vmem>>)
      %dma_wait3A_586 = arith.constant 1 : i32
      %dma_wait3A_587 = arith.constant 0 : i32
      %dma_wait3A_588 = arith.constant 0 : i32
      %dma_wait3A_589 = tpu.memref_slice %arg2[%dma_wait3A_587, %dma_wait3A_588] : memref<10000x128xf32, #tpu.memory_space<hbm>> -> memref<10000x128xf32, #tpu.memory_space<hbm>>
      %dma_wait3A_590 = tpu.memref_slice %arg30[%dma_wait3A_586] : memref<4x!tpu.dma_semaphore, #tpu.memory_space<semaphore_mem>> -> memref<1x!tpu.dma_semaphore, #tpu.memory_space<semaphore_mem>>
      %dma_wait3A_591 = tpu.memref_squeeze %dma_wait3A_590 : memref<1x!tpu.dma_semaphore, #tpu.memory_space<semaphore_mem>> -> memref<!tpu.dma_semaphore, #tpu.memory_space<semaphore_mem>>
      tpu.wait_indirect_dma semaphore(%dma_wait3A_591 : memref<!tpu.dma_semaphore, #tpu.memory_space<semaphore_mem>>) src(%dma_wait3A_589 : memref<10000x128xf32, #tpu.memory_space<hbm>>) dst(%arg24 : memref<80x128xf32, #tpu.memory_space<vmem>>)
      %dma_wait3A_592 = arith.constant 2 : i32
      %dma_wait3A_593 = arith.constant 0 : i32
      %dma_wait3A_594 = arith.constant 0 : i32
      %dma_wait3A_595 = tpu.memref_slice %arg2[%dma_wait3A_593, %dma_wait3A_594] : memref<10000x128xf32, #tpu.memory_space<hbm>> -> memref<10000x128xf32, #tpu.memory_space<hbm>>
      %dma_wait3A_596 = tpu.memref_slice %arg30[%dma_wait3A_592] : memref<4x!tpu.dma_semaphore, #tpu.memory_space<semaphore_mem>> -> memref<1x!tpu.dma_semaphore, #tpu.memory_space<semaphore_mem>>
      %dma_wait3A_597 = tpu.memref_squeeze %dma_wait3A_596 : memref<1x!tpu.dma_semaphore, #tpu.memory_space<semaphore_mem>> -> memref<!tpu.dma_semaphore, #tpu.memory_space<semaphore_mem>>
      tpu.wait_indirect_dma semaphore(%dma_wait3A_597 : memref<!tpu.dma_semaphore, #tpu.memory_space<semaphore_mem>>) src(%dma_wait3A_595 : memref<10000x128xf32, #tpu.memory_space<hbm>>) dst(%arg25 : memref<80x128xf32, #tpu.memory_space<vmem>>)
      %dma_wait3A_598 = arith.constant 3 : i32
      %dma_wait3A_599 = arith.constant 0 : i32
      %dma_wait3A_600 = arith.constant 0 : i32
      %dma_wait3A_601 = tpu.memref_slice %arg2[%dma_wait3A_599, %dma_wait3A_600] : memref<10000x128xf32, #tpu.memory_space<hbm>> -> memref<10000x128xf32, #tpu.memory_space<hbm>>
      %dma_wait3A_602 = tpu.memref_slice %arg30[%dma_wait3A_598] : memref<4x!tpu.dma_semaphore, #tpu.memory_space<semaphore_mem>> -> memref<1x!tpu.dma_semaphore, #tpu.memory_space<semaphore_mem>>
      %dma_wait3A_603 = tpu.memref_squeeze %dma_wait3A_602 : memref<1x!tpu.dma_semaphore, #tpu.memory_space<semaphore_mem>> -> memref<!tpu.dma_semaphore, #tpu.memory_space<semaphore_mem>>
      tpu.wait_indirect_dma semaphore(%dma_wait3A_603 : memref<!tpu.dma_semaphore, #tpu.memory_space<semaphore_mem>>) src(%dma_wait3A_601 : memref<10000x128xf32, #tpu.memory_space<hbm>>) dst(%arg26 : memref<80x128xf32, #tpu.memory_space<vmem>>)
      %mul3A_604 = arith.constant 10240 : i32
      %mul3A_605 = arith.muli %add3A, %mul3A_604 : i32
      %mul3A_606 = arith.constant 320 : i32
      %mul3A_607 = arith.muli %mul3A_575, %mul3A_606 : i32
      %add3A_608 = arith.addi %mul3A_605, %mul3A_607 : i32
      %add3A_609 = arith.constant 0 : i32
      %add3A_610 = arith.addi %add3A_608, %add3A_609 : i32
      %dma_wait3A_611 = arith.constant 0 : i32
      %dma_wait3A_612 = tpu.memref_slice %arg4[%add3A_610] : memref<327680xi32, #tpu.memory_space<hbm>> -> memref<80xi32, #tpu.memory_space<hbm>>
      %dma_wait3A_613 = tpu.memref_slice %arg29[%dma_wait3A_611] : memref<8x!tpu.dma_semaphore, #tpu.memory_space<semaphore_mem>> -> memref<1x!tpu.dma_semaphore, #tpu.memory_space<semaphore_mem>>
      %dma_wait3A_614 = tpu.memref_squeeze %dma_wait3A_613 : memref<1x!tpu.dma_semaphore, #tpu.memory_space<semaphore_mem>> -> memref<!tpu.dma_semaphore, #tpu.memory_space<semaphore_mem>>
      %dma_wait3A_615 = tpu.memref_slice %arg4[%add3A_610] : memref<327680xi32, #tpu.memory_space<hbm>> -> memref<80xi32, #tpu.memory_space<hbm>>
      tpu.wait_dma2 semaphore(%dma_wait3A_614 : memref<!tpu.dma_semaphore, #tpu.memory_space<semaphore_mem>>) src(%dma_wait3A_615 : memref<80xi32, #tpu.memory_space<hbm>>) dst(%arg15 : memref<80xi32, #tpu.memory_space<vmem>>)
      %mul3A_616 = arith.constant 10240 : i32
      %mul3A_617 = arith.muli %add3A, %mul3A_616 : i32
      %mul3A_618 = arith.constant 320 : i32
      %mul3A_619 = arith.muli %mul3A_575, %mul3A_618 : i32
      %add3A_620 = arith.addi %mul3A_617, %mul3A_619 : i32
      %add3A_621 = arith.constant 80 : i32
      %add3A_622 = arith.addi %add3A_620, %add3A_621 : i32
      %dma_wait3A_623 = arith.constant 1 : i32
      %dma_wait3A_624 = tpu.memref_slice %arg4[%add3A_622] : memref<327680xi32, #tpu.memory_space<hbm>> -> memref<80xi32, #tpu.memory_space<hbm>>
      %dma_wait3A_625 = tpu.memref_slice %arg29[%dma_wait3A_623] : memref<8x!tpu.dma_semaphore, #tpu.memory_space<semaphore_mem>> -> memref<1x!tpu.dma_semaphore, #tpu.memory_space<semaphore_mem>>
      %dma_wait3A_626 = tpu.memref_squeeze %dma_wait3A_625 : memref<1x!tpu.dma_semaphore, #tpu.memory_space<semaphore_mem>> -> memref<!tpu.dma_semaphore, #tpu.memory_space<semaphore_mem>>
      %dma_wait3A_627 = tpu.memref_slice %arg4[%add3A_622] : memref<327680xi32, #tpu.memory_space<hbm>> -> memref<80xi32, #tpu.memory_space<hbm>>
      tpu.wait_dma2 semaphore(%dma_wait3A_626 : memref<!tpu.dma_semaphore, #tpu.memory_space<semaphore_mem>>) src(%dma_wait3A_627 : memref<80xi32, #tpu.memory_space<hbm>>) dst(%arg16 : memref<80xi32, #tpu.memory_space<vmem>>)
      %mul3A_628 = arith.constant 10240 : i32
      %mul3A_629 = arith.muli %add3A, %mul3A_628 : i32
      %mul3A_630 = arith.constant 320 : i32
      %mul3A_631 = arith.muli %mul3A_575, %mul3A_630 : i32
      %add3A_632 = arith.addi %mul3A_629, %mul3A_631 : i32
      %add3A_633 = arith.constant 160 : i32
      %add3A_634 = arith.addi %add3A_632, %add3A_633 : i32
      %dma_wait3A_635 = arith.constant 2 : i32
      %dma_wait3A_636 = tpu.memref_slice %arg4[%add3A_634] : memref<327680xi32, #tpu.memory_space<hbm>> -> memref<80xi32, #tpu.memory_space<hbm>>
      %dma_wait3A_637 = tpu.memref_slice %arg29[%dma_wait3A_635] : memref<8x!tpu.dma_semaphore, #tpu.memory_space<semaphore_mem>> -> memref<1x!tpu.dma_semaphore, #tpu.memory_space<semaphore_mem>>
      %dma_wait3A_638 = tpu.memref_squeeze %dma_wait3A_637 : memref<1x!tpu.dma_semaphore, #tpu.memory_space<semaphore_mem>> -> memref<!tpu.dma_semaphore, #tpu.memory_space<semaphore_mem>>
      %dma_wait3A_639 = tpu.memref_slice %arg4[%add3A_634] : memref<327680xi32, #tpu.memory_space<hbm>> -> memref<80xi32, #tpu.memory_space<hbm>>
      tpu.wait_dma2 semaphore(%dma_wait3A_638 : memref<!tpu.dma_semaphore, #tpu.memory_space<semaphore_mem>>) src(%dma_wait3A_639 : memref<80xi32, #tpu.memory_space<hbm>>) dst(%arg17 : memref<80xi32, #tpu.memory_space<vmem>>)
      %mul3A_640 = arith.constant 10240 : i32
      %mul3A_641 = arith.muli %add3A, %mul3A_640 : i32
      %mul3A_642 = arith.constant 320 : i32
      %mul3A_643 = arith.muli %mul3A_575, %mul3A_642 : i32
      %add3A_644 = arith.addi %mul3A_641, %mul3A_643 : i32
      %add3A_645 = arith.constant 240 : i32
      %add3A_646 = arith.addi %add3A_644, %add3A_645 : i32
      %dma_wait3A_647 = arith.constant 3 : i32
      %dma_wait3A_648 = tpu.memref_slice %arg4[%add3A_646] : memref<327680xi32, #tpu.memory_space<hbm>> -> memref<80xi32, #tpu.memory_space<hbm>>
      %dma_wait3A_649 = tpu.memref_slice %arg29[%dma_wait3A_647] : memref<8x!tpu.dma_semaphore, #tpu.memory_space<semaphore_mem>> -> memref<1x!tpu.dma_semaphore, #tpu.memory_space<semaphore_mem>>
      %dma_wait3A_650 = tpu.memref_squeeze %dma_wait3A_649 : memref<1x!tpu.dma_semaphore, #tpu.memory_space<semaphore_mem>> -> memref<!tpu.dma_semaphore, #tpu.memory_space<semaphore_mem>>
      %dma_wait3A_651 = tpu.memref_slice %arg4[%add3A_646] : memref<327680xi32, #tpu.memory_space<hbm>> -> memref<80xi32, #tpu.memory_space<hbm>>
      tpu.wait_dma2 semaphore(%dma_wait3A_650 : memref<!tpu.dma_semaphore, #tpu.memory_space<semaphore_mem>>) src(%dma_wait3A_651 : memref<80xi32, #tpu.memory_space<hbm>>) dst(%arg18 : memref<80xi32, #tpu.memory_space<vmem>>)
      %dma_start3A_652 = arith.constant 0 : i32
      %dma_start3A_653 = arith.constant 0 : i32
      %dma_start3A_654 = arith.constant 0 : i32
      %dma_start3A_655 = tpu.memref_slice %arg27[%dma_start3A_653, %dma_start3A_654] : memref<10240x128xf32, #tpu.memory_space<vmem_shared>> -> memref<10240x128xf32, #tpu.memory_space<vmem_shared>>
      %dma_start3A_656 = tpu.memref_slice %arg31[%dma_start3A_652] : memref<4x!tpu.dma_semaphore, #tpu.memory_space<semaphore_mem>> -> memref<1x!tpu.dma_semaphore, #tpu.memory_space<semaphore_mem>>
      %dma_start3A_657 = tpu.memref_squeeze %dma_start3A_656 : memref<1x!tpu.dma_semaphore, #tpu.memory_space<semaphore_mem>> -> memref<!tpu.dma_semaphore, #tpu.memory_space<semaphore_mem>>
      tpu.enqueue_indirect_dma source(%arg23 : memref<80x128xf32, #tpu.memory_space<vmem>>) target(%dma_start3A_655 : memref<10240x128xf32, #tpu.memory_space<vmem_shared>>) offsets(%arg15 : memref<80xi32, #tpu.memory_space<vmem>>) semaphore(%dma_start3A_657 : memref<!tpu.dma_semaphore, #tpu.memory_space<semaphore_mem>>) {add = true}
      %dma_start3A_658 = arith.constant 1 : i32
      %dma_start3A_659 = arith.constant 0 : i32
      %dma_start3A_660 = arith.constant 0 : i32
      %dma_start3A_661 = tpu.memref_slice %arg27[%dma_start3A_659, %dma_start3A_660] : memref<10240x128xf32, #tpu.memory_space<vmem_shared>> -> memref<10240x128xf32, #tpu.memory_space<vmem_shared>>
      %dma_start3A_662 = tpu.memref_slice %arg31[%dma_start3A_658] : memref<4x!tpu.dma_semaphore, #tpu.memory_space<semaphore_mem>> -> memref<1x!tpu.dma_semaphore, #tpu.memory_space<semaphore_mem>>
      %dma_start3A_663 = tpu.memref_squeeze %dma_start3A_662 : memref<1x!tpu.dma_semaphore, #tpu.memory_space<semaphore_mem>> -> memref<!tpu.dma_semaphore, #tpu.memory_space<semaphore_mem>>
      tpu.enqueue_indirect_dma source(%arg24 : memref<80x128xf32, #tpu.memory_space<vmem>>) target(%dma_start3A_661 : memref<10240x128xf32, #tpu.memory_space<vmem_shared>>) offsets(%arg16 : memref<80xi32, #tpu.memory_space<vmem>>) semaphore(%dma_start3A_663 : memref<!tpu.dma_semaphore, #tpu.memory_space<semaphore_mem>>) {add = true}
      %dma_start3A_664 = arith.constant 2 : i32
      %dma_start3A_665 = arith.constant 0 : i32
      %dma_start3A_666 = arith.constant 0 : i32
      %dma_start3A_667 = tpu.memref_slice %arg27[%dma_start3A_665, %dma_start3A_666] : memref<10240x128xf32, #tpu.memory_space<vmem_shared>> -> memref<10240x128xf32, #tpu.memory_space<vmem_shared>>
      %dma_start3A_668 = tpu.memref_slice %arg31[%dma_start3A_664] : memref<4x!tpu.dma_semaphore, #tpu.memory_space<semaphore_mem>> -> memref<1x!tpu.dma_semaphore, #tpu.memory_space<semaphore_mem>>
      %dma_start3A_669 = tpu.memref_squeeze %dma_start3A_668 : memref<1x!tpu.dma_semaphore, #tpu.memory_space<semaphore_mem>> -> memref<!tpu.dma_semaphore, #tpu.memory_space<semaphore_mem>>
      tpu.enqueue_indirect_dma source(%arg25 : memref<80x128xf32, #tpu.memory_space<vmem>>) target(%dma_start3A_667 : memref<10240x128xf32, #tpu.memory_space<vmem_shared>>) offsets(%arg17 : memref<80xi32, #tpu.memory_space<vmem>>) semaphore(%dma_start3A_669 : memref<!tpu.dma_semaphore, #tpu.memory_space<semaphore_mem>>) {add = true}
      %dma_start3A_670 = arith.constant 3 : i32
      %dma_start3A_671 = arith.constant 0 : i32
      %dma_start3A_672 = arith.constant 0 : i32
      %dma_start3A_673 = tpu.memref_slice %arg27[%dma_start3A_671, %dma_start3A_672] : memref<10240x128xf32, #tpu.memory_space<vmem_shared>> -> memref<10240x128xf32, #tpu.memory_space<vmem_shared>>
      %dma_start3A_674 = tpu.memref_slice %arg31[%dma_start3A_670] : memref<4x!tpu.dma_semaphore, #tpu.memory_space<semaphore_mem>> -> memref<1x!tpu.dma_semaphore, #tpu.memory_space<semaphore_mem>>
      %dma_start3A_675 = tpu.memref_squeeze %dma_start3A_674 : memref<1x!tpu.dma_semaphore, #tpu.memory_space<semaphore_mem>> -> memref<!tpu.dma_semaphore, #tpu.memory_space<semaphore_mem>>
      tpu.enqueue_indirect_dma source(%arg26 : memref<80x128xf32, #tpu.memory_space<vmem>>) target(%dma_start3A_673 : memref<10240x128xf32, #tpu.memory_space<vmem_shared>>) offsets(%arg18 : memref<80xi32, #tpu.memory_space<vmem>>) semaphore(%dma_start3A_675 : memref<!tpu.dma_semaphore, #tpu.memory_space<semaphore_mem>>) {add = true}
      %mul3A_676 = arith.constant 10240 : i32
      %mul3A_677 = arith.muli %add3A, %mul3A_676 : i32
      %mul3A_678 = arith.constant 320 : i32
      %mul3A_679 = arith.muli %add3A_579, %mul3A_678 : i32
      %add3A_680 = arith.addi %mul3A_677, %mul3A_679 : i32
      %add3A_681 = arith.constant 0 : i32
      %add3A_682 = arith.addi %add3A_680, %add3A_681 : i32
      %dma_start3A_683 = arith.constant 0 : i32
      %dma_start3A_684 = tpu.memref_slice %arg3[%add3A_682] : memref<327680xi32, #tpu.memory_space<hbm>> -> memref<80xi32, #tpu.memory_space<hbm>>
      %dma_start3A_685 = tpu.memref_slice %arg28[%dma_start3A_683] : memref<8x!tpu.dma_semaphore, #tpu.memory_space<semaphore_mem>> -> memref<1x!tpu.dma_semaphore, #tpu.memory_space<semaphore_mem>>
      %dma_start3A_686 = tpu.memref_squeeze %dma_start3A_685 : memref<1x!tpu.dma_semaphore, #tpu.memory_space<semaphore_mem>> -> memref<!tpu.dma_semaphore, #tpu.memory_space<semaphore_mem>>
      %dma_start3A_687 = tpu.memref_slice %arg3[%add3A_682] : memref<327680xi32, #tpu.memory_space<hbm>> -> memref<80xi32, #tpu.memory_space<hbm>>
      tpu.enqueue_dma source(%dma_start3A_687 : memref<80xi32, #tpu.memory_space<hbm>>) target(%arg7 : memref<80xi32, #tpu.memory_space<vmem>>) target_semaphore(%dma_start3A_686 : memref<!tpu.dma_semaphore, #tpu.memory_space<semaphore_mem>>)
      %mul3A_688 = arith.constant 10240 : i32
      %mul3A_689 = arith.muli %add3A, %mul3A_688 : i32
      %mul3A_690 = arith.constant 320 : i32
      %mul3A_691 = arith.muli %add3A_579, %mul3A_690 : i32
      %add3A_692 = arith.addi %mul3A_689, %mul3A_691 : i32
      %add3A_693 = arith.constant 80 : i32
      %add3A_694 = arith.addi %add3A_692, %add3A_693 : i32
      %dma_start3A_695 = arith.constant 1 : i32
      %dma_start3A_696 = tpu.memref_slice %arg3[%add3A_694] : memref<327680xi32, #tpu.memory_space<hbm>> -> memref<80xi32, #tpu.memory_space<hbm>>
      %dma_start3A_697 = tpu.memref_slice %arg28[%dma_start3A_695] : memref<8x!tpu.dma_semaphore, #tpu.memory_space<semaphore_mem>> -> memref<1x!tpu.dma_semaphore, #tpu.memory_space<semaphore_mem>>
      %dma_start3A_698 = tpu.memref_squeeze %dma_start3A_697 : memref<1x!tpu.dma_semaphore, #tpu.memory_space<semaphore_mem>> -> memref<!tpu.dma_semaphore, #tpu.memory_space<semaphore_mem>>
      %dma_start3A_699 = tpu.memref_slice %arg3[%add3A_694] : memref<327680xi32, #tpu.memory_space<hbm>> -> memref<80xi32, #tpu.memory_space<hbm>>
      tpu.enqueue_dma source(%dma_start3A_699 : memref<80xi32, #tpu.memory_space<hbm>>) target(%arg8 : memref<80xi32, #tpu.memory_space<vmem>>) target_semaphore(%dma_start3A_698 : memref<!tpu.dma_semaphore, #tpu.memory_space<semaphore_mem>>)
      %mul3A_700 = arith.constant 10240 : i32
      %mul3A_701 = arith.muli %add3A, %mul3A_700 : i32
      %mul3A_702 = arith.constant 320 : i32
      %mul3A_703 = arith.muli %add3A_579, %mul3A_702 : i32
      %add3A_704 = arith.addi %mul3A_701, %mul3A_703 : i32
      %add3A_705 = arith.constant 160 : i32
      %add3A_706 = arith.addi %add3A_704, %add3A_705 : i32
      %dma_start3A_707 = arith.constant 2 : i32
      %dma_start3A_708 = tpu.memref_slice %arg3[%add3A_706] : memref<327680xi32, #tpu.memory_space<hbm>> -> memref<80xi32, #tpu.memory_space<hbm>>
      %dma_start3A_709 = tpu.memref_slice %arg28[%dma_start3A_707] : memref<8x!tpu.dma_semaphore, #tpu.memory_space<semaphore_mem>> -> memref<1x!tpu.dma_semaphore, #tpu.memory_space<semaphore_mem>>
      %dma_start3A_710 = tpu.memref_squeeze %dma_start3A_709 : memref<1x!tpu.dma_semaphore, #tpu.memory_space<semaphore_mem>> -> memref<!tpu.dma_semaphore, #tpu.memory_space<semaphore_mem>>
      %dma_start3A_711 = tpu.memref_slice %arg3[%add3A_706] : memref<327680xi32, #tpu.memory_space<hbm>> -> memref<80xi32, #tpu.memory_space<hbm>>
      tpu.enqueue_dma source(%dma_start3A_711 : memref<80xi32, #tpu.memory_space<hbm>>) target(%arg9 : memref<80xi32, #tpu.memory_space<vmem>>) target_semaphore(%dma_start3A_710 : memref<!tpu.dma_semaphore, #tpu.memory_space<semaphore_mem>>)
      %mul3A_712 = arith.constant 10240 : i32
      %mul3A_713 = arith.muli %add3A, %mul3A_712 : i32
      %mul3A_714 = arith.constant 320 : i32
      %mul3A_715 = arith.muli %add3A_579, %mul3A_714 : i32
      %add3A_716 = arith.addi %mul3A_713, %mul3A_715 : i32
      %add3A_717 = arith.constant 240 : i32
      %add3A_718 = arith.addi %add3A_716, %add3A_717 : i32
      %dma_start3A_719 = arith.constant 3 : i32
      %dma_start3A_720 = tpu.memref_slice %arg3[%add3A_718] : memref<327680xi32, #tpu.memory_space<hbm>> -> memref<80xi32, #tpu.memory_space<hbm>>
      %dma_start3A_721 = tpu.memref_slice %arg28[%dma_start3A_719] : memref<8x!tpu.dma_semaphore, #tpu.memory_space<semaphore_mem>> -> memref<1x!tpu.dma_semaphore, #tpu.memory_space<semaphore_mem>>
      %dma_start3A_722 = tpu.memref_squeeze %dma_start3A_721 : memref<1x!tpu.dma_semaphore, #tpu.memory_space<semaphore_mem>> -> memref<!tpu.dma_semaphore, #tpu.memory_space<semaphore_mem>>
      %dma_start3A_723 = tpu.memref_slice %arg3[%add3A_718] : memref<327680xi32, #tpu.memory_space<hbm>> -> memref<80xi32, #tpu.memory_space<hbm>>
      tpu.enqueue_dma source(%dma_start3A_723 : memref<80xi32, #tpu.memory_space<hbm>>) target(%arg10 : memref<80xi32, #tpu.memory_space<vmem>>) target_semaphore(%dma_start3A_722 : memref<!tpu.dma_semaphore, #tpu.memory_space<semaphore_mem>>)
      %add3A_724 = arith.constant 1 : i32
      %add3A_725 = arith.addi %mul3A_575, %add3A_724 : i32
      %mul3A_726 = arith.constant 10240 : i32
      %mul3A_727 = arith.muli %add3A, %mul3A_726 : i32
      %mul3A_728 = arith.constant 320 : i32
      %mul3A_729 = arith.muli %add3A_725, %mul3A_728 : i32
      %add3A_730 = arith.addi %mul3A_727, %mul3A_729 : i32
      %add3A_731 = arith.constant 0 : i32
      %add3A_732 = arith.addi %add3A_730, %add3A_731 : i32
      %dma_wait3A_733 = arith.constant 4 : i32
      %dma_wait3A_734 = tpu.memref_slice %arg3[%add3A_732] : memref<327680xi32, #tpu.memory_space<hbm>> -> memref<80xi32, #tpu.memory_space<hbm>>
      %dma_wait3A_735 = tpu.memref_slice %arg28[%dma_wait3A_733] : memref<8x!tpu.dma_semaphore, #tpu.memory_space<semaphore_mem>> -> memref<1x!tpu.dma_semaphore, #tpu.memory_space<semaphore_mem>>
      %dma_wait3A_736 = tpu.memref_squeeze %dma_wait3A_735 : memref<1x!tpu.dma_semaphore, #tpu.memory_space<semaphore_mem>> -> memref<!tpu.dma_semaphore, #tpu.memory_space<semaphore_mem>>
      %dma_wait3A_737 = tpu.memref_slice %arg3[%add3A_732] : memref<327680xi32, #tpu.memory_space<hbm>> -> memref<80xi32, #tpu.memory_space<hbm>>
      tpu.wait_dma2 semaphore(%dma_wait3A_736 : memref<!tpu.dma_semaphore, #tpu.memory_space<semaphore_mem>>) src(%dma_wait3A_737 : memref<80xi32, #tpu.memory_space<hbm>>) dst(%arg11 : memref<80xi32, #tpu.memory_space<vmem>>)
      %add3A_738 = arith.constant 1 : i32
      %add3A_739 = arith.addi %mul3A_575, %add3A_738 : i32
      %mul3A_740 = arith.constant 10240 : i32
      %mul3A_741 = arith.muli %add3A, %mul3A_740 : i32
      %mul3A_742 = arith.constant 320 : i32
      %mul3A_743 = arith.muli %add3A_739, %mul3A_742 : i32
      %add3A_744 = arith.addi %mul3A_741, %mul3A_743 : i32
      %add3A_745 = arith.constant 80 : i32
      %add3A_746 = arith.addi %add3A_744, %add3A_745 : i32
      %dma_wait3A_747 = arith.constant 5 : i32
      %dma_wait3A_748 = tpu.memref_slice %arg3[%add3A_746] : memref<327680xi32, #tpu.memory_space<hbm>> -> memref<80xi32, #tpu.memory_space<hbm>>
      %dma_wait3A_749 = tpu.memref_slice %arg28[%dma_wait3A_747] : memref<8x!tpu.dma_semaphore, #tpu.memory_space<semaphore_mem>> -> memref<1x!tpu.dma_semaphore, #tpu.memory_space<semaphore_mem>>
      %dma_wait3A_750 = tpu.memref_squeeze %dma_wait3A_749 : memref<1x!tpu.dma_semaphore, #tpu.memory_space<semaphore_mem>> -> memref<!tpu.dma_semaphore, #tpu.memory_space<semaphore_mem>>
      %dma_wait3A_751 = tpu.memref_slice %arg3[%add3A_746] : memref<327680xi32, #tpu.memory_space<hbm>> -> memref<80xi32, #tpu.memory_space<hbm>>
      tpu.wait_dma2 semaphore(%dma_wait3A_750 : memref<!tpu.dma_semaphore, #tpu.memory_space<semaphore_mem>>) src(%dma_wait3A_751 : memref<80xi32, #tpu.memory_space<hbm>>) dst(%arg12 : memref<80xi32, #tpu.memory_space<vmem>>)
      %add3A_752 = arith.constant 1 : i32
      %add3A_753 = arith.addi %mul3A_575, %add3A_752 : i32
      %mul3A_754 = arith.constant 10240 : i32
      %mul3A_755 = arith.muli %add3A, %mul3A_754 : i32
      %mul3A_756 = arith.constant 320 : i32
      %mul3A_757 = arith.muli %add3A_753, %mul3A_756 : i32
      %add3A_758 = arith.addi %mul3A_755, %mul3A_757 : i32
      %add3A_759 = arith.constant 160 : i32
      %add3A_760 = arith.addi %add3A_758, %add3A_759 : i32
      %dma_wait3A_761 = arith.constant 6 : i32
      %dma_wait3A_762 = tpu.memref_slice %arg3[%add3A_760] : memref<327680xi32, #tpu.memory_space<hbm>> -> memref<80xi32, #tpu.memory_space<hbm>>
      %dma_wait3A_763 = tpu.memref_slice %arg28[%dma_wait3A_761] : memref<8x!tpu.dma_semaphore, #tpu.memory_space<semaphore_mem>> -> memref<1x!tpu.dma_semaphore, #tpu.memory_space<semaphore_mem>>
      %dma_wait3A_764 = tpu.memref_squeeze %dma_wait3A_763 : memref<1x!tpu.dma_semaphore, #tpu.memory_space<semaphore_mem>> -> memref<!tpu.dma_semaphore, #tpu.memory_space<semaphore_mem>>
      %dma_wait3A_765 = tpu.memref_slice %arg3[%add3A_760] : memref<327680xi32, #tpu.memory_space<hbm>> -> memref<80xi32, #tpu.memory_space<hbm>>
      tpu.wait_dma2 semaphore(%dma_wait3A_764 : memref<!tpu.dma_semaphore, #tpu.memory_space<semaphore_mem>>) src(%dma_wait3A_765 : memref<80xi32, #tpu.memory_space<hbm>>) dst(%arg13 : memref<80xi32, #tpu.memory_space<vmem>>)
      %add3A_766 = arith.constant 1 : i32
      %add3A_767 = arith.addi %mul3A_575, %add3A_766 : i32
      %mul3A_768 = arith.constant 10240 : i32
      %mul3A_769 = arith.muli %add3A, %mul3A_768 : i32
      %mul3A_770 = arith.constant 320 : i32
      %mul3A_771 = arith.muli %add3A_767, %mul3A_770 : i32
      %add3A_772 = arith.addi %mul3A_769, %mul3A_771 : i32
      %add3A_773 = arith.constant 240 : i32
      %add3A_774 = arith.addi %add3A_772, %add3A_773 : i32
      %dma_wait3A_775 = arith.constant 7 : i32
      %dma_wait3A_776 = tpu.memref_slice %arg3[%add3A_774] : memref<327680xi32, #tpu.memory_space<hbm>> -> memref<80xi32, #tpu.memory_space<hbm>>
      %dma_wait3A_777 = tpu.memref_slice %arg28[%dma_wait3A_775] : memref<8x!tpu.dma_semaphore, #tpu.memory_space<semaphore_mem>> -> memref<1x!tpu.dma_semaphore, #tpu.memory_space<semaphore_mem>>
      %dma_wait3A_778 = tpu.memref_squeeze %dma_wait3A_777 : memref<1x!tpu.dma_semaphore, #tpu.memory_space<semaphore_mem>> -> memref<!tpu.dma_semaphore, #tpu.memory_space<semaphore_mem>>
      %dma_wait3A_779 = tpu.memref_slice %arg3[%add3A_774] : memref<327680xi32, #tpu.memory_space<hbm>> -> memref<80xi32, #tpu.memory_space<hbm>>
      tpu.wait_dma2 semaphore(%dma_wait3A_778 : memref<!tpu.dma_semaphore, #tpu.memory_space<semaphore_mem>>) src(%dma_wait3A_779 : memref<80xi32, #tpu.memory_space<hbm>>) dst(%arg14 : memref<80xi32, #tpu.memory_space<vmem>>)
      %dma_wait3A_780 = arith.constant 0 : i32
      %dma_wait3A_781 = arith.constant 0 : i32
      %dma_wait3A_782 = arith.constant 0 : i32
      %dma_wait3A_783 = tpu.memref_slice %arg27[%dma_wait3A_781, %dma_wait3A_782] : memref<10240x128xf32, #tpu.memory_space<vmem_shared>> -> memref<10240x128xf32, #tpu.memory_space<vmem_shared>>
      %dma_wait3A_784 = tpu.memref_slice %arg31[%dma_wait3A_780] : memref<4x!tpu.dma_semaphore, #tpu.memory_space<semaphore_mem>> -> memref<1x!tpu.dma_semaphore, #tpu.memory_space<semaphore_mem>>
      %dma_wait3A_785 = tpu.memref_squeeze %dma_wait3A_784 : memref<1x!tpu.dma_semaphore, #tpu.memory_space<semaphore_mem>> -> memref<!tpu.dma_semaphore, #tpu.memory_space<semaphore_mem>>
      tpu.wait_indirect_dma semaphore(%dma_wait3A_785 : memref<!tpu.dma_semaphore, #tpu.memory_space<semaphore_mem>>) src(%arg23 : memref<80x128xf32, #tpu.memory_space<vmem>>) dst(%dma_wait3A_783 : memref<10240x128xf32, #tpu.memory_space<vmem_shared>>)
      %dma_start3A_786 = arith.constant 0 : i32
      %dma_start3A_787 = arith.constant 0 : i32
      %dma_start3A_788 = arith.constant 0 : i32
      %dma_start3A_789 = tpu.memref_slice %arg2[%dma_start3A_787, %dma_start3A_788] : memref<10000x128xf32, #tpu.memory_space<hbm>> -> memref<10000x128xf32, #tpu.memory_space<hbm>>
      %dma_start3A_790 = tpu.memref_slice %arg30[%dma_start3A_786] : memref<4x!tpu.dma_semaphore, #tpu.memory_space<semaphore_mem>> -> memref<1x!tpu.dma_semaphore, #tpu.memory_space<semaphore_mem>>
      %dma_start3A_791 = tpu.memref_squeeze %dma_start3A_790 : memref<1x!tpu.dma_semaphore, #tpu.memory_space<semaphore_mem>> -> memref<!tpu.dma_semaphore, #tpu.memory_space<semaphore_mem>>
      tpu.enqueue_indirect_dma source(%dma_start3A_789 : memref<10000x128xf32, #tpu.memory_space<hbm>>) target(%arg23 : memref<80x128xf32, #tpu.memory_space<vmem>>) offsets(%arg11 : memref<80xi32, #tpu.memory_space<vmem>>) semaphore(%dma_start3A_791 : memref<!tpu.dma_semaphore, #tpu.memory_space<semaphore_mem>>)
      %dma_wait3A_792 = arith.constant 1 : i32
      %dma_wait3A_793 = arith.constant 0 : i32
      %dma_wait3A_794 = arith.constant 0 : i32
      %dma_wait3A_795 = tpu.memref_slice %arg27[%dma_wait3A_793, %dma_wait3A_794] : memref<10240x128xf32, #tpu.memory_space<vmem_shared>> -> memref<10240x128xf32, #tpu.memory_space<vmem_shared>>
      %dma_wait3A_796 = tpu.memref_slice %arg31[%dma_wait3A_792] : memref<4x!tpu.dma_semaphore, #tpu.memory_space<semaphore_mem>> -> memref<1x!tpu.dma_semaphore, #tpu.memory_space<semaphore_mem>>
      %dma_wait3A_797 = tpu.memref_squeeze %dma_wait3A_796 : memref<1x!tpu.dma_semaphore, #tpu.memory_space<semaphore_mem>> -> memref<!tpu.dma_semaphore, #tpu.memory_space<semaphore_mem>>
      tpu.wait_indirect_dma semaphore(%dma_wait3A_797 : memref<!tpu.dma_semaphore, #tpu.memory_space<semaphore_mem>>) src(%arg24 : memref<80x128xf32, #tpu.memory_space<vmem>>) dst(%dma_wait3A_795 : memref<10240x128xf32, #tpu.memory_space<vmem_shared>>)
      %dma_start3A_798 = arith.constant 1 : i32
      %dma_start3A_799 = arith.constant 0 : i32
      %dma_start3A_800 = arith.constant 0 : i32
      %dma_start3A_801 = tpu.memref_slice %arg2[%dma_start3A_799, %dma_start3A_800] : memref<10000x128xf32, #tpu.memory_space<hbm>> -> memref<10000x128xf32, #tpu.memory_space<hbm>>
      %dma_start3A_802 = tpu.memref_slice %arg30[%dma_start3A_798] : memref<4x!tpu.dma_semaphore, #tpu.memory_space<semaphore_mem>> -> memref<1x!tpu.dma_semaphore, #tpu.memory_space<semaphore_mem>>
      %dma_start3A_803 = tpu.memref_squeeze %dma_start3A_802 : memref<1x!tpu.dma_semaphore, #tpu.memory_space<semaphore_mem>> -> memref<!tpu.dma_semaphore, #tpu.memory_space<semaphore_mem>>
      tpu.enqueue_indirect_dma source(%dma_start3A_801 : memref<10000x128xf32, #tpu.memory_space<hbm>>) target(%arg24 : memref<80x128xf32, #tpu.memory_space<vmem>>) offsets(%arg12 : memref<80xi32, #tpu.memory_space<vmem>>) semaphore(%dma_start3A_803 : memref<!tpu.dma_semaphore, #tpu.memory_space<semaphore_mem>>)
      %dma_wait3A_804 = arith.constant 2 : i32
      %dma_wait3A_805 = arith.constant 0 : i32
      %dma_wait3A_806 = arith.constant 0 : i32
      %dma_wait3A_807 = tpu.memref_slice %arg27[%dma_wait3A_805, %dma_wait3A_806] : memref<10240x128xf32, #tpu.memory_space<vmem_shared>> -> memref<10240x128xf32, #tpu.memory_space<vmem_shared>>
      %dma_wait3A_808 = tpu.memref_slice %arg31[%dma_wait3A_804] : memref<4x!tpu.dma_semaphore, #tpu.memory_space<semaphore_mem>> -> memref<1x!tpu.dma_semaphore, #tpu.memory_space<semaphore_mem>>
      %dma_wait3A_809 = tpu.memref_squeeze %dma_wait3A_808 : memref<1x!tpu.dma_semaphore, #tpu.memory_space<semaphore_mem>> -> memref<!tpu.dma_semaphore, #tpu.memory_space<semaphore_mem>>
      tpu.wait_indirect_dma semaphore(%dma_wait3A_809 : memref<!tpu.dma_semaphore, #tpu.memory_space<semaphore_mem>>) src(%arg25 : memref<80x128xf32, #tpu.memory_space<vmem>>) dst(%dma_wait3A_807 : memref<10240x128xf32, #tpu.memory_space<vmem_shared>>)
      %dma_start3A_810 = arith.constant 2 : i32
      %dma_start3A_811 = arith.constant 0 : i32
      %dma_start3A_812 = arith.constant 0 : i32
      %dma_start3A_813 = tpu.memref_slice %arg2[%dma_start3A_811, %dma_start3A_812] : memref<10000x128xf32, #tpu.memory_space<hbm>> -> memref<10000x128xf32, #tpu.memory_space<hbm>>
      %dma_start3A_814 = tpu.memref_slice %arg30[%dma_start3A_810] : memref<4x!tpu.dma_semaphore, #tpu.memory_space<semaphore_mem>> -> memref<1x!tpu.dma_semaphore, #tpu.memory_space<semaphore_mem>>
      %dma_start3A_815 = tpu.memref_squeeze %dma_start3A_814 : memref<1x!tpu.dma_semaphore, #tpu.memory_space<semaphore_mem>> -> memref<!tpu.dma_semaphore, #tpu.memory_space<semaphore_mem>>
      tpu.enqueue_indirect_dma source(%dma_start3A_813 : memref<10000x128xf32, #tpu.memory_space<hbm>>) target(%arg25 : memref<80x128xf32, #tpu.memory_space<vmem>>) offsets(%arg13 : memref<80xi32, #tpu.memory_space<vmem>>) semaphore(%dma_start3A_815 : memref<!tpu.dma_semaphore, #tpu.memory_space<semaphore_mem>>)
      %dma_wait3A_816 = arith.constant 3 : i32
      %dma_wait3A_817 = arith.constant 0 : i32
      %dma_wait3A_818 = arith.constant 0 : i32
      %dma_wait3A_819 = tpu.memref_slice %arg27[%dma_wait3A_817, %dma_wait3A_818] : memref<10240x128xf32, #tpu.memory_space<vmem_shared>> -> memref<10240x128xf32, #tpu.memory_space<vmem_shared>>
      %dma_wait3A_820 = tpu.memref_slice %arg31[%dma_wait3A_816] : memref<4x!tpu.dma_semaphore, #tpu.memory_space<semaphore_mem>> -> memref<1x!tpu.dma_semaphore, #tpu.memory_space<semaphore_mem>>
      %dma_wait3A_821 = tpu.memref_squeeze %dma_wait3A_820 : memref<1x!tpu.dma_semaphore, #tpu.memory_space<semaphore_mem>> -> memref<!tpu.dma_semaphore, #tpu.memory_space<semaphore_mem>>
      tpu.wait_indirect_dma semaphore(%dma_wait3A_821 : memref<!tpu.dma_semaphore, #tpu.memory_space<semaphore_mem>>) src(%arg26 : memref<80x128xf32, #tpu.memory_space<vmem>>) dst(%dma_wait3A_819 : memref<10240x128xf32, #tpu.memory_space<vmem_shared>>)
      %dma_start3A_822 = arith.constant 3 : i32
      %dma_start3A_823 = arith.constant 0 : i32
      %dma_start3A_824 = arith.constant 0 : i32
      %dma_start3A_825 = tpu.memref_slice %arg2[%dma_start3A_823, %dma_start3A_824] : memref<10000x128xf32, #tpu.memory_space<hbm>> -> memref<10000x128xf32, #tpu.memory_space<hbm>>
      %dma_start3A_826 = tpu.memref_slice %arg30[%dma_start3A_822] : memref<4x!tpu.dma_semaphore, #tpu.memory_space<semaphore_mem>> -> memref<1x!tpu.dma_semaphore, #tpu.memory_space<semaphore_mem>>
      %dma_start3A_827 = tpu.memref_squeeze %dma_start3A_826 : memref<1x!tpu.dma_semaphore, #tpu.memory_space<semaphore_mem>> -> memref<!tpu.dma_semaphore, #tpu.memory_space<semaphore_mem>>
      tpu.enqueue_indirect_dma source(%dma_start3A_825 : memref<10000x128xf32, #tpu.memory_space<hbm>>) target(%arg26 : memref<80x128xf32, #tpu.memory_space<vmem>>) offsets(%arg14 : memref<80xi32, #tpu.memory_space<vmem>>) semaphore(%dma_start3A_827 : memref<!tpu.dma_semaphore, #tpu.memory_space<semaphore_mem>>)
      %mul3A_828 = arith.constant 10240 : i32
      %mul3A_829 = arith.muli %add3A, %mul3A_828 : i32
      %mul3A_830 = arith.constant 320 : i32
      %mul3A_831 = arith.muli %add3A_579, %mul3A_830 : i32
      %add3A_832 = arith.addi %mul3A_829, %mul3A_831 : i32
      %add3A_833 = arith.constant 0 : i32
      %add3A_834 = arith.addi %add3A_832, %add3A_833 : i32
      %dma_start3A_835 = arith.constant 0 : i32
      %dma_start3A_836 = tpu.memref_slice %arg4[%add3A_834] : memref<327680xi32, #tpu.memory_space<hbm>> -> memref<80xi32, #tpu.memory_space<hbm>>
      %dma_start3A_837 = tpu.memref_slice %arg29[%dma_start3A_835] : memref<8x!tpu.dma_semaphore, #tpu.memory_space<semaphore_mem>> -> memref<1x!tpu.dma_semaphore, #tpu.memory_space<semaphore_mem>>
      %dma_start3A_838 = tpu.memref_squeeze %dma_start3A_837 : memref<1x!tpu.dma_semaphore, #tpu.memory_space<semaphore_mem>> -> memref<!tpu.dma_semaphore, #tpu.memory_space<semaphore_mem>>
      %dma_start3A_839 = tpu.memref_slice %arg4[%add3A_834] : memref<327680xi32, #tpu.memory_space<hbm>> -> memref<80xi32, #tpu.memory_space<hbm>>
      tpu.enqueue_dma source(%dma_start3A_839 : memref<80xi32, #tpu.memory_space<hbm>>) target(%arg15 : memref<80xi32, #tpu.memory_space<vmem>>) target_semaphore(%dma_start3A_838 : memref<!tpu.dma_semaphore, #tpu.memory_space<semaphore_mem>>)
      %mul3A_840 = arith.constant 10240 : i32
      %mul3A_841 = arith.muli %add3A, %mul3A_840 : i32
      %mul3A_842 = arith.constant 320 : i32
      %mul3A_843 = arith.muli %add3A_579, %mul3A_842 : i32
      %add3A_844 = arith.addi %mul3A_841, %mul3A_843 : i32
      %add3A_845 = arith.constant 80 : i32
      %add3A_846 = arith.addi %add3A_844, %add3A_845 : i32
      %dma_start3A_847 = arith.constant 1 : i32
      %dma_start3A_848 = tpu.memref_slice %arg4[%add3A_846] : memref<327680xi32, #tpu.memory_space<hbm>> -> memref<80xi32, #tpu.memory_space<hbm>>
      %dma_start3A_849 = tpu.memref_slice %arg29[%dma_start3A_847] : memref<8x!tpu.dma_semaphore, #tpu.memory_space<semaphore_mem>> -> memref<1x!tpu.dma_semaphore, #tpu.memory_space<semaphore_mem>>
      %dma_start3A_850 = tpu.memref_squeeze %dma_start3A_849 : memref<1x!tpu.dma_semaphore, #tpu.memory_space<semaphore_mem>> -> memref<!tpu.dma_semaphore, #tpu.memory_space<semaphore_mem>>
      %dma_start3A_851 = tpu.memref_slice %arg4[%add3A_846] : memref<327680xi32, #tpu.memory_space<hbm>> -> memref<80xi32, #tpu.memory_space<hbm>>
      tpu.enqueue_dma source(%dma_start3A_851 : memref<80xi32, #tpu.memory_space<hbm>>) target(%arg16 : memref<80xi32, #tpu.memory_space<vmem>>) target_semaphore(%dma_start3A_850 : memref<!tpu.dma_semaphore, #tpu.memory_space<semaphore_mem>>)
      %mul3A_852 = arith.constant 10240 : i32
      %mul3A_853 = arith.muli %add3A, %mul3A_852 : i32
      %mul3A_854 = arith.constant 320 : i32
      %mul3A_855 = arith.muli %add3A_579, %mul3A_854 : i32
      %add3A_856 = arith.addi %mul3A_853, %mul3A_855 : i32
      %add3A_857 = arith.constant 160 : i32
      %add3A_858 = arith.addi %add3A_856, %add3A_857 : i32
      %dma_start3A_859 = arith.constant 2 : i32
      %dma_start3A_860 = tpu.memref_slice %arg4[%add3A_858] : memref<327680xi32, #tpu.memory_space<hbm>> -> memref<80xi32, #tpu.memory_space<hbm>>
      %dma_start3A_861 = tpu.memref_slice %arg29[%dma_start3A_859] : memref<8x!tpu.dma_semaphore, #tpu.memory_space<semaphore_mem>> -> memref<1x!tpu.dma_semaphore, #tpu.memory_space<semaphore_mem>>
      %dma_start3A_862 = tpu.memref_squeeze %dma_start3A_861 : memref<1x!tpu.dma_semaphore, #tpu.memory_space<semaphore_mem>> -> memref<!tpu.dma_semaphore, #tpu.memory_space<semaphore_mem>>
      %dma_start3A_863 = tpu.memref_slice %arg4[%add3A_858] : memref<327680xi32, #tpu.memory_space<hbm>> -> memref<80xi32, #tpu.memory_space<hbm>>
      tpu.enqueue_dma source(%dma_start3A_863 : memref<80xi32, #tpu.memory_space<hbm>>) target(%arg17 : memref<80xi32, #tpu.memory_space<vmem>>) target_semaphore(%dma_start3A_862 : memref<!tpu.dma_semaphore, #tpu.memory_space<semaphore_mem>>)
      %mul3A_864 = arith.constant 10240 : i32
      %mul3A_865 = arith.muli %add3A, %mul3A_864 : i32
      %mul3A_866 = arith.constant 320 : i32
      %mul3A_867 = arith.muli %add3A_579, %mul3A_866 : i32
      %add3A_868 = arith.addi %mul3A_865, %mul3A_867 : i32
      %add3A_869 = arith.constant 240 : i32
      %add3A_870 = arith.addi %add3A_868, %add3A_869 : i32
      %dma_start3A_871 = arith.constant 3 : i32
      %dma_start3A_872 = tpu.memref_slice %arg4[%add3A_870] : memref<327680xi32, #tpu.memory_space<hbm>> -> memref<80xi32, #tpu.memory_space<hbm>>
      %dma_start3A_873 = tpu.memref_slice %arg29[%dma_start3A_871] : memref<8x!tpu.dma_semaphore, #tpu.memory_space<semaphore_mem>> -> memref<1x!tpu.dma_semaphore, #tpu.memory_space<semaphore_mem>>
      %dma_start3A_874 = tpu.memref_squeeze %dma_start3A_873 : memref<1x!tpu.dma_semaphore, #tpu.memory_space<semaphore_mem>> -> memref<!tpu.dma_semaphore, #tpu.memory_space<semaphore_mem>>
      %dma_start3A_875 = tpu.memref_slice %arg4[%add3A_870] : memref<327680xi32, #tpu.memory_space<hbm>> -> memref<80xi32, #tpu.memory_space<hbm>>
      tpu.enqueue_dma source(%dma_start3A_875 : memref<80xi32, #tpu.memory_space<hbm>>) target(%arg18 : memref<80xi32, #tpu.memory_space<vmem>>) target_semaphore(%dma_start3A_874 : memref<!tpu.dma_semaphore, #tpu.memory_space<semaphore_mem>>)
      %mul3A_876 = arith.constant 2 : i32
      %mul3A_877 = arith.muli %mul3A_876, %scan3A_573 : i32
      %add3A_878 = arith.constant 1 : i32
      %add3A_879 = arith.addi %mul3A_877, %add3A_878 : i32
      %mul3A_880 = arith.constant 2 : i32
      %mul3A_881 = arith.muli %mul3A_880, %scan3A_573 : i32
      %add3A_882 = arith.constant 3 : i32
      %add3A_883 = arith.addi %mul3A_881, %add3A_882 : i32
      %dma_wait3A_884 = arith.constant 0 : i32
      %dma_wait3A_885 = arith.constant 0 : i32
      %dma_wait3A_886 = arith.constant 0 : i32
      %dma_wait3A_887 = tpu.memref_slice %arg2[%dma_wait3A_885, %dma_wait3A_886] : memref<10000x128xf32, #tpu.memory_space<hbm>> -> memref<10000x128xf32, #tpu.memory_space<hbm>>
      %dma_wait3A_888 = tpu.memref_slice %arg30[%dma_wait3A_884] : memref<4x!tpu.dma_semaphore, #tpu.memory_space<semaphore_mem>> -> memref<1x!tpu.dma_semaphore, #tpu.memory_space<semaphore_mem>>
      %dma_wait3A_889 = tpu.memref_squeeze %dma_wait3A_888 : memref<1x!tpu.dma_semaphore, #tpu.memory_space<semaphore_mem>> -> memref<!tpu.dma_semaphore, #tpu.memory_space<semaphore_mem>>
      tpu.wait_indirect_dma semaphore(%dma_wait3A_889 : memref<!tpu.dma_semaphore, #tpu.memory_space<semaphore_mem>>) src(%dma_wait3A_887 : memref<10000x128xf32, #tpu.memory_space<hbm>>) dst(%arg23 : memref<80x128xf32, #tpu.memory_space<vmem>>)
      %dma_wait3A_890 = arith.constant 1 : i32
      %dma_wait3A_891 = arith.constant 0 : i32
      %dma_wait3A_892 = arith.constant 0 : i32
      %dma_wait3A_893 = tpu.memref_slice %arg2[%dma_wait3A_891, %dma_wait3A_892] : memref<10000x128xf32, #tpu.memory_space<hbm>> -> memref<10000x128xf32, #tpu.memory_space<hbm>>
      %dma_wait3A_894 = tpu.memref_slice %arg30[%dma_wait3A_890] : memref<4x!tpu.dma_semaphore, #tpu.memory_space<semaphore_mem>> -> memref<1x!tpu.dma_semaphore, #tpu.memory_space<semaphore_mem>>
      %dma_wait3A_895 = tpu.memref_squeeze %dma_wait3A_894 : memref<1x!tpu.dma_semaphore, #tpu.memory_space<semaphore_mem>> -> memref<!tpu.dma_semaphore, #tpu.memory_space<semaphore_mem>>
      tpu.wait_indirect_dma semaphore(%dma_wait3A_895 : memref<!tpu.dma_semaphore, #tpu.memory_space<semaphore_mem>>) src(%dma_wait3A_893 : memref<10000x128xf32, #tpu.memory_space<hbm>>) dst(%arg24 : memref<80x128xf32, #tpu.memory_space<vmem>>)
      %dma_wait3A_896 = arith.constant 2 : i32
      %dma_wait3A_897 = arith.constant 0 : i32
      %dma_wait3A_898 = arith.constant 0 : i32
      %dma_wait3A_899 = tpu.memref_slice %arg2[%dma_wait3A_897, %dma_wait3A_898] : memref<10000x128xf32, #tpu.memory_space<hbm>> -> memref<10000x128xf32, #tpu.memory_space<hbm>>
      %dma_wait3A_900 = tpu.memref_slice %arg30[%dma_wait3A_896] : memref<4x!tpu.dma_semaphore, #tpu.memory_space<semaphore_mem>> -> memref<1x!tpu.dma_semaphore, #tpu.memory_space<semaphore_mem>>
      %dma_wait3A_901 = tpu.memref_squeeze %dma_wait3A_900 : memref<1x!tpu.dma_semaphore, #tpu.memory_space<semaphore_mem>> -> memref<!tpu.dma_semaphore, #tpu.memory_space<semaphore_mem>>
      tpu.wait_indirect_dma semaphore(%dma_wait3A_901 : memref<!tpu.dma_semaphore, #tpu.memory_space<semaphore_mem>>) src(%dma_wait3A_899 : memref<10000x128xf32, #tpu.memory_space<hbm>>) dst(%arg25 : memref<80x128xf32, #tpu.memory_space<vmem>>)
      %dma_wait3A_902 = arith.constant 3 : i32
      %dma_wait3A_903 = arith.constant 0 : i32
      %dma_wait3A_904 = arith.constant 0 : i32
      %dma_wait3A_905 = tpu.memref_slice %arg2[%dma_wait3A_903, %dma_wait3A_904] : memref<10000x128xf32, #tpu.memory_space<hbm>> -> memref<10000x128xf32, #tpu.memory_space<hbm>>
      %dma_wait3A_906 = tpu.memref_slice %arg30[%dma_wait3A_902] : memref<4x!tpu.dma_semaphore, #tpu.memory_space<semaphore_mem>> -> memref<1x!tpu.dma_semaphore, #tpu.memory_space<semaphore_mem>>
      %dma_wait3A_907 = tpu.memref_squeeze %dma_wait3A_906 : memref<1x!tpu.dma_semaphore, #tpu.memory_space<semaphore_mem>> -> memref<!tpu.dma_semaphore, #tpu.memory_space<semaphore_mem>>
      tpu.wait_indirect_dma semaphore(%dma_wait3A_907 : memref<!tpu.dma_semaphore, #tpu.memory_space<semaphore_mem>>) src(%dma_wait3A_905 : memref<10000x128xf32, #tpu.memory_space<hbm>>) dst(%arg26 : memref<80x128xf32, #tpu.memory_space<vmem>>)
      %mul3A_908 = arith.constant 10240 : i32
      %mul3A_909 = arith.muli %add3A, %mul3A_908 : i32
      %mul3A_910 = arith.constant 320 : i32
      %mul3A_911 = arith.muli %add3A_879, %mul3A_910 : i32
      %add3A_912 = arith.addi %mul3A_909, %mul3A_911 : i32
      %add3A_913 = arith.constant 0 : i32
      %add3A_914 = arith.addi %add3A_912, %add3A_913 : i32
      %dma_wait3A_915 = arith.constant 4 : i32
      %dma_wait3A_916 = tpu.memref_slice %arg4[%add3A_914] : memref<327680xi32, #tpu.memory_space<hbm>> -> memref<80xi32, #tpu.memory_space<hbm>>
      %dma_wait3A_917 = tpu.memref_slice %arg29[%dma_wait3A_915] : memref<8x!tpu.dma_semaphore, #tpu.memory_space<semaphore_mem>> -> memref<1x!tpu.dma_semaphore, #tpu.memory_space<semaphore_mem>>
      %dma_wait3A_918 = tpu.memref_squeeze %dma_wait3A_917 : memref<1x!tpu.dma_semaphore, #tpu.memory_space<semaphore_mem>> -> memref<!tpu.dma_semaphore, #tpu.memory_space<semaphore_mem>>
      %dma_wait3A_919 = tpu.memref_slice %arg4[%add3A_914] : memref<327680xi32, #tpu.memory_space<hbm>> -> memref<80xi32, #tpu.memory_space<hbm>>
      tpu.wait_dma2 semaphore(%dma_wait3A_918 : memref<!tpu.dma_semaphore, #tpu.memory_space<semaphore_mem>>) src(%dma_wait3A_919 : memref<80xi32, #tpu.memory_space<hbm>>) dst(%arg19 : memref<80xi32, #tpu.memory_space<vmem>>)
      %mul3A_920 = arith.constant 10240 : i32
      %mul3A_921 = arith.muli %add3A, %mul3A_920 : i32
      %mul3A_922 = arith.constant 320 : i32
      %mul3A_923 = arith.muli %add3A_879, %mul3A_922 : i32
      %add3A_924 = arith.addi %mul3A_921, %mul3A_923 : i32
      %add3A_925 = arith.constant 80 : i32
      %add3A_926 = arith.addi %add3A_924, %add3A_925 : i32
      %dma_wait3A_927 = arith.constant 5 : i32
      %dma_wait3A_928 = tpu.memref_slice %arg4[%add3A_926] : memref<327680xi32, #tpu.memory_space<hbm>> -> memref<80xi32, #tpu.memory_space<hbm>>
      %dma_wait3A_929 = tpu.memref_slice %arg29[%dma_wait3A_927] : memref<8x!tpu.dma_semaphore, #tpu.memory_space<semaphore_mem>> -> memref<1x!tpu.dma_semaphore, #tpu.memory_space<semaphore_mem>>
      %dma_wait3A_930 = tpu.memref_squeeze %dma_wait3A_929 : memref<1x!tpu.dma_semaphore, #tpu.memory_space<semaphore_mem>> -> memref<!tpu.dma_semaphore, #tpu.memory_space<semaphore_mem>>
      %dma_wait3A_931 = tpu.memref_slice %arg4[%add3A_926] : memref<327680xi32, #tpu.memory_space<hbm>> -> memref<80xi32, #tpu.memory_space<hbm>>
      tpu.wait_dma2 semaphore(%dma_wait3A_930 : memref<!tpu.dma_semaphore, #tpu.memory_space<semaphore_mem>>) src(%dma_wait3A_931 : memref<80xi32, #tpu.memory_space<hbm>>) dst(%arg20 : memref<80xi32, #tpu.memory_space<vmem>>)
      %mul3A_932 = arith.constant 10240 : i32
      %mul3A_933 = arith.muli %add3A, %mul3A_932 : i32
      %mul3A_934 = arith.constant 320 : i32
      %mul3A_935 = arith.muli %add3A_879, %mul3A_934 : i32
      %add3A_936 = arith.addi %mul3A_933, %mul3A_935 : i32
      %add3A_937 = arith.constant 160 : i32
      %add3A_938 = arith.addi %add3A_936, %add3A_937 : i32
      %dma_wait3A_939 = arith.constant 6 : i32
      %dma_wait3A_940 = tpu.memref_slice %arg4[%add3A_938] : memref<327680xi32, #tpu.memory_space<hbm>> -> memref<80xi32, #tpu.memory_space<hbm>>
      %dma_wait3A_941 = tpu.memref_slice %arg29[%dma_wait3A_939] : memref<8x!tpu.dma_semaphore, #tpu.memory_space<semaphore_mem>> -> memref<1x!tpu.dma_semaphore, #tpu.memory_space<semaphore_mem>>
      %dma_wait3A_942 = tpu.memref_squeeze %dma_wait3A_941 : memref<1x!tpu.dma_semaphore, #tpu.memory_space<semaphore_mem>> -> memref<!tpu.dma_semaphore, #tpu.memory_space<semaphore_mem>>
      %dma_wait3A_943 = tpu.memref_slice %arg4[%add3A_938] : memref<327680xi32, #tpu.memory_space<hbm>> -> memref<80xi32, #tpu.memory_space<hbm>>
      tpu.wait_dma2 semaphore(%dma_wait3A_942 : memref<!tpu.dma_semaphore, #tpu.memory_space<semaphore_mem>>) src(%dma_wait3A_943 : memref<80xi32, #tpu.memory_space<hbm>>) dst(%arg21 : memref<80xi32, #tpu.memory_space<vmem>>)
      %mul3A_944 = arith.constant 10240 : i32
      %mul3A_945 = arith.muli %add3A, %mul3A_944 : i32
      %mul3A_946 = arith.constant 320 : i32
      %mul3A_947 = arith.muli %add3A_879, %mul3A_946 : i32
      %add3A_948 = arith.addi %mul3A_945, %mul3A_947 : i32
      %add3A_949 = arith.constant 240 : i32
      %add3A_950 = arith.addi %add3A_948, %add3A_949 : i32
      %dma_wait3A_951 = arith.constant 7 : i32
      %dma_wait3A_952 = tpu.memref_slice %arg4[%add3A_950] : memref<327680xi32, #tpu.memory_space<hbm>> -> memref<80xi32, #tpu.memory_space<hbm>>
      %dma_wait3A_953 = tpu.memref_slice %arg29[%dma_wait3A_951] : memref<8x!tpu.dma_semaphore, #tpu.memory_space<semaphore_mem>> -> memref<1x!tpu.dma_semaphore, #tpu.memory_space<semaphore_mem>>
      %dma_wait3A_954 = tpu.memref_squeeze %dma_wait3A_953 : memref<1x!tpu.dma_semaphore, #tpu.memory_space<semaphore_mem>> -> memref<!tpu.dma_semaphore, #tpu.memory_space<semaphore_mem>>
      %dma_wait3A_955 = tpu.memref_slice %arg4[%add3A_950] : memref<327680xi32, #tpu.memory_space<hbm>> -> memref<80xi32, #tpu.memory_space<hbm>>
      tpu.wait_dma2 semaphore(%dma_wait3A_954 : memref<!tpu.dma_semaphore, #tpu.memory_space<semaphore_mem>>) src(%dma_wait3A_955 : memref<80xi32, #tpu.memory_space<hbm>>) dst(%arg22 : memref<80xi32, #tpu.memory_space<vmem>>)
      %dma_start3A_956 = arith.constant 0 : i32
      %dma_start3A_957 = arith.constant 0 : i32
      %dma_start3A_958 = arith.constant 0 : i32
      %dma_start3A_959 = tpu.memref_slice %arg27[%dma_start3A_957, %dma_start3A_958] : memref<10240x128xf32, #tpu.memory_space<vmem_shared>> -> memref<10240x128xf32, #tpu.memory_space<vmem_shared>>
      %dma_start3A_960 = tpu.memref_slice %arg31[%dma_start3A_956] : memref<4x!tpu.dma_semaphore, #tpu.memory_space<semaphore_mem>> -> memref<1x!tpu.dma_semaphore, #tpu.memory_space<semaphore_mem>>
      %dma_start3A_961 = tpu.memref_squeeze %dma_start3A_960 : memref<1x!tpu.dma_semaphore, #tpu.memory_space<semaphore_mem>> -> memref<!tpu.dma_semaphore, #tpu.memory_space<semaphore_mem>>
      tpu.enqueue_indirect_dma source(%arg23 : memref<80x128xf32, #tpu.memory_space<vmem>>) target(%dma_start3A_959 : memref<10240x128xf32, #tpu.memory_space<vmem_shared>>) offsets(%arg19 : memref<80xi32, #tpu.memory_space<vmem>>) semaphore(%dma_start3A_961 : memref<!tpu.dma_semaphore, #tpu.memory_space<semaphore_mem>>) {add = true}
      %dma_start3A_962 = arith.constant 1 : i32
      %dma_start3A_963 = arith.constant 0 : i32
      %dma_start3A_964 = arith.constant 0 : i32
      %dma_start3A_965 = tpu.memref_slice %arg27[%dma_start3A_963, %dma_start3A_964] : memref<10240x128xf32, #tpu.memory_space<vmem_shared>> -> memref<10240x128xf32, #tpu.memory_space<vmem_shared>>
      %dma_start3A_966 = tpu.memref_slice %arg31[%dma_start3A_962] : memref<4x!tpu.dma_semaphore, #tpu.memory_space<semaphore_mem>> -> memref<1x!tpu.dma_semaphore, #tpu.memory_space<semaphore_mem>>
      %dma_start3A_967 = tpu.memref_squeeze %dma_start3A_966 : memref<1x!tpu.dma_semaphore, #tpu.memory_space<semaphore_mem>> -> memref<!tpu.dma_semaphore, #tpu.memory_space<semaphore_mem>>
      tpu.enqueue_indirect_dma source(%arg24 : memref<80x128xf32, #tpu.memory_space<vmem>>) target(%dma_start3A_965 : memref<10240x128xf32, #tpu.memory_space<vmem_shared>>) offsets(%arg20 : memref<80xi32, #tpu.memory_space<vmem>>) semaphore(%dma_start3A_967 : memref<!tpu.dma_semaphore, #tpu.memory_space<semaphore_mem>>) {add = true}
      %dma_start3A_968 = arith.constant 2 : i32
      %dma_start3A_969 = arith.constant 0 : i32
      %dma_start3A_970 = arith.constant 0 : i32
      %dma_start3A_971 = tpu.memref_slice %arg27[%dma_start3A_969, %dma_start3A_970] : memref<10240x128xf32, #tpu.memory_space<vmem_shared>> -> memref<10240x128xf32, #tpu.memory_space<vmem_shared>>
      %dma_start3A_972 = tpu.memref_slice %arg31[%dma_start3A_968] : memref<4x!tpu.dma_semaphore, #tpu.memory_space<semaphore_mem>> -> memref<1x!tpu.dma_semaphore, #tpu.memory_space<semaphore_mem>>
      %dma_start3A_973 = tpu.memref_squeeze %dma_start3A_972 : memref<1x!tpu.dma_semaphore, #tpu.memory_space<semaphore_mem>> -> memref<!tpu.dma_semaphore, #tpu.memory_space<semaphore_mem>>
      tpu.enqueue_indirect_dma source(%arg25 : memref<80x128xf32, #tpu.memory_space<vmem>>) target(%dma_start3A_971 : memref<10240x128xf32, #tpu.memory_space<vmem_shared>>) offsets(%arg21 : memref<80xi32, #tpu.memory_space<vmem>>) semaphore(%dma_start3A_973 : memref<!tpu.dma_semaphore, #tpu.memory_space<semaphore_mem>>) {add = true}
      %dma_start3A_974 = arith.constant 3 : i32
      %dma_start3A_975 = arith.constant 0 : i32
      %dma_start3A_976 = arith.constant 0 : i32
      %dma_start3A_977 = tpu.memref_slice %arg27[%dma_start3A_975, %dma_start3A_976] : memref<10240x128xf32, #tpu.memory_space<vmem_shared>> -> memref<10240x128xf32, #tpu.memory_space<vmem_shared>>
      %dma_start3A_978 = tpu.memref_slice %arg31[%dma_start3A_974] : memref<4x!tpu.dma_semaphore, #tpu.memory_space<semaphore_mem>> -> memref<1x!tpu.dma_semaphore, #tpu.memory_space<semaphore_mem>>
      %dma_start3A_979 = tpu.memref_squeeze %dma_start3A_978 : memref<1x!tpu.dma_semaphore, #tpu.memory_space<semaphore_mem>> -> memref<!tpu.dma_semaphore, #tpu.memory_space<semaphore_mem>>
      tpu.enqueue_indirect_dma source(%arg26 : memref<80x128xf32, #tpu.memory_space<vmem>>) target(%dma_start3A_977 : memref<10240x128xf32, #tpu.memory_space<vmem_shared>>) offsets(%arg22 : memref<80xi32, #tpu.memory_space<vmem>>) semaphore(%dma_start3A_979 : memref<!tpu.dma_semaphore, #tpu.memory_space<semaphore_mem>>) {add = true}
      %mul3A_980 = arith.constant 10240 : i32
      %mul3A_981 = arith.muli %add3A, %mul3A_980 : i32
      %mul3A_982 = arith.constant 320 : i32
      %mul3A_983 = arith.muli %add3A_883, %mul3A_982 : i32
      %add3A_984 = arith.addi %mul3A_981, %mul3A_983 : i32
      %add3A_985 = arith.constant 0 : i32
      %add3A_986 = arith.addi %add3A_984, %add3A_985 : i32
      %dma_start3A_987 = arith.constant 4 : i32
      %dma_start3A_988 = tpu.memref_slice %arg3[%add3A_986] : memref<327680xi32, #tpu.memory_space<hbm>> -> memref<80xi32, #tpu.memory_space<hbm>>
      %dma_start3A_989 = tpu.memref_slice %arg28[%dma_start3A_987] : memref<8x!tpu.dma_semaphore, #tpu.memory_space<semaphore_mem>> -> memref<1x!tpu.dma_semaphore, #tpu.memory_space<semaphore_mem>>
      %dma_start3A_990 = tpu.memref_squeeze %dma_start3A_989 : memref<1x!tpu.dma_semaphore, #tpu.memory_space<semaphore_mem>> -> memref<!tpu.dma_semaphore, #tpu.memory_space<semaphore_mem>>
      %dma_start3A_991 = tpu.memref_slice %arg3[%add3A_986] : memref<327680xi32, #tpu.memory_space<hbm>> -> memref<80xi32, #tpu.memory_space<hbm>>
      tpu.enqueue_dma source(%dma_start3A_991 : memref<80xi32, #tpu.memory_space<hbm>>) target(%arg11 : memref<80xi32, #tpu.memory_space<vmem>>) target_semaphore(%dma_start3A_990 : memref<!tpu.dma_semaphore, #tpu.memory_space<semaphore_mem>>)
      %mul3A_992 = arith.constant 10240 : i32
      %mul3A_993 = arith.muli %add3A, %mul3A_992 : i32
      %mul3A_994 = arith.constant 320 : i32
      %mul3A_995 = arith.muli %add3A_883, %mul3A_994 : i32
      %add3A_996 = arith.addi %mul3A_993, %mul3A_995 : i32
      %add3A_997 = arith.constant 80 : i32
      %add3A_998 = arith.addi %add3A_996, %add3A_997 : i32
      %dma_start3A_999 = arith.constant 5 : i32
      %dma_start3A_1000 = tpu.memref_slice %arg3[%add3A_998] : memref<327680xi32, #tpu.memory_space<hbm>> -> memref<80xi32, #tpu.memory_space<hbm>>
      %dma_start3A_1001 = tpu.memref_slice %arg28[%dma_start3A_999] : memref<8x!tpu.dma_semaphore, #tpu.memory_space<semaphore_mem>> -> memref<1x!tpu.dma_semaphore, #tpu.memory_space<semaphore_mem>>
      %dma_start3A_1002 = tpu.memref_squeeze %dma_start3A_1001 : memref<1x!tpu.dma_semaphore, #tpu.memory_space<semaphore_mem>> -> memref<!tpu.dma_semaphore, #tpu.memory_space<semaphore_mem>>
      %dma_start3A_1003 = tpu.memref_slice %arg3[%add3A_998] : memref<327680xi32, #tpu.memory_space<hbm>> -> memref<80xi32, #tpu.memory_space<hbm>>
      tpu.enqueue_dma source(%dma_start3A_1003 : memref<80xi32, #tpu.memory_space<hbm>>) target(%arg12 : memref<80xi32, #tpu.memory_space<vmem>>) target_semaphore(%dma_start3A_1002 : memref<!tpu.dma_semaphore, #tpu.memory_space<semaphore_mem>>)
      %mul3A_1004 = arith.constant 10240 : i32
      %mul3A_1005 = arith.muli %add3A, %mul3A_1004 : i32
      %mul3A_1006 = arith.constant 320 : i32
      %mul3A_1007 = arith.muli %add3A_883, %mul3A_1006 : i32
      %add3A_1008 = arith.addi %mul3A_1005, %mul3A_1007 : i32
      %add3A_1009 = arith.constant 160 : i32
      %add3A_1010 = arith.addi %add3A_1008, %add3A_1009 : i32
      %dma_start3A_1011 = arith.constant 6 : i32
      %dma_start3A_1012 = tpu.memref_slice %arg3[%add3A_1010] : memref<327680xi32, #tpu.memory_space<hbm>> -> memref<80xi32, #tpu.memory_space<hbm>>
      %dma_start3A_1013 = tpu.memref_slice %arg28[%dma_start3A_1011] : memref<8x!tpu.dma_semaphore, #tpu.memory_space<semaphore_mem>> -> memref<1x!tpu.dma_semaphore, #tpu.memory_space<semaphore_mem>>
      %dma_start3A_1014 = tpu.memref_squeeze %dma_start3A_1013 : memref<1x!tpu.dma_semaphore, #tpu.memory_space<semaphore_mem>> -> memref<!tpu.dma_semaphore, #tpu.memory_space<semaphore_mem>>
      %dma_start3A_1015 = tpu.memref_slice %arg3[%add3A_1010] : memref<327680xi32, #tpu.memory_space<hbm>> -> memref<80xi32, #tpu.memory_space<hbm>>
      tpu.enqueue_dma source(%dma_start3A_1015 : memref<80xi32, #tpu.memory_space<hbm>>) target(%arg13 : memref<80xi32, #tpu.memory_space<vmem>>) target_semaphore(%dma_start3A_1014 : memref<!tpu.dma_semaphore, #tpu.memory_space<semaphore_mem>>)
      %mul3A_1016 = arith.constant 10240 : i32
      %mul3A_1017 = arith.muli %add3A, %mul3A_1016 : i32
      %mul3A_1018 = arith.constant 320 : i32
      %mul3A_1019 = arith.muli %add3A_883, %mul3A_1018 : i32
      %add3A_1020 = arith.addi %mul3A_1017, %mul3A_1019 : i32
      %add3A_1021 = arith.constant 240 : i32
      %add3A_1022 = arith.addi %add3A_1020, %add3A_1021 : i32
      %dma_start3A_1023 = arith.constant 7 : i32
      %dma_start3A_1024 = tpu.memref_slice %arg3[%add3A_1022] : memref<327680xi32, #tpu.memory_space<hbm>> -> memref<80xi32, #tpu.memory_space<hbm>>
      %dma_start3A_1025 = tpu.memref_slice %arg28[%dma_start3A_1023] : memref<8x!tpu.dma_semaphore, #tpu.memory_space<semaphore_mem>> -> memref<1x!tpu.dma_semaphore, #tpu.memory_space<semaphore_mem>>
      %dma_start3A_1026 = tpu.memref_squeeze %dma_start3A_1025 : memref<1x!tpu.dma_semaphore, #tpu.memory_space<semaphore_mem>> -> memref<!tpu.dma_semaphore, #tpu.memory_space<semaphore_mem>>
      %dma_start3A_1027 = tpu.memref_slice %arg3[%add3A_1022] : memref<327680xi32, #tpu.memory_space<hbm>> -> memref<80xi32, #tpu.memory_space<hbm>>
      tpu.enqueue_dma source(%dma_start3A_1027 : memref<80xi32, #tpu.memory_space<hbm>>) target(%arg14 : memref<80xi32, #tpu.memory_space<vmem>>) target_semaphore(%dma_start3A_1026 : memref<!tpu.dma_semaphore, #tpu.memory_space<semaphore_mem>>)
      %add3A_1028 = arith.constant 1 : i32
      %add3A_1029 = arith.addi %add3A_879, %add3A_1028 : i32
      %mul3A_1030 = arith.constant 10240 : i32
      %mul3A_1031 = arith.muli %add3A, %mul3A_1030 : i32
      %mul3A_1032 = arith.constant 320 : i32
      %mul3A_1033 = arith.muli %add3A_1029, %mul3A_1032 : i32
      %add3A_1034 = arith.addi %mul3A_1031, %mul3A_1033 : i32
      %add3A_1035 = arith.constant 0 : i32
      %add3A_1036 = arith.addi %add3A_1034, %add3A_1035 : i32
      %dma_wait3A_1037 = arith.constant 0 : i32
      %dma_wait3A_1038 = tpu.memref_slice %arg3[%add3A_1036] : memref<327680xi32, #tpu.memory_space<hbm>> -> memref<80xi32, #tpu.memory_space<hbm>>
      %dma_wait3A_1039 = tpu.memref_slice %arg28[%dma_wait3A_1037] : memref<8x!tpu.dma_semaphore, #tpu.memory_space<semaphore_mem>> -> memref<1x!tpu.dma_semaphore, #tpu.memory_space<semaphore_mem>>
      %dma_wait3A_1040 = tpu.memref_squeeze %dma_wait3A_1039 : memref<1x!tpu.dma_semaphore, #tpu.memory_space<semaphore_mem>> -> memref<!tpu.dma_semaphore, #tpu.memory_space<semaphore_mem>>
      %dma_wait3A_1041 = tpu.memref_slice %arg3[%add3A_1036] : memref<327680xi32, #tpu.memory_space<hbm>> -> memref<80xi32, #tpu.memory_space<hbm>>
      tpu.wait_dma2 semaphore(%dma_wait3A_1040 : memref<!tpu.dma_semaphore, #tpu.memory_space<semaphore_mem>>) src(%dma_wait3A_1041 : memref<80xi32, #tpu.memory_space<hbm>>) dst(%arg7 : memref<80xi32, #tpu.memory_space<vmem>>)
      %add3A_1042 = arith.constant 1 : i32
      %add3A_1043 = arith.addi %add3A_879, %add3A_1042 : i32
      %mul3A_1044 = arith.constant 10240 : i32
      %mul3A_1045 = arith.muli %add3A, %mul3A_1044 : i32
      %mul3A_1046 = arith.constant 320 : i32
      %mul3A_1047 = arith.muli %add3A_1043, %mul3A_1046 : i32
      %add3A_1048 = arith.addi %mul3A_1045, %mul3A_1047 : i32
      %add3A_1049 = arith.constant 80 : i32
      %add3A_1050 = arith.addi %add3A_1048, %add3A_1049 : i32
      %dma_wait3A_1051 = arith.constant 1 : i32
      %dma_wait3A_1052 = tpu.memref_slice %arg3[%add3A_1050] : memref<327680xi32, #tpu.memory_space<hbm>> -> memref<80xi32, #tpu.memory_space<hbm>>
      %dma_wait3A_1053 = tpu.memref_slice %arg28[%dma_wait3A_1051] : memref<8x!tpu.dma_semaphore, #tpu.memory_space<semaphore_mem>> -> memref<1x!tpu.dma_semaphore, #tpu.memory_space<semaphore_mem>>
      %dma_wait3A_1054 = tpu.memref_squeeze %dma_wait3A_1053 : memref<1x!tpu.dma_semaphore, #tpu.memory_space<semaphore_mem>> -> memref<!tpu.dma_semaphore, #tpu.memory_space<semaphore_mem>>
      %dma_wait3A_1055 = tpu.memref_slice %arg3[%add3A_1050] : memref<327680xi32, #tpu.memory_space<hbm>> -> memref<80xi32, #tpu.memory_space<hbm>>
      tpu.wait_dma2 semaphore(%dma_wait3A_1054 : memref<!tpu.dma_semaphore, #tpu.memory_space<semaphore_mem>>) src(%dma_wait3A_1055 : memref<80xi32, #tpu.memory_space<hbm>>) dst(%arg8 : memref<80xi32, #tpu.memory_space<vmem>>)
      %add3A_1056 = arith.constant 1 : i32
      %add3A_1057 = arith.addi %add3A_879, %add3A_1056 : i32
      %mul3A_1058 = arith.constant 10240 : i32
      %mul3A_1059 = arith.muli %add3A, %mul3A_1058 : i32
      %mul3A_1060 = arith.constant 320 : i32
      %mul3A_1061 = arith.muli %add3A_1057, %mul3A_1060 : i32
      %add3A_1062 = arith.addi %mul3A_1059, %mul3A_1061 : i32
      %add3A_1063 = arith.constant 160 : i32
      %add3A_1064 = arith.addi %add3A_1062, %add3A_1063 : i32
      %dma_wait3A_1065 = arith.constant 2 : i32
      %dma_wait3A_1066 = tpu.memref_slice %arg3[%add3A_1064] : memref<327680xi32, #tpu.memory_space<hbm>> -> memref<80xi32, #tpu.memory_space<hbm>>
      %dma_wait3A_1067 = tpu.memref_slice %arg28[%dma_wait3A_1065] : memref<8x!tpu.dma_semaphore, #tpu.memory_space<semaphore_mem>> -> memref<1x!tpu.dma_semaphore, #tpu.memory_space<semaphore_mem>>
      %dma_wait3A_1068 = tpu.memref_squeeze %dma_wait3A_1067 : memref<1x!tpu.dma_semaphore, #tpu.memory_space<semaphore_mem>> -> memref<!tpu.dma_semaphore, #tpu.memory_space<semaphore_mem>>
      %dma_wait3A_1069 = tpu.memref_slice %arg3[%add3A_1064] : memref<327680xi32, #tpu.memory_space<hbm>> -> memref<80xi32, #tpu.memory_space<hbm>>
      tpu.wait_dma2 semaphore(%dma_wait3A_1068 : memref<!tpu.dma_semaphore, #tpu.memory_space<semaphore_mem>>) src(%dma_wait3A_1069 : memref<80xi32, #tpu.memory_space<hbm>>) dst(%arg9 : memref<80xi32, #tpu.memory_space<vmem>>)
      %add3A_1070 = arith.constant 1 : i32
      %add3A_1071 = arith.addi %add3A_879, %add3A_1070 : i32
      %mul3A_1072 = arith.constant 10240 : i32
      %mul3A_1073 = arith.muli %add3A, %mul3A_1072 : i32
      %mul3A_1074 = arith.constant 320 : i32
      %mul3A_1075 = arith.muli %add3A_1071, %mul3A_1074 : i32
      %add3A_1076 = arith.addi %mul3A_1073, %mul3A_1075 : i32
      %add3A_1077 = arith.constant 240 : i32
      %add3A_1078 = arith.addi %add3A_1076, %add3A_1077 : i32
      %dma_wait3A_1079 = arith.constant 3 : i32
      %dma_wait3A_1080 = tpu.memref_slice %arg3[%add3A_1078] : memref<327680xi32, #tpu.memory_space<hbm>> -> memref<80xi32, #tpu.memory_space<hbm>>
      %dma_wait3A_1081 = tpu.memref_slice %arg28[%dma_wait3A_1079] : memref<8x!tpu.dma_semaphore, #tpu.memory_space<semaphore_mem>> -> memref<1x!tpu.dma_semaphore, #tpu.memory_space<semaphore_mem>>
      %dma_wait3A_1082 = tpu.memref_squeeze %dma_wait3A_1081 : memref<1x!tpu.dma_semaphore, #tpu.memory_space<semaphore_mem>> -> memref<!tpu.dma_semaphore, #tpu.memory_space<semaphore_mem>>
      %dma_wait3A_1083 = tpu.memref_slice %arg3[%add3A_1078] : memref<327680xi32, #tpu.memory_space<hbm>> -> memref<80xi32, #tpu.memory_space<hbm>>
      tpu.wait_dma2 semaphore(%dma_wait3A_1082 : memref<!tpu.dma_semaphore, #tpu.memory_space<semaphore_mem>>) src(%dma_wait3A_1083 : memref<80xi32, #tpu.memory_space<hbm>>) dst(%arg10 : memref<80xi32, #tpu.memory_space<vmem>>)
      %dma_wait3A_1084 = arith.constant 0 : i32
      %dma_wait3A_1085 = arith.constant 0 : i32
      %dma_wait3A_1086 = arith.constant 0 : i32
      %dma_wait3A_1087 = tpu.memref_slice %arg27[%dma_wait3A_1085, %dma_wait3A_1086] : memref<10240x128xf32, #tpu.memory_space<vmem_shared>> -> memref<10240x128xf32, #tpu.memory_space<vmem_shared>>
      %dma_wait3A_1088 = tpu.memref_slice %arg31[%dma_wait3A_1084] : memref<4x!tpu.dma_semaphore, #tpu.memory_space<semaphore_mem>> -> memref<1x!tpu.dma_semaphore, #tpu.memory_space<semaphore_mem>>
      %dma_wait3A_1089 = tpu.memref_squeeze %dma_wait3A_1088 : memref<1x!tpu.dma_semaphore, #tpu.memory_space<semaphore_mem>> -> memref<!tpu.dma_semaphore, #tpu.memory_space<semaphore_mem>>
      tpu.wait_indirect_dma semaphore(%dma_wait3A_1089 : memref<!tpu.dma_semaphore, #tpu.memory_space<semaphore_mem>>) src(%arg23 : memref<80x128xf32, #tpu.memory_space<vmem>>) dst(%dma_wait3A_1087 : memref<10240x128xf32, #tpu.memory_space<vmem_shared>>)
      %dma_start3A_1090 = arith.constant 0 : i32
      %dma_start3A_1091 = arith.constant 0 : i32
      %dma_start3A_1092 = arith.constant 0 : i32
      %dma_start3A_1093 = tpu.memref_slice %arg2[%dma_start3A_1091, %dma_start3A_1092] : memref<10000x128xf32, #tpu.memory_space<hbm>> -> memref<10000x128xf32, #tpu.memory_space<hbm>>
      %dma_start3A_1094 = tpu.memref_slice %arg30[%dma_start3A_1090] : memref<4x!tpu.dma_semaphore, #tpu.memory_space<semaphore_mem>> -> memref<1x!tpu.dma_semaphore, #tpu.memory_space<semaphore_mem>>
      %dma_start3A_1095 = tpu.memref_squeeze %dma_start3A_1094 : memref<1x!tpu.dma_semaphore, #tpu.memory_space<semaphore_mem>> -> memref<!tpu.dma_semaphore, #tpu.memory_space<semaphore_mem>>
      tpu.enqueue_indirect_dma source(%dma_start3A_1093 : memref<10000x128xf32, #tpu.memory_space<hbm>>) target(%arg23 : memref<80x128xf32, #tpu.memory_space<vmem>>) offsets(%arg7 : memref<80xi32, #tpu.memory_space<vmem>>) semaphore(%dma_start3A_1095 : memref<!tpu.dma_semaphore, #tpu.memory_space<semaphore_mem>>)
      %dma_wait3A_1096 = arith.constant 1 : i32
      %dma_wait3A_1097 = arith.constant 0 : i32
      %dma_wait3A_1098 = arith.constant 0 : i32
      %dma_wait3A_1099 = tpu.memref_slice %arg27[%dma_wait3A_1097, %dma_wait3A_1098] : memref<10240x128xf32, #tpu.memory_space<vmem_shared>> -> memref<10240x128xf32, #tpu.memory_space<vmem_shared>>
      %dma_wait3A_1100 = tpu.memref_slice %arg31[%dma_wait3A_1096] : memref<4x!tpu.dma_semaphore, #tpu.memory_space<semaphore_mem>> -> memref<1x!tpu.dma_semaphore, #tpu.memory_space<semaphore_mem>>
      %dma_wait3A_1101 = tpu.memref_squeeze %dma_wait3A_1100 : memref<1x!tpu.dma_semaphore, #tpu.memory_space<semaphore_mem>> -> memref<!tpu.dma_semaphore, #tpu.memory_space<semaphore_mem>>
      tpu.wait_indirect_dma semaphore(%dma_wait3A_1101 : memref<!tpu.dma_semaphore, #tpu.memory_space<semaphore_mem>>) src(%arg24 : memref<80x128xf32, #tpu.memory_space<vmem>>) dst(%dma_wait3A_1099 : memref<10240x128xf32, #tpu.memory_space<vmem_shared>>)
      %dma_start3A_1102 = arith.constant 1 : i32
      %dma_start3A_1103 = arith.constant 0 : i32
      %dma_start3A_1104 = arith.constant 0 : i32
      %dma_start3A_1105 = tpu.memref_slice %arg2[%dma_start3A_1103, %dma_start3A_1104] : memref<10000x128xf32, #tpu.memory_space<hbm>> -> memref<10000x128xf32, #tpu.memory_space<hbm>>
      %dma_start3A_1106 = tpu.memref_slice %arg30[%dma_start3A_1102] : memref<4x!tpu.dma_semaphore, #tpu.memory_space<semaphore_mem>> -> memref<1x!tpu.dma_semaphore, #tpu.memory_space<semaphore_mem>>
      %dma_start3A_1107 = tpu.memref_squeeze %dma_start3A_1106 : memref<1x!tpu.dma_semaphore, #tpu.memory_space<semaphore_mem>> -> memref<!tpu.dma_semaphore, #tpu.memory_space<semaphore_mem>>
      tpu.enqueue_indirect_dma source(%dma_start3A_1105 : memref<10000x128xf32, #tpu.memory_space<hbm>>) target(%arg24 : memref<80x128xf32, #tpu.memory_space<vmem>>) offsets(%arg8 : memref<80xi32, #tpu.memory_space<vmem>>) semaphore(%dma_start3A_1107 : memref<!tpu.dma_semaphore, #tpu.memory_space<semaphore_mem>>)
      %dma_wait3A_1108 = arith.constant 2 : i32
      %dma_wait3A_1109 = arith.constant 0 : i32
      %dma_wait3A_1110 = arith.constant 0 : i32
      %dma_wait3A_1111 = tpu.memref_slice %arg27[%dma_wait3A_1109, %dma_wait3A_1110] : memref<10240x128xf32, #tpu.memory_space<vmem_shared>> -> memref<10240x128xf32, #tpu.memory_space<vmem_shared>>
      %dma_wait3A_1112 = tpu.memref_slice %arg31[%dma_wait3A_1108] : memref<4x!tpu.dma_semaphore, #tpu.memory_space<semaphore_mem>> -> memref<1x!tpu.dma_semaphore, #tpu.memory_space<semaphore_mem>>
      %dma_wait3A_1113 = tpu.memref_squeeze %dma_wait3A_1112 : memref<1x!tpu.dma_semaphore, #tpu.memory_space<semaphore_mem>> -> memref<!tpu.dma_semaphore, #tpu.memory_space<semaphore_mem>>
      tpu.wait_indirect_dma semaphore(%dma_wait3A_1113 : memref<!tpu.dma_semaphore, #tpu.memory_space<semaphore_mem>>) src(%arg25 : memref<80x128xf32, #tpu.memory_space<vmem>>) dst(%dma_wait3A_1111 : memref<10240x128xf32, #tpu.memory_space<vmem_shared>>)
      %dma_start3A_1114 = arith.constant 2 : i32
      %dma_start3A_1115 = arith.constant 0 : i32
      %dma_start3A_1116 = arith.constant 0 : i32
      %dma_start3A_1117 = tpu.memref_slice %arg2[%dma_start3A_1115, %dma_start3A_1116] : memref<10000x128xf32, #tpu.memory_space<hbm>> -> memref<10000x128xf32, #tpu.memory_space<hbm>>
      %dma_start3A_1118 = tpu.memref_slice %arg30[%dma_start3A_1114] : memref<4x!tpu.dma_semaphore, #tpu.memory_space<semaphore_mem>> -> memref<1x!tpu.dma_semaphore, #tpu.memory_space<semaphore_mem>>
      %dma_start3A_1119 = tpu.memref_squeeze %dma_start3A_1118 : memref<1x!tpu.dma_semaphore, #tpu.memory_space<semaphore_mem>> -> memref<!tpu.dma_semaphore, #tpu.memory_space<semaphore_mem>>
      tpu.enqueue_indirect_dma source(%dma_start3A_1117 : memref<10000x128xf32, #tpu.memory_space<hbm>>) target(%arg25 : memref<80x128xf32, #tpu.memory_space<vmem>>) offsets(%arg9 : memref<80xi32, #tpu.memory_space<vmem>>) semaphore(%dma_start3A_1119 : memref<!tpu.dma_semaphore, #tpu.memory_space<semaphore_mem>>)
      %dma_wait3A_1120 = arith.constant 3 : i32
      %dma_wait3A_1121 = arith.constant 0 : i32
      %dma_wait3A_1122 = arith.constant 0 : i32
      %dma_wait3A_1123 = tpu.memref_slice %arg27[%dma_wait3A_1121, %dma_wait3A_1122] : memref<10240x128xf32, #tpu.memory_space<vmem_shared>> -> memref<10240x128xf32, #tpu.memory_space<vmem_shared>>
      %dma_wait3A_1124 = tpu.memref_slice %arg31[%dma_wait3A_1120] : memref<4x!tpu.dma_semaphore, #tpu.memory_space<semaphore_mem>> -> memref<1x!tpu.dma_semaphore, #tpu.memory_space<semaphore_mem>>
      %dma_wait3A_1125 = tpu.memref_squeeze %dma_wait3A_1124 : memref<1x!tpu.dma_semaphore, #tpu.memory_space<semaphore_mem>> -> memref<!tpu.dma_semaphore, #tpu.memory_space<semaphore_mem>>
      tpu.wait_indirect_dma semaphore(%dma_wait3A_1125 : memref<!tpu.dma_semaphore, #tpu.memory_space<semaphore_mem>>) src(%arg26 : memref<80x128xf32, #tpu.memory_space<vmem>>) dst(%dma_wait3A_1123 : memref<10240x128xf32, #tpu.memory_space<vmem_shared>>)
      %dma_start3A_1126 = arith.constant 3 : i32
      %dma_start3A_1127 = arith.constant 0 : i32
      %dma_start3A_1128 = arith.constant 0 : i32
      %dma_start3A_1129 = tpu.memref_slice %arg2[%dma_start3A_1127, %dma_start3A_1128] : memref<10000x128xf32, #tpu.memory_space<hbm>> -> memref<10000x128xf32, #tpu.memory_space<hbm>>
      %dma_start3A_1130 = tpu.memref_slice %arg30[%dma_start3A_1126] : memref<4x!tpu.dma_semaphore, #tpu.memory_space<semaphore_mem>> -> memref<1x!tpu.dma_semaphore, #tpu.memory_space<semaphore_mem>>
      %dma_start3A_1131 = tpu.memref_squeeze %dma_start3A_1130 : memref<1x!tpu.dma_semaphore, #tpu.memory_space<semaphore_mem>> -> memref<!tpu.dma_semaphore, #tpu.memory_space<semaphore_mem>>
      tpu.enqueue_indirect_dma source(%dma_start3A_1129 : memref<10000x128xf32, #tpu.memory_space<hbm>>) target(%arg26 : memref<80x128xf32, #tpu.memory_space<vmem>>) offsets(%arg10 : memref<80xi32, #tpu.memory_space<vmem>>) semaphore(%dma_start3A_1131 : memref<!tpu.dma_semaphore, #tpu.memory_space<semaphore_mem>>)
      %mul3A_1132 = arith.constant 10240 : i32
      %mul3A_1133 = arith.muli %add3A, %mul3A_1132 : i32
      %mul3A_1134 = arith.constant 320 : i32
      %mul3A_1135 = arith.muli %add3A_883, %mul3A_1134 : i32
      %add3A_1136 = arith.addi %mul3A_1133, %mul3A_1135 : i32
      %add3A_1137 = arith.constant 0 : i32
      %add3A_1138 = arith.addi %add3A_1136, %add3A_1137 : i32
      %dma_start3A_1139 = arith.constant 4 : i32
      %dma_start3A_1140 = tpu.memref_slice %arg4[%add3A_1138] : memref<327680xi32, #tpu.memory_space<hbm>> -> memref<80xi32, #tpu.memory_space<hbm>>
      %dma_start3A_1141 = tpu.memref_slice %arg29[%dma_start3A_1139] : memref<8x!tpu.dma_semaphore, #tpu.memory_space<semaphore_mem>> -> memref<1x!tpu.dma_semaphore, #tpu.memory_space<semaphore_mem>>
      %dma_start3A_1142 = tpu.memref_squeeze %dma_start3A_1141 : memref<1x!tpu.dma_semaphore, #tpu.memory_space<semaphore_mem>> -> memref<!tpu.dma_semaphore, #tpu.memory_space<semaphore_mem>>
      %dma_start3A_1143 = tpu.memref_slice %arg4[%add3A_1138] : memref<327680xi32, #tpu.memory_space<hbm>> -> memref<80xi32, #tpu.memory_space<hbm>>
      tpu.enqueue_dma source(%dma_start3A_1143 : memref<80xi32, #tpu.memory_space<hbm>>) target(%arg19 : memref<80xi32, #tpu.memory_space<vmem>>) target_semaphore(%dma_start3A_1142 : memref<!tpu.dma_semaphore, #tpu.memory_space<semaphore_mem>>)
      %mul3A_1144 = arith.constant 10240 : i32
      %mul3A_1145 = arith.muli %add3A, %mul3A_1144 : i32
      %mul3A_1146 = arith.constant 320 : i32
      %mul3A_1147 = arith.muli %add3A_883, %mul3A_1146 : i32
      %add3A_1148 = arith.addi %mul3A_1145, %mul3A_1147 : i32
      %add3A_1149 = arith.constant 80 : i32
      %add3A_1150 = arith.addi %add3A_1148, %add3A_1149 : i32
      %dma_start3A_1151 = arith.constant 5 : i32
      %dma_start3A_1152 = tpu.memref_slice %arg4[%add3A_1150] : memref<327680xi32, #tpu.memory_space<hbm>> -> memref<80xi32, #tpu.memory_space<hbm>>
      %dma_start3A_1153 = tpu.memref_slice %arg29[%dma_start3A_1151] : memref<8x!tpu.dma_semaphore, #tpu.memory_space<semaphore_mem>> -> memref<1x!tpu.dma_semaphore, #tpu.memory_space<semaphore_mem>>
      %dma_start3A_1154 = tpu.memref_squeeze %dma_start3A_1153 : memref<1x!tpu.dma_semaphore, #tpu.memory_space<semaphore_mem>> -> memref<!tpu.dma_semaphore, #tpu.memory_space<semaphore_mem>>
      %dma_start3A_1155 = tpu.memref_slice %arg4[%add3A_1150] : memref<327680xi32, #tpu.memory_space<hbm>> -> memref<80xi32, #tpu.memory_space<hbm>>
      tpu.enqueue_dma source(%dma_start3A_1155 : memref<80xi32, #tpu.memory_space<hbm>>) target(%arg20 : memref<80xi32, #tpu.memory_space<vmem>>) target_semaphore(%dma_start3A_1154 : memref<!tpu.dma_semaphore, #tpu.memory_space<semaphore_mem>>)
      %mul3A_1156 = arith.constant 10240 : i32
      %mul3A_1157 = arith.muli %add3A, %mul3A_1156 : i32
      %mul3A_1158 = arith.constant 320 : i32
      %mul3A_1159 = arith.muli %add3A_883, %mul3A_1158 : i32
      %add3A_1160 = arith.addi %mul3A_1157, %mul3A_1159 : i32
      %add3A_1161 = arith.constant 160 : i32
      %add3A_1162 = arith.addi %add3A_1160, %add3A_1161 : i32
      %dma_start3A_1163 = arith.constant 6 : i32
      %dma_start3A_1164 = tpu.memref_slice %arg4[%add3A_1162] : memref<327680xi32, #tpu.memory_space<hbm>> -> memref<80xi32, #tpu.memory_space<hbm>>
      %dma_start3A_1165 = tpu.memref_slice %arg29[%dma_start3A_1163] : memref<8x!tpu.dma_semaphore, #tpu.memory_space<semaphore_mem>> -> memref<1x!tpu.dma_semaphore, #tpu.memory_space<semaphore_mem>>
      %dma_start3A_1166 = tpu.memref_squeeze %dma_start3A_1165 : memref<1x!tpu.dma_semaphore, #tpu.memory_space<semaphore_mem>> -> memref<!tpu.dma_semaphore, #tpu.memory_space<semaphore_mem>>
      %dma_start3A_1167 = tpu.memref_slice %arg4[%add3A_1162] : memref<327680xi32, #tpu.memory_space<hbm>> -> memref<80xi32, #tpu.memory_space<hbm>>
      tpu.enqueue_dma source(%dma_start3A_1167 : memref<80xi32, #tpu.memory_space<hbm>>) target(%arg21 : memref<80xi32, #tpu.memory_space<vmem>>) target_semaphore(%dma_start3A_1166 : memref<!tpu.dma_semaphore, #tpu.memory_space<semaphore_mem>>)
      %mul3A_1168 = arith.constant 10240 : i32
      %mul3A_1169 = arith.muli %add3A, %mul3A_1168 : i32
      %mul3A_1170 = arith.constant 320 : i32
      %mul3A_1171 = arith.muli %add3A_883, %mul3A_1170 : i32
      %add3A_1172 = arith.addi %mul3A_1169, %mul3A_1171 : i32
      %add3A_1173 = arith.constant 240 : i32
      %add3A_1174 = arith.addi %add3A_1172, %add3A_1173 : i32
      %dma_start3A_1175 = arith.constant 7 : i32
      %dma_start3A_1176 = tpu.memref_slice %arg4[%add3A_1174] : memref<327680xi32, #tpu.memory_space<hbm>> -> memref<80xi32, #tpu.memory_space<hbm>>
      %dma_start3A_1177 = tpu.memref_slice %arg29[%dma_start3A_1175] : memref<8x!tpu.dma_semaphore, #tpu.memory_space<semaphore_mem>> -> memref<1x!tpu.dma_semaphore, #tpu.memory_space<semaphore_mem>>
      %dma_start3A_1178 = tpu.memref_squeeze %dma_start3A_1177 : memref<1x!tpu.dma_semaphore, #tpu.memory_space<semaphore_mem>> -> memref<!tpu.dma_semaphore, #tpu.memory_space<semaphore_mem>>
      %dma_start3A_1179 = tpu.memref_slice %arg4[%add3A_1174] : memref<327680xi32, #tpu.memory_space<hbm>> -> memref<80xi32, #tpu.memory_space<hbm>>
      tpu.enqueue_dma source(%dma_start3A_1179 : memref<80xi32, #tpu.memory_space<hbm>>) target(%arg22 : memref<80xi32, #tpu.memory_space<vmem>>) target_semaphore(%dma_start3A_1178 : memref<!tpu.dma_semaphore, #tpu.memory_space<semaphore_mem>>)
    }
    %scan3A_267 = arith.constant 15 : i32
    %dma_wait3A_268 = arith.constant 0 : i32
    %dma_wait3A_269 = arith.constant 0 : i32
    %dma_wait3A_270 = arith.constant 0 : i32
    %dma_wait3A_271 = tpu.memref_slice %arg2[%dma_wait3A_269, %dma_wait3A_270] : memref<10000x128xf32, #tpu.memory_space<hbm>> -> memref<10000x128xf32, #tpu.memory_space<hbm>>
    %dma_wait3A_272 = tpu.memref_slice %arg30[%dma_wait3A_268] : memref<4x!tpu.dma_semaphore, #tpu.memory_space<semaphore_mem>> -> memref<1x!tpu.dma_semaphore, #tpu.memory_space<semaphore_mem>>
    %dma_wait3A_273 = tpu.memref_squeeze %dma_wait3A_272 : memref<1x!tpu.dma_semaphore, #tpu.memory_space<semaphore_mem>> -> memref<!tpu.dma_semaphore, #tpu.memory_space<semaphore_mem>>
    tpu.wait_indirect_dma semaphore(%dma_wait3A_273 : memref<!tpu.dma_semaphore, #tpu.memory_space<semaphore_mem>>) src(%dma_wait3A_271 : memref<10000x128xf32, #tpu.memory_space<hbm>>) dst(%arg23 : memref<80x128xf32, #tpu.memory_space<vmem>>)
    %dma_wait3A_274 = arith.constant 1 : i32
    %dma_wait3A_275 = arith.constant 0 : i32
    %dma_wait3A_276 = arith.constant 0 : i32
    %dma_wait3A_277 = tpu.memref_slice %arg2[%dma_wait3A_275, %dma_wait3A_276] : memref<10000x128xf32, #tpu.memory_space<hbm>> -> memref<10000x128xf32, #tpu.memory_space<hbm>>
    %dma_wait3A_278 = tpu.memref_slice %arg30[%dma_wait3A_274] : memref<4x!tpu.dma_semaphore, #tpu.memory_space<semaphore_mem>> -> memref<1x!tpu.dma_semaphore, #tpu.memory_space<semaphore_mem>>
    %dma_wait3A_279 = tpu.memref_squeeze %dma_wait3A_278 : memref<1x!tpu.dma_semaphore, #tpu.memory_space<semaphore_mem>> -> memref<!tpu.dma_semaphore, #tpu.memory_space<semaphore_mem>>
    tpu.wait_indirect_dma semaphore(%dma_wait3A_279 : memref<!tpu.dma_semaphore, #tpu.memory_space<semaphore_mem>>) src(%dma_wait3A_277 : memref<10000x128xf32, #tpu.memory_space<hbm>>) dst(%arg24 : memref<80x128xf32, #tpu.memory_space<vmem>>)
    %dma_wait3A_280 = arith.constant 2 : i32
    %dma_wait3A_281 = arith.constant 0 : i32
    %dma_wait3A_282 = arith.constant 0 : i32
    %dma_wait3A_283 = tpu.memref_slice %arg2[%dma_wait3A_281, %dma_wait3A_282] : memref<10000x128xf32, #tpu.memory_space<hbm>> -> memref<10000x128xf32, #tpu.memory_space<hbm>>
    %dma_wait3A_284 = tpu.memref_slice %arg30[%dma_wait3A_280] : memref<4x!tpu.dma_semaphore, #tpu.memory_space<semaphore_mem>> -> memref<1x!tpu.dma_semaphore, #tpu.memory_space<semaphore_mem>>
    %dma_wait3A_285 = tpu.memref_squeeze %dma_wait3A_284 : memref<1x!tpu.dma_semaphore, #tpu.memory_space<semaphore_mem>> -> memref<!tpu.dma_semaphore, #tpu.memory_space<semaphore_mem>>
    tpu.wait_indirect_dma semaphore(%dma_wait3A_285 : memref<!tpu.dma_semaphore, #tpu.memory_space<semaphore_mem>>) src(%dma_wait3A_283 : memref<10000x128xf32, #tpu.memory_space<hbm>>) dst(%arg25 : memref<80x128xf32, #tpu.memory_space<vmem>>)
    %dma_wait3A_286 = arith.constant 3 : i32
    %dma_wait3A_287 = arith.constant 0 : i32
    %dma_wait3A_288 = arith.constant 0 : i32
    %dma_wait3A_289 = tpu.memref_slice %arg2[%dma_wait3A_287, %dma_wait3A_288] : memref<10000x128xf32, #tpu.memory_space<hbm>> -> memref<10000x128xf32, #tpu.memory_space<hbm>>
    %dma_wait3A_290 = tpu.memref_slice %arg30[%dma_wait3A_286] : memref<4x!tpu.dma_semaphore, #tpu.memory_space<semaphore_mem>> -> memref<1x!tpu.dma_semaphore, #tpu.memory_space<semaphore_mem>>
    %dma_wait3A_291 = tpu.memref_squeeze %dma_wait3A_290 : memref<1x!tpu.dma_semaphore, #tpu.memory_space<semaphore_mem>> -> memref<!tpu.dma_semaphore, #tpu.memory_space<semaphore_mem>>
    tpu.wait_indirect_dma semaphore(%dma_wait3A_291 : memref<!tpu.dma_semaphore, #tpu.memory_space<semaphore_mem>>) src(%dma_wait3A_289 : memref<10000x128xf32, #tpu.memory_space<hbm>>) dst(%arg26 : memref<80x128xf32, #tpu.memory_space<vmem>>)
    %mul3A_292 = arith.constant 10240 : i32
    %mul3A_293 = arith.muli %add3A, %mul3A_292 : i32
    %add3A_294 = arith.constant 9600 : i32
    %add3A_295 = arith.addi %mul3A_293, %add3A_294 : i32
    %add3A_296 = arith.constant 0 : i32
    %add3A_297 = arith.addi %add3A_295, %add3A_296 : i32
    %dma_wait3A_298 = arith.constant 0 : i32
    %dma_wait3A_299 = tpu.memref_slice %arg4[%add3A_297] : memref<327680xi32, #tpu.memory_space<hbm>> -> memref<80xi32, #tpu.memory_space<hbm>>
    %dma_wait3A_300 = tpu.memref_slice %arg29[%dma_wait3A_298] : memref<8x!tpu.dma_semaphore, #tpu.memory_space<semaphore_mem>> -> memref<1x!tpu.dma_semaphore, #tpu.memory_space<semaphore_mem>>
    %dma_wait3A_301 = tpu.memref_squeeze %dma_wait3A_300 : memref<1x!tpu.dma_semaphore, #tpu.memory_space<semaphore_mem>> -> memref<!tpu.dma_semaphore, #tpu.memory_space<semaphore_mem>>
    %dma_wait3A_302 = tpu.memref_slice %arg4[%add3A_297] : memref<327680xi32, #tpu.memory_space<hbm>> -> memref<80xi32, #tpu.memory_space<hbm>>
    tpu.wait_dma2 semaphore(%dma_wait3A_301 : memref<!tpu.dma_semaphore, #tpu.memory_space<semaphore_mem>>) src(%dma_wait3A_302 : memref<80xi32, #tpu.memory_space<hbm>>) dst(%arg15 : memref<80xi32, #tpu.memory_space<vmem>>)
    %mul3A_303 = arith.constant 10240 : i32
    %mul3A_304 = arith.muli %add3A, %mul3A_303 : i32
    %add3A_305 = arith.constant 9600 : i32
    %add3A_306 = arith.addi %mul3A_304, %add3A_305 : i32
    %add3A_307 = arith.constant 80 : i32
    %add3A_308 = arith.addi %add3A_306, %add3A_307 : i32
    %dma_wait3A_309 = arith.constant 1 : i32
    %dma_wait3A_310 = tpu.memref_slice %arg4[%add3A_308] : memref<327680xi32, #tpu.memory_space<hbm>> -> memref<80xi32, #tpu.memory_space<hbm>>
    %dma_wait3A_311 = tpu.memref_slice %arg29[%dma_wait3A_309] : memref<8x!tpu.dma_semaphore, #tpu.memory_space<semaphore_mem>> -> memref<1x!tpu.dma_semaphore, #tpu.memory_space<semaphore_mem>>
    %dma_wait3A_312 = tpu.memref_squeeze %dma_wait3A_311 : memref<1x!tpu.dma_semaphore, #tpu.memory_space<semaphore_mem>> -> memref<!tpu.dma_semaphore, #tpu.memory_space<semaphore_mem>>
    %dma_wait3A_313 = tpu.memref_slice %arg4[%add3A_308] : memref<327680xi32, #tpu.memory_space<hbm>> -> memref<80xi32, #tpu.memory_space<hbm>>
    tpu.wait_dma2 semaphore(%dma_wait3A_312 : memref<!tpu.dma_semaphore, #tpu.memory_space<semaphore_mem>>) src(%dma_wait3A_313 : memref<80xi32, #tpu.memory_space<hbm>>) dst(%arg16 : memref<80xi32, #tpu.memory_space<vmem>>)
    %mul3A_314 = arith.constant 10240 : i32
    %mul3A_315 = arith.muli %add3A, %mul3A_314 : i32
    %add3A_316 = arith.constant 9600 : i32
    %add3A_317 = arith.addi %mul3A_315, %add3A_316 : i32
    %add3A_318 = arith.constant 160 : i32
    %add3A_319 = arith.addi %add3A_317, %add3A_318 : i32
    %dma_wait3A_320 = arith.constant 2 : i32
    %dma_wait3A_321 = tpu.memref_slice %arg4[%add3A_319] : memref<327680xi32, #tpu.memory_space<hbm>> -> memref<80xi32, #tpu.memory_space<hbm>>
    %dma_wait3A_322 = tpu.memref_slice %arg29[%dma_wait3A_320] : memref<8x!tpu.dma_semaphore, #tpu.memory_space<semaphore_mem>> -> memref<1x!tpu.dma_semaphore, #tpu.memory_space<semaphore_mem>>
    %dma_wait3A_323 = tpu.memref_squeeze %dma_wait3A_322 : memref<1x!tpu.dma_semaphore, #tpu.memory_space<semaphore_mem>> -> memref<!tpu.dma_semaphore, #tpu.memory_space<semaphore_mem>>
    %dma_wait3A_324 = tpu.memref_slice %arg4[%add3A_319] : memref<327680xi32, #tpu.memory_space<hbm>> -> memref<80xi32, #tpu.memory_space<hbm>>
    tpu.wait_dma2 semaphore(%dma_wait3A_323 : memref<!tpu.dma_semaphore, #tpu.memory_space<semaphore_mem>>) src(%dma_wait3A_324 : memref<80xi32, #tpu.memory_space<hbm>>) dst(%arg17 : memref<80xi32, #tpu.memory_space<vmem>>)
    %mul3A_325 = arith.constant 10240 : i32
    %mul3A_326 = arith.muli %add3A, %mul3A_325 : i32
    %add3A_327 = arith.constant 9600 : i32
    %add3A_328 = arith.addi %mul3A_326, %add3A_327 : i32
    %add3A_329 = arith.constant 240 : i32
    %add3A_330 = arith.addi %add3A_328, %add3A_329 : i32
    %dma_wait3A_331 = arith.constant 3 : i32
    %dma_wait3A_332 = tpu.memref_slice %arg4[%add3A_330] : memref<327680xi32, #tpu.memory_space<hbm>> -> memref<80xi32, #tpu.memory_space<hbm>>
    %dma_wait3A_333 = tpu.memref_slice %arg29[%dma_wait3A_331] : memref<8x!tpu.dma_semaphore, #tpu.memory_space<semaphore_mem>> -> memref<1x!tpu.dma_semaphore, #tpu.memory_space<semaphore_mem>>
    %dma_wait3A_334 = tpu.memref_squeeze %dma_wait3A_333 : memref<1x!tpu.dma_semaphore, #tpu.memory_space<semaphore_mem>> -> memref<!tpu.dma_semaphore, #tpu.memory_space<semaphore_mem>>
    %dma_wait3A_335 = tpu.memref_slice %arg4[%add3A_330] : memref<327680xi32, #tpu.memory_space<hbm>> -> memref<80xi32, #tpu.memory_space<hbm>>
    tpu.wait_dma2 semaphore(%dma_wait3A_334 : memref<!tpu.dma_semaphore, #tpu.memory_space<semaphore_mem>>) src(%dma_wait3A_335 : memref<80xi32, #tpu.memory_space<hbm>>) dst(%arg18 : memref<80xi32, #tpu.memory_space<vmem>>)
    %dma_start3A_336 = arith.constant 0 : i32
    %dma_start3A_337 = arith.constant 0 : i32
    %dma_start3A_338 = arith.constant 0 : i32
    %dma_start3A_339 = tpu.memref_slice %arg27[%dma_start3A_337, %dma_start3A_338] : memref<10240x128xf32, #tpu.memory_space<vmem_shared>> -> memref<10240x128xf32, #tpu.memory_space<vmem_shared>>
    %dma_start3A_340 = tpu.memref_slice %arg31[%dma_start3A_336] : memref<4x!tpu.dma_semaphore, #tpu.memory_space<semaphore_mem>> -> memref<1x!tpu.dma_semaphore, #tpu.memory_space<semaphore_mem>>
    %dma_start3A_341 = tpu.memref_squeeze %dma_start3A_340 : memref<1x!tpu.dma_semaphore, #tpu.memory_space<semaphore_mem>> -> memref<!tpu.dma_semaphore, #tpu.memory_space<semaphore_mem>>
    tpu.enqueue_indirect_dma source(%arg23 : memref<80x128xf32, #tpu.memory_space<vmem>>) target(%dma_start3A_339 : memref<10240x128xf32, #tpu.memory_space<vmem_shared>>) offsets(%arg15 : memref<80xi32, #tpu.memory_space<vmem>>) semaphore(%dma_start3A_341 : memref<!tpu.dma_semaphore, #tpu.memory_space<semaphore_mem>>) {add = true}
    %dma_start3A_342 = arith.constant 1 : i32
    %dma_start3A_343 = arith.constant 0 : i32
    %dma_start3A_344 = arith.constant 0 : i32
    %dma_start3A_345 = tpu.memref_slice %arg27[%dma_start3A_343, %dma_start3A_344] : memref<10240x128xf32, #tpu.memory_space<vmem_shared>> -> memref<10240x128xf32, #tpu.memory_space<vmem_shared>>
    %dma_start3A_346 = tpu.memref_slice %arg31[%dma_start3A_342] : memref<4x!tpu.dma_semaphore, #tpu.memory_space<semaphore_mem>> -> memref<1x!tpu.dma_semaphore, #tpu.memory_space<semaphore_mem>>
    %dma_start3A_347 = tpu.memref_squeeze %dma_start3A_346 : memref<1x!tpu.dma_semaphore, #tpu.memory_space<semaphore_mem>> -> memref<!tpu.dma_semaphore, #tpu.memory_space<semaphore_mem>>
    tpu.enqueue_indirect_dma source(%arg24 : memref<80x128xf32, #tpu.memory_space<vmem>>) target(%dma_start3A_345 : memref<10240x128xf32, #tpu.memory_space<vmem_shared>>) offsets(%arg16 : memref<80xi32, #tpu.memory_space<vmem>>) semaphore(%dma_start3A_347 : memref<!tpu.dma_semaphore, #tpu.memory_space<semaphore_mem>>) {add = true}
    %dma_start3A_348 = arith.constant 2 : i32
    %dma_start3A_349 = arith.constant 0 : i32
    %dma_start3A_350 = arith.constant 0 : i32
    %dma_start3A_351 = tpu.memref_slice %arg27[%dma_start3A_349, %dma_start3A_350] : memref<10240x128xf32, #tpu.memory_space<vmem_shared>> -> memref<10240x128xf32, #tpu.memory_space<vmem_shared>>
    %dma_start3A_352 = tpu.memref_slice %arg31[%dma_start3A_348] : memref<4x!tpu.dma_semaphore, #tpu.memory_space<semaphore_mem>> -> memref<1x!tpu.dma_semaphore, #tpu.memory_space<semaphore_mem>>
    %dma_start3A_353 = tpu.memref_squeeze %dma_start3A_352 : memref<1x!tpu.dma_semaphore, #tpu.memory_space<semaphore_mem>> -> memref<!tpu.dma_semaphore, #tpu.memory_space<semaphore_mem>>
    tpu.enqueue_indirect_dma source(%arg25 : memref<80x128xf32, #tpu.memory_space<vmem>>) target(%dma_start3A_351 : memref<10240x128xf32, #tpu.memory_space<vmem_shared>>) offsets(%arg17 : memref<80xi32, #tpu.memory_space<vmem>>) semaphore(%dma_start3A_353 : memref<!tpu.dma_semaphore, #tpu.memory_space<semaphore_mem>>) {add = true}
    %dma_start3A_354 = arith.constant 3 : i32
    %dma_start3A_355 = arith.constant 0 : i32
    %dma_start3A_356 = arith.constant 0 : i32
    %dma_start3A_357 = tpu.memref_slice %arg27[%dma_start3A_355, %dma_start3A_356] : memref<10240x128xf32, #tpu.memory_space<vmem_shared>> -> memref<10240x128xf32, #tpu.memory_space<vmem_shared>>
    %dma_start3A_358 = tpu.memref_slice %arg31[%dma_start3A_354] : memref<4x!tpu.dma_semaphore, #tpu.memory_space<semaphore_mem>> -> memref<1x!tpu.dma_semaphore, #tpu.memory_space<semaphore_mem>>
    %dma_start3A_359 = tpu.memref_squeeze %dma_start3A_358 : memref<1x!tpu.dma_semaphore, #tpu.memory_space<semaphore_mem>> -> memref<!tpu.dma_semaphore, #tpu.memory_space<semaphore_mem>>
    tpu.enqueue_indirect_dma source(%arg26 : memref<80x128xf32, #tpu.memory_space<vmem>>) target(%dma_start3A_357 : memref<10240x128xf32, #tpu.memory_space<vmem_shared>>) offsets(%arg18 : memref<80xi32, #tpu.memory_space<vmem>>) semaphore(%dma_start3A_359 : memref<!tpu.dma_semaphore, #tpu.memory_space<semaphore_mem>>) {add = true}
    %mul3A_360 = arith.constant 10240 : i32
    %mul3A_361 = arith.muli %add3A, %mul3A_360 : i32
    %add3A_362 = arith.constant 9920 : i32
    %add3A_363 = arith.addi %mul3A_361, %add3A_362 : i32
    %add3A_364 = arith.constant 0 : i32
    %add3A_365 = arith.addi %add3A_363, %add3A_364 : i32
    %dma_wait3A_366 = arith.constant 4 : i32
    %dma_wait3A_367 = tpu.memref_slice %arg3[%add3A_365] : memref<327680xi32, #tpu.memory_space<hbm>> -> memref<80xi32, #tpu.memory_space<hbm>>
    %dma_wait3A_368 = tpu.memref_slice %arg28[%dma_wait3A_366] : memref<8x!tpu.dma_semaphore, #tpu.memory_space<semaphore_mem>> -> memref<1x!tpu.dma_semaphore, #tpu.memory_space<semaphore_mem>>
    %dma_wait3A_369 = tpu.memref_squeeze %dma_wait3A_368 : memref<1x!tpu.dma_semaphore, #tpu.memory_space<semaphore_mem>> -> memref<!tpu.dma_semaphore, #tpu.memory_space<semaphore_mem>>
    %dma_wait3A_370 = tpu.memref_slice %arg3[%add3A_365] : memref<327680xi32, #tpu.memory_space<hbm>> -> memref<80xi32, #tpu.memory_space<hbm>>
    tpu.wait_dma2 semaphore(%dma_wait3A_369 : memref<!tpu.dma_semaphore, #tpu.memory_space<semaphore_mem>>) src(%dma_wait3A_370 : memref<80xi32, #tpu.memory_space<hbm>>) dst(%arg11 : memref<80xi32, #tpu.memory_space<vmem>>)
    %mul3A_371 = arith.constant 10240 : i32
    %mul3A_372 = arith.muli %add3A, %mul3A_371 : i32
    %add3A_373 = arith.constant 9920 : i32
    %add3A_374 = arith.addi %mul3A_372, %add3A_373 : i32
    %add3A_375 = arith.constant 80 : i32
    %add3A_376 = arith.addi %add3A_374, %add3A_375 : i32
    %dma_wait3A_377 = arith.constant 5 : i32
    %dma_wait3A_378 = tpu.memref_slice %arg3[%add3A_376] : memref<327680xi32, #tpu.memory_space<hbm>> -> memref<80xi32, #tpu.memory_space<hbm>>
    %dma_wait3A_379 = tpu.memref_slice %arg28[%dma_wait3A_377] : memref<8x!tpu.dma_semaphore, #tpu.memory_space<semaphore_mem>> -> memref<1x!tpu.dma_semaphore, #tpu.memory_space<semaphore_mem>>
    %dma_wait3A_380 = tpu.memref_squeeze %dma_wait3A_379 : memref<1x!tpu.dma_semaphore, #tpu.memory_space<semaphore_mem>> -> memref<!tpu.dma_semaphore, #tpu.memory_space<semaphore_mem>>
    %dma_wait3A_381 = tpu.memref_slice %arg3[%add3A_376] : memref<327680xi32, #tpu.memory_space<hbm>> -> memref<80xi32, #tpu.memory_space<hbm>>
    tpu.wait_dma2 semaphore(%dma_wait3A_380 : memref<!tpu.dma_semaphore, #tpu.memory_space<semaphore_mem>>) src(%dma_wait3A_381 : memref<80xi32, #tpu.memory_space<hbm>>) dst(%arg12 : memref<80xi32, #tpu.memory_space<vmem>>)
    %mul3A_382 = arith.constant 10240 : i32
    %mul3A_383 = arith.muli %add3A, %mul3A_382 : i32
    %add3A_384 = arith.constant 9920 : i32
    %add3A_385 = arith.addi %mul3A_383, %add3A_384 : i32
    %add3A_386 = arith.constant 160 : i32
    %add3A_387 = arith.addi %add3A_385, %add3A_386 : i32
    %dma_wait3A_388 = arith.constant 6 : i32
    %dma_wait3A_389 = tpu.memref_slice %arg3[%add3A_387] : memref<327680xi32, #tpu.memory_space<hbm>> -> memref<80xi32, #tpu.memory_space<hbm>>
    %dma_wait3A_390 = tpu.memref_slice %arg28[%dma_wait3A_388] : memref<8x!tpu.dma_semaphore, #tpu.memory_space<semaphore_mem>> -> memref<1x!tpu.dma_semaphore, #tpu.memory_space<semaphore_mem>>
    %dma_wait3A_391 = tpu.memref_squeeze %dma_wait3A_390 : memref<1x!tpu.dma_semaphore, #tpu.memory_space<semaphore_mem>> -> memref<!tpu.dma_semaphore, #tpu.memory_space<semaphore_mem>>
    %dma_wait3A_392 = tpu.memref_slice %arg3[%add3A_387] : memref<327680xi32, #tpu.memory_space<hbm>> -> memref<80xi32, #tpu.memory_space<hbm>>
    tpu.wait_dma2 semaphore(%dma_wait3A_391 : memref<!tpu.dma_semaphore, #tpu.memory_space<semaphore_mem>>) src(%dma_wait3A_392 : memref<80xi32, #tpu.memory_space<hbm>>) dst(%arg13 : memref<80xi32, #tpu.memory_space<vmem>>)
    %mul3A_393 = arith.constant 10240 : i32
    %mul3A_394 = arith.muli %add3A, %mul3A_393 : i32
    %add3A_395 = arith.constant 9920 : i32
    %add3A_396 = arith.addi %mul3A_394, %add3A_395 : i32
    %add3A_397 = arith.constant 240 : i32
    %add3A_398 = arith.addi %add3A_396, %add3A_397 : i32
    %dma_wait3A_399 = arith.constant 7 : i32
    %dma_wait3A_400 = tpu.memref_slice %arg3[%add3A_398] : memref<327680xi32, #tpu.memory_space<hbm>> -> memref<80xi32, #tpu.memory_space<hbm>>
    %dma_wait3A_401 = tpu.memref_slice %arg28[%dma_wait3A_399] : memref<8x!tpu.dma_semaphore, #tpu.memory_space<semaphore_mem>> -> memref<1x!tpu.dma_semaphore, #tpu.memory_space<semaphore_mem>>
    %dma_wait3A_402 = tpu.memref_squeeze %dma_wait3A_401 : memref<1x!tpu.dma_semaphore, #tpu.memory_space<semaphore_mem>> -> memref<!tpu.dma_semaphore, #tpu.memory_space<semaphore_mem>>
    %dma_wait3A_403 = tpu.memref_slice %arg3[%add3A_398] : memref<327680xi32, #tpu.memory_space<hbm>> -> memref<80xi32, #tpu.memory_space<hbm>>
    tpu.wait_dma2 semaphore(%dma_wait3A_402 : memref<!tpu.dma_semaphore, #tpu.memory_space<semaphore_mem>>) src(%dma_wait3A_403 : memref<80xi32, #tpu.memory_space<hbm>>) dst(%arg14 : memref<80xi32, #tpu.memory_space<vmem>>)
    %dma_wait3A_404 = arith.constant 0 : i32
    %dma_wait3A_405 = arith.constant 0 : i32
    %dma_wait3A_406 = arith.constant 0 : i32
    %dma_wait3A_407 = tpu.memref_slice %arg27[%dma_wait3A_405, %dma_wait3A_406] : memref<10240x128xf32, #tpu.memory_space<vmem_shared>> -> memref<10240x128xf32, #tpu.memory_space<vmem_shared>>
    %dma_wait3A_408 = tpu.memref_slice %arg31[%dma_wait3A_404] : memref<4x!tpu.dma_semaphore, #tpu.memory_space<semaphore_mem>> -> memref<1x!tpu.dma_semaphore, #tpu.memory_space<semaphore_mem>>
    %dma_wait3A_409 = tpu.memref_squeeze %dma_wait3A_408 : memref<1x!tpu.dma_semaphore, #tpu.memory_space<semaphore_mem>> -> memref<!tpu.dma_semaphore, #tpu.memory_space<semaphore_mem>>
    tpu.wait_indirect_dma semaphore(%dma_wait3A_409 : memref<!tpu.dma_semaphore, #tpu.memory_space<semaphore_mem>>) src(%arg23 : memref<80x128xf32, #tpu.memory_space<vmem>>) dst(%dma_wait3A_407 : memref<10240x128xf32, #tpu.memory_space<vmem_shared>>)
    %dma_start3A_410 = arith.constant 0 : i32
    %dma_start3A_411 = arith.constant 0 : i32
    %dma_start3A_412 = arith.constant 0 : i32
    %dma_start3A_413 = tpu.memref_slice %arg2[%dma_start3A_411, %dma_start3A_412] : memref<10000x128xf32, #tpu.memory_space<hbm>> -> memref<10000x128xf32, #tpu.memory_space<hbm>>
    %dma_start3A_414 = tpu.memref_slice %arg30[%dma_start3A_410] : memref<4x!tpu.dma_semaphore, #tpu.memory_space<semaphore_mem>> -> memref<1x!tpu.dma_semaphore, #tpu.memory_space<semaphore_mem>>
    %dma_start3A_415 = tpu.memref_squeeze %dma_start3A_414 : memref<1x!tpu.dma_semaphore, #tpu.memory_space<semaphore_mem>> -> memref<!tpu.dma_semaphore, #tpu.memory_space<semaphore_mem>>
    tpu.enqueue_indirect_dma source(%dma_start3A_413 : memref<10000x128xf32, #tpu.memory_space<hbm>>) target(%arg23 : memref<80x128xf32, #tpu.memory_space<vmem>>) offsets(%arg11 : memref<80xi32, #tpu.memory_space<vmem>>) semaphore(%dma_start3A_415 : memref<!tpu.dma_semaphore, #tpu.memory_space<semaphore_mem>>)
    %dma_wait3A_416 = arith.constant 1 : i32
    %dma_wait3A_417 = arith.constant 0 : i32
    %dma_wait3A_418 = arith.constant 0 : i32
    %dma_wait3A_419 = tpu.memref_slice %arg27[%dma_wait3A_417, %dma_wait3A_418] : memref<10240x128xf32, #tpu.memory_space<vmem_shared>> -> memref<10240x128xf32, #tpu.memory_space<vmem_shared>>
    %dma_wait3A_420 = tpu.memref_slice %arg31[%dma_wait3A_416] : memref<4x!tpu.dma_semaphore, #tpu.memory_space<semaphore_mem>> -> memref<1x!tpu.dma_semaphore, #tpu.memory_space<semaphore_mem>>
    %dma_wait3A_421 = tpu.memref_squeeze %dma_wait3A_420 : memref<1x!tpu.dma_semaphore, #tpu.memory_space<semaphore_mem>> -> memref<!tpu.dma_semaphore, #tpu.memory_space<semaphore_mem>>
    tpu.wait_indirect_dma semaphore(%dma_wait3A_421 : memref<!tpu.dma_semaphore, #tpu.memory_space<semaphore_mem>>) src(%arg24 : memref<80x128xf32, #tpu.memory_space<vmem>>) dst(%dma_wait3A_419 : memref<10240x128xf32, #tpu.memory_space<vmem_shared>>)
    %dma_start3A_422 = arith.constant 1 : i32
    %dma_start3A_423 = arith.constant 0 : i32
    %dma_start3A_424 = arith.constant 0 : i32
    %dma_start3A_425 = tpu.memref_slice %arg2[%dma_start3A_423, %dma_start3A_424] : memref<10000x128xf32, #tpu.memory_space<hbm>> -> memref<10000x128xf32, #tpu.memory_space<hbm>>
    %dma_start3A_426 = tpu.memref_slice %arg30[%dma_start3A_422] : memref<4x!tpu.dma_semaphore, #tpu.memory_space<semaphore_mem>> -> memref<1x!tpu.dma_semaphore, #tpu.memory_space<semaphore_mem>>
    %dma_start3A_427 = tpu.memref_squeeze %dma_start3A_426 : memref<1x!tpu.dma_semaphore, #tpu.memory_space<semaphore_mem>> -> memref<!tpu.dma_semaphore, #tpu.memory_space<semaphore_mem>>
    tpu.enqueue_indirect_dma source(%dma_start3A_425 : memref<10000x128xf32, #tpu.memory_space<hbm>>) target(%arg24 : memref<80x128xf32, #tpu.memory_space<vmem>>) offsets(%arg12 : memref<80xi32, #tpu.memory_space<vmem>>) semaphore(%dma_start3A_427 : memref<!tpu.dma_semaphore, #tpu.memory_space<semaphore_mem>>)
    %dma_wait3A_428 = arith.constant 2 : i32
    %dma_wait3A_429 = arith.constant 0 : i32
    %dma_wait3A_430 = arith.constant 0 : i32
    %dma_wait3A_431 = tpu.memref_slice %arg27[%dma_wait3A_429, %dma_wait3A_430] : memref<10240x128xf32, #tpu.memory_space<vmem_shared>> -> memref<10240x128xf32, #tpu.memory_space<vmem_shared>>
    %dma_wait3A_432 = tpu.memref_slice %arg31[%dma_wait3A_428] : memref<4x!tpu.dma_semaphore, #tpu.memory_space<semaphore_mem>> -> memref<1x!tpu.dma_semaphore, #tpu.memory_space<semaphore_mem>>
    %dma_wait3A_433 = tpu.memref_squeeze %dma_wait3A_432 : memref<1x!tpu.dma_semaphore, #tpu.memory_space<semaphore_mem>> -> memref<!tpu.dma_semaphore, #tpu.memory_space<semaphore_mem>>
    tpu.wait_indirect_dma semaphore(%dma_wait3A_433 : memref<!tpu.dma_semaphore, #tpu.memory_space<semaphore_mem>>) src(%arg25 : memref<80x128xf32, #tpu.memory_space<vmem>>) dst(%dma_wait3A_431 : memref<10240x128xf32, #tpu.memory_space<vmem_shared>>)
    %dma_start3A_434 = arith.constant 2 : i32
    %dma_start3A_435 = arith.constant 0 : i32
    %dma_start3A_436 = arith.constant 0 : i32
    %dma_start3A_437 = tpu.memref_slice %arg2[%dma_start3A_435, %dma_start3A_436] : memref<10000x128xf32, #tpu.memory_space<hbm>> -> memref<10000x128xf32, #tpu.memory_space<hbm>>
    %dma_start3A_438 = tpu.memref_slice %arg30[%dma_start3A_434] : memref<4x!tpu.dma_semaphore, #tpu.memory_space<semaphore_mem>> -> memref<1x!tpu.dma_semaphore, #tpu.memory_space<semaphore_mem>>
    %dma_start3A_439 = tpu.memref_squeeze %dma_start3A_438 : memref<1x!tpu.dma_semaphore, #tpu.memory_space<semaphore_mem>> -> memref<!tpu.dma_semaphore, #tpu.memory_space<semaphore_mem>>
    tpu.enqueue_indirect_dma source(%dma_start3A_437 : memref<10000x128xf32, #tpu.memory_space<hbm>>) target(%arg25 : memref<80x128xf32, #tpu.memory_space<vmem>>) offsets(%arg13 : memref<80xi32, #tpu.memory_space<vmem>>) semaphore(%dma_start3A_439 : memref<!tpu.dma_semaphore, #tpu.memory_space<semaphore_mem>>)
    %dma_wait3A_440 = arith.constant 3 : i32
    %dma_wait3A_441 = arith.constant 0 : i32
    %dma_wait3A_442 = arith.constant 0 : i32
    %dma_wait3A_443 = tpu.memref_slice %arg27[%dma_wait3A_441, %dma_wait3A_442] : memref<10240x128xf32, #tpu.memory_space<vmem_shared>> -> memref<10240x128xf32, #tpu.memory_space<vmem_shared>>
    %dma_wait3A_444 = tpu.memref_slice %arg31[%dma_wait3A_440] : memref<4x!tpu.dma_semaphore, #tpu.memory_space<semaphore_mem>> -> memref<1x!tpu.dma_semaphore, #tpu.memory_space<semaphore_mem>>
    %dma_wait3A_445 = tpu.memref_squeeze %dma_wait3A_444 : memref<1x!tpu.dma_semaphore, #tpu.memory_space<semaphore_mem>> -> memref<!tpu.dma_semaphore, #tpu.memory_space<semaphore_mem>>
    tpu.wait_indirect_dma semaphore(%dma_wait3A_445 : memref<!tpu.dma_semaphore, #tpu.memory_space<semaphore_mem>>) src(%arg26 : memref<80x128xf32, #tpu.memory_space<vmem>>) dst(%dma_wait3A_443 : memref<10240x128xf32, #tpu.memory_space<vmem_shared>>)
    %dma_start3A_446 = arith.constant 3 : i32
    %dma_start3A_447 = arith.constant 0 : i32
    %dma_start3A_448 = arith.constant 0 : i32
    %dma_start3A_449 = tpu.memref_slice %arg2[%dma_start3A_447, %dma_start3A_448] : memref<10000x128xf32, #tpu.memory_space<hbm>> -> memref<10000x128xf32, #tpu.memory_space<hbm>>
    %dma_start3A_450 = tpu.memref_slice %arg30[%dma_start3A_446] : memref<4x!tpu.dma_semaphore, #tpu.memory_space<semaphore_mem>> -> memref<1x!tpu.dma_semaphore, #tpu.memory_space<semaphore_mem>>
    %dma_start3A_451 = tpu.memref_squeeze %dma_start3A_450 : memref<1x!tpu.dma_semaphore, #tpu.memory_space<semaphore_mem>> -> memref<!tpu.dma_semaphore, #tpu.memory_space<semaphore_mem>>
    tpu.enqueue_indirect_dma source(%dma_start3A_449 : memref<10000x128xf32, #tpu.memory_space<hbm>>) target(%arg26 : memref<80x128xf32, #tpu.memory_space<vmem>>) offsets(%arg14 : memref<80xi32, #tpu.memory_space<vmem>>) semaphore(%dma_start3A_451 : memref<!tpu.dma_semaphore, #tpu.memory_space<semaphore_mem>>)
    %dma_wait3A_452 = arith.constant 0 : i32
    %dma_wait3A_453 = arith.constant 0 : i32
    %dma_wait3A_454 = arith.constant 0 : i32
    %dma_wait3A_455 = tpu.memref_slice %arg2[%dma_wait3A_453, %dma_wait3A_454] : memref<10000x128xf32, #tpu.memory_space<hbm>> -> memref<10000x128xf32, #tpu.memory_space<hbm>>
    %dma_wait3A_456 = tpu.memref_slice %arg30[%dma_wait3A_452] : memref<4x!tpu.dma_semaphore, #tpu.memory_space<semaphore_mem>> -> memref<1x!tpu.dma_semaphore, #tpu.memory_space<semaphore_mem>>
    %dma_wait3A_457 = tpu.memref_squeeze %dma_wait3A_456 : memref<1x!tpu.dma_semaphore, #tpu.memory_space<semaphore_mem>> -> memref<!tpu.dma_semaphore, #tpu.memory_space<semaphore_mem>>
    tpu.wait_indirect_dma semaphore(%dma_wait3A_457 : memref<!tpu.dma_semaphore, #tpu.memory_space<semaphore_mem>>) src(%dma_wait3A_455 : memref<10000x128xf32, #tpu.memory_space<hbm>>) dst(%arg23 : memref<80x128xf32, #tpu.memory_space<vmem>>)
    %dma_wait3A_458 = arith.constant 1 : i32
    %dma_wait3A_459 = arith.constant 0 : i32
    %dma_wait3A_460 = arith.constant 0 : i32
    %dma_wait3A_461 = tpu.memref_slice %arg2[%dma_wait3A_459, %dma_wait3A_460] : memref<10000x128xf32, #tpu.memory_space<hbm>> -> memref<10000x128xf32, #tpu.memory_space<hbm>>
    %dma_wait3A_462 = tpu.memref_slice %arg30[%dma_wait3A_458] : memref<4x!tpu.dma_semaphore, #tpu.memory_space<semaphore_mem>> -> memref<1x!tpu.dma_semaphore, #tpu.memory_space<semaphore_mem>>
    %dma_wait3A_463 = tpu.memref_squeeze %dma_wait3A_462 : memref<1x!tpu.dma_semaphore, #tpu.memory_space<semaphore_mem>> -> memref<!tpu.dma_semaphore, #tpu.memory_space<semaphore_mem>>
    tpu.wait_indirect_dma semaphore(%dma_wait3A_463 : memref<!tpu.dma_semaphore, #tpu.memory_space<semaphore_mem>>) src(%dma_wait3A_461 : memref<10000x128xf32, #tpu.memory_space<hbm>>) dst(%arg24 : memref<80x128xf32, #tpu.memory_space<vmem>>)
    %dma_wait3A_464 = arith.constant 2 : i32
    %dma_wait3A_465 = arith.constant 0 : i32
    %dma_wait3A_466 = arith.constant 0 : i32
    %dma_wait3A_467 = tpu.memref_slice %arg2[%dma_wait3A_465, %dma_wait3A_466] : memref<10000x128xf32, #tpu.memory_space<hbm>> -> memref<10000x128xf32, #tpu.memory_space<hbm>>
    %dma_wait3A_468 = tpu.memref_slice %arg30[%dma_wait3A_464] : memref<4x!tpu.dma_semaphore, #tpu.memory_space<semaphore_mem>> -> memref<1x!tpu.dma_semaphore, #tpu.memory_space<semaphore_mem>>
    %dma_wait3A_469 = tpu.memref_squeeze %dma_wait3A_468 : memref<1x!tpu.dma_semaphore, #tpu.memory_space<semaphore_mem>> -> memref<!tpu.dma_semaphore, #tpu.memory_space<semaphore_mem>>
    tpu.wait_indirect_dma semaphore(%dma_wait3A_469 : memref<!tpu.dma_semaphore, #tpu.memory_space<semaphore_mem>>) src(%dma_wait3A_467 : memref<10000x128xf32, #tpu.memory_space<hbm>>) dst(%arg25 : memref<80x128xf32, #tpu.memory_space<vmem>>)
    %dma_wait3A_470 = arith.constant 3 : i32
    %dma_wait3A_471 = arith.constant 0 : i32
    %dma_wait3A_472 = arith.constant 0 : i32
    %dma_wait3A_473 = tpu.memref_slice %arg2[%dma_wait3A_471, %dma_wait3A_472] : memref<10000x128xf32, #tpu.memory_space<hbm>> -> memref<10000x128xf32, #tpu.memory_space<hbm>>
    %dma_wait3A_474 = tpu.memref_slice %arg30[%dma_wait3A_470] : memref<4x!tpu.dma_semaphore, #tpu.memory_space<semaphore_mem>> -> memref<1x!tpu.dma_semaphore, #tpu.memory_space<semaphore_mem>>
    %dma_wait3A_475 = tpu.memref_squeeze %dma_wait3A_474 : memref<1x!tpu.dma_semaphore, #tpu.memory_space<semaphore_mem>> -> memref<!tpu.dma_semaphore, #tpu.memory_space<semaphore_mem>>
    tpu.wait_indirect_dma semaphore(%dma_wait3A_475 : memref<!tpu.dma_semaphore, #tpu.memory_space<semaphore_mem>>) src(%dma_wait3A_473 : memref<10000x128xf32, #tpu.memory_space<hbm>>) dst(%arg26 : memref<80x128xf32, #tpu.memory_space<vmem>>)
    %mul3A_476 = arith.constant 10240 : i32
    %mul3A_477 = arith.muli %add3A, %mul3A_476 : i32
    %add3A_478 = arith.constant 9920 : i32
    %add3A_479 = arith.addi %mul3A_477, %add3A_478 : i32
    %add3A_480 = arith.constant 0 : i32
    %add3A_481 = arith.addi %add3A_479, %add3A_480 : i32
    %dma_wait3A_482 = arith.constant 4 : i32
    %dma_wait3A_483 = tpu.memref_slice %arg4[%add3A_481] : memref<327680xi32, #tpu.memory_space<hbm>> -> memref<80xi32, #tpu.memory_space<hbm>>
    %dma_wait3A_484 = tpu.memref_slice %arg29[%dma_wait3A_482] : memref<8x!tpu.dma_semaphore, #tpu.memory_space<semaphore_mem>> -> memref<1x!tpu.dma_semaphore, #tpu.memory_space<semaphore_mem>>
    %dma_wait3A_485 = tpu.memref_squeeze %dma_wait3A_484 : memref<1x!tpu.dma_semaphore, #tpu.memory_space<semaphore_mem>> -> memref<!tpu.dma_semaphore, #tpu.memory_space<semaphore_mem>>
    %dma_wait3A_486 = tpu.memref_slice %arg4[%add3A_481] : memref<327680xi32, #tpu.memory_space<hbm>> -> memref<80xi32, #tpu.memory_space<hbm>>
    tpu.wait_dma2 semaphore(%dma_wait3A_485 : memref<!tpu.dma_semaphore, #tpu.memory_space<semaphore_mem>>) src(%dma_wait3A_486 : memref<80xi32, #tpu.memory_space<hbm>>) dst(%arg19 : memref<80xi32, #tpu.memory_space<vmem>>)
    %mul3A_487 = arith.constant 10240 : i32
    %mul3A_488 = arith.muli %add3A, %mul3A_487 : i32
    %add3A_489 = arith.constant 9920 : i32
    %add3A_490 = arith.addi %mul3A_488, %add3A_489 : i32
    %add3A_491 = arith.constant 80 : i32
    %add3A_492 = arith.addi %add3A_490, %add3A_491 : i32
    %dma_wait3A_493 = arith.constant 5 : i32
    %dma_wait3A_494 = tpu.memref_slice %arg4[%add3A_492] : memref<327680xi32, #tpu.memory_space<hbm>> -> memref<80xi32, #tpu.memory_space<hbm>>
    %dma_wait3A_495 = tpu.memref_slice %arg29[%dma_wait3A_493] : memref<8x!tpu.dma_semaphore, #tpu.memory_space<semaphore_mem>> -> memref<1x!tpu.dma_semaphore, #tpu.memory_space<semaphore_mem>>
    %dma_wait3A_496 = tpu.memref_squeeze %dma_wait3A_495 : memref<1x!tpu.dma_semaphore, #tpu.memory_space<semaphore_mem>> -> memref<!tpu.dma_semaphore, #tpu.memory_space<semaphore_mem>>
    %dma_wait3A_497 = tpu.memref_slice %arg4[%add3A_492] : memref<327680xi32, #tpu.memory_space<hbm>> -> memref<80xi32, #tpu.memory_space<hbm>>
    tpu.wait_dma2 semaphore(%dma_wait3A_496 : memref<!tpu.dma_semaphore, #tpu.memory_space<semaphore_mem>>) src(%dma_wait3A_497 : memref<80xi32, #tpu.memory_space<hbm>>) dst(%arg20 : memref<80xi32, #tpu.memory_space<vmem>>)
    %mul3A_498 = arith.constant 10240 : i32
    %mul3A_499 = arith.muli %add3A, %mul3A_498 : i32
    %add3A_500 = arith.constant 9920 : i32
    %add3A_501 = arith.addi %mul3A_499, %add3A_500 : i32
    %add3A_502 = arith.constant 160 : i32
    %add3A_503 = arith.addi %add3A_501, %add3A_502 : i32
    %dma_wait3A_504 = arith.constant 6 : i32
    %dma_wait3A_505 = tpu.memref_slice %arg4[%add3A_503] : memref<327680xi32, #tpu.memory_space<hbm>> -> memref<80xi32, #tpu.memory_space<hbm>>
    %dma_wait3A_506 = tpu.memref_slice %arg29[%dma_wait3A_504] : memref<8x!tpu.dma_semaphore, #tpu.memory_space<semaphore_mem>> -> memref<1x!tpu.dma_semaphore, #tpu.memory_space<semaphore_mem>>
    %dma_wait3A_507 = tpu.memref_squeeze %dma_wait3A_506 : memref<1x!tpu.dma_semaphore, #tpu.memory_space<semaphore_mem>> -> memref<!tpu.dma_semaphore, #tpu.memory_space<semaphore_mem>>
    %dma_wait3A_508 = tpu.memref_slice %arg4[%add3A_503] : memref<327680xi32, #tpu.memory_space<hbm>> -> memref<80xi32, #tpu.memory_space<hbm>>
    tpu.wait_dma2 semaphore(%dma_wait3A_507 : memref<!tpu.dma_semaphore, #tpu.memory_space<semaphore_mem>>) src(%dma_wait3A_508 : memref<80xi32, #tpu.memory_space<hbm>>) dst(%arg21 : memref<80xi32, #tpu.memory_space<vmem>>)
    %mul3A_509 = arith.constant 10240 : i32
    %mul3A_510 = arith.muli %add3A, %mul3A_509 : i32
    %add3A_511 = arith.constant 9920 : i32
    %add3A_512 = arith.addi %mul3A_510, %add3A_511 : i32
    %add3A_513 = arith.constant 240 : i32
    %add3A_514 = arith.addi %add3A_512, %add3A_513 : i32
    %dma_wait3A_515 = arith.constant 7 : i32
    %dma_wait3A_516 = tpu.memref_slice %arg4[%add3A_514] : memref<327680xi32, #tpu.memory_space<hbm>> -> memref<80xi32, #tpu.memory_space<hbm>>
    %dma_wait3A_517 = tpu.memref_slice %arg29[%dma_wait3A_515] : memref<8x!tpu.dma_semaphore, #tpu.memory_space<semaphore_mem>> -> memref<1x!tpu.dma_semaphore, #tpu.memory_space<semaphore_mem>>
    %dma_wait3A_518 = tpu.memref_squeeze %dma_wait3A_517 : memref<1x!tpu.dma_semaphore, #tpu.memory_space<semaphore_mem>> -> memref<!tpu.dma_semaphore, #tpu.memory_space<semaphore_mem>>
    %dma_wait3A_519 = tpu.memref_slice %arg4[%add3A_514] : memref<327680xi32, #tpu.memory_space<hbm>> -> memref<80xi32, #tpu.memory_space<hbm>>
    tpu.wait_dma2 semaphore(%dma_wait3A_518 : memref<!tpu.dma_semaphore, #tpu.memory_space<semaphore_mem>>) src(%dma_wait3A_519 : memref<80xi32, #tpu.memory_space<hbm>>) dst(%arg22 : memref<80xi32, #tpu.memory_space<vmem>>)
    %dma_start3A_520 = arith.constant 0 : i32
    %dma_start3A_521 = arith.constant 0 : i32
    %dma_start3A_522 = arith.constant 0 : i32
    %dma_start3A_523 = tpu.memref_slice %arg27[%dma_start3A_521, %dma_start3A_522] : memref<10240x128xf32, #tpu.memory_space<vmem_shared>> -> memref<10240x128xf32, #tpu.memory_space<vmem_shared>>
    %dma_start3A_524 = tpu.memref_slice %arg31[%dma_start3A_520] : memref<4x!tpu.dma_semaphore, #tpu.memory_space<semaphore_mem>> -> memref<1x!tpu.dma_semaphore, #tpu.memory_space<semaphore_mem>>
    %dma_start3A_525 = tpu.memref_squeeze %dma_start3A_524 : memref<1x!tpu.dma_semaphore, #tpu.memory_space<semaphore_mem>> -> memref<!tpu.dma_semaphore, #tpu.memory_space<semaphore_mem>>
    tpu.enqueue_indirect_dma source(%arg23 : memref<80x128xf32, #tpu.memory_space<vmem>>) target(%dma_start3A_523 : memref<10240x128xf32, #tpu.memory_space<vmem_shared>>) offsets(%arg19 : memref<80xi32, #tpu.memory_space<vmem>>) semaphore(%dma_start3A_525 : memref<!tpu.dma_semaphore, #tpu.memory_space<semaphore_mem>>) {add = true}
    %dma_start3A_526 = arith.constant 1 : i32
    %dma_start3A_527 = arith.constant 0 : i32
    %dma_start3A_528 = arith.constant 0 : i32
    %dma_start3A_529 = tpu.memref_slice %arg27[%dma_start3A_527, %dma_start3A_528] : memref<10240x128xf32, #tpu.memory_space<vmem_shared>> -> memref<10240x128xf32, #tpu.memory_space<vmem_shared>>
    %dma_start3A_530 = tpu.memref_slice %arg31[%dma_start3A_526] : memref<4x!tpu.dma_semaphore, #tpu.memory_space<semaphore_mem>> -> memref<1x!tpu.dma_semaphore, #tpu.memory_space<semaphore_mem>>
    %dma_start3A_531 = tpu.memref_squeeze %dma_start3A_530 : memref<1x!tpu.dma_semaphore, #tpu.memory_space<semaphore_mem>> -> memref<!tpu.dma_semaphore, #tpu.memory_space<semaphore_mem>>
    tpu.enqueue_indirect_dma source(%arg24 : memref<80x128xf32, #tpu.memory_space<vmem>>) target(%dma_start3A_529 : memref<10240x128xf32, #tpu.memory_space<vmem_shared>>) offsets(%arg20 : memref<80xi32, #tpu.memory_space<vmem>>) semaphore(%dma_start3A_531 : memref<!tpu.dma_semaphore, #tpu.memory_space<semaphore_mem>>) {add = true}
    %dma_start3A_532 = arith.constant 2 : i32
    %dma_start3A_533 = arith.constant 0 : i32
    %dma_start3A_534 = arith.constant 0 : i32
    %dma_start3A_535 = tpu.memref_slice %arg27[%dma_start3A_533, %dma_start3A_534] : memref<10240x128xf32, #tpu.memory_space<vmem_shared>> -> memref<10240x128xf32, #tpu.memory_space<vmem_shared>>
    %dma_start3A_536 = tpu.memref_slice %arg31[%dma_start3A_532] : memref<4x!tpu.dma_semaphore, #tpu.memory_space<semaphore_mem>> -> memref<1x!tpu.dma_semaphore, #tpu.memory_space<semaphore_mem>>
    %dma_start3A_537 = tpu.memref_squeeze %dma_start3A_536 : memref<1x!tpu.dma_semaphore, #tpu.memory_space<semaphore_mem>> -> memref<!tpu.dma_semaphore, #tpu.memory_space<semaphore_mem>>
    tpu.enqueue_indirect_dma source(%arg25 : memref<80x128xf32, #tpu.memory_space<vmem>>) target(%dma_start3A_535 : memref<10240x128xf32, #tpu.memory_space<vmem_shared>>) offsets(%arg21 : memref<80xi32, #tpu.memory_space<vmem>>) semaphore(%dma_start3A_537 : memref<!tpu.dma_semaphore, #tpu.memory_space<semaphore_mem>>) {add = true}
    %dma_start3A_538 = arith.constant 3 : i32
    %dma_start3A_539 = arith.constant 0 : i32
    %dma_start3A_540 = arith.constant 0 : i32
    %dma_start3A_541 = tpu.memref_slice %arg27[%dma_start3A_539, %dma_start3A_540] : memref<10240x128xf32, #tpu.memory_space<vmem_shared>> -> memref<10240x128xf32, #tpu.memory_space<vmem_shared>>
    %dma_start3A_542 = tpu.memref_slice %arg31[%dma_start3A_538] : memref<4x!tpu.dma_semaphore, #tpu.memory_space<semaphore_mem>> -> memref<1x!tpu.dma_semaphore, #tpu.memory_space<semaphore_mem>>
    %dma_start3A_543 = tpu.memref_squeeze %dma_start3A_542 : memref<1x!tpu.dma_semaphore, #tpu.memory_space<semaphore_mem>> -> memref<!tpu.dma_semaphore, #tpu.memory_space<semaphore_mem>>
    tpu.enqueue_indirect_dma source(%arg26 : memref<80x128xf32, #tpu.memory_space<vmem>>) target(%dma_start3A_541 : memref<10240x128xf32, #tpu.memory_space<vmem_shared>>) offsets(%arg22 : memref<80xi32, #tpu.memory_space<vmem>>) semaphore(%dma_start3A_543 : memref<!tpu.dma_semaphore, #tpu.memory_space<semaphore_mem>>) {add = true}
    %dma_wait3A_544 = arith.constant 0 : i32
    %dma_wait3A_545 = arith.constant 0 : i32
    %dma_wait3A_546 = arith.constant 0 : i32
    %dma_wait3A_547 = tpu.memref_slice %arg27[%dma_wait3A_545, %dma_wait3A_546] : memref<10240x128xf32, #tpu.memory_space<vmem_shared>> -> memref<10240x128xf32, #tpu.memory_space<vmem_shared>>
    %dma_wait3A_548 = tpu.memref_slice %arg31[%dma_wait3A_544] : memref<4x!tpu.dma_semaphore, #tpu.memory_space<semaphore_mem>> -> memref<1x!tpu.dma_semaphore, #tpu.memory_space<semaphore_mem>>
    %dma_wait3A_549 = tpu.memref_squeeze %dma_wait3A_548 : memref<1x!tpu.dma_semaphore, #tpu.memory_space<semaphore_mem>> -> memref<!tpu.dma_semaphore, #tpu.memory_space<semaphore_mem>>
    tpu.wait_indirect_dma semaphore(%dma_wait3A_549 : memref<!tpu.dma_semaphore, #tpu.memory_space<semaphore_mem>>) src(%arg23 : memref<80x128xf32, #tpu.memory_space<vmem>>) dst(%dma_wait3A_547 : memref<10240x128xf32, #tpu.memory_space<vmem_shared>>)
    %dma_wait3A_550 = arith.constant 1 : i32
    %dma_wait3A_551 = arith.constant 0 : i32
    %dma_wait3A_552 = arith.constant 0 : i32
    %dma_wait3A_553 = tpu.memref_slice %arg27[%dma_wait3A_551, %dma_wait3A_552] : memref<10240x128xf32, #tpu.memory_space<vmem_shared>> -> memref<10240x128xf32, #tpu.memory_space<vmem_shared>>
    %dma_wait3A_554 = tpu.memref_slice %arg31[%dma_wait3A_550] : memref<4x!tpu.dma_semaphore, #tpu.memory_space<semaphore_mem>> -> memref<1x!tpu.dma_semaphore, #tpu.memory_space<semaphore_mem>>
    %dma_wait3A_555 = tpu.memref_squeeze %dma_wait3A_554 : memref<1x!tpu.dma_semaphore, #tpu.memory_space<semaphore_mem>> -> memref<!tpu.dma_semaphore, #tpu.memory_space<semaphore_mem>>
    tpu.wait_indirect_dma semaphore(%dma_wait3A_555 : memref<!tpu.dma_semaphore, #tpu.memory_space<semaphore_mem>>) src(%arg24 : memref<80x128xf32, #tpu.memory_space<vmem>>) dst(%dma_wait3A_553 : memref<10240x128xf32, #tpu.memory_space<vmem_shared>>)
    %dma_wait3A_556 = arith.constant 2 : i32
    %dma_wait3A_557 = arith.constant 0 : i32
    %dma_wait3A_558 = arith.constant 0 : i32
    %dma_wait3A_559 = tpu.memref_slice %arg27[%dma_wait3A_557, %dma_wait3A_558] : memref<10240x128xf32, #tpu.memory_space<vmem_shared>> -> memref<10240x128xf32, #tpu.memory_space<vmem_shared>>
    %dma_wait3A_560 = tpu.memref_slice %arg31[%dma_wait3A_556] : memref<4x!tpu.dma_semaphore, #tpu.memory_space<semaphore_mem>> -> memref<1x!tpu.dma_semaphore, #tpu.memory_space<semaphore_mem>>
    %dma_wait3A_561 = tpu.memref_squeeze %dma_wait3A_560 : memref<1x!tpu.dma_semaphore, #tpu.memory_space<semaphore_mem>> -> memref<!tpu.dma_semaphore, #tpu.memory_space<semaphore_mem>>
    tpu.wait_indirect_dma semaphore(%dma_wait3A_561 : memref<!tpu.dma_semaphore, #tpu.memory_space<semaphore_mem>>) src(%arg25 : memref<80x128xf32, #tpu.memory_space<vmem>>) dst(%dma_wait3A_559 : memref<10240x128xf32, #tpu.memory_space<vmem_shared>>)
    %dma_wait3A_562 = arith.constant 3 : i32
    %dma_wait3A_563 = arith.constant 0 : i32
    %dma_wait3A_564 = arith.constant 0 : i32
    %dma_wait3A_565 = tpu.memref_slice %arg27[%dma_wait3A_563, %dma_wait3A_564] : memref<10240x128xf32, #tpu.memory_space<vmem_shared>> -> memref<10240x128xf32, #tpu.memory_space<vmem_shared>>
    %dma_wait3A_566 = tpu.memref_slice %arg31[%dma_wait3A_562] : memref<4x!tpu.dma_semaphore, #tpu.memory_space<semaphore_mem>> -> memref<1x!tpu.dma_semaphore, #tpu.memory_space<semaphore_mem>>
    %dma_wait3A_567 = tpu.memref_squeeze %dma_wait3A_566 : memref<1x!tpu.dma_semaphore, #tpu.memory_space<semaphore_mem>> -> memref<!tpu.dma_semaphore, #tpu.memory_space<semaphore_mem>>
    tpu.wait_indirect_dma semaphore(%dma_wait3A_567 : memref<!tpu.dma_semaphore, #tpu.memory_space<semaphore_mem>>) src(%arg26 : memref<80x128xf32, #tpu.memory_space<vmem>>) dst(%dma_wait3A_565 : memref<10240x128xf32, #tpu.memory_space<vmem_shared>>)
    %barrier3A_568 = arith.constant 0 : index
    tpu.barrier barrier_id(%barrier3A_568)
    %mul3A_569 = arith.constant 640 : i32
    %mul3A_570 = arith.muli %arg1, %mul3A_569 : i32
    %mul3A_571 = arith.constant 640 : i32
    %mul3A_572 = arith.muli %arg1, %mul3A_571 : i32
    "tpu.region"() ({
      %run_scoped3A = tpu.sem_alloc : memref<!tpu.dma_semaphore, #tpu.memory_space<semaphore_mem>>
      %dma_start3A_573 = arith.constant 0 : i32
      %dma_start3A_574 = tpu.memref_slice %arg6[%arg0, %mul3A_572, %dma_start3A_573] : memref<2x10240x128xf32, #tpu.memory_space<hbm>> -> memref<1x640x128xf32, #tpu.memory_space<hbm>>
      %dma_start3A_575 = tpu.memref_squeeze %dma_start3A_574 : memref<1x640x128xf32, #tpu.memory_space<hbm>> -> memref<640x128xf32, #tpu.memory_space<hbm>>
      %dma_start3A_576 = arith.constant 0 : i32
      %dma_start3A_577 = tpu.memref_slice %arg27[%mul3A_570, %dma_start3A_576] : memref<10240x128xf32, #tpu.memory_space<vmem_shared>> -> memref<640x128xf32, #tpu.memory_space<vmem_shared>>
      tpu.enqueue_dma source(%dma_start3A_577 : memref<640x128xf32, #tpu.memory_space<vmem_shared>>) target(%dma_start3A_575 : memref<640x128xf32, #tpu.memory_space<hbm>>) target_semaphore(%run_scoped3A : memref<!tpu.dma_semaphore, #tpu.memory_space<semaphore_mem>>)
      %dma_wait3A_578 = arith.constant 0 : i32
      %dma_wait3A_579 = tpu.memref_slice %arg6[%arg0, %mul3A_572, %dma_wait3A_578] : memref<2x10240x128xf32, #tpu.memory_space<hbm>> -> memref<1x640x128xf32, #tpu.memory_space<hbm>>
      %dma_wait3A_580 = tpu.memref_squeeze %dma_wait3A_579 : memref<1x640x128xf32, #tpu.memory_space<hbm>> -> memref<640x128xf32, #tpu.memory_space<hbm>>
      %dma_wait3A_581 = arith.constant 0 : i32
      %dma_wait3A_582 = tpu.memref_slice %arg27[%mul3A_570, %dma_wait3A_581] : memref<10240x128xf32, #tpu.memory_space<vmem_shared>> -> memref<640x128xf32, #tpu.memory_space<vmem_shared>>
      tpu.wait_dma2 semaphore(%run_scoped3A : memref<!tpu.dma_semaphore, #tpu.memory_space<semaphore_mem>>) src(%dma_wait3A_582 : memref<640x128xf32, #tpu.memory_space<vmem_shared>>) dst(%dma_wait3A_580 : memref<640x128xf32, #tpu.memory_space<hbm>>)
      tpu.yield
    }) : () -> ()
    return
  }
}

module attributes {stable_mosaic.version = 14 : i64} {
  func.func @_mlp_body(%arg0: i32, %arg1: memref<400x128xf32, #tpu.memory_space<vmem>>, %arg2: memref<1x400x128xf32, #tpu.memory_space<vmem>>, %arg3: memref<1x400x128xf32, #tpu.memory_space<vmem>>, %arg4: memref<128x128xf32, #tpu.memory_space<vmem>>, %arg5: memref<1x128xf32, #tpu.memory_space<vmem>>, %arg6: memref<128x128xf32, #tpu.memory_space<vmem>>, %arg7: memref<1x128xf32, #tpu.memory_space<vmem>>, %arg8: memref<400x128xf32, #tpu.memory_space<vmem>>) attributes {dimension_semantics = [#tpu.dimension_semantics<arbitrary>], iteration_bounds = array<i64: 25>, scalar_prefetch = 0 : i64, scratch_operands = 0 : i64, tpu.core_type = #tpu.core_type<tc>, window_params = [{transform_indices = @transform_0, window_bounds = array<i64: 400, 128>}, {transform_indices = @transform_1, window_bounds = array<i64: 1, 400, 128>}, {transform_indices = @transform_2, window_bounds = array<i64: 1, 400, 128>}, {pipeline_mode = #tpu.pipeline_mode<synchronous>, transform_indices = @transform_3, window_bounds = array<i64: 128, 128>}, {pipeline_mode = #tpu.pipeline_mode<synchronous>, transform_indices = @transform_4, window_bounds = array<i64: 1, 128>}, {pipeline_mode = #tpu.pipeline_mode<synchronous>, transform_indices = @transform_5, window_bounds = array<i64: 128, 128>}, {pipeline_mode = #tpu.pipeline_mode<synchronous>, transform_indices = @transform_6, window_bounds = array<i64: 1, 128>}, {transform_indices = @transform_7, window_bounds = array<i64: 400, 128>}]} {
    %get3A = arith.constant 0 : index
    %get3A_0 = arith.constant 0 : index
    %get3A_1 = vector.load %arg1[%get3A, %get3A_0] : memref<400x128xf32, #tpu.memory_space<vmem>>, vector<400x128xf32>
    %get3A_2 = arith.constant 0 : index
    %get3A_3 = arith.constant 0 : index
    %get3A_4 = arith.constant 0 : index
    %get3A_5 = vector.load %arg2[%get3A_2, %get3A_3, %get3A_4] : memref<1x400x128xf32, #tpu.memory_space<vmem>>, vector<1x400x128xf32>
    %get3A_6 = vector.shape_cast %get3A_5 : vector<1x400x128xf32> to vector<400x128xf32>
    %add3A = arith.addf %get3A_1, %get3A_6 : vector<400x128xf32>
    %get3A_7 = arith.constant 0 : index
    %get3A_8 = arith.constant 0 : index
    %get3A_9 = arith.constant 0 : index
    %get3A_10 = vector.load %arg3[%get3A_7, %get3A_8, %get3A_9] : memref<1x400x128xf32, #tpu.memory_space<vmem>>, vector<1x400x128xf32>
    %get3A_11 = vector.shape_cast %get3A_10 : vector<1x400x128xf32> to vector<400x128xf32>
    %add3A_12 = arith.addf %add3A, %get3A_11 : vector<400x128xf32>
    %get3A_13 = arith.constant 0 : index
    %get3A_14 = arith.constant 0 : index
    %get3A_15 = vector.load %arg4[%get3A_13, %get3A_14] : memref<128x128xf32, #tpu.memory_space<vmem>>, vector<128x128xf32>
    %dot_general3A = arith.constant dense<0.000000e+00> : vector<400x128xf32>
    %dot_general3A_16 = tpu.matmul %add3A_12, %get3A_15, %dot_general3A {dimension_numbers = #tpu.dot_dimension_numbers<[1], [0], [0], [1], [0, 0, 1, 1], [], []>, transpose_lhs_hint = false} : vector<400x128xf32>, vector<128x128xf32>, vector<400x128xf32> -> vector<400x128xf32>
    %get3A_17 = arith.constant 0 : index
    %get3A_18 = arith.constant 0 : index
    %get3A_19 = vector.load %arg5[%get3A_17, %get3A_18] : memref<1x128xf32, #tpu.memory_space<vmem>>, vector<1x128xf32>
    %add3A_20 = vector.broadcast %get3A_19 : vector<1x128xf32> to vector<400x128xf32>
    %add3A_21 = arith.addf %dot_general3A_16, %add3A_20 : vector<400x128xf32>
    %max3A = arith.constant 0.000000e+00 : f32
    %max3A_22 = vector.broadcast %max3A : f32 to vector<400x128xf32>
    %max3A_23 = arith.maximumf %add3A_21, %max3A_22 : vector<400x128xf32>
    %get3A_24 = arith.constant 0 : index
    %get3A_25 = arith.constant 0 : index
    %get3A_26 = vector.load %arg6[%get3A_24, %get3A_25] : memref<128x128xf32, #tpu.memory_space<vmem>>, vector<128x128xf32>
    %dot_general3A_27 = arith.constant dense<0.000000e+00> : vector<400x128xf32>
    %dot_general3A_28 = tpu.matmul %max3A_23, %get3A_26, %dot_general3A_27 {dimension_numbers = #tpu.dot_dimension_numbers<[1], [0], [0], [1], [0, 0, 1, 1], [], []>, transpose_lhs_hint = false} : vector<400x128xf32>, vector<128x128xf32>, vector<400x128xf32> -> vector<400x128xf32>
    %get3A_29 = arith.constant 0 : index
    %get3A_30 = arith.constant 0 : index
    %get3A_31 = vector.load %arg7[%get3A_29, %get3A_30] : memref<1x128xf32, #tpu.memory_space<vmem>>, vector<1x128xf32>
    %add3A_32 = vector.broadcast %get3A_31 : vector<1x128xf32> to vector<400x128xf32>
    %add3A_33 = arith.addf %dot_general3A_28, %add3A_32 : vector<400x128xf32>
    %max3A_34 = arith.constant 0.000000e+00 : f32
    %max3A_35 = vector.broadcast %max3A_34 : f32 to vector<400x128xf32>
    %max3A_36 = arith.maximumf %add3A_33, %max3A_35 : vector<400x128xf32>
    %swap3A = arith.constant 0 : index
    %swap3A_37 = arith.constant 0 : index
    %swap3A_38 = vector.load %arg8[%swap3A, %swap3A_37] : memref<400x128xf32, #tpu.memory_space<vmem>>, vector<400x128xf32>
    tpu.vector_store %arg8[%swap3A, %swap3A_37], %max3A_36 {strides = array<i32>} : memref<400x128xf32, #tpu.memory_space<vmem>>, vector<400x128xf32>,
    return
  }
  func.func @transform_0(%arg0: i32) -> (i32, i32) {
    %c0_i32 = arith.constant 0 : i32
    %c0_i32_0 = arith.constant 0 : i32
    return %arg0, %c0_i32 : i32, i32
  }
  func.func @transform_1(%arg0: i32) -> (i32, i32, i32) {
    %c0_i32 = arith.constant 0 : i32
    %c0_i32_0 = arith.constant 0 : i32
    %c0_i32_1 = arith.constant 0 : i32
    return %c0_i32, %arg0, %c0_i32_0 : i32, i32, i32
  }
  func.func @transform_2(%arg0: i32) -> (i32, i32, i32) {
    %c1_i32 = arith.constant 1 : i32
    %c0_i32 = arith.constant 0 : i32
    %c0_i32_0 = arith.constant 0 : i32
    return %c1_i32, %arg0, %c0_i32 : i32, i32, i32
  }
  func.func @transform_3(%arg0: i32) -> (i32, i32) {
    %c0_i32 = arith.constant 0 : i32
    %c0_i32_0 = arith.constant 0 : i32
    %c0_i32_1 = arith.constant 0 : i32
    return %c0_i32, %c0_i32_0 : i32, i32
  }
  func.func @transform_4(%arg0: i32) -> (i32, i32) {
    %c0_i32 = arith.constant 0 : i32
    %c0_i32_0 = arith.constant 0 : i32
    %c0_i32_1 = arith.constant 0 : i32
    return %c0_i32, %c0_i32_0 : i32, i32
  }
  func.func @transform_5(%arg0: i32) -> (i32, i32) {
    %c0_i32 = arith.constant 0 : i32
    %c0_i32_0 = arith.constant 0 : i32
    %c0_i32_1 = arith.constant 0 : i32
    return %c0_i32, %c0_i32_0 : i32, i32
  }
  func.func @transform_6(%arg0: i32) -> (i32, i32) {
    %c0_i32 = arith.constant 0 : i32
    %c0_i32_0 = arith.constant 0 : i32
    %c0_i32_1 = arith.constant 0 : i32
    return %c0_i32, %c0_i32_0 : i32, i32
  }
  func.func @transform_7(%arg0: i32) -> (i32, i32) {
    %c0_i32 = arith.constant 0 : i32
    %c0_i32_0 = arith.constant 0 : i32
    return %arg0, %c0_i32 : i32, i32
  }
}

module attributes {stable_mosaic.version = 14 : i64} {
  func.func @_final_body(%arg0: i32, %arg1: memref<400x128xf32, #tpu.memory_space<vmem>>, %arg2: memref<1x400x128xf32, #tpu.memory_space<vmem>>, %arg3: memref<1x400x128xf32, #tpu.memory_space<vmem>>, %arg4: memref<1x1x400xi32, #tpu.memory_space<vmem>>, %arg5: memref<128x128xf32, #tpu.memory_space<vmem>>, %arg6: memref<1x128xf32, #tpu.memory_space<vmem>>, %arg7: memref<128x128xf32, #tpu.memory_space<vmem>>, %arg8: memref<1x128xf32, #tpu.memory_space<vmem>>, %arg9: memref<128x128xf32, #tpu.memory_space<vmem>>, %arg10: memref<1x128xf32, #tpu.memory_space<vmem>>, %arg11: memref<128x128xf32, #tpu.memory_space<vmem>>, %arg12: memref<1x128xf32, #tpu.memory_space<vmem>>, %arg13: memref<256x128xf32, #tpu.memory_space<vmem>>, %arg14: memref<256x128xf32, #tpu.memory_space<vmem>>, %arg15: memref<256x128xf32, #tpu.memory_space<vmem>>) attributes {dimension_semantics = [#tpu.dimension_semantics<arbitrary>], iteration_bounds = array<i64: 25>, scalar_prefetch = 0 : i64, scratch_operands = 2 : i64, tpu.core_type = #tpu.core_type<tc>, window_params = [{transform_indices = @transform_0, window_bounds = array<i64: 400, 128>}, {transform_indices = @transform_1, window_bounds = array<i64: 1, 400, 128>}, {transform_indices = @transform_2, window_bounds = array<i64: 1, 400, 128>}, {transform_indices = @transform_3, window_bounds = array<i64: 1, 1, 400>}, {pipeline_mode = #tpu.pipeline_mode<synchronous>, transform_indices = @transform_4, window_bounds = array<i64: 128, 128>}, {pipeline_mode = #tpu.pipeline_mode<synchronous>, transform_indices = @transform_5, window_bounds = array<i64: 1, 128>}, {pipeline_mode = #tpu.pipeline_mode<synchronous>, transform_indices = @transform_6, window_bounds = array<i64: 128, 128>}, {pipeline_mode = #tpu.pipeline_mode<synchronous>, transform_indices = @transform_7, window_bounds = array<i64: 1, 128>}, {pipeline_mode = #tpu.pipeline_mode<synchronous>, transform_indices = @transform_8, window_bounds = array<i64: 128, 128>}, {pipeline_mode = #tpu.pipeline_mode<synchronous>, transform_indices = @transform_9, window_bounds = array<i64: 1, 128>}, {pipeline_mode = #tpu.pipeline_mode<synchronous>, transform_indices = @transform_10, window_bounds = array<i64: 128, 128>}, {pipeline_mode = #tpu.pipeline_mode<synchronous>, transform_indices = @transform_11, window_bounds = array<i64: 1, 128>}, {pipeline_mode = #tpu.pipeline_mode<synchronous>, transform_indices = @transform_12, window_bounds = array<i64: 256, 128>}]} {
    %eq3A = arith.constant 0 : i32
    %eq3A_0 = arith.cmpi eq, %arg0, %eq3A : i32
    %convert_element_type3A = arith.extui %eq3A_0 : i1 to i32
    %cond3A = arith.constant 0 : i32
    %cond3A_1 = arith.cmpi ne, %convert_element_type3A, %cond3A : i32
    scf.if %cond3A_1 {
      %broadcast_in_dim3A_70 = arith.constant 0.000000e+00 : f32
      %broadcast_in_dim3A_71 = vector.broadcast %broadcast_in_dim3A_70 : f32 to vector<256x128xf32>
      %swap3A_72 = arith.constant 0 : index
      %swap3A_73 = arith.constant 0 : index
      %swap3A_74 = vector.load %arg14[%swap3A_72, %swap3A_73] : memref<256x128xf32, #tpu.memory_space<vmem>>, vector<256x128xf32>
      tpu.vector_store %arg14[%swap3A_72, %swap3A_73], %broadcast_in_dim3A_71 {strides = array<i32>} : memref<256x128xf32, #tpu.memory_space<vmem>>, vector<256x128xf32>,
      %broadcast_in_dim3A_75 = arith.constant 0.000000e+00 : f32
      %broadcast_in_dim3A_76 = vector.broadcast %broadcast_in_dim3A_75 : f32 to vector<256x128xf32>
      %swap3A_77 = arith.constant 0 : index
      %swap3A_78 = arith.constant 0 : index
      %swap3A_79 = vector.load %arg15[%swap3A_77, %swap3A_78] : memref<256x128xf32, #tpu.memory_space<vmem>>, vector<256x128xf32>
      tpu.vector_store %arg15[%swap3A_77, %swap3A_78], %broadcast_in_dim3A_76 {strides = array<i32>} : memref<256x128xf32, #tpu.memory_space<vmem>>, vector<256x128xf32>,
    } else {
    }
    %get3A = arith.constant 0 : index
    %get3A_2 = arith.constant 0 : index
    %get3A_3 = vector.load %arg1[%get3A, %get3A_2] : memref<400x128xf32, #tpu.memory_space<vmem>>, vector<400x128xf32>
    %get3A_4 = arith.constant 0 : index
    %get3A_5 = arith.constant 0 : index
    %get3A_6 = arith.constant 0 : index
    %get3A_7 = vector.load %arg2[%get3A_4, %get3A_5, %get3A_6] : memref<1x400x128xf32, #tpu.memory_space<vmem>>, vector<1x400x128xf32>
    %get3A_8 = vector.shape_cast %get3A_7 : vector<1x400x128xf32> to vector<400x128xf32>
    %add3A = arith.addf %get3A_3, %get3A_8 : vector<400x128xf32>
    %get3A_9 = arith.constant 0 : index
    %get3A_10 = arith.constant 0 : index
    %get3A_11 = arith.constant 0 : index
    %get3A_12 = vector.load %arg3[%get3A_9, %get3A_10, %get3A_11] : memref<1x400x128xf32, #tpu.memory_space<vmem>>, vector<1x400x128xf32>
    %get3A_13 = vector.shape_cast %get3A_12 : vector<1x400x128xf32> to vector<400x128xf32>
    %add3A_14 = arith.addf %add3A, %get3A_13 : vector<400x128xf32>
    %get3A_15 = arith.constant 0 : index
    %get3A_16 = arith.constant 0 : index
    %get3A_17 = vector.load %arg5[%get3A_15, %get3A_16] : memref<128x128xf32, #tpu.memory_space<vmem>>, vector<128x128xf32>
    %dot_general3A = arith.constant dense<0.000000e+00> : vector<400x128xf32>
    %dot_general3A_18 = tpu.matmul %add3A_14, %get3A_17, %dot_general3A {dimension_numbers = #tpu.dot_dimension_numbers<[1], [0], [0], [1], [0, 0, 1, 1], [], []>, transpose_lhs_hint = false} : vector<400x128xf32>, vector<128x128xf32>, vector<400x128xf32> -> vector<400x128xf32>
    %get3A_19 = arith.constant 0 : index
    %get3A_20 = arith.constant 0 : index
    %get3A_21 = vector.load %arg6[%get3A_19, %get3A_20] : memref<1x128xf32, #tpu.memory_space<vmem>>, vector<1x128xf32>
    %add3A_22 = vector.broadcast %get3A_21 : vector<1x128xf32> to vector<400x128xf32>
    %add3A_23 = arith.addf %dot_general3A_18, %add3A_22 : vector<400x128xf32>
    %max3A = arith.constant 0.000000e+00 : f32
    %max3A_24 = vector.broadcast %max3A : f32 to vector<400x128xf32>
    %max3A_25 = arith.maximumf %add3A_23, %max3A_24 : vector<400x128xf32>
    %get3A_26 = arith.constant 0 : index
    %get3A_27 = arith.constant 0 : index
    %get3A_28 = vector.load %arg7[%get3A_26, %get3A_27] : memref<128x128xf32, #tpu.memory_space<vmem>>, vector<128x128xf32>
    %dot_general3A_29 = arith.constant dense<0.000000e+00> : vector<400x128xf32>
    %dot_general3A_30 = tpu.matmul %max3A_25, %get3A_28, %dot_general3A_29 {dimension_numbers = #tpu.dot_dimension_numbers<[1], [0], [0], [1], [0, 0, 1, 1], [], []>, transpose_lhs_hint = false} : vector<400x128xf32>, vector<128x128xf32>, vector<400x128xf32> -> vector<400x128xf32>
    %get3A_31 = arith.constant 0 : index
    %get3A_32 = arith.constant 0 : index
    %get3A_33 = vector.load %arg8[%get3A_31, %get3A_32] : memref<1x128xf32, #tpu.memory_space<vmem>>, vector<1x128xf32>
    %add3A_34 = vector.broadcast %get3A_33 : vector<1x128xf32> to vector<400x128xf32>
    %add3A_35 = arith.addf %dot_general3A_30, %add3A_34 : vector<400x128xf32>
    %max3A_36 = arith.constant 0.000000e+00 : f32
    %max3A_37 = vector.broadcast %max3A_36 : f32 to vector<400x128xf32>
    %max3A_38 = arith.maximumf %add3A_35, %max3A_37 : vector<400x128xf32>
    %get3A_39 = arith.constant 0 : index
    %get3A_40 = arith.constant 0 : index
    %get3A_41 = arith.constant 0 : index
    %get3A_42 = vector.load %arg4[%get3A_39, %get3A_40, %get3A_41] : memref<1x1x400xi32, #tpu.memory_space<vmem>>, vector<1x1x400xi32>
    %get3A_43 = vector.shape_cast %get3A_42 : vector<1x1x400xi32> to vector<1x400xi32>
    %iota3A = tpu.iota {dimensions = array<i32: 0>} : vector<256x400xi32>
    %eq3A_44 = vector.broadcast %get3A_43 : vector<1x400xi32> to vector<256x400xi32>
    %eq3A_45 = arith.cmpi eq, %iota3A, %eq3A_44 : vector<256x400xi32>
    %convert_element_type3A_46 = arith.extui %eq3A_45 : vector<256x400xi1> to vector<256x400xi32>
    %convert_element_type3A_47 = arith.sitofp %convert_element_type3A_46 : vector<256x400xi32> to vector<256x400xf32>
    %get3A_48 = arith.constant 0 : index
    %get3A_49 = arith.constant 0 : index
    %get3A_50 = vector.load %arg14[%get3A_48, %get3A_49] : memref<256x128xf32, #tpu.memory_space<vmem>>, vector<256x128xf32>
    %dot_general3A_51 = arith.constant dense<0.000000e+00> : vector<256x128xf32>
    %dot_general3A_52 = tpu.matmul %convert_element_type3A_47, %max3A_38, %dot_general3A_51 {dimension_numbers = #tpu.dot_dimension_numbers<[1], [0], [0], [1], [0, 0, 1, 1], [], []>, precision = #tpu.contract_precision<fp32>, transpose_lhs_hint = false} : vector<256x400xf32>, vector<400x128xf32>, vector<256x128xf32> -> vector<256x128xf32>
    %add3A_53 = arith.addf %get3A_50, %dot_general3A_52 : vector<256x128xf32>
    %swap3A = arith.constant 0 : index
    %swap3A_54 = arith.constant 0 : index
    %swap3A_55 = vector.load %arg14[%swap3A, %swap3A_54] : memref<256x128xf32, #tpu.memory_space<vmem>>, vector<256x128xf32>
    tpu.vector_store %arg14[%swap3A, %swap3A_54], %add3A_53 {strides = array<i32>} : memref<256x128xf32, #tpu.memory_space<vmem>>, vector<256x128xf32>,
    %get3A_56 = arith.constant 0 : index
    %get3A_57 = arith.constant 0 : index
    %get3A_58 = vector.load %arg15[%get3A_56, %get3A_57] : memref<256x128xf32, #tpu.memory_space<vmem>>, vector<256x128xf32>
    %reduce_sum3A = arith.constant dense<0.000000e+00> : vector<256xf32>
    %reduce_sum3A_59 = vector.multi_reduction <add>, %convert_element_type3A_47, %reduce_sum3A [1] : vector<256x400xf32> to vector<256xf32>
    %broadcast_in_dim3A = vector.shape_cast %reduce_sum3A_59 : vector<256xf32> to vector<256x1xf32>
    %add3A_60 = vector.broadcast %broadcast_in_dim3A : vector<256x1xf32> to vector<256x128xf32>
    %add3A_61 = arith.addf %get3A_58, %add3A_60 : vector<256x128xf32>
    %swap3A_62 = arith.constant 0 : index
    %swap3A_63 = arith.constant 0 : index
    %swap3A_64 = vector.load %arg15[%swap3A_62, %swap3A_63] : memref<256x128xf32, #tpu.memory_space<vmem>>, vector<256x128xf32>
    tpu.vector_store %arg15[%swap3A_62, %swap3A_63], %add3A_61 {strides = array<i32>} : memref<256x128xf32, #tpu.memory_space<vmem>>, vector<256x128xf32>,
    %eq3A_65 = arith.constant 24 : i32
    %eq3A_66 = arith.cmpi eq, %arg0, %eq3A_65 : i32
    %convert_element_type3A_67 = arith.extui %eq3A_66 : i1 to i32
    %cond3A_68 = arith.constant 0 : i32
    %cond3A_69 = arith.cmpi ne, %convert_element_type3A_67, %cond3A_68 : i32
    scf.if %cond3A_69 {
      %get3A_70 = arith.constant 0 : index
      %get3A_71 = arith.constant 0 : index
      %get3A_72 = vector.load %arg15[%get3A_70, %get3A_71] : memref<256x128xf32, #tpu.memory_space<vmem>>, vector<256x128xf32>
      %slice3A = vector.extract_strided_slice %get3A_72 {offsets = [0, 0], sizes = [256, 1], strides = [1, 1]} : vector<256x128xf32> to vector<256x1xf32>
      %max3A_73 = arith.constant 1.000000e+00 : f32
      %max3A_74 = vector.broadcast %max3A_73 : f32 to vector<256x1xf32>
      %max3A_75 = arith.maximumf %slice3A, %max3A_74 : vector<256x1xf32>
      %get3A_76 = arith.constant 0 : index
      %get3A_77 = arith.constant 0 : index
      %get3A_78 = vector.load %arg14[%get3A_76, %get3A_77] : memref<256x128xf32, #tpu.memory_space<vmem>>, vector<256x128xf32>
      %div3A = vector.broadcast %max3A_75 : vector<256x1xf32> to vector<256x128xf32>
      %div3A_79 = arith.divf %get3A_78, %div3A : vector<256x128xf32>
      %get3A_80 = arith.constant 0 : index
      %get3A_81 = arith.constant 0 : index
      %get3A_82 = vector.load %arg9[%get3A_80, %get3A_81] : memref<128x128xf32, #tpu.memory_space<vmem>>, vector<128x128xf32>
      %dot_general3A_83 = arith.constant dense<0.000000e+00> : vector<256x128xf32>
      %dot_general3A_84 = tpu.matmul %div3A_79, %get3A_82, %dot_general3A_83 {dimension_numbers = #tpu.dot_dimension_numbers<[1], [0], [0], [1], [0, 0, 1, 1], [], []>, transpose_lhs_hint = false} : vector<256x128xf32>, vector<128x128xf32>, vector<256x128xf32> -> vector<256x128xf32>
      %get3A_85 = arith.constant 0 : index
      %get3A_86 = arith.constant 0 : index
      %get3A_87 = vector.load %arg10[%get3A_85, %get3A_86] : memref<1x128xf32, #tpu.memory_space<vmem>>, vector<1x128xf32>
      %add3A_88 = vector.broadcast %get3A_87 : vector<1x128xf32> to vector<256x128xf32>
      %add3A_89 = arith.addf %dot_general3A_84, %add3A_88 : vector<256x128xf32>
      %max3A_90 = arith.constant 0.000000e+00 : f32
      %max3A_91 = vector.broadcast %max3A_90 : f32 to vector<256x128xf32>
      %max3A_92 = arith.maximumf %add3A_89, %max3A_91 : vector<256x128xf32>
      %get3A_93 = arith.constant 0 : index
      %get3A_94 = arith.constant 0 : index
      %get3A_95 = vector.load %arg11[%get3A_93, %get3A_94] : memref<128x128xf32, #tpu.memory_space<vmem>>, vector<128x128xf32>
      %dot_general3A_96 = arith.constant dense<0.000000e+00> : vector<256x128xf32>
      %dot_general3A_97 = tpu.matmul %max3A_92, %get3A_95, %dot_general3A_96 {dimension_numbers = #tpu.dot_dimension_numbers<[1], [0], [0], [1], [0, 0, 1, 1], [], []>, transpose_lhs_hint = false} : vector<256x128xf32>, vector<128x128xf32>, vector<256x128xf32> -> vector<256x128xf32>
      %get3A_98 = arith.constant 0 : index
      %get3A_99 = arith.constant 0 : index
      %get3A_100 = vector.load %arg12[%get3A_98, %get3A_99] : memref<1x128xf32, #tpu.memory_space<vmem>>, vector<1x128xf32>
      %add3A_101 = vector.broadcast %get3A_100 : vector<1x128xf32> to vector<256x128xf32>
      %add3A_102 = arith.addf %dot_general3A_97, %add3A_101 : vector<256x128xf32>
      %swap3A_103 = arith.constant 0 : index
      %swap3A_104 = arith.constant 0 : index
      %swap3A_105 = vector.load %arg13[%swap3A_103, %swap3A_104] : memref<256x128xf32, #tpu.memory_space<vmem>>, vector<256x128xf32>
      tpu.vector_store %arg13[%swap3A_103, %swap3A_104], %add3A_102 {strides = array<i32>} : memref<256x128xf32, #tpu.memory_space<vmem>>, vector<256x128xf32>,
    } else {
    }
    return
  }
  func.func @transform_0(%arg0: i32) -> (i32, i32) {
    %c0_i32 = arith.constant 0 : i32
    %c0_i32_0 = arith.constant 0 : i32
    return %arg0, %c0_i32 : i32, i32
  }
  func.func @transform_1(%arg0: i32) -> (i32, i32, i32) {
    %c0_i32 = arith.constant 0 : i32
    %c0_i32_0 = arith.constant 0 : i32
    %c0_i32_1 = arith.constant 0 : i32
    return %c0_i32, %arg0, %c0_i32_0 : i32, i32, i32
  }
  func.func @transform_2(%arg0: i32) -> (i32, i32, i32) {
    %c1_i32 = arith.constant 1 : i32
    %c0_i32 = arith.constant 0 : i32
    %c0_i32_0 = arith.constant 0 : i32
    return %c1_i32, %arg0, %c0_i32 : i32, i32, i32
  }
  func.func @transform_3(%arg0: i32) -> (i32, i32, i32) {
    %c0_i32 = arith.constant 0 : i32
    %c0_i32_0 = arith.constant 0 : i32
    %c0_i32_1 = arith.constant 0 : i32
    return %arg0, %c0_i32, %c0_i32_0 : i32, i32, i32
  }
  func.func @transform_4(%arg0: i32) -> (i32, i32) {
    %c0_i32 = arith.constant 0 : i32
    %c0_i32_0 = arith.constant 0 : i32
    %c0_i32_1 = arith.constant 0 : i32
    return %c0_i32, %c0_i32_0 : i32, i32
  }
  func.func @transform_5(%arg0: i32) -> (i32, i32) {
    %c0_i32 = arith.constant 0 : i32
    %c0_i32_0 = arith.constant 0 : i32
    %c0_i32_1 = arith.constant 0 : i32
    return %c0_i32, %c0_i32_0 : i32, i32
  }
  func.func @transform_6(%arg0: i32) -> (i32, i32) {
    %c0_i32 = arith.constant 0 : i32
    %c0_i32_0 = arith.constant 0 : i32
    %c0_i32_1 = arith.constant 0 : i32
    return %c0_i32, %c0_i32_0 : i32, i32
  }
  func.func @transform_7(%arg0: i32) -> (i32, i32) {
    %c0_i32 = arith.constant 0 : i32
    %c0_i32_0 = arith.constant 0 : i32
    %c0_i32_1 = arith.constant 0 : i32
    return %c0_i32, %c0_i32_0 : i32, i32
  }
  func.func @transform_8(%arg0: i32) -> (i32, i32) {
    %c0_i32 = arith.constant 0 : i32
    %c0_i32_0 = arith.constant 0 : i32
    %c0_i32_1 = arith.constant 0 : i32
    return %c0_i32, %c0_i32_0 : i32, i32
  }
  func.func @transform_9(%arg0: i32) -> (i32, i32) {
    %c0_i32 = arith.constant 0 : i32
    %c0_i32_0 = arith.constant 0 : i32
    %c0_i32_1 = arith.constant 0 : i32
    return %c0_i32, %c0_i32_0 : i32, i32
  }
  func.func @transform_10(%arg0: i32) -> (i32, i32) {
    %c0_i32 = arith.constant 0 : i32
    %c0_i32_0 = arith.constant 0 : i32
    %c0_i32_1 = arith.constant 0 : i32
    return %c0_i32, %c0_i32_0 : i32, i32
  }
  func.func @transform_11(%arg0: i32) -> (i32, i32) {
    %c0_i32 = arith.constant 0 : i32
    %c0_i32_0 = arith.constant 0 : i32
    %c0_i32_1 = arith.constant 0 : i32
    return %c0_i32, %c0_i32_0 : i32, i32
  }
  func.func @transform_12(%arg0: i32) -> (i32, i32) {
    %c0_i32 = arith.constant 0 : i32
    %c0_i32_0 = arith.constant 0 : i32
    %c0_i32_1 = arith.constant 0 : i32
    return %c0_i32, %c0_i32_0 : i32, i32
  }
}

</mosaic_0001>

<sc_bundles>
// kernel: kernel.6.cloned.1.call-start
scs
__scs_entry_jumppad:
0x0: {  	(pc) =	sbr.rel $0x88, $3  }
0x1: {  	(tag) =	ssettag $0x0;
	lr =	simm.s32 $0x1  }
0x2: {  	[smem:$0x3F8E] =	sst lr;
	_ =	strace $0xD0000000  }
0x3: {  	_ = 	snop  }
0x4: {  	_ = 	snop  }
0x5: {  	_ = 	snop  }
0x6: {  	_ = 	snop  }
0x7: {  	_ = 	snop  }
__scs_overlays_trampoline_lowered:
0x8: {  	[smem:$0x3F9D] =	sst s0  }
0x9: {  	[smem:$0x3F9E] =	sst s1  }
0xa: {  	[smem:$0x3F9F] =	sst s2  }
0xb: {  	[smem:$0x3FA0] =	sst s3  }
0xc: {  	[smem:$0x3FA1] =	sst s4  }
0xd: {  	[smem:$0x3FA2] =	sst s5  }
0xe: {  	[smem:$0x3FA3] =	sst s6  }
0xf: {  	[smem:$0x3FA4] =	sst s7  }
0x10: {  	[smem:$0x3FA5] =	sst s8  }
0x11: {  	[smem:$0x3FA6] =	sst s9;
	s0 =	simm.s32 @!p0 $0x0  }
0x12: {  	s1 =	sld [smem:$0x3F8C];
	s0 =	simm.s32 @p0 $0x1  }
0x13: {  	[smem:$0x3FA7] =	sst s0;
	s0 =	simm.s32 @!p1 $0x0  }
0x14: {  	s2 =	sld [smem:$0x3F8B];
	s0 =	simm.s32 @p1 $0x1  }
0x15: {  	[smem:$0x3FA8] =	sst s0;
	s0 =	simm.s32 @!p2 $0x0  }
0x16: {  	s3 =	sld [smem:$0x3FDB];
	s0 =	simm.s32 @p2 $0x1  }
0x17: {  	s4 =	simm.s32 $0x1BF5;
	[smem:$0x3FAA] =	sst s0  }
0x18: {  	s0 =	sld [smem:$0x3F8D];
	_ =	swait.ge [sflag:s4], $0x0  }
0x19: {  	s7 =	sld [smem:$0x3F8E]  }
0x1a: {  	s8 =	sadd.s32 $0xFFFFE003, lr  }
0x1b: {  	s9 =	sadd.s32 $0xFFFFFEF7, lr;
	s5 =	simm.s32 $0xFFFFFFFF;
	p2 =	slt.u32 s8, $0xFFFFF086  }
0x1c: {  	p1 =	slt.u32 s9, $0xF7A;
	s5 =	simm.s32 @!p2 $0x0  }
0x1d: {  	s5 =	simm.s32 @p1 $0x1;
	p0 =	seq.s32 s7, s2  }
0x1e: {  	s7 =	smul.u32 @!p0 $0xF7A, s2;
	p2 =	seq.s32 @!p0 s5, $0x0  }
0x1f: {  	s9 =	smul.u32 $0xF7A, s1;
	s8 =	simm.s32 @!p0 $0x1BF5;
	p2 =	por !p2, p0  }
0x20: {  	[sflag:s8] =	ssyncset.s32 @!p0 $0xFFFFF086;
	s6 =	sadd.s32 @!p0 s3, s7;
	s7 =	simm.s32 @!p0 $0x108  }
0x21: {  	s3 =	sadd.s32 s3, s9;
	s6 =	sadd.s32 @!p0 $0x88, s6;
	s7 =	simm.s32 @p2 $0x1082  }
0x22: {  	[simem:s7], [sflag:s8] =	dma.local @!p0 [hbm:s6], $0xF7A  }
0x23: {  	s9 =	sor.u32 $0xD0000000, s2;
	s6 =	simm.s32 $0x108;
	_ =	swait.ge @!p0 [sflag:s8], $0x0  }
0x24: {  	s3 =	sadd.s32 $0x88, s3;
	s6 =	simm.s32 @!p1 $0x1082;
	[sflag:s4] =	ssyncset.s32 $0xFFFFF086  }
0x25: {  	[simem:s6], [sflag:s4] =	dma.local [hbm:s3], $0xF7A  }
0x26: {  	[smem:$0x3F8E] =	sst s1;
	(tag) =	ssettag s2;
	_ =	strace s9  }
0x27: {  	s1 =	sld [smem:$0x3F9E]  }
0x28: {  	s2 =	sld [smem:$0x3F9F]  }
0x29: {  	s4 =	sld [smem:$0x3FA1]  }
0x2a: {  	p0 =	seq.s32 s5, $0x0;
	s5 =	sld [smem:$0x3FA2]  }
0x2b: {  	s6 =	sld [smem:$0x3FA3]  }
0x2c: {  	s7 =	sld [smem:$0x3FA4]  }
0x2d: {  	s3 =	simm.s32 $0x108;
	s8 =	sld [smem:$0x3FA5]  }
0x2e: {  	s3 =	simm.s32 @!p0 $0x1082;
	s9 =	sld [smem:$0x3FA6]  }
0x2f: {  	lr =	sadd.s32 s0, s3;
	s0 =	sld [smem:$0x3F9D]  }
0x30: {  	s3 =	sld [smem:$0x3FA0]  }
0x31: {  	[smem:$0x3FA9] =	sst s10  }
0x32: {  	s10 =	sld [smem:$0x3FA7];
	_ =	sdelay $0x3  }
0x33: {  	p0 =	seq.s32 s10, $0x1;
	s10 =	sld [smem:$0x3FA9];
	_ =	sdelay $0x3  }
0x34: {  	[smem:$0x3FA9] =	sst s10  }
0x35: {  	s10 =	sld [smem:$0x3FA8];
	_ =	sdelay $0x3  }
0x36: {  	p1 =	seq.s32 s10, $0x1;
	s10 =	sld [smem:$0x3FA9];
	_ =	sdelay $0x3  }
0x37: {  	[smem:$0x3FA9] =	sst s10  }
0x38: {  	s10 =	sld [smem:$0x3FAA]  }
0x39: {  	_ = 	snop;
	(pc) =	sbr.ind lr, $3  }
0x3a: {  	_ = 	snop  }
0x3b: {  	_ = 	snop  }
0x3c: {  	p2 =	seq.s32 s10, $0x1;
	s10 =	sld [smem:$0x3FA9]  }
0x3d: {  	_ =	shalt  }
0x3e: {  	_ =	shalt  }
0x3f: {  	_ =	shalt  }
0x40: {  	_ =	shalt  }
0x41: {  	_ =	shalt  }
0x42: {  	_ =	shalt  }
0x43: {  	_ =	shalt  }
0x44: {  	_ =	shalt  }
0x45: {  	_ =	shalt  }
0x46: {  	_ =	shalt  }
0x47: {  	_ =	shalt  }
0x48: {  	_ =	shalt  }
0x49: {  	_ =	shalt  }
0x4a: {  	_ =	shalt  }
0x4b: {  	_ =	shalt  }
0x4c: {  	_ =	shalt  }
0x4d: {  	_ =	shalt  }
0x4e: {  	_ =	shalt  }
0x4f: {  	_ =	shalt  }
0x50: {  	_ =	shalt  }
0x51: {  	_ =	shalt  }
0x52: {  	_ =	shalt  }
0x53: {  	_ =	shalt  }
0x54: {  	_ =	shalt  }
0x55: {  	_ =	shalt  }
0x56: {  	_ =	shalt  }
0x57: {  	_ =	shalt  }
0x58: {  	_ =	shalt  }
0x59: {  	_ =	shalt  }
0x5a: {  	_ =	shalt  }
0x5b: {  	_ =	shalt  }
0x5c: {  	_ =	shalt  }
0x5d: {  	_ =	shalt  }
0x5e: {  	_ =	shalt  }
0x5f: {  	_ =	shalt  }
0x60: {  	_ =	shalt  }
0x61: {  	_ =	shalt  }
0x62: {  	_ =	shalt  }
0x63: {  	_ =	shalt  }
0x64: {  	_ =	shalt  }
0x65: {  	_ =	shalt  }
0x66: {  	_ =	shalt  }
0x67: {  	_ =	shalt  }
0x68: {  	_ =	shalt  }
0x69: {  	_ =	shalt  }
0x6a: {  	_ =	shalt  }
0x6b: {  	_ =	shalt  }
0x6c: {  	_ =	shalt  }
0x6d: {  	_ =	shalt  }
0x6e: {  	_ =	shalt  }
0x6f: {  	_ =	shalt  }
0x70: {  	_ =	shalt  }
0x71: {  	_ =	shalt  }
0x72: {  	_ =	shalt  }
0x73: {  	_ =	shalt  }
0x74: {  	_ =	shalt  }
0x75: {  	_ =	shalt  }
0x76: {  	_ =	shalt  }
0x77: {  	_ =	shalt  }
0x78: {  	_ =	shalt  }
0x79: {  	_ =	shalt  }
0x7a: {  	_ =	shalt  }
0x7b: {  	_ =	shalt  }
0x7c: {  	_ =	shalt  }
0x7d: {  	_ =	shalt  }
0x7e: {  	_ =	shalt  }
0x7f: {  	_ =	shalt  }
0x80: {  	_ =	shalt  }
0x81: {  	_ =	shalt  }
0x82: {  	_ =	shalt  }
0x83: {  	_ =	shalt  }
0x84: {  	_ =	shalt  }
0x85: {  	_ =	shalt  }
0x86: {  	_ =	shalt  }
0x87: {  	_ =	shalt  }
.Lfunc_end0:
.L_simem_size_0:
called_computation_lowered:
.L_overlay_start_0:
0x88: {  	s2 =	sld [smem:$0x3FD9]  }
0x89: {  	s3 =	sld [smem:$0x3FFE];
	_ =	sdelay $0x1  }
0x8a: {  	s1 =	srdreg.scid  }
0x8b: {  	s0 =	sand.u32 $0x1, s1  }
0x8c: {  	s17 =	sshll.u32 s0, $0xA;
	s2 =	sadd.s32 s3, s2  }
0x8d: {  	s2 =	sadd.s32 s2, s17  }
0x8e: {  	[smem:$0x3FB5] =	sst s2  }
0x8f: {  	_ = 	snop  }
0x90: {  	s2 =	sld [smem:$0x3FC9];
	(tm) =	ssettm $0x1  }
0x91: {  	s18 =	sld [smem:$0x3FFB];
	_ =	sdelay $0x3  }
0x92: {  	_ =	strace s18  }
0x93: {  	s3 =	sld [smem:$0x3FFC];
	_ =	sdelay $0x3  }
0x94: {  	_ =	strace s3  }
0x95: {  	s3 =	sld [smem:$0x3FFD];
	_ =	sdelay $0x3  }
0x96: {  	_ =	strace s3  }
0x97: {  	_ =	strace $0x8FFFFFFF  }
0x98: {  	s19 =	sld [smem:$0x3FDB];
	_ =	sdelay $0x1  }
0x99: {  	s4 =	simm.s32 $_scs_section_size  }
0x9a: {  	s5 =	simm.s32 $_size__tile_overlayer_lowered;
	s6 =	simm.s32 $_tile_overlayer_lowered  }
0x9b: {  	s22 =	simm.s32 $0x1BFF;
	s21 =	sshll.u32 s6, $0x1;
	s3 =	sadd.s32 s4, s19  }
0x9c: {  	s7 =	simm.s32 $0x0;
	s20 =	sshll.u32 s5, $0x1;
	s5 =	sadd.s32 s21, s3  }
0x9d: {  	[timem:s7], [sflag:s22] =	dma.local [hbm:s5], s20  }
0x9e: {  	_ =	swait.ge [sflag:s22], s20  }
0x9f: {  	s4 =	ssub.s32 $0x0, s20;
	[sflag:s22] =	ssyncset.done $0x0  }
0xa0: {  	[sflag:s22] =	ssyncadd.s32 s4;
	_ =	sdelay $0x1  }
0xa1: {  	s23 =	simm.s32 $0x1B8B  }
0xa2: {  	_ =	swait.ge [sflag:s23], $0x1  }
0xa3: {  	[sflag:s23] =	ssyncset.done $0x0  }
0xa4: {  	s25 =	simm.s32 $0x1B8E;
	s24 =	sld [smem:$0x3FFE];
	[sflag:s23] =	ssyncadd.s32 $0xFFFFFFFF  }
0xa5: {  	s26 =	simm.s32 $execute0_lowered;
	[smem:$0x3FD2] =	sst s25  }
0xa6: {  	s5 =	sshll.u32 s26, $0x1;
	_ =	strace $0x80000046;
	[dreg:$0x1] =	wrdreg $0xFFFFFFFF  }
0xa7: {  	s28 =	simm.s32 $_size_execute0_lowered;
	s3 =	sadd.s32 s3, s5;
	[dreg:$0x0] =	wrdreg $0x0  }
0xa8: {  	s5 =	sshll.u32 s28, $0x1;
	[dreg:$0x2] =	wrdreg s3  }
0xa9: {  	[dreg:$0x3] =	wrdreg s5  }
0xaa: {  	[dreg:$0x4] =	wrdreg $0xC0  }
0xab: {  	_ =	task [dreg:s7], $0x5FFFF  }
0xac: {  	[dreg:$0x1] =	wrdreg $0xFFFFFFFF  }
0xad: {  	[dreg:$0x0] =	wrdreg $0x60  }
0xae: {  	[dreg:$0x2] =	wrdreg s2  }
0xaf: {  	[dreg:$0x3] =	wrdreg s24  }
0xb0: {  	[dreg:$0x4] =	wrdreg $0xA8000  }
0xb1: {  	[dreg:$0x5] =	wrdreg $0x9  }
0xb2: {  	_ =	task.clear_ibuf [dreg:s7], $0x6FFFF;
	_ =	strace $0x90000046  }
0xb3: {  	s29 =	simm.s32 $0x9;
	_ =	strace $0x80000048  }
0xb4: {  	_ =	swait.ge [sflag:s29], $0x1  }
0xb5: {  	[sflag:s29] =	ssyncadd.s32 $0xFFFFFFFF  }
0xb6: {  	_ =	strace $0x90000048  }
0xb7: {  	_ =	sfence  }
0xb8: {  	s30 =	sld [smem:$0x0];
	_ =	sdelay $0x2  }
0xb9: {  	s31 =	sshll.u32 s1, $0xD;
	s1 =	sshrl.u32 s1, $0x2  }
0xba: {  	s3 =	sand.u32 $0x4000, s31;
	s1 =	sadd.s32 s1, s30  }
0xbb: {  	s0 =	sor.u32 s3, s0;
	s1 =	sshll.u32 s1, $0x11  }
0xbc: {  	s0 =	sor.u32 s1, s0  }
0xbd: {  	s0 =	sadd.s32 $0x8F2B, s0  }
0xbe: {  	[sflag:s0] =	ssyncadd.remote.s32 $0x1  }
0xbf: {  	_ =	sfence.sel $0xFFFF  }
0xc0: {  	[dreg:$0x0] =	wrdreg $0xFFFFFFFF;
	(pc) =	sbr.abs _section_cstart, $3  }
0xc1: {  	[dreg:$0x1] =	wrdreg $0xFFFFFFFF  }
0xc2: {  	_ =	task.clear_ibuf [dreg:s7], $0x2FFFF;
	_ =	strace $0x9FFFFFFF  }
0xc3: {  	(tm) =	ssettm $0x7FFFFFFF  }
tec
execute0_lowered:
.L_overlay_start_1:
0x0: {  	(tag) =	ssettag $0x1  }
0x1: {  	s0 =	rddreg [dreg:$0x1]  }
0x2: {  	s1 =	rddreg [dreg:$0x2];
	s15 =	stileid.u32  }
0x3: {  	s2 =	srdreg.scid;
	s4 =	simm.s32 $0x0;
	s6 =	smul.u32 $0x14000, s15  }
0x4: {  	s9 =	sand.u32 $0x1, s2;
	s5 =	sshll.u32 s15, $0x1;
	s20 =	smul.u32 $0x5000, s15  }
0x5: {  	[smem:$0x7FF] =	sst s4;
	s7 =	sadd.s32 $0xC000, s0;
	s2 =	smul.u32 $0x140000, s9  }
0x6: {  	s5 =	sor.u32 s9, s5;
	s8 =	ssub.s32 $0x2, s9;
	s9 =	smul.u32 $0x2800, s9  }
0x7: {  	_ =	strace $0x80000047;
	s10 =	smul.u32 $0x2800, s5;
	s11 =	sshrl.u32 s8, $0x1  }
0x8: {  	s5 =	sadd.s32 $0x2000, s0;
	s6 =	sadd.s32 s6, s2;
	s2 =	ssub.s32 s8, s11  }
0x9: {  	s9 =	sadd.s32 s9, s20;
	s8 =	sshrl.u32 s10, $0x3;
	s2 =	smax.u32 s2, $0x1  }
0xa: {  	s6 =	sshrl.u32 s6, $0x3;
	s10 =	sadd.s32 s5, s8;
	[smem:$0x7F7] =	sst s2  }
0xb: {  	s19 =	sor.u32 $0x28, s8;
	s21 =	sadd.s32 s7, s8;
	[dreg:$0x12] =	wrdreg s10  }
0xc: {  	s6 =	sadd.s32 s6, s0;
	s0 =	sadd.s32 $0x16000, s0;
	[dreg:$0x14] =	wrdreg s21  }
0xd: {  	s11 =	sor.u32 $0x3C0, s9;
	s12 =	sadd.s32 s5, s19;
	[smem:$0x7F5] =	sst s0  }
0xe: {  	s22 =	sor.u32 $0xA, s8;
	s10 =	sadd.s32 s7, s19;
	[dreg:$0x13] =	wrdreg s12  }
0xf: {  	s23 =	sor.u32 $0x32, s8;
	s13 =	sadd.s32 s5, s22;
	[dreg:$0x15] =	wrdreg s10  }
0x10: {  	s11 =	sshrl.u32 s11, $0x3;
	s24 =	sadd.s32 s5, s23;
	[dreg:$0x16] =	wrdreg s13  }
0x11: {  	s14 =	sor.u32 $0x4B0, s9;
	s26 =	sadd.s32 s11, s7;
	[dreg:$0x17] =	wrdreg s24  }
0x12: {  	s28 =	sshrl.u32 s14, $0x3;
	s11 =	sadd.s32 s11, s5;
	[dreg:$0x4] =	wrdreg s26  }
0x13: {  	s3 =	sor.u32 $0x460, s9;
	s31 =	sadd.s32 s28, s7;
	[dreg:$0x5] =	wrdreg s11  }
0x14: {  	s17 =	sshrl.u32 s3, $0x3;
	s16 =	sadd.s32 s28, s5;
	[dreg:$0x6] =	wrdreg s31  }
0x15: {  	s18 =	sadd.s32 s17, s7;
	[dreg:$0x7] =	wrdreg s16  }
0x16: {  	s14 =	sor.u32 $0x1E, s8;
	s20 =	sadd.s32 s17, s5;
	[dreg:$0x8] =	wrdreg s18  }
0x17: {  	s29 =	simm.s32 $0x1;
	s17 =	sadd.s32 s5, s14;
	[dreg:$0x9] =	wrdreg s20  }
0x18: {  	s30 =	simm.s32 $0x3;
	s10 =	sadd.s32 s7, s22;
	[dreg:$0x1e] =	wrdreg s17  }
0x19: {  	s19 =	sor.u32 $0x410, s9;
	s12 =	sadd.s32 s7, s23;
	[dreg:$0x18] =	wrdreg s10  }
0x1a: {  	s21 =	sshrl.u32 s19, $0x3;
	s18 =	sadd.s32 s7, s14;
	[dreg:$0x19] =	wrdreg s12  }
0x1b: {  	s23 =	sor.u32 $0x280, s9;
	s22 =	sadd.s32 s21, s7;
	[dreg:$0x1f] =	wrdreg s18  }
0x1c: {  	s10 =	sor.u32 $0x14, s8;
	s24 =	sadd.s32 s21, s5;
	[dreg:$0xa] =	wrdreg s22  }
0x1d: {  	s12 =	sor.u32 $0x3C, s8;
	s25 =	sadd.s32 s5, s10;
	[dreg:$0xb] =	wrdreg s24  }
0x1e: {  	s31 =	sor.u32 $0x370, s9;
	s26 =	sadd.s32 s5, s12;
	[dreg:$0x1a] =	wrdreg s25  }
0x1f: {  	s9 =	sor.u32 $0x320, s9;
	s10 =	sadd.s32 s7, s10;
	[dreg:$0x1b] =	wrdreg s26  }
0x20: {  	s9 =	sshrl.u32 s9, $0x3;
	s3 =	sadd.s32 s7, s12;
	[dreg:$0x1c] =	wrdreg s10  }
0x21: {  	s19 =	smul.u32 $0x50000, s15;
	s16 =	sadd.s32 s9, s7;
	[dreg:$0x1d] =	wrdreg s3  }
0x22: {  	s21 =	sshll.u32 s15, $0x6;
	s22 =	sadd.s32 $0x16800, s6;
	[dreg:$0x10] =	wrdreg s16  }
0x23: {  	s24 =	sor.u32 $0x1C19, s21;
	s25 =	sshrl.u32 s23, $0x3;
	[smem:$0x7F6] =	sst s22  }
0x24: {  	s8 =	sor.u32 $0x46, s8;
	[smem:$0x7FD] =	sst s24;
	s28 =	sadd.s32 s25, s5  }
0x25: {  	s10 =	sshrl.u32 s31, $0x3;
	s12 =	sadd.s32 s25, s7;
	[dreg:$0xc] =	wrdreg s28  }
0x26: {  	s18 =	simm.s32 $0x80;
	s13 =	sadd.s32 s10, s7;
	[dreg:$0xd] =	wrdreg s12  }
0x27: {  	s15 =	simm.s32 $0x100;
	s10 =	sadd.s32 s10, s5;
	[dreg:$0xe] =	wrdreg s13  }
0x28: {  	s20 =	sshrl.u32 s19, $0x2;
	s7 =	sadd.s32 s7, s8;
	[dreg:$0xf] =	wrdreg s10  }
0x29: {  	s19 =	simm.s32 $0x50;
	s8 =	sadd.s32 s5, s8;
	[smem:$0x7F3] =	sst s7  }
0x2a: {  	s5 =	sadd.s32 s9, s5;
	[smem:$0x7F4] =	sst s8;
	s7 =	sadd.s32 s20, s1  }
0x2b: {  	s21 =	simm.s32 $0x2;
	[dreg:$0x11] =	wrdreg s5;
	s23 =	sadd.s32 $0x4000, s7  }
0x2c: {  	[smem:$0x7FA] =	sst s7;
	s28 =	sadd.s32 $0x10000, s7;
	s0 =	sshrl.u32 s23, $0x3  }
0x2d: {  	s25 =	sadd.s32 $0x8000, s7;
	s31 =	sshrl.u32 s28, $0x3;
	[smem:$0x7F8] =	sst s0  }
0x2e: {  	s26 =	sadd.s32 $0xC000, s7;
	s0 =	sshrl.u32 s25, $0x3;
	[smem:$0x7FC] =	sst s31  }
0x2f: {  	s20 =	simm.s32 $0x180;
	[smem:$0x7F9] =	sst s0;
	s0 =	sshrl.u32 s26, $0x3  }
0x30: {  	s1 =	simm.s32 $0x0;
	s26 =	simm.s32 $0x19;
	[smem:$0x7FB] =	sst s0  }
.LBB2_1:
0x31: {  	s0 =	sld [smem:$0x7FA];
	_ =	sdelay $0x1  }
0x32: {  	s3 =	sld [smem:$0x7F5]  }
0x33: {  	[smem:$0x7F1] =	sst s1;
	s2 =	sshrl.u32 s0, $0x3  }
0x34: {  	[smem:$0x7F2] =	sst s2  }
0x35: {  	[spmem:s2], [sflag:s24] =	dma.local [hbm:s3], $0x800  }
0x36: {  	_ =	swait.ge [sflag:s26], $0x800  }
0x37: {  	s2 =	sld [smem:$0x7F8]  }
0x38: {  	[sflag:s26] =	ssyncset.done $0x0  }
0x39: {  	[sflag:s26] =	ssyncadd.s32 $0xFFFFF800  }
0x3a: {  	[spmem:s2], [sflag:s24] =	dma.local [hbm:s3], $0x800  }
0x3b: {  	_ =	swait.ge [sflag:s26], $0x800  }
0x3c: {  	s5 =	sld [smem:$0x7F9]  }
0x3d: {  	[sflag:s26] =	ssyncset.done $0x0  }
0x3e: {  	[sflag:s26] =	ssyncadd.s32 $0xFFFFF800  }
0x3f: {  	[spmem:s5], [sflag:s24] =	dma.local [hbm:s3], $0x800  }
0x40: {  	_ =	swait.ge [sflag:s26], $0x800  }
0x41: {  	s6 =	sld [smem:$0x7FB]  }
0x42: {  	[sflag:s26] =	ssyncset.done $0x0  }
0x43: {  	[sflag:s26] =	ssyncadd.s32 $0xFFFFF800  }
0x44: {  	[spmem:s6], [sflag:s24] =	dma.local [hbm:s3], $0x800  }
0x45: {  	_ =	swait.ge [sflag:s26], $0x800  }
0x46: {  	s7 =	sld [smem:$0x7FC]  }
0x47: {  	[sflag:s26] =	ssyncset.done $0x0  }
0x48: {  	[sflag:s26] =	ssyncadd.s32 $0xFFFFF800  }
0x49: {  	[spmem:s7], [sflag:s24] =	dma.local [hbm:s3], $0x800  }
0x4a: {  	_ =	swait.ge [sflag:s26], $0x800  }
0x4b: {  	[sflag:s26] =	ssyncset.done $0x0;
	s8 =	rddreg [dreg:$0x12]  }
0x4c: {  	s9 =	rddreg [dreg:$0x13];
	[sflag:s26] =	ssyncadd.s32 $0xFFFFF800  }
0x4d: {  	[tilespmem:s4], [sflag:$0x1] =	stream.linear.gather [hbm4b:s8+s4], $0x50, $0x38;
	[tilespmem:$0x1E800] =	vst v63  }
0x4e: {  	s10 =	simm.s32 $0x200;
	s11 =	rddreg [dreg:$0x14]  }
0x4f: {  	[tilespmem:s10], [sflag:$0x5] =	stream.linear.gather [hbm4b:s9+s4], $0x50, $0x38;
	[tilespmem:$0x1E800] =	vst v63  }
0x50: {  	s16 =	simm.s32 $0x400;
	s12 =	rddreg [dreg:$0x15]  }
0x51: {  	[tilespmem:s16], [sflag:$0x9] =	stream.linear.gather [hbm4b:s11+s4], $0x50, $0x38;
	[tilespmem:$0x1E800] =	vst v63  }
0x52: {  	s13 =	simm.s32 $0x600;
	s14 =	rddreg [dreg:$0x16]  }
0x53: {  	[tilespmem:s13], [sflag:$0xD] =	stream.linear.gather [hbm4b:s12+s4], $0x50, $0x38;
	[tilespmem:$0x1E800] =	vst v63  }
0x54: {  	s17 =	rddreg [dreg:$0x17]  }
0x55: {  	[tilespmem:s18], [sflag:$0x2] =	stream.linear.gather [hbm4b:s14+s4], $0x50, $0x38;
	[tilespmem:$0x1E800] =	vst v63  }
0x56: {  	s22 =	simm.s32 $0x280;
	s23 =	rddreg [dreg:$0x18]  }
0x57: {  	[tilespmem:s22], [sflag:$0x6] =	stream.linear.gather [hbm4b:s17+s4], $0x50, $0x38;
	[tilespmem:$0x1E800] =	vst v63  }
0x58: {  	s24 =	rddreg [dreg:$0x19];
	s10 =	simm.s32 $0x480  }
0x59: {  	[tilespmem:s10], [sflag:$0xA] =	stream.linear.gather [hbm4b:s23+s4], $0x50, $0x38;
	[tilespmem:$0x1E800] =	vst v63  }
0x5a: {  	s25 =	simm.s32 $0x680;
	s28 =	rddreg [dreg:$0x1b]  }
0x5b: {  	[tilespmem:s25], [sflag:$0xE] =	stream.linear.gather [hbm4b:s24+s4], $0x50, $0x38;
	[tilespmem:$0x1E800] =	vst v63  }
0x5c: {  	s26 =	rddreg [dreg:$0x1a]  }
0x5d: {  	[tilespmem:s15], [sflag:$0x3] =	stream.linear.gather [hbm4b:s26+s4], $0x50, $0x38;
	[tilespmem:$0x1E800] =	vst v63  }
0x5e: {  	s31 =	simm.s32 $0x300;
	s1 =	rddreg [dreg:$0x1c]  }
0x5f: {  	[tilespmem:s31], [sflag:$0x7] =	stream.linear.gather [hbm4b:s28+s4], $0x50, $0x38;
	[tilespmem:$0x1E800] =	vst v63  }
0x60: {  	s2 =	rddreg [dreg:$0x1d];
	s17 =	simm.s32 $0x500  }
0x61: {  	[tilespmem:s17], [sflag:$0xB] =	stream.linear.gather [hbm4b:s1+s4], $0x50, $0x38;
	[tilespmem:$0x1E800] =	vst v63  }
0x62: {  	s3 =	simm.s32 $0x700;
	s7 =	rddreg [dreg:$0x1e]  }
0x63: {  	[tilespmem:s3], [sflag:$0xF] =	stream.linear.gather [hbm4b:s2+s4], $0x50, $0x38;
	[tilespmem:$0x1E800] =	vst v63  }
0x64: {  	s8 =	sld [smem:$0x7F4]  }
0x65: {  	[tilespmem:s20], [sflag:$0x4] =	stream.linear.gather [hbm4b:s7+s4], $0x50, $0x38;
	[tilespmem:$0x1E800] =	vst v63  }
0x66: {  	s9 =	simm.s32 $0x380;
	s11 =	rddreg [dreg:$0x1f]  }
0x67: {  	[tilespmem:s9], [sflag:$0x8] =	stream.linear.gather [hbm4b:s8+s4], $0x50, $0x38;
	[tilespmem:$0x1E800] =	vst v63  }
0x68: {  	s12 =	sld [smem:$0x7F3];
	s22 =	simm.s32 $0x580  }
0x69: {  	[tilespmem:s22], [sflag:$0xC] =	stream.linear.gather [hbm4b:s11+s4], $0x50, $0x38;
	[tilespmem:$0x1E800] =	vst v63  }
0x6a: {  	s13 =	simm.s32 $0x780  }
0x6b: {  	[tilespmem:s13], [sflag:$0x10] =	stream.linear.gather [hbm4b:s12+s4], $0x50, $0x38;
	[tilespmem:$0x1E800] =	vst v63  }
0x6c: {  	[bflag:$0x0] =	sbarrier.arrive $0xFFFF  }
0x6d: {  	_ =	swait.ge [sflag:s29], $0x50  }
0x6e: {  	[sflag:s29] =	ssyncset.done $0x0  }
0x6f: {  	[sflag:s29] =	ssyncadd.s32 $0xFFFFFFB0  }
0x70: {  	s9 =	simm.s32 $0x800;
	s3 =	rddreg [dreg:$0x0]  }
0x71: {  	[tilespmem:s9], [sflag:$0x11] =	stream.indirect.gather [hbm4b:s3+s19], $0x80, s4, s19, $0xb8;
	[tilespmem:$0x1E800] =	vst v63  }
0x72: {  	_ =	swait.ge [sflag:s21], $0x50  }
0x73: {  	[sflag:s21] =	ssyncset.done $0x0  }
0x74: {  	s23 =	simm.s32 $0x3000;
	[sflag:s21] =	ssyncadd.s32 $0xFFFFFFB0  }
0x75: {  	[tilespmem:s23], [sflag:$0x12] =	stream.indirect.gather [hbm4b:s3+s19], $0x80, s18, s19, $0xb8;
	[tilespmem:$0x1E800] =	vst v63  }
0x76: {  	_ =	swait.ge [sflag:s30], $0x50  }
0x77: {  	[sflag:s30] =	ssyncset.done $0x0  }
0x78: {  	s31 =	simm.s32 $0x5800;
	s8 =	simm.s32 $0x4;
	[sflag:s30] =	ssyncadd.s32 $0xFFFFFFB0  }
0x79: {  	[tilespmem:s31], [sflag:$0x13] =	stream.indirect.gather [hbm4b:s3+s19], $0x80, s15, s19, $0xb8;
	[tilespmem:$0x1E800] =	vst v63  }
0x7a: {  	_ =	swait.ge [sflag:s8], $0x50  }
0x7b: {  	[sflag:s8] =	ssyncset.done $0x0  }
0x7c: {  	s0 =	simm.s32 $0x11;
	s11 =	simm.s32 $0x8000;
	[sflag:s8] =	ssyncadd.s32 $0xFFFFFFB0  }
0x7d: {  	[tilespmem:s11], [sflag:$0x14] =	stream.indirect.gather [hbm4b:s3+s19], $0x80, s20, s19, $0xb8;
	[tilespmem:$0x1E800] =	vst v63  }
0x7e: {  	_ =	swait.ge [sflag:s0], $0x2800  }
0x7f: {  	[sflag:s0] =	ssyncset.done $0x0  }
0x80: {  	s2 =	simm.s32 $0x12;
	[sflag:s0] =	ssyncadd.s32 $0xFFFFD800  }
0x81: {  	_ =	swait.ge [sflag:s2], $0x2800  }
0x82: {  	[sflag:s2] =	ssyncset.done $0x0  }
0x83: {  	s12 =	simm.s32 $0x13;
	[sflag:s2] =	ssyncadd.s32 $0xFFFFD800  }
0x84: {  	_ =	swait.ge [sflag:s12], $0x2800  }
0x85: {  	[sflag:s12] =	ssyncset.done $0x0  }
0x86: {  	s13 =	simm.s32 $0x14;
	[sflag:s12] =	ssyncadd.s32 $0xFFFFD800  }
0x87: {  	_ =	swait.ge [sflag:s13], $0x2800  }
0x88: {  	[sflag:s13] =	ssyncset.done $0x0  }
0x89: {  	s14 =	simm.s32 $0x9;
	[sflag:s13] =	ssyncadd.s32 $0xFFFFD800  }
0x8a: {  	_ =	swait.ge [sflag:s14], $0x50  }
0x8b: {  	[sflag:s14] =	ssyncset.done $0x0  }
0x8c: {  	s25 =	simm.s32 $0xA;
	[sflag:s14] =	ssyncadd.s32 $0xFFFFFFB0  }
0x8d: {  	_ =	swait.ge [sflag:s25], $0x50  }
0x8e: {  	[sflag:s25] =	ssyncset.done $0x0  }
0x8f: {  	s26 =	simm.s32 $0xB;
	[sflag:s25] =	ssyncadd.s32 $0xFFFFFFB0  }
0x90: {  	_ =	swait.ge [sflag:s26], $0x50  }
0x91: {  	[sflag:s26] =	ssyncset.done $0x0  }
0x92: {  	s28 =	simm.s32 $0xC;
	[sflag:s26] =	ssyncadd.s32 $0xFFFFFFB0  }
0x93: {  	_ =	swait.ge [sflag:s28], $0x50  }
0x94: {  	[sflag:s28] =	ssyncset.done $0x0  }
0x95: {  	[sflag:s28] =	ssyncadd.s32 $0xFFFFFFB0  }
0x96: {  	s7 =	rddreg [dreg:$0x2]  }
0x97: {  	[spmem:s7] =	stream.indirect.scatter.add.f32 [tilespmem:s9], [sflag:$0x15], $0x80, s16, s19, $0xb8;
	[tilespmem:$0x1E800] =	vst v63  }
0x98: {  	_ = 	snop  }
0x99: {  	[spmem:s7] =	stream.indirect.scatter.add.f32 [tilespmem:s23], [sflag:$0x16], $0x80, s10, s19, $0xb8;
	[tilespmem:$0x1E800] =	vst v63  }
0x9a: {  	_ = 	snop  }
0x9b: {  	[spmem:s7] =	stream.indirect.scatter.add.f32 [tilespmem:s31], [sflag:$0x17], $0x80, s17, s19, $0xb8;
	[tilespmem:$0x1E800] =	vst v63  }
0x9c: {  	s1 =	rddreg [dreg:$0xc]  }
0x9d: {  	[spmem:s7] =	stream.indirect.scatter.add.f32 [tilespmem:s11], [sflag:$0x18], $0x80, s22, s19, $0xb8;
	[tilespmem:$0x1E800] =	vst v63  }
0x9e: {  	s24 =	sadd.s32 $0x0, s1  }
0x9f: {  	[tilespmem:s4], [sflag:$0x1] =	stream.linear.gather [hbm4b:s24+s4], $0x50, $0x38;
	[tilespmem:$0x1E800] =	vst v63  }
0xa0: {  	s14 =	rddreg [dreg:$0x11];
	s24 =	sadd.s32 $0xA, s24  }
0xa1: {  	[tilespmem:s18], [sflag:$0x2] =	stream.linear.gather [hbm4b:s24+s4], $0x50, $0x38;
	[tilespmem:$0x1E800] =	vst v63  }
0xa2: {  	s25 =	rddreg [dreg:$0xf];
	s26 =	sadd.s32 $0x0, s14  }
0xa3: {  	[tilespmem:s15], [sflag:$0x3] =	stream.linear.gather [hbm4b:s26+s4], $0x50, $0x38;
	[tilespmem:$0x1E800] =	vst v63  }
0xa4: {  	s24 =	sadd.s32 $0x0, s25;
	s26 =	simm.s32 $0x5  }
0xa5: {  	[tilespmem:s20], [sflag:$0x4] =	stream.linear.gather [hbm4b:s24+s4], $0x50, $0x38;
	[tilespmem:$0x1E800] =	vst v63  }
0xa6: {  	_ =	swait.ge [sflag:s26], $0x50  }
0xa7: {  	[sflag:s26] =	ssyncset.done $0x0  }
0xa8: {  	s28 =	simm.s32 $0x6;
	[sflag:s26] =	ssyncadd.s32 $0xFFFFFFB0  }
0xa9: {  	_ =	swait.ge [sflag:s28], $0x50  }
0xaa: {  	[sflag:s28] =	ssyncset.done $0x0  }
0xab: {  	s1 =	simm.s32 $0x7;
	[sflag:s28] =	ssyncadd.s32 $0xFFFFFFB0  }
0xac: {  	_ =	swait.ge [sflag:s1], $0x50  }
0xad: {  	[sflag:s1] =	ssyncset.done $0x0  }
0xae: {  	s14 =	simm.s32 $0x8;
	[sflag:s1] =	ssyncadd.s32 $0xFFFFFFB0  }
0xaf: {  	_ =	swait.ge [sflag:s14], $0x50  }
0xb0: {  	[sflag:s14] =	ssyncset.done $0x0  }
0xb1: {  	[sflag:s14] =	ssyncadd.s32 $0xFFFFFFB0;
	s14 =	simm.s32 $0x15  }
0xb2: {  	_ =	swait.ge [sflag:s14], $0x2800  }
0xb3: {  	[sflag:s14] =	ssyncset.done $0x0  }
0xb4: {  	s5 =	simm.s32 $0x200;
	s1 =	simm.s32 $0x16;
	[sflag:s14] =	ssyncadd.s32 $0xFFFFD800  }
0xb5: {  	[tilespmem:s9], [sflag:$0x11] =	stream.indirect.gather [hbm4b:s3+s19], $0x80, s5, s19, $0xb8;
	[tilespmem:$0x1E800] =	vst v63  }
0xb6: {  	_ =	swait.ge [sflag:s1], $0x2800  }
0xb7: {  	[sflag:s1] =	ssyncset.done $0x0  }
0xb8: {  	s6 =	simm.s32 $0x280;
	s5 =	simm.s32 $0x17;
	[sflag:s1] =	ssyncadd.s32 $0xFFFFD800  }
0xb9: {  	[tilespmem:s23], [sflag:$0x12] =	stream.indirect.gather [hbm4b:s3+s19], $0x80, s6, s19, $0xb8;
	[tilespmem:$0x1E800] =	vst v63  }
0xba: {  	_ =	swait.ge [sflag:s5], $0x2800  }
0xbb: {  	[sflag:s5] =	ssyncset.done $0x0  }
0xbc: {  	s24 =	simm.s32 $0x300;
	s6 =	simm.s32 $0x18;
	[sflag:s5] =	ssyncadd.s32 $0xFFFFD800  }
0xbd: {  	[tilespmem:s31], [sflag:$0x13] =	stream.indirect.gather [hbm4b:s3+s19], $0x80, s24, s19, $0xb8;
	[tilespmem:$0x1E800] =	vst v63  }
0xbe: {  	_ =	swait.ge [sflag:s6], $0x2800  }
0xbf: {  	[sflag:s6] =	ssyncset.done $0x0  }
0xc0: {  	s25 =	simm.s32 $0x380;
	s24 =	rddreg [dreg:$0xd];
	[sflag:s6] =	ssyncadd.s32 $0xFFFFD800  }
0xc1: {  	[tilespmem:s11], [sflag:$0x14] =	stream.indirect.gather [hbm4b:s3+s19], $0x80, s25, s19, $0xb8;
	[tilespmem:$0x1E800] =	vst v63  }
0xc2: {  	s24 =	sadd.s32 $0x0, s24  }
0xc3: {  	[tilespmem:s16], [sflag:$0x9] =	stream.linear.gather [hbm4b:s24+s4], $0x50, $0x38;
	[tilespmem:$0x1E800] =	vst v63  }
0xc4: {  	s26 =	rddreg [dreg:$0x10];
	s24 =	sadd.s32 $0xA, s24  }
0xc5: {  	[tilespmem:s10], [sflag:$0xA] =	stream.linear.gather [hbm4b:s24+s4], $0x50, $0x38;
	[tilespmem:$0x1E800] =	vst v63  }
0xc6: {  	s26 =	sadd.s32 $0x0, s26;
	s16 =	rddreg [dreg:$0xe]  }
0xc7: {  	[tilespmem:s17], [sflag:$0xB] =	stream.linear.gather [hbm4b:s26+s4], $0x50, $0x38;
	[tilespmem:$0x1E800] =	vst v63  }
0xc8: {  	s24 =	sadd.s32 $0x0, s16  }
0xc9: {  	[tilespmem:s22], [sflag:$0xC] =	stream.linear.gather [hbm4b:s24+s4], $0x50, $0x38;
	[tilespmem:$0x1E800] =	vst v63  }
0xca: {  	_ =	swait.ge [sflag:s0], $0x2800  }
0xcb: {  	[sflag:s0] =	ssyncset.done $0x0  }
0xcc: {  	[sflag:s0] =	ssyncadd.s32 $0xFFFFD800  }
0xcd: {  	_ =	swait.ge [sflag:s2], $0x2800  }
0xce: {  	[sflag:s2] =	ssyncset.done $0x0  }
0xcf: {  	[sflag:s2] =	ssyncadd.s32 $0xFFFFD800  }
0xd0: {  	_ =	swait.ge [sflag:s12], $0x2800  }
0xd1: {  	[sflag:s12] =	ssyncset.done $0x0  }
0xd2: {  	[sflag:s12] =	ssyncadd.s32 $0xFFFFD800  }
0xd3: {  	_ =	swait.ge [sflag:s13], $0x2800  }
0xd4: {  	[sflag:s13] =	ssyncset.done $0x0  }
0xd5: {  	s2 =	simm.s32 $0xD;
	[sflag:s13] =	ssyncadd.s32 $0xFFFFD800  }
0xd6: {  	_ =	swait.ge [sflag:s2], $0x50  }
0xd7: {  	[sflag:s2] =	ssyncset.done $0x0  }
0xd8: {  	s10 =	simm.s32 $0xE;
	[sflag:s2] =	ssyncadd.s32 $0xFFFFFFB0  }
0xd9: {  	_ =	swait.ge [sflag:s10], $0x50  }
0xda: {  	[sflag:s10] =	ssyncset.done $0x0  }
0xdb: {  	s12 =	simm.s32 $0xF;
	[sflag:s10] =	ssyncadd.s32 $0xFFFFFFB0  }
0xdc: {  	_ =	swait.ge [sflag:s12], $0x50  }
0xdd: {  	[sflag:s12] =	ssyncset.done $0x0  }
0xde: {  	s13 =	simm.s32 $0x10;
	[sflag:s12] =	ssyncadd.s32 $0xFFFFFFB0  }
0xdf: {  	_ =	swait.ge [sflag:s13], $0x50  }
0xe0: {  	[sflag:s13] =	ssyncset.done $0x0  }
0xe1: {  	s0 =	simm.s32 $0x600;
	[sflag:s13] =	ssyncadd.s32 $0xFFFFFFB0  }
0xe2: {  	[spmem:s7] =	stream.indirect.scatter.add.f32 [tilespmem:s9], [sflag:$0x15], $0x80, s0, s19, $0xb8;
	[tilespmem:$0x1E800] =	vst v63  }
0xe3: {  	s2 =	simm.s32 $0x680  }
0xe4: {  	[spmem:s7] =	stream.indirect.scatter.add.f32 [tilespmem:s23], [sflag:$0x16], $0x80, s2, s19, $0xb8;
	[tilespmem:$0x1E800] =	vst v63  }
0xe5: {  	s10 =	simm.s32 $0x700  }
0xe6: {  	[spmem:s7] =	stream.indirect.scatter.add.f32 [tilespmem:s31], [sflag:$0x17], $0x80, s10, s19, $0xb8;
	[tilespmem:$0x1E800] =	vst v63  }
0xe7: {  	s22 =	simm.s32 $0x780;
	s16 =	rddreg [dreg:$0x5]  }
0xe8: {  	[spmem:s7] =	stream.indirect.scatter.add.f32 [tilespmem:s11], [sflag:$0x18], $0x80, s22, s19, $0xb8;
	[tilespmem:$0x1E800] =	vst v63  }
0xe9: {  	s17 =	rddreg [dreg:$0xb];
	s24 =	sadd.s32 $0x0, s16;
	s13 =	simm.s32 $0x200  }
0xea: {  	[tilespmem:s13], [sflag:$0x5] =	stream.linear.gather [hbm4b:s24+s4], $0x50, $0x38;
	[tilespmem:$0x1E800] =	vst v63  }
0xeb: {  	s16 =	rddreg [dreg:$0x9];
	s26 =	sadd.s32 $0x0, s17;
	s17 =	simm.s32 $0x280  }
0xec: {  	[tilespmem:s17], [sflag:$0x6] =	stream.linear.gather [hbm4b:s26+s4], $0x50, $0x38;
	[tilespmem:$0x1E800] =	vst v63  }
0xed: {  	s28 =	simm.s32 $0x300;
	s22 =	rddreg [dreg:$0x7];
	s24 =	sadd.s32 $0x0, s16  }
0xee: {  	[tilespmem:s28], [sflag:$0x7] =	stream.linear.gather [hbm4b:s24+s4], $0x50, $0x38;
	[tilespmem:$0x1E800] =	vst v63  }
0xef: {  	s25 =	simm.s32 $0x380;
	s26 =	sadd.s32 $0x0, s22  }
0xf0: {  	[tilespmem:s25], [sflag:$0x8] =	stream.linear.gather [hbm4b:s26+s4], $0x50, $0x38;
	[tilespmem:$0x1E800] =	vst v63  }
0xf1: {  	_ =	swait.ge [sflag:s29], $0x50  }
0xf2: {  	[sflag:s29] =	ssyncset.done $0x0  }
0xf3: {  	[sflag:s29] =	ssyncadd.s32 $0xFFFFFFB0  }
0xf4: {  	_ =	swait.ge [sflag:s21], $0x50  }
0xf5: {  	[sflag:s21] =	ssyncset.done $0x0  }
0xf6: {  	[sflag:s21] =	ssyncadd.s32 $0xFFFFFFB0  }
0xf7: {  	_ =	swait.ge [sflag:s30], $0x50  }
0xf8: {  	[sflag:s30] =	ssyncset.done $0x0  }
0xf9: {  	[sflag:s30] =	ssyncadd.s32 $0xFFFFFFB0  }
0xfa: {  	_ =	swait.ge [sflag:s8], $0x50  }
0xfb: {  	[sflag:s8] =	ssyncset.done $0x0  }
0xfc: {  	[sflag:s8] =	ssyncadd.s32 $0xFFFFFFB0  }
0xfd: {  	_ =	swait.ge [sflag:s14], $0x2800  }
0xfe: {  	[sflag:s14] =	ssyncset.done $0x0  }
0xff: {  	[sflag:s14] =	ssyncadd.s32 $0xFFFFD800  }
0x100: {  	[tilespmem:s9], [sflag:$0x11] =	stream.indirect.gather [hbm4b:s3+s19], $0x80, s4, s19, $0xb8;
	[tilespmem:$0x1E800] =	vst v63  }
0x101: {  	_ =	swait.ge [sflag:s1], $0x2800  }
0x102: {  	[sflag:s1] =	ssyncset.done $0x0  }
0x103: {  	[sflag:s1] =	ssyncadd.s32 $0xFFFFD800  }
0x104: {  	[tilespmem:s23], [sflag:$0x12] =	stream.indirect.gather [hbm4b:s3+s19], $0x80, s18, s19, $0xb8;
	[tilespmem:$0x1E800] =	vst v63  }
0x105: {  	_ =	swait.ge [sflag:s5], $0x2800  }
0x106: {  	[sflag:s5] =	ssyncset.done $0x0  }
0x107: {  	[sflag:s5] =	ssyncadd.s32 $0xFFFFD800  }
0x108: {  	[tilespmem:s31], [sflag:$0x13] =	stream.indirect.gather [hbm4b:s3+s19], $0x80, s15, s19, $0xb8;
	[tilespmem:$0x1E800] =	vst v63  }
0x109: {  	_ =	swait.ge [sflag:s6], $0x2800  }
0x10a: {  	[sflag:s6] =	ssyncset.done $0x0  }
0x10b: {  	s28 =	rddreg [dreg:$0x4];
	[sflag:s6] =	ssyncadd.s32 $0xFFFFD800  }
0x10c: {  	[tilespmem:s11], [sflag:$0x14] =	stream.indirect.gather [hbm4b:s3+s19], $0x80, s20, s19, $0xb8;
	[tilespmem:$0x1E800] =	vst v63  }
0x10d: {  	s29 =	rddreg [dreg:$0xa];
	s24 =	sadd.s32 $0x0, s28  }
0x10e: {  	[tilespmem:s0], [sflag:$0xD] =	stream.linear.gather [hbm4b:s24+s4], $0x50, $0x38;
	[tilespmem:$0x1E800] =	vst v63  }
0x10f: {  	s30 =	rddreg [dreg:$0x8];
	s26 =	sadd.s32 $0x0, s29  }
0x110: {  	[tilespmem:s2], [sflag:$0xE] =	stream.linear.gather [hbm4b:s26+s4], $0x50, $0x38;
	[tilespmem:$0x1E800] =	vst v63  }
0x111: {  	s31 =	rddreg [dreg:$0x6];
	s24 =	sadd.s32 $0x0, s30  }
0x112: {  	[tilespmem:s10], [sflag:$0xF] =	stream.linear.gather [hbm4b:s24+s4], $0x50, $0x38;
	[tilespmem:$0x1E800] =	vst v63  }
0x113: {  	s26 =	sadd.s32 $0x0, s31;
	s24 =	simm.s32 $0x50  }
.LBB2_2:
0x114: {  	s18 =	simm.s32 $0x780;
	s28 =	simm.s32 $0x11  }
0x115: {  	[tilespmem:s18], [sflag:$0x10] =	stream.linear.gather [hbm4b:s26+s4], $0x50, $0x38;
	[tilespmem:$0x1E800] =	vst v63  }
0x116: {  	_ =	swait.ge [sflag:s28], $0x2800  }
0x117: {  	[sflag:s28] =	ssyncset.done $0x0  }
0x118: {  	s30 =	simm.s32 $0x12;
	[sflag:s28] =	ssyncadd.s32 $0xFFFFD800  }
0x119: {  	_ =	swait.ge [sflag:s30], $0x2800  }
0x11a: {  	[sflag:s30] =	ssyncset.done $0x0  }
0x11b: {  	s12 =	simm.s32 $0x13;
	[sflag:s30] =	ssyncadd.s32 $0xFFFFD800  }
0x11c: {  	_ =	swait.ge [sflag:s12], $0x2800  }
0x11d: {  	[sflag:s12] =	ssyncset.done $0x0  }
0x11e: {  	s13 =	simm.s32 $0x14;
	[sflag:s12] =	ssyncadd.s32 $0xFFFFD800  }
0x11f: {  	_ =	swait.ge [sflag:s13], $0x2800  }
0x120: {  	[sflag:s13] =	ssyncset.done $0x0  }
0x121: {  	s0 =	simm.s32 $0x9;
	[sflag:s13] =	ssyncadd.s32 $0xFFFFD800  }
0x122: {  	_ =	swait.ge [sflag:s0], $0x50  }
0x123: {  	[sflag:s0] =	ssyncset.done $0x0  }
0x124: {  	s9 =	simm.s32 $0xA;
	[sflag:s0] =	ssyncadd.s32 $0xFFFFFFB0  }
0x125: {  	_ =	swait.ge [sflag:s9], $0x50  }
0x126: {  	[sflag:s9] =	ssyncset.done $0x0  }
0x127: {  	s10 =	simm.s32 $0xB;
	[sflag:s9] =	ssyncadd.s32 $0xFFFFFFB0  }
0x128: {  	_ =	swait.ge [sflag:s10], $0x50  }
0x129: {  	[sflag:s10] =	ssyncset.done $0x0  }
0x12a: {  	s11 =	simm.s32 $0xC;
	[sflag:s10] =	ssyncadd.s32 $0xFFFFFFB0  }
0x12b: {  	_ =	swait.ge [sflag:s11], $0x50  }
0x12c: {  	[sflag:s11] =	ssyncset.done $0x0  }
0x12d: {  	[sflag:s11] =	ssyncadd.s32 $0xFFFFFFB0  }
0x12e: {  	s5 =	simm.s32 $0x400;
	s21 =	simm.s32 $0x800;
	s7 =	rddreg [dreg:$0x2]  }
0x12f: {  	[spmem:s7] =	stream.indirect.scatter.add.f32 [tilespmem:s21], [sflag:$0x15], $0x80, s5, s19, $0xb8;
	[tilespmem:$0x1E800] =	vst v63  }
0x130: {  	s8 =	simm.s32 $0x480;
	s23 =	simm.s32 $0x3000  }
0x131: {  	[spmem:s7] =	stream.indirect.scatter.add.f32 [tilespmem:s23], [sflag:$0x16], $0x80, s8, s19, $0xb8;
	[tilespmem:$0x1E800] =	vst v63  }
0x132: {  	s31 =	simm.s32 $0x5800;
	s17 =	simm.s32 $0x580;
	s10 =	simm.s32 $0x500  }
0x133: {  	[spmem:s7] =	stream.indirect.scatter.add.f32 [tilespmem:s31], [sflag:$0x17], $0x80, s10, s19, $0xb8;
	[tilespmem:$0x1E800] =	vst v63  }
0x134: {  	s26 =	smov.u32 s24;
	s29 =	rddreg [dreg:$0xc];
	s11 =	simm.s32 $0x8000  }
0x135: {  	[spmem:s7] =	stream.indirect.scatter.add.f32 [tilespmem:s11], [sflag:$0x18], $0x80, s17, s19, $0xb8;
	[tilespmem:$0x1E800] =	vst v63  }
0x136: {  	s29 =	sadd.s32 s26, s29  }
0x137: {  	[tilespmem:s4], [sflag:$0x1] =	stream.linear.gather [hbm4b:s29+s4], $0x50, $0x38;
	[tilespmem:$0x1E800] =	vst v63  }
0x138: {  	s1 =	simm.s32 $0x80;
	s14 =	rddreg [dreg:$0x11];
	s29 =	sadd.s32 $0xA, s29  }
0x139: {  	[tilespmem:s1], [sflag:$0x2] =	stream.linear.gather [hbm4b:s29+s4], $0x50, $0x38;
	[tilespmem:$0x1E800] =	vst v63  }
0x13a: {  	s2 =	rddreg [dreg:$0xf];
	s0 =	sadd.s32 s26, s14  }
0x13b: {  	[tilespmem:s15], [sflag:$0x3] =	stream.linear.gather [hbm4b:s0+s4], $0x50, $0x38;
	[tilespmem:$0x1E800] =	vst v63  }
0x13c: {  	s22 =	simm.s32 $0x5;
	s16 =	sadd.s32 s26, s2  }
0x13d: {  	[tilespmem:s20], [sflag:$0x4] =	stream.linear.gather [hbm4b:s16+s4], $0x50, $0x38;
	[tilespmem:$0x1E800] =	vst v63  }
0x13e: {  	_ =	swait.ge [sflag:s22], $0x50  }
0x13f: {  	[sflag:s22] =	ssyncset.done $0x0  }
0x140: {  	s25 =	simm.s32 $0x6;
	[sflag:s22] =	ssyncadd.s32 $0xFFFFFFB0  }
0x141: {  	_ =	swait.ge [sflag:s25], $0x50  }
0x142: {  	[sflag:s25] =	ssyncset.done $0x0  }
0x143: {  	s29 =	simm.s32 $0x7;
	[sflag:s25] =	ssyncadd.s32 $0xFFFFFFB0  }
0x144: {  	_ =	swait.ge [sflag:s29], $0x50  }
0x145: {  	[sflag:s29] =	ssyncset.done $0x0  }
0x146: {  	s1 =	simm.s32 $0x8;
	[sflag:s29] =	ssyncadd.s32 $0xFFFFFFB0  }
0x147: {  	_ =	swait.ge [sflag:s1], $0x50  }
0x148: {  	[sflag:s1] =	ssyncset.done $0x0  }
0x149: {  	s14 =	simm.s32 $0x15;
	[sflag:s1] =	ssyncadd.s32 $0xFFFFFFB0  }
0x14a: {  	_ =	swait.ge [sflag:s14], $0x2800  }
0x14b: {  	[sflag:s14] =	ssyncset.done $0x0  }
0x14c: {  	[sflag:s14] =	ssyncadd.s32 $0xFFFFD800  }
0x14d: {  	s6 =	simm.s32 $0x200;
	s1 =	simm.s32 $0x16;
	s3 =	rddreg [dreg:$0x0]  }
0x14e: {  	[tilespmem:s21], [sflag:$0x11] =	stream.indirect.gather [hbm4b:s3+s19], $0x80, s6, s19, $0xb8;
	[tilespmem:$0x1E800] =	vst v63  }
0x14f: {  	_ =	swait.ge [sflag:s1], $0x2800  }
0x150: {  	[sflag:s1] =	ssyncset.done $0x0  }
0x151: {  	s15 =	simm.s32 $0x280;
	s16 =	simm.s32 $0x17;
	[sflag:s1] =	ssyncadd.s32 $0xFFFFD800  }
0x152: {  	[tilespmem:s23], [sflag:$0x12] =	stream.indirect.gather [hbm4b:s3+s19], $0x80, s15, s19, $0xb8;
	[tilespmem:$0x1E800] =	vst v63  }
0x153: {  	_ =	swait.ge [sflag:s16], $0x2800  }
0x154: {  	[sflag:s16] =	ssyncset.done $0x0  }
0x155: {  	s20 =	simm.s32 $0x300;
	s25 =	simm.s32 $0x18;
	[sflag:s16] =	ssyncadd.s32 $0xFFFFD800  }
0x156: {  	[tilespmem:s31], [sflag:$0x13] =	stream.indirect.gather [hbm4b:s3+s19], $0x80, s20, s19, $0xb8;
	[tilespmem:$0x1E800] =	vst v63  }
0x157: {  	_ =	swait.ge [sflag:s25], $0x2800  }
0x158: {  	[sflag:s25] =	ssyncset.done $0x0  }
0x159: {  	s9 =	simm.s32 $0x380;
	s2 =	rddreg [dreg:$0xd];
	[sflag:s25] =	ssyncadd.s32 $0xFFFFD800  }
0x15a: {  	[tilespmem:s11], [sflag:$0x14] =	stream.indirect.gather [hbm4b:s3+s19], $0x80, s9, s19, $0xb8;
	[tilespmem:$0x1E800] =	vst v63  }
0x15b: {  	s0 =	sadd.s32 s26, s2  }
0x15c: {  	[tilespmem:s5], [sflag:$0x9] =	stream.linear.gather [hbm4b:s0+s4], $0x50, $0x38;
	[tilespmem:$0x1E800] =	vst v63  }
0x15d: {  	s22 =	rddreg [dreg:$0x10];
	s0 =	sadd.s32 $0xA, s0  }
0x15e: {  	[tilespmem:s8], [sflag:$0xA] =	stream.linear.gather [hbm4b:s0+s4], $0x50, $0x38;
	[tilespmem:$0x1E800] =	vst v63  }
0x15f: {  	s22 =	sadd.s32 s26, s22;
	s5 =	rddreg [dreg:$0xe]  }
0x160: {  	[tilespmem:s10], [sflag:$0xB] =	stream.linear.gather [hbm4b:s22+s4], $0x50, $0x38;
	[tilespmem:$0x1E800] =	vst v63  }
0x161: {  	s29 =	sadd.s32 s26, s5  }
0x162: {  	[tilespmem:s17], [sflag:$0xC] =	stream.linear.gather [hbm4b:s29+s4], $0x50, $0x38;
	[tilespmem:$0x1E800] =	vst v63  }
0x163: {  	_ =	swait.ge [sflag:s28], $0x2800  }
0x164: {  	[sflag:s28] =	ssyncset.done $0x0  }
0x165: {  	[sflag:s28] =	ssyncadd.s32 $0xFFFFD800  }
0x166: {  	_ =	swait.ge [sflag:s30], $0x2800  }
0x167: {  	[sflag:s30] =	ssyncset.done $0x0  }
0x168: {  	[sflag:s30] =	ssyncadd.s32 $0xFFFFD800  }
0x169: {  	_ =	swait.ge [sflag:s12], $0x2800  }
0x16a: {  	[sflag:s12] =	ssyncset.done $0x0  }
0x16b: {  	[sflag:s12] =	ssyncadd.s32 $0xFFFFD800  }
0x16c: {  	_ =	swait.ge [sflag:s13], $0x2800  }
0x16d: {  	[sflag:s13] =	ssyncset.done $0x0  }
0x16e: {  	s2 =	simm.s32 $0xD;
	[sflag:s13] =	ssyncadd.s32 $0xFFFFD800  }
0x16f: {  	_ =	swait.ge [sflag:s2], $0x50  }
0x170: {  	[sflag:s2] =	ssyncset.done $0x0  }
0x171: {  	s5 =	simm.s32 $0xE;
	[sflag:s2] =	ssyncadd.s32 $0xFFFFFFB0  }
0x172: {  	_ =	swait.ge [sflag:s5], $0x50  }
0x173: {  	[sflag:s5] =	ssyncset.done $0x0  }
0x174: {  	s8 =	simm.s32 $0xF;
	[sflag:s5] =	ssyncadd.s32 $0xFFFFFFB0  }
0x175: {  	_ =	swait.ge [sflag:s8], $0x50  }
0x176: {  	[sflag:s8] =	ssyncset.done $0x0  }
0x177: {  	s10 =	simm.s32 $0x10;
	[sflag:s8] =	ssyncadd.s32 $0xFFFFFFB0  }
0x178: {  	_ =	swait.ge [sflag:s10], $0x50  }
0x179: {  	[sflag:s10] =	ssyncset.done $0x0  }
0x17a: {  	s8 =	simm.s32 $0x600;
	[sflag:s10] =	ssyncadd.s32 $0xFFFFFFB0  }
0x17b: {  	[spmem:s7] =	stream.indirect.scatter.add.f32 [tilespmem:s21], [sflag:$0x15], $0x80, s8, s19, $0xb8;
	[tilespmem:$0x1E800] =	vst v63  }
0x17c: {  	s17 =	simm.s32 $0x680  }
0x17d: {  	[spmem:s7] =	stream.indirect.scatter.add.f32 [tilespmem:s23], [sflag:$0x16], $0x80, s17, s19, $0xb8;
	[tilespmem:$0x1E800] =	vst v63  }
0x17e: {  	s28 =	simm.s32 $0x700  }
0x17f: {  	[spmem:s7] =	stream.indirect.scatter.add.f32 [tilespmem:s31], [sflag:$0x17], $0x80, s28, s19, $0xb8;
	[tilespmem:$0x1E800] =	vst v63  }
0x180: {  	s12 =	rddreg [dreg:$0x5]  }
0x181: {  	[spmem:s7] =	stream.indirect.scatter.add.f32 [tilespmem:s11], [sflag:$0x18], $0x80, s18, s19, $0xb8;
	[tilespmem:$0x1E800] =	vst v63  }
0x182: {  	s13 =	rddreg [dreg:$0xb];
	s0 =	sadd.s32 s26, s12  }
0x183: {  	[tilespmem:s6], [sflag:$0x5] =	stream.linear.gather [hbm4b:s0+s4], $0x50, $0x38;
	[tilespmem:$0x1E800] =	vst v63  }
0x184: {  	s12 =	sadd.s32 s26, s13;
	s7 =	rddreg [dreg:$0x9]  }
0x185: {  	[tilespmem:s15], [sflag:$0x6] =	stream.linear.gather [hbm4b:s12+s4], $0x50, $0x38;
	[tilespmem:$0x1E800] =	vst v63  }
0x186: {  	s13 =	rddreg [dreg:$0x7];
	s29 =	sadd.s32 s26, s7  }
0x187: {  	[tilespmem:s20], [sflag:$0x7] =	stream.linear.gather [hbm4b:s29+s4], $0x50, $0x38;
	[tilespmem:$0x1E800] =	vst v63  }
0x188: {  	s2 =	sadd.s32 s26, s13;
	s6 =	simm.s32 $0x1  }
0x189: {  	[tilespmem:s9], [sflag:$0x8] =	stream.linear.gather [hbm4b:s2+s4], $0x50, $0x38;
	[tilespmem:$0x1E800] =	vst v63  }
0x18a: {  	_ =	swait.ge [sflag:s6], $0x50  }
0x18b: {  	[sflag:s6] =	ssyncset.done $0x0  }
0x18c: {  	s7 =	simm.s32 $0x2;
	[sflag:s6] =	ssyncadd.s32 $0xFFFFFFB0  }
0x18d: {  	_ =	swait.ge [sflag:s7], $0x50  }
0x18e: {  	[sflag:s7] =	ssyncset.done $0x0  }
0x18f: {  	s9 =	simm.s32 $0x3;
	[sflag:s7] =	ssyncadd.s32 $0xFFFFFFB0  }
0x190: {  	_ =	swait.ge [sflag:s9], $0x50  }
0x191: {  	[sflag:s9] =	ssyncset.done $0x0  }
0x192: {  	s12 =	simm.s32 $0x4;
	[sflag:s9] =	ssyncadd.s32 $0xFFFFFFB0  }
0x193: {  	_ =	swait.ge [sflag:s12], $0x50  }
0x194: {  	[sflag:s12] =	ssyncset.done $0x0  }
0x195: {  	[sflag:s12] =	ssyncadd.s32 $0xFFFFFFB0  }
0x196: {  	_ =	swait.ge [sflag:s14], $0x2800  }
0x197: {  	[sflag:s14] =	ssyncset.done $0x0  }
0x198: {  	[sflag:s14] =	ssyncadd.s32 $0xFFFFD800  }
0x199: {  	[tilespmem:s21], [sflag:$0x11] =	stream.indirect.gather [hbm4b:s3+s19], $0x80, s4, s19, $0xb8;
	[tilespmem:$0x1E800] =	vst v63  }
0x19a: {  	_ =	swait.ge [sflag:s1], $0x2800  }
0x19b: {  	[sflag:s1] =	ssyncset.done $0x0  }
0x19c: {  	s13 =	simm.s32 $0x80;
	[sflag:s1] =	ssyncadd.s32 $0xFFFFD800  }
0x19d: {  	[tilespmem:s23], [sflag:$0x12] =	stream.indirect.gather [hbm4b:s3+s19], $0x80, s13, s19, $0xb8;
	[tilespmem:$0x1E800] =	vst v63  }
0x19e: {  	_ =	swait.ge [sflag:s16], $0x2800  }
0x19f: {  	p0 =	sne.s32 s24, $0x460;
	[sflag:s16] =	ssyncset.done $0x0  }
0x1a0: {  	s24 =	sadd.s32 $0x50, s24;
	s15 =	simm.s32 $0x100;
	[sflag:s16] =	ssyncadd.s32 $0xFFFFD800  }
0x1a1: {  	[tilespmem:s31], [sflag:$0x13] =	stream.indirect.gather [hbm4b:s3+s19], $0x80, s15, s19, $0xb8;
	[tilespmem:$0x1E800] =	vst v63  }
0x1a2: {  	s22 =	simm.s32 $0x580;
	s30 =	simm.s32 $0x380;
	_ =	swait.ge [sflag:s25], $0x2800  }
0x1a3: {  	s5 =	simm.s32 $0x200;
	s10 =	simm.s32 $0x280;
	[sflag:s25] =	ssyncset.done $0x0  }
0x1a4: {  	s20 =	simm.s32 $0x180;
	s14 =	rddreg [dreg:$0x4];
	[sflag:s25] =	ssyncadd.s32 $0xFFFFD800  }
0x1a5: {  	[tilespmem:s11], [sflag:$0x14] =	stream.indirect.gather [hbm4b:s3+s19], $0x80, s20, s19, $0xb8;
	[tilespmem:$0x1E800] =	vst v63  }
0x1a6: {  	s18 =	simm.s32 $0x300;
	s16 =	rddreg [dreg:$0xa];
	s0 =	sadd.s32 s26, s14  }
0x1a7: {  	[tilespmem:s8], [sflag:$0xD] =	stream.linear.gather [hbm4b:s0+s4], $0x50, $0x38;
	[tilespmem:$0x1E800] =	vst v63  }
.Ltmp0:
0x1a8: {  	s6 =	simm.s32 $0x600;
	s21 =	rddreg [dreg:$0x8];
	(pc) =	sbr.rel @p0 .LBB2_2-.Ltmp0, $4  }
0x1a9: {  	s23 =	sadd.s32 s26, s16;
	s25 =	rddreg [dreg:$0x6];
	s31 =	sadd.s32 s26, s21  }
0x1aa: {  	[tilespmem:s17], [sflag:$0xE] =	stream.linear.gather [hbm4b:s23+s4], $0x50, $0x38;
	[tilespmem:$0x1E800] =	vst v63  }
0x1ab: {  	s26 =	sadd.s32 s26, s25;
	s8 =	simm.s32 $0x680;
	s17 =	simm.s32 $0x700  }
0x1ac: {  	[tilespmem:s28], [sflag:$0xF] =	stream.linear.gather [hbm4b:s31+s4], $0x50, $0x38;
	[tilespmem:$0x1E800] =	vst v63  }
0x1ad: {  	s0 =	simm.s32 $0x780;
	s21 =	simm.s32 $0x11  }
0x1ae: {  	[tilespmem:s0], [sflag:$0x10] =	stream.linear.gather [hbm4b:s26+s4], $0x50, $0x38;
	[tilespmem:$0x1E800] =	vst v63  }
0x1af: {  	_ =	swait.ge [sflag:s21], $0x2800  }
0x1b0: {  	[sflag:s21] =	ssyncset.done $0x0  }
0x1b1: {  	s23 =	simm.s32 $0x12;
	[sflag:s21] =	ssyncadd.s32 $0xFFFFD800  }
0x1b2: {  	_ =	swait.ge [sflag:s23], $0x2800  }
0x1b3: {  	[sflag:s23] =	ssyncset.done $0x0  }
0x1b4: {  	s12 =	simm.s32 $0x13;
	[sflag:s23] =	ssyncadd.s32 $0xFFFFD800  }
0x1b5: {  	_ =	swait.ge [sflag:s12], $0x2800  }
0x1b6: {  	[sflag:s12] =	ssyncset.done $0x0  }
0x1b7: {  	s13 =	simm.s32 $0x14;
	[sflag:s12] =	ssyncadd.s32 $0xFFFFD800  }
0x1b8: {  	_ =	swait.ge [sflag:s13], $0x2800  }
0x1b9: {  	[sflag:s13] =	ssyncset.done $0x0  }
0x1ba: {  	s2 =	simm.s32 $0x9;
	[sflag:s13] =	ssyncadd.s32 $0xFFFFD800  }
0x1bb: {  	_ =	swait.ge [sflag:s2], $0x50  }
0x1bc: {  	[sflag:s2] =	ssyncset.done $0x0  }
0x1bd: {  	s14 =	simm.s32 $0xA;
	[sflag:s2] =	ssyncadd.s32 $0xFFFFFFB0  }
0x1be: {  	_ =	swait.ge [sflag:s14], $0x50  }
0x1bf: {  	[sflag:s14] =	ssyncset.done $0x0  }
0x1c0: {  	s16 =	simm.s32 $0xB;
	[sflag:s14] =	ssyncadd.s32 $0xFFFFFFB0  }
0x1c1: {  	_ =	swait.ge [sflag:s16], $0x50  }
0x1c2: {  	[sflag:s16] =	ssyncset.done $0x0  }
0x1c3: {  	s24 =	simm.s32 $0xC;
	[sflag:s16] =	ssyncadd.s32 $0xFFFFFFB0  }
0x1c4: {  	_ =	swait.ge [sflag:s24], $0x50  }
0x1c5: {  	[sflag:s24] =	ssyncset.done $0x0  }
0x1c6: {  	[sflag:s24] =	ssyncadd.s32 $0xFFFFFFB0  }
0x1c7: {  	s25 =	simm.s32 $0x800;
	s1 =	simm.s32 $0x400;
	s24 =	rddreg [dreg:$0x2]  }
0x1c8: {  	[spmem:s24] =	stream.indirect.scatter.add.f32 [tilespmem:s25], [sflag:$0x15], $0x80, s1, s19, $0xb8;
	[tilespmem:$0x1E800] =	vst v63  }
0x1c9: {  	s7 =	simm.s32 $0x3000;
	s26 =	simm.s32 $0x480  }
0x1ca: {  	[spmem:s24] =	stream.indirect.scatter.add.f32 [tilespmem:s7], [sflag:$0x16], $0x80, s26, s19, $0xb8;
	[tilespmem:$0x1E800] =	vst v63  }
0x1cb: {  	s9 =	simm.s32 $0x5800;
	s28 =	simm.s32 $0x500  }
0x1cc: {  	[spmem:s24] =	stream.indirect.scatter.add.f32 [tilespmem:s9], [sflag:$0x17], $0x80, s28, s19, $0xb8;
	[tilespmem:$0x1E800] =	vst v63  }
0x1cd: {  	s11 =	simm.s32 $0x8000;
	s16 =	simm.s32 $0x5  }
0x1ce: {  	[spmem:s24] =	stream.indirect.scatter.add.f32 [tilespmem:s11], [sflag:$0x18], $0x80, s22, s19, $0xb8;
	[tilespmem:$0x1E800] =	vst v63  }
0x1cf: {  	_ =	swait.ge [sflag:s16], $0x50  }
0x1d0: {  	[sflag:s16] =	ssyncset.done $0x0  }
0x1d1: {  	s31 =	simm.s32 $0x6;
	[sflag:s16] =	ssyncadd.s32 $0xFFFFFFB0  }
0x1d2: {  	_ =	swait.ge [sflag:s31], $0x50  }
0x1d3: {  	[sflag:s31] =	ssyncset.done $0x0  }
0x1d4: {  	s1 =	simm.s32 $0x7;
	[sflag:s31] =	ssyncadd.s32 $0xFFFFFFB0  }
0x1d5: {  	_ =	swait.ge [sflag:s1], $0x50  }
0x1d6: {  	[sflag:s1] =	ssyncset.done $0x0  }
0x1d7: {  	s3 =	simm.s32 $0x8;
	[sflag:s1] =	ssyncadd.s32 $0xFFFFFFB0  }
0x1d8: {  	_ =	swait.ge [sflag:s3], $0x50  }
0x1d9: {  	[sflag:s3] =	ssyncset.done $0x0  }
0x1da: {  	s14 =	simm.s32 $0x15;
	[sflag:s3] =	ssyncadd.s32 $0xFFFFFFB0  }
0x1db: {  	_ =	swait.ge [sflag:s14], $0x2800  }
0x1dc: {  	[sflag:s14] =	ssyncset.done $0x0  }
0x1dd: {  	[sflag:s14] =	ssyncadd.s32 $0xFFFFD800  }
0x1de: {  	s3 =	rddreg [dreg:$0x0]  }
0x1df: {  	[tilespmem:s25], [sflag:$0x11] =	stream.indirect.gather [hbm4b:s3+s19], $0x80, s5, s19, $0xb8;
	[tilespmem:$0x1E800] =	vst v63  }
0x1e0: {  	s5 =	simm.s32 $0x16  }
0x1e1: {  	_ =	swait.ge [sflag:s5], $0x2800  }
0x1e2: {  	[sflag:s5] =	ssyncset.done $0x0  }
0x1e3: {  	[sflag:s5] =	ssyncadd.s32 $0xFFFFD800  }
0x1e4: {  	[tilespmem:s7], [sflag:$0x12] =	stream.indirect.gather [hbm4b:s3+s19], $0x80, s10, s19, $0xb8;
	[tilespmem:$0x1E800] =	vst v63  }
0x1e5: {  	s10 =	simm.s32 $0x17  }
0x1e6: {  	_ =	swait.ge [sflag:s10], $0x2800  }
0x1e7: {  	[sflag:s10] =	ssyncset.done $0x0  }
0x1e8: {  	s16 =	simm.s32 $0x18;
	[sflag:s10] =	ssyncadd.s32 $0xFFFFD800  }
0x1e9: {  	[tilespmem:s9], [sflag:$0x13] =	stream.indirect.gather [hbm4b:s3+s19], $0x80, s18, s19, $0xb8;
	[tilespmem:$0x1E800] =	vst v63  }
0x1ea: {  	_ =	swait.ge [sflag:s16], $0x2800  }
0x1eb: {  	[sflag:s16] =	ssyncset.done $0x0  }
0x1ec: {  	[sflag:s16] =	ssyncadd.s32 $0xFFFFD800  }
0x1ed: {  	[tilespmem:s11], [sflag:$0x14] =	stream.indirect.gather [hbm4b:s3+s19], $0x80, s30, s19, $0xb8;
	[tilespmem:$0x1E800] =	vst v63  }
0x1ee: {  	_ =	swait.ge [sflag:s21], $0x2800  }
0x1ef: {  	[sflag:s21] =	ssyncset.done $0x0  }
0x1f0: {  	[sflag:s21] =	ssyncadd.s32 $0xFFFFD800  }
0x1f1: {  	_ =	swait.ge [sflag:s23], $0x2800  }
0x1f2: {  	[sflag:s23] =	ssyncset.done $0x0  }
0x1f3: {  	[sflag:s23] =	ssyncadd.s32 $0xFFFFD800  }
0x1f4: {  	_ =	swait.ge [sflag:s12], $0x2800  }
0x1f5: {  	[sflag:s12] =	ssyncset.done $0x0  }
0x1f6: {  	[sflag:s12] =	ssyncadd.s32 $0xFFFFD800  }
0x1f7: {  	_ =	swait.ge [sflag:s13], $0x2800  }
0x1f8: {  	[sflag:s13] =	ssyncset.done $0x0  }
0x1f9: {  	s18 =	simm.s32 $0xD;
	[sflag:s13] =	ssyncadd.s32 $0xFFFFD800  }
0x1fa: {  	_ =	swait.ge [sflag:s18], $0x50  }
0x1fb: {  	[sflag:s18] =	ssyncset.done $0x0  }
0x1fc: {  	s21 =	simm.s32 $0xE;
	[sflag:s18] =	ssyncadd.s32 $0xFFFFFFB0  }
0x1fd: {  	_ =	swait.ge [sflag:s21], $0x50  }
0x1fe: {  	[sflag:s21] =	ssyncset.done $0x0  }
0x1ff: {  	s22 =	simm.s32 $0xF;
	[sflag:s21] =	ssyncadd.s32 $0xFFFFFFB0  }
0x200: {  	_ =	swait.ge [sflag:s22], $0x50  }
0x201: {  	[sflag:s22] =	ssyncset.done $0x0  }
0x202: {  	s23 =	simm.s32 $0x10;
	[sflag:s22] =	ssyncadd.s32 $0xFFFFFFB0  }
0x203: {  	_ =	swait.ge [sflag:s23], $0x50  }
0x204: {  	[sflag:s23] =	ssyncset.done $0x0  }
0x205: {  	[sflag:s23] =	ssyncadd.s32 $0xFFFFFFB0  }
0x206: {  	[spmem:s24] =	stream.indirect.scatter.add.f32 [tilespmem:s25], [sflag:$0x15], $0x80, s6, s19, $0xb8;
	[tilespmem:$0x1E800] =	vst v63  }
0x207: {  	_ = 	snop  }
0x208: {  	[spmem:s24] =	stream.indirect.scatter.add.f32 [tilespmem:s7], [sflag:$0x16], $0x80, s8, s19, $0xb8;
	[tilespmem:$0x1E800] =	vst v63  }
0x209: {  	_ = 	snop  }
0x20a: {  	[spmem:s24] =	stream.indirect.scatter.add.f32 [tilespmem:s9], [sflag:$0x17], $0x80, s17, s19, $0xb8;
	[tilespmem:$0x1E800] =	vst v63  }
0x20b: {  	_ = 	snop  }
0x20c: {  	[spmem:s24] =	stream.indirect.scatter.add.f32 [tilespmem:s11], [sflag:$0x18], $0x80, s0, s19, $0xb8;
	[tilespmem:$0x1E800] =	vst v63  }
0x20d: {  	_ =	swait.ge [sflag:s14], $0x2800  }
0x20e: {  	[sflag:s14] =	ssyncset.done $0x0  }
0x20f: {  	[sflag:s14] =	ssyncadd.s32 $0xFFFFD800  }
0x210: {  	_ =	swait.ge [sflag:s5], $0x2800  }
0x211: {  	[sflag:s5] =	ssyncset.done $0x0  }
0x212: {  	[sflag:s5] =	ssyncadd.s32 $0xFFFFD800  }
0x213: {  	_ =	swait.ge [sflag:s10], $0x2800  }
0x214: {  	[sflag:s10] =	ssyncset.done $0x0  }
0x215: {  	[sflag:s10] =	ssyncadd.s32 $0xFFFFD800  }
0x216: {  	_ =	swait.ge [sflag:s16], $0x2800  }
0x217: {  	[sflag:s16] =	ssyncset.done $0x0  }
0x218: {  	[sflag:s16] =	ssyncadd.s32 $0xFFFFD800  }
0x219: {  	[bflag:$0x0] =	sbarrier.arrive $0xFFFF  }
0x21a: {  	s24 =	sld [smem:$0x7FD]  }
0x21b: {  	s25 =	sld [smem:$0x7F6]  }
0x21c: {  	s26 =	sld [smem:$0x7F2];
	_ =	sdelay $0x2  }
0x21d: {  	[hbm:s25], [sflag:s24] =	dma.local [spmem:s26], $0x2800  }
0x21e: {  	s26 =	simm.s32 $0x19  }
0x21f: {  	_ =	swait.ge [sflag:s26], $0x2800  }
0x220: {  	s28 =	sld [smem:$0x7F1]  }
0x221: {  	s31 =	sld [smem:$0x7F7];
	_ =	sdelay $0x1  }
0x222: {  	s1 =	sadd.s32 $0x1, s28  }
0x223: {  	p0 =	sne.s32 s1, s31  }
.Ltmp1:
0x224: {  	_ = 	snop;
	(pc) =	sbr.rel @p0 .LBB2_1-.Ltmp1, $3  }
0x225: {  	_ =	sdelay $0x1  }
0x226: {  	s29 =	simm.s32 $0x1;
	s30 =	simm.s32 $0x3;
	[sflag:s26] =	ssyncset.done $0x0  }
0x227: {  	s18 =	simm.s32 $0x80;
	s21 =	simm.s32 $0x2;
	[sflag:s26] =	ssyncadd.s32 $0xFFFFD800  }
0x228: {  	_ =	sfence.sel $0x180000  }
0x229: {  	[bflag:$0x0] =	sbarrier.arrive $0xFFFF  }
0x22a: {  	_ =	strace $0x90000047  }
0x22b: {  	s0 =	stileid.u32;
	[bflag:$0x2] =	sbarrier.arrive $0xFFFF  }
0x22c: {  	p0 =	sne.s32 s0, $0x0;
	s0 =	rddreg [dreg:$0x3]  }
0x22d: {  	s0 =	sadd.s32 @!p0 $0x100000, s0  }
0x22e: {  	[sflag:s0] =	ssyncadd.tile.s32 @!p0 $0x1;
	_ =	shalt  }
.Lfunc_end2:
_tile_overlayer_lowered:
.L_overlay_start_2:
0x22f: {  	(tag) =	ssettag $0x2  }
0x230: {  	s0 =	rddreg [dreg:$0x0];
	s2 =	stileid.u32  }
0x231: {  	s1 =	rddreg [dreg:$0x1];
	p0 =	sne.s32 s2, $0x0  }
0x232: {  	s3 =	rddreg [dreg:$0x2];
	[bflag:$0x3] =	sbarrier.arrive $0xFFFF;
	s2 =	simm.s32 @!p0 $0x1C19  }
0x233: {  	[timem:s3], [sflag:s2] =	dma.local @!p0 [hbm:s0], s1  }
0x234: {  	s0 =	simm.s32 @!p0 $0x19  }
0x235: {  	_ =	swait.ge @!p0 [sflag:s0], s1  }
0x236: {  	s1 =	ssub.s32 @!p0 $0x0, s1;
	[sflag:s0] =	ssyncset.done @!p0 $0x0  }
0x237: {  	[sflag:s0] =	ssyncadd.s32 @!p0 s1  }
0x238: {  	[bflag:$0x3] =	sbarrier.arrive $0xFFFF  }
0x239: {  	_ =	shalt  }

// kernel: kernel.9.cloned.1.call-start
scs
__scs_entry_jumppad:
0x0: {  	(pc) =	sbr.rel $0x88, $3  }
0x1: {  	(tag) =	ssettag $0x0;
	lr =	simm.s32 $0x1  }
0x2: {  	[smem:$0x3F8E] =	sst lr;
	_ =	strace $0xD0000000  }
0x3: {  	_ = 	snop  }
0x4: {  	_ = 	snop  }
0x5: {  	_ = 	snop  }
0x6: {  	_ = 	snop  }
0x7: {  	_ = 	snop  }
__scs_overlays_trampoline_lowered:
0x8: {  	[smem:$0x3F9D] =	sst s0  }
0x9: {  	[smem:$0x3F9E] =	sst s1  }
0xa: {  	[smem:$0x3F9F] =	sst s2  }
0xb: {  	[smem:$0x3FA0] =	sst s3  }
0xc: {  	[smem:$0x3FA1] =	sst s4  }
0xd: {  	[smem:$0x3FA2] =	sst s5  }
0xe: {  	[smem:$0x3FA3] =	sst s6  }
0xf: {  	[smem:$0x3FA4] =	sst s7  }
0x10: {  	[smem:$0x3FA5] =	sst s8  }
0x11: {  	[smem:$0x3FA6] =	sst s9;
	s0 =	simm.s32 @!p0 $0x0  }
0x12: {  	s1 =	sld [smem:$0x3F8C];
	s0 =	simm.s32 @p0 $0x1  }
0x13: {  	[smem:$0x3FA7] =	sst s0;
	s0 =	simm.s32 @!p1 $0x0  }
0x14: {  	s2 =	sld [smem:$0x3F8B];
	s0 =	simm.s32 @p1 $0x1  }
0x15: {  	[smem:$0x3FA8] =	sst s0;
	s0 =	simm.s32 @!p2 $0x0  }
0x16: {  	s3 =	sld [smem:$0x3FDB];
	s0 =	simm.s32 @p2 $0x1  }
0x17: {  	s4 =	simm.s32 $0x1BF5;
	[smem:$0x3FAA] =	sst s0  }
0x18: {  	s0 =	sld [smem:$0x3F8D];
	_ =	swait.ge [sflag:s4], $0x0  }
0x19: {  	s7 =	sld [smem:$0x3F8E]  }
0x1a: {  	s8 =	sadd.s32 $0xFFFFE003, lr  }
0x1b: {  	s9 =	sadd.s32 $0xFFFFFEF7, lr;
	s5 =	simm.s32 $0xFFFFFFFF;
	p2 =	slt.u32 s8, $0xFFFFF086  }
0x1c: {  	p1 =	slt.u32 s9, $0xF7A;
	s5 =	simm.s32 @!p2 $0x0  }
0x1d: {  	s5 =	simm.s32 @p1 $0x1;
	p0 =	seq.s32 s7, s2  }
0x1e: {  	s7 =	smul.u32 @!p0 $0xF7A, s2;
	p2 =	seq.s32 @!p0 s5, $0x0  }
0x1f: {  	s9 =	smul.u32 $0xF7A, s1;
	s8 =	simm.s32 @!p0 $0x1BF5;
	p2 =	por !p2, p0  }
0x20: {  	[sflag:s8] =	ssyncset.s32 @!p0 $0xFFFFF086;
	s6 =	sadd.s32 @!p0 s3, s7;
	s7 =	simm.s32 @!p0 $0x108  }
0x21: {  	s3 =	sadd.s32 s3, s9;
	s6 =	sadd.s32 @!p0 $0x88, s6;
	s7 =	simm.s32 @p2 $0x1082  }
0x22: {  	[simem:s7], [sflag:s8] =	dma.local @!p0 [hbm:s6], $0xF7A  }
0x23: {  	s9 =	sor.u32 $0xD0000000, s2;
	s6 =	simm.s32 $0x108;
	_ =	swait.ge @!p0 [sflag:s8], $0x0  }
0x24: {  	s3 =	sadd.s32 $0x88, s3;
	s6 =	simm.s32 @!p1 $0x1082;
	[sflag:s4] =	ssyncset.s32 $0xFFFFF086  }
0x25: {  	[simem:s6], [sflag:s4] =	dma.local [hbm:s3], $0xF7A  }
0x26: {  	[smem:$0x3F8E] =	sst s1;
	(tag) =	ssettag s2;
	_ =	strace s9  }
0x27: {  	s1 =	sld [smem:$0x3F9E]  }
0x28: {  	s2 =	sld [smem:$0x3F9F]  }
0x29: {  	s4 =	sld [smem:$0x3FA1]  }
0x2a: {  	p0 =	seq.s32 s5, $0x0;
	s5 =	sld [smem:$0x3FA2]  }
0x2b: {  	s6 =	sld [smem:$0x3FA3]  }
0x2c: {  	s7 =	sld [smem:$0x3FA4]  }
0x2d: {  	s3 =	simm.s32 $0x108;
	s8 =	sld [smem:$0x3FA5]  }
0x2e: {  	s3 =	simm.s32 @!p0 $0x1082;
	s9 =	sld [smem:$0x3FA6]  }
0x2f: {  	lr =	sadd.s32 s0, s3;
	s0 =	sld [smem:$0x3F9D]  }
0x30: {  	s3 =	sld [smem:$0x3FA0]  }
0x31: {  	[smem:$0x3FA9] =	sst s10  }
0x32: {  	s10 =	sld [smem:$0x3FA7];
	_ =	sdelay $0x3  }
0x33: {  	p0 =	seq.s32 s10, $0x1;
	s10 =	sld [smem:$0x3FA9];
	_ =	sdelay $0x3  }
0x34: {  	[smem:$0x3FA9] =	sst s10  }
0x35: {  	s10 =	sld [smem:$0x3FA8];
	_ =	sdelay $0x3  }
0x36: {  	p1 =	seq.s32 s10, $0x1;
	s10 =	sld [smem:$0x3FA9];
	_ =	sdelay $0x3  }
0x37: {  	[smem:$0x3FA9] =	sst s10  }
0x38: {  	s10 =	sld [smem:$0x3FAA]  }
0x39: {  	_ = 	snop;
	(pc) =	sbr.ind lr, $3  }
0x3a: {  	_ = 	snop  }
0x3b: {  	_ = 	snop  }
0x3c: {  	p2 =	seq.s32 s10, $0x1;
	s10 =	sld [smem:$0x3FA9]  }
0x3d: {  	_ =	shalt  }
0x3e: {  	_ =	shalt  }
0x3f: {  	_ =	shalt  }
0x40: {  	_ =	shalt  }
0x41: {  	_ =	shalt  }
0x42: {  	_ =	shalt  }
0x43: {  	_ =	shalt  }
0x44: {  	_ =	shalt  }
0x45: {  	_ =	shalt  }
0x46: {  	_ =	shalt  }
0x47: {  	_ =	shalt  }
0x48: {  	_ =	shalt  }
0x49: {  	_ =	shalt  }
0x4a: {  	_ =	shalt  }
0x4b: {  	_ =	shalt  }
0x4c: {  	_ =	shalt  }
0x4d: {  	_ =	shalt  }
0x4e: {  	_ =	shalt  }
0x4f: {  	_ =	shalt  }
0x50: {  	_ =	shalt  }
0x51: {  	_ =	shalt  }
0x52: {  	_ =	shalt  }
0x53: {  	_ =	shalt  }
0x54: {  	_ =	shalt  }
0x55: {  	_ =	shalt  }
0x56: {  	_ =	shalt  }
0x57: {  	_ =	shalt  }
0x58: {  	_ =	shalt  }
0x59: {  	_ =	shalt  }
0x5a: {  	_ =	shalt  }
0x5b: {  	_ =	shalt  }
0x5c: {  	_ =	shalt  }
0x5d: {  	_ =	shalt  }
0x5e: {  	_ =	shalt  }
0x5f: {  	_ =	shalt  }
0x60: {  	_ =	shalt  }
0x61: {  	_ =	shalt  }
0x62: {  	_ =	shalt  }
0x63: {  	_ =	shalt  }
0x64: {  	_ =	shalt  }
0x65: {  	_ =	shalt  }
0x66: {  	_ =	shalt  }
0x67: {  	_ =	shalt  }
0x68: {  	_ =	shalt  }
0x69: {  	_ =	shalt  }
0x6a: {  	_ =	shalt  }
0x6b: {  	_ =	shalt  }
0x6c: {  	_ =	shalt  }
0x6d: {  	_ =	shalt  }
0x6e: {  	_ =	shalt  }
0x6f: {  	_ =	shalt  }
0x70: {  	_ =	shalt  }
0x71: {  	_ =	shalt  }
0x72: {  	_ =	shalt  }
0x73: {  	_ =	shalt  }
0x74: {  	_ =	shalt  }
0x75: {  	_ =	shalt  }
0x76: {  	_ =	shalt  }
0x77: {  	_ =	shalt  }
0x78: {  	_ =	shalt  }
0x79: {  	_ =	shalt  }
0x7a: {  	_ =	shalt  }
0x7b: {  	_ =	shalt  }
0x7c: {  	_ =	shalt  }
0x7d: {  	_ =	shalt  }
0x7e: {  	_ =	shalt  }
0x7f: {  	_ =	shalt  }
0x80: {  	_ =	shalt  }
0x81: {  	_ =	shalt  }
0x82: {  	_ =	shalt  }
0x83: {  	_ =	shalt  }
0x84: {  	_ =	shalt  }
0x85: {  	_ =	shalt  }
0x86: {  	_ =	shalt  }
0x87: {  	_ =	shalt  }
.Lfunc_end0:
.L_simem_size_0:
called_computation.1_lowered:
.L_overlay_start_0:
0x88: {  	s2 =	sld [smem:$0x3FD9]  }
0x89: {  	s3 =	sld [smem:$0x3FFE];
	_ =	sdelay $0x1  }
0x8a: {  	s1 =	srdreg.scid  }
0x8b: {  	s0 =	sand.u32 $0x1, s1  }
0x8c: {  	s16 =	sshll.u32 s0, $0xA;
	s2 =	sadd.s32 s3, s2  }
0x8d: {  	s2 =	sadd.s32 s2, s16  }
0x8e: {  	[smem:$0x3FB5] =	sst s2  }
0x8f: {  	_ = 	snop  }
0x90: {  	(tm) =	ssettm $0x1  }
0x91: {  	s17 =	sld [smem:$0x3FFB];
	_ =	sdelay $0x3  }
0x92: {  	_ =	strace s17  }
0x93: {  	s2 =	sld [smem:$0x3FFC];
	_ =	sdelay $0x3  }
0x94: {  	_ =	strace s2  }
0x95: {  	s2 =	sld [smem:$0x3FFD];
	_ =	sdelay $0x3  }
0x96: {  	_ =	strace s2  }
0x97: {  	_ =	strace $0x8FFFFFFF  }
0x98: {  	s18 =	sld [smem:$0x3FDB];
	_ =	sdelay $0x1  }
0x99: {  	s19 =	simm.s32 $_scs_section_size  }
0x9a: {  	s4 =	simm.s32 $_size__tile_overlayer_lowered;
	s5 =	simm.s32 $_tile_overlayer_lowered  }
0x9b: {  	s22 =	simm.s32 $0x1BFF;
	s21 =	sshll.u32 s5, $0x1;
	s2 =	sadd.s32 s19, s18  }
0x9c: {  	s6 =	simm.s32 $0x0;
	s20 =	sshll.u32 s4, $0x1;
	s4 =	sadd.s32 s21, s2  }
0x9d: {  	[timem:s6], [sflag:s22] =	dma.local [hbm:s4], s20  }
0x9e: {  	_ =	swait.ge [sflag:s22], s20  }
0x9f: {  	s3 =	ssub.s32 $0x0, s20;
	[sflag:s22] =	ssyncset.done $0x0  }
0xa0: {  	[sflag:s22] =	ssyncadd.s32 s3;
	_ =	sdelay $0x1  }
0xa1: {  	s23 =	simm.s32 $0x1B8B  }
0xa2: {  	_ =	swait.ge [sflag:s23], $0x1  }
0xa3: {  	[sflag:s23] =	ssyncset.done $0x0  }
0xa4: {  	s25 =	simm.s32 $0x1B8E;
	s24 =	sld [smem:$0x3FFE];
	[sflag:s23] =	ssyncadd.s32 $0xFFFFFFFF  }
0xa5: {  	s26 =	simm.s32 $execute0_lowered;
	[smem:$0x3FD2] =	sst s25  }
0xa6: {  	s4 =	sshll.u32 s26, $0x1;
	_ =	strace $0x80000049;
	[dreg:$0x1] =	wrdreg $0xFFFFFFFF  }
0xa7: {  	s28 =	simm.s32 $_size_execute0_lowered;
	s2 =	sadd.s32 s2, s4;
	[dreg:$0x0] =	wrdreg $0x0  }
0xa8: {  	s4 =	sshll.u32 s28, $0x1;
	[dreg:$0x2] =	wrdreg s2  }
0xa9: {  	[dreg:$0x3] =	wrdreg s4  }
0xaa: {  	[dreg:$0x4] =	wrdreg $0xC0  }
0xab: {  	_ =	task [dreg:s6], $0x5FFFF  }
0xac: {  	[dreg:$0x1] =	wrdreg $0xFFFFFFFF  }
0xad: {  	[dreg:$0x0] =	wrdreg $0x60  }
0xae: {  	[dreg:$0x2] =	wrdreg s24  }
0xaf: {  	[dreg:$0x3] =	wrdreg $0xA8000  }
0xb0: {  	[dreg:$0x4] =	wrdreg $0x9  }
0xb1: {  	_ =	task.clear_ibuf [dreg:s6], $0x5FFFF;
	_ =	strace $0x90000049  }
0xb2: {  	s29 =	simm.s32 $0x9;
	_ =	strace $0x8000004B  }
0xb3: {  	_ =	swait.ge [sflag:s29], $0x1  }
0xb4: {  	[sflag:s29] =	ssyncadd.s32 $0xFFFFFFFF  }
0xb5: {  	_ =	strace $0x9000004B  }
0xb6: {  	_ =	sfence  }
0xb7: {  	s30 =	sld [smem:$0x0];
	_ =	sdelay $0x2  }
0xb8: {  	s31 =	sshll.u32 s1, $0xD;
	s1 =	sshrl.u32 s1, $0x2  }
0xb9: {  	s3 =	sand.u32 $0x4000, s31;
	s1 =	sadd.s32 s1, s30  }
0xba: {  	s0 =	sor.u32 s3, s0;
	s1 =	sshll.u32 s1, $0x11  }
0xbb: {  	s0 =	sor.u32 s1, s0  }
0xbc: {  	s0 =	sadd.s32 $0x8F2B, s0  }
0xbd: {  	[sflag:s0] =	ssyncadd.remote.s32 $0x1  }
0xbe: {  	_ =	sfence.sel $0xFFFF  }
0xbf: {  	[dreg:$0x0] =	wrdreg $0xFFFFFFFF;
	(pc) =	sbr.abs _section_cstart, $3  }
0xc0: {  	[dreg:$0x1] =	wrdreg $0xFFFFFFFF  }
0xc1: {  	_ =	task.clear_ibuf [dreg:s6], $0x2FFFF;
	_ =	strace $0x9FFFFFFF  }
0xc2: {  	(tm) =	ssettm $0x7FFFFFFF  }
0xc3: {  	_ =	shalt  }
tec
execute0_lowered:
.L_overlay_start_1:
0x0: {  	(tag) =	ssettag $0x1  }
0x1: {  	s0 =	rddreg [dreg:$0x0]  }
0x2: {  	s2 =	rddreg [dreg:$0x1];
	s15 =	stileid.u32  }
0x3: {  	s1 =	srdreg.scid;
	s3 =	simm.s32 $0x0;
	s5 =	smul.u32 $0x14000, s15  }
0x4: {  	s9 =	sand.u32 $0x1, s1;
	[smem:$0x7FF] =	sst s3;
	s11 =	smul.u32 $0x5000, s15  }
0x5: {  	s4 =	sshll.u32 s15, $0x1;
	s7 =	sadd.s32 $0xC000, s0;
	s1 =	smul.u32 $0x140000, s9  }
0x6: {  	s6 =	sor.u32 s9, s4;
	s8 =	ssub.s32 $0x2, s9;
	s9 =	smul.u32 $0x2800, s9  }
0x7: {  	_ =	strace $0x8000004A;
	s10 =	smul.u32 $0x2800, s6;
	s18 =	sshrl.u32 s8, $0x1  }
0x8: {  	s4 =	sadd.s32 $0x2000, s0;
	s5 =	sadd.s32 s5, s1;
	s1 =	ssub.s32 s8, s18  }
0x9: {  	s9 =	sadd.s32 s9, s11;
	s8 =	sshrl.u32 s10, $0x3;
	s1 =	smax.u32 s1, $0x1  }
0xa: {  	s11 =	sor.u32 $0x3C0, s9;
	s10 =	sadd.s32 s4, s8;
	[smem:$0x7F7] =	sst s1  }
0xb: {  	s19 =	sor.u32 $0x28, s8;
	s20 =	sadd.s32 s7, s8;
	[dreg:$0x11] =	wrdreg s10  }
0xc: {  	s14 =	sor.u32 $0x4B0, s9;
	s12 =	sadd.s32 s4, s19;
	[dreg:$0x13] =	wrdreg s20  }
0xd: {  	s21 =	sor.u32 $0xA, s8;
	s10 =	sadd.s32 s7, s19;
	[dreg:$0x12] =	wrdreg s12  }
0xe: {  	s22 =	sor.u32 $0x32, s8;
	s13 =	sadd.s32 s4, s21;
	[dreg:$0x14] =	wrdreg s10  }
0xf: {  	s11 =	sshrl.u32 s11, $0x3;
	s23 =	sadd.s32 s4, s22;
	[dreg:$0x15] =	wrdreg s13  }
0x10: {  	s31 =	sor.u32 $0x460, s9;
	s25 =	sadd.s32 s11, s7;
	[dreg:$0x16] =	wrdreg s23  }
0x11: {  	s26 =	sshrl.u32 s14, $0x3;
	s11 =	sadd.s32 s11, s4;
	[dreg:$0x3] =	wrdreg s25  }
0x12: {  	s14 =	sshrl.u32 s31, $0x3;
	s28 =	sadd.s32 s26, s7;
	[dreg:$0x4] =	wrdreg s11  }
0x13: {  	s29 =	simm.s32 $0x1;
	s16 =	sadd.s32 s14, s7;
	[dreg:$0x5] =	wrdreg s28  }
0x14: {  	s6 =	smul.u32 $0x50000, s15;
	s18 =	sadd.s32 s14, s4;
	[dreg:$0x7] =	wrdreg s16  }
0x15: {  	s17 =	sor.u32 $0x410, s9;
	s10 =	sadd.s32 s7, s21;
	[dreg:$0x8] =	wrdreg s18  }
0x16: {  	s5 =	sshrl.u32 s5, $0x3;
	s12 =	sadd.s32 s7, s22;
	[dreg:$0x17] =	wrdreg s10  }
0x17: {  	s19 =	sshrl.u32 s17, $0x3;
	s13 =	sadd.s32 s26, s4;
	[dreg:$0x18] =	wrdreg s12  }
0x18: {  	s5 =	sadd.s32 s5, s0;
	s20 =	sadd.s32 s19, s7;
	[dreg:$0x6] =	wrdreg s13  }
0x19: {  	s21 =	sor.u32 $0x280, s9;
	s22 =	sadd.s32 s19, s4;
	[dreg:$0x9] =	wrdreg s20  }
0x1a: {  	[dreg:$0xa] =	wrdreg s22;
	s20 =	sadd.s32 $0x16800, s0;
	s0 =	sadd.s32 $0x16000, s0  }
0x1b: {  	s19 =	sshrl.u32 s6, $0x2;
	s22 =	sadd.s32 $0x3DA00, s5;
	[smem:$0x7F5] =	sst s0  }
0x1c: {  	s10 =	sor.u32 $0x14, s8;
	s6 =	sadd.s32 s19, s2;
	[smem:$0x7F6] =	sst s22  }
0x1d: {  	s26 =	sor.u32 $0x370, s9;
	s24 =	sadd.s32 s4, s10;
	[smem:$0x7FA] =	sst s6  }
0x1e: {  	s23 =	sshrl.u32 s21, $0x3;
	s10 =	sadd.s32 s7, s10;
	[dreg:$0x19] =	wrdreg s24  }
0x1f: {  	s12 =	sor.u32 $0x3C, s8;
	s25 =	sadd.s32 s23, s4;
	[dreg:$0x1b] =	wrdreg s10  }
0x20: {  	s9 =	sor.u32 $0x320, s9;
	s28 =	sadd.s32 s7, s12;
	[dreg:$0xb] =	wrdreg s25  }
0x21: {  	s9 =	sshrl.u32 s9, $0x3;
	s31 =	sadd.s32 s23, s7;
	[dreg:$0x1c] =	wrdreg s28  }
0x22: {  	s13 =	sor.u32 $0x1E, s8;
	s14 =	sadd.s32 s9, s7;
	[dreg:$0xc] =	wrdreg s31  }
0x23: {  	s30 =	simm.s32 $0x3;
	s16 =	sadd.s32 s4, s13;
	[dreg:$0xf] =	wrdreg s14  }
0x24: {  	s8 =	sor.u32 $0x46, s8;
	s17 =	sadd.s32 s7, s13;
	[dreg:$0x1d] =	wrdreg s16  }
0x25: {  	s1 =	simm.s32 $0x0;
	s18 =	sadd.s32 s4, s8;
	[dreg:$0x1e] =	wrdreg s17  }
0x26: {  	s23 =	sadd.s32 $0x4000, s6;
	s24 =	sadd.s32 s4, s12;
	[smem:$0x7F4] =	sst s18  }
0x27: {  	s10 =	sshrl.u32 s26, $0x3;
	s0 =	sshrl.u32 s23, $0x3;
	[dreg:$0x1a] =	wrdreg s24  }
0x28: {  	s21 =	sshll.u32 s15, $0x6;
	s12 =	sadd.s32 s10, s7;
	[smem:$0x7F8] =	sst s0  }
0x29: {  	s19 =	simm.s32 $0x180;
	s10 =	sadd.s32 s10, s4;
	[dreg:$0xd] =	wrdreg s12  }
0x2a: {  	s25 =	sadd.s32 $0x8000, s6;
	s7 =	sadd.s32 s7, s8;
	[dreg:$0xe] =	wrdreg s10  }
0x2b: {  	s26 =	sadd.s32 $0xC000, s6;
	s4 =	sadd.s32 s9, s4;
	[dreg:$0x1f] =	wrdreg s7  }
0x2c: {  	s28 =	sadd.s32 $0x10000, s6;
	s0 =	sshrl.u32 s25, $0x3;
	[dreg:$0x10] =	wrdreg s4  }
0x2d: {  	s17 =	simm.s32 $0x80;
	s31 =	sshrl.u32 s28, $0x3;
	[smem:$0x7F9] =	sst s0  }
0x2e: {  	s14 =	simm.s32 $0x100;
	s24 =	sor.u32 $0x1C19, s21;
	[smem:$0x7FC] =	sst s31  }
0x2f: {  	s18 =	simm.s32 $0x50;
	s0 =	sshrl.u32 s26, $0x3;
	[smem:$0x7FD] =	sst s24  }
0x30: {  	s21 =	simm.s32 $0x2;
	s26 =	simm.s32 $0x19;
	[smem:$0x7FB] =	sst s0  }
.LBB2_1:
0x31: {  	s0 =	sld [smem:$0x7FA];
	_ =	sdelay $0x1  }
0x32: {  	s8 =	sld [smem:$0x7F5]  }
0x33: {  	[smem:$0x7F2] =	sst s1;
	s7 =	sshrl.u32 s0, $0x3  }
0x34: {  	[smem:$0x7F3] =	sst s7  }
0x35: {  	[spmem:s7], [sflag:s24] =	dma.local [hbm:s8], $0x800  }
0x36: {  	_ =	swait.ge [sflag:s26], $0x800  }
0x37: {  	s9 =	sld [smem:$0x7F8]  }
0x38: {  	[sflag:s26] =	ssyncset.done $0x0  }
0x39: {  	[sflag:s26] =	ssyncadd.s32 $0xFFFFF800  }
0x3a: {  	[spmem:s9], [sflag:s24] =	dma.local [hbm:s8], $0x800  }
0x3b: {  	_ =	swait.ge [sflag:s26], $0x800  }
0x3c: {  	s10 =	sld [smem:$0x7F9]  }
0x3d: {  	[sflag:s26] =	ssyncset.done $0x0  }
0x3e: {  	[sflag:s26] =	ssyncadd.s32 $0xFFFFF800  }
0x3f: {  	[spmem:s10], [sflag:s24] =	dma.local [hbm:s8], $0x800  }
0x40: {  	_ =	swait.ge [sflag:s26], $0x800  }
0x41: {  	s11 =	sld [smem:$0x7FB]  }
0x42: {  	[sflag:s26] =	ssyncset.done $0x0  }
0x43: {  	[sflag:s26] =	ssyncadd.s32 $0xFFFFF800  }
0x44: {  	[spmem:s11], [sflag:s24] =	dma.local [hbm:s8], $0x800  }
0x45: {  	_ =	swait.ge [sflag:s26], $0x800  }
0x46: {  	s12 =	sld [smem:$0x7FC]  }
0x47: {  	[sflag:s26] =	ssyncset.done $0x0  }
0x48: {  	[sflag:s26] =	ssyncadd.s32 $0xFFFFF800  }
0x49: {  	[spmem:s12], [sflag:s24] =	dma.local [hbm:s8], $0x800  }
0x4a: {  	_ =	swait.ge [sflag:s26], $0x800  }
0x4b: {  	[sflag:s26] =	ssyncset.done $0x0;
	s13 =	rddreg [dreg:$0x11]  }
0x4c: {  	s15 =	rddreg [dreg:$0x12];
	[sflag:s26] =	ssyncadd.s32 $0xFFFFF800  }
0x4d: {  	[tilespmem:s3], [sflag:$0x1] =	stream.linear.gather [hbm4b:s13+s3], $0x50, $0x38;
	[tilespmem:$0x1E800] =	vst v63  }
0x4e: {  	s16 =	simm.s32 $0x200;
	s22 =	rddreg [dreg:$0x13]  }
0x4f: {  	[tilespmem:s16], [sflag:$0x5] =	stream.linear.gather [hbm4b:s15+s3], $0x50, $0x38;
	[tilespmem:$0x1E800] =	vst v63  }
0x50: {  	s23 =	rddreg [dreg:$0x14];
	s15 =	simm.s32 $0x400  }
0x51: {  	[tilespmem:s15], [sflag:$0x9] =	stream.linear.gather [hbm4b:s22+s3], $0x50, $0x38;
	[tilespmem:$0x1E800] =	vst v63  }
0x52: {  	s24 =	simm.s32 $0x600;
	s25 =	rddreg [dreg:$0x15]  }
0x53: {  	[tilespmem:s24], [sflag:$0xD] =	stream.linear.gather [hbm4b:s23+s3], $0x50, $0x38;
	[tilespmem:$0x1E800] =	vst v63  }
0x54: {  	s31 =	rddreg [dreg:$0x17]  }
0x55: {  	[tilespmem:s17], [sflag:$0x2] =	stream.linear.gather [hbm4b:s25+s3], $0x50, $0x38;
	[tilespmem:$0x1E800] =	vst v63  }
0x56: {  	s28 =	simm.s32 $0x280;
	s26 =	rddreg [dreg:$0x16]  }
0x57: {  	[tilespmem:s28], [sflag:$0x6] =	stream.linear.gather [hbm4b:s26+s3], $0x50, $0x38;
	[tilespmem:$0x1E800] =	vst v63  }
0x58: {  	s9 =	simm.s32 $0x480;
	s1 =	rddreg [dreg:$0x18]  }
0x59: {  	[tilespmem:s9], [sflag:$0xA] =	stream.linear.gather [hbm4b:s31+s3], $0x50, $0x38;
	[tilespmem:$0x1E800] =	vst v63  }
0x5a: {  	s5 =	simm.s32 $0x680;
	s6 =	rddreg [dreg:$0x19]  }
0x5b: {  	[tilespmem:s5], [sflag:$0xE] =	stream.linear.gather [hbm4b:s1+s3], $0x50, $0x38;
	[tilespmem:$0x1E800] =	vst v63  }
0x5c: {  	s7 =	rddreg [dreg:$0x1a]  }
0x5d: {  	[tilespmem:s14], [sflag:$0x3] =	stream.linear.gather [hbm4b:s6+s3], $0x50, $0x38;
	[tilespmem:$0x1E800] =	vst v63  }
0x5e: {  	s8 =	simm.s32 $0x300;
	s10 =	rddreg [dreg:$0x1b]  }
0x5f: {  	[tilespmem:s8], [sflag:$0x7] =	stream.linear.gather [hbm4b:s7+s3], $0x50, $0x38;
	[tilespmem:$0x1E800] =	vst v63  }
0x60: {  	s11 =	rddreg [dreg:$0x1c];
	s16 =	simm.s32 $0x500  }
0x61: {  	[tilespmem:s16], [sflag:$0xB] =	stream.linear.gather [hbm4b:s10+s3], $0x50, $0x38;
	[tilespmem:$0x1E800] =	vst v63  }
0x62: {  	s12 =	simm.s32 $0x700;
	s13 =	rddreg [dreg:$0x1d]  }
0x63: {  	[tilespmem:s12], [sflag:$0xF] =	stream.linear.gather [hbm4b:s11+s3], $0x50, $0x38;
	[tilespmem:$0x1E800] =	vst v63  }
0x64: {  	s22 =	sld [smem:$0x7F4]  }
0x65: {  	[tilespmem:s19], [sflag:$0x4] =	stream.linear.gather [hbm4b:s13+s3], $0x50, $0x38;
	[tilespmem:$0x1E800] =	vst v63  }
0x66: {  	s23 =	simm.s32 $0x380  }
0x67: {  	[tilespmem:s23], [sflag:$0x8] =	stream.linear.gather [hbm4b:s22+s3], $0x50, $0x38;
	[tilespmem:$0x1E800] =	vst v63  }
0x68: {  	s24 =	rddreg [dreg:$0x1e];
	s22 =	simm.s32 $0x580  }
0x69: {  	[tilespmem:s22], [sflag:$0xC] =	stream.linear.gather [hbm4b:s24+s3], $0x50, $0x38;
	[tilespmem:$0x1E800] =	vst v63  }
0x6a: {  	s25 =	rddreg [dreg:$0x1f];
	s26 =	simm.s32 $0x780  }
0x6b: {  	[tilespmem:s26], [sflag:$0x10] =	stream.linear.gather [hbm4b:s25+s3], $0x50, $0x38;
	[tilespmem:$0x1E800] =	vst v63  }
0x6c: {  	[bflag:$0x0] =	sbarrier.arrive $0xFFFF  }
0x6d: {  	_ =	swait.ge [sflag:s29], $0x50  }
0x6e: {  	[sflag:s29] =	ssyncset.done $0x0  }
0x6f: {  	s8 =	simm.s32 $0x800;
	[sflag:s29] =	ssyncadd.s32 $0xFFFFFFB0  }
0x70: {  	[tilespmem:s8], [sflag:$0x11] =	stream.indirect.gather [hbm4b:s20+s18], $0x80, s3, s18, $0xb8;
	[tilespmem:$0x1E800] =	vst v63  }
0x71: {  	_ =	swait.ge [sflag:s21], $0x50  }
0x72: {  	[sflag:s21] =	ssyncset.done $0x0  }
0x73: {  	s23 =	simm.s32 $0x3000;
	[sflag:s21] =	ssyncadd.s32 $0xFFFFFFB0  }
0x74: {  	[tilespmem:s23], [sflag:$0x12] =	stream.indirect.gather [hbm4b:s20+s18], $0x80, s17, s18, $0xb8;
	[tilespmem:$0x1E800] =	vst v63  }
0x75: {  	_ =	swait.ge [sflag:s30], $0x50  }
0x76: {  	[sflag:s30] =	ssyncset.done $0x0  }
0x77: {  	s31 =	simm.s32 $0x5800;
	s7 =	simm.s32 $0x4;
	[sflag:s30] =	ssyncadd.s32 $0xFFFFFFB0  }
0x78: {  	[tilespmem:s31], [sflag:$0x13] =	stream.indirect.gather [hbm4b:s20+s18], $0x80, s14, s18, $0xb8;
	[tilespmem:$0x1E800] =	vst v63  }
0x79: {  	_ =	swait.ge [sflag:s7], $0x50  }
0x7a: {  	[sflag:s7] =	ssyncset.done $0x0  }
0x7b: {  	s0 =	simm.s32 $0x11;
	s10 =	simm.s32 $0x8000;
	[sflag:s7] =	ssyncadd.s32 $0xFFFFFFB0  }
0x7c: {  	[tilespmem:s10], [sflag:$0x14] =	stream.indirect.gather [hbm4b:s20+s18], $0x80, s19, s18, $0xb8;
	[tilespmem:$0x1E800] =	vst v63  }
0x7d: {  	_ =	swait.ge [sflag:s0], $0x2800  }
0x7e: {  	[sflag:s0] =	ssyncset.done $0x0  }
0x7f: {  	s1 =	simm.s32 $0x12;
	[sflag:s0] =	ssyncadd.s32 $0xFFFFD800  }
0x80: {  	_ =	swait.ge [sflag:s1], $0x2800  }
0x81: {  	[sflag:s1] =	ssyncset.done $0x0  }
0x82: {  	s11 =	simm.s32 $0x13;
	[sflag:s1] =	ssyncadd.s32 $0xFFFFD800  }
0x83: {  	_ =	swait.ge [sflag:s11], $0x2800  }
0x84: {  	[sflag:s11] =	ssyncset.done $0x0  }
0x85: {  	s12 =	simm.s32 $0x14;
	[sflag:s11] =	ssyncadd.s32 $0xFFFFD800  }
0x86: {  	_ =	swait.ge [sflag:s12], $0x2800  }
0x87: {  	[sflag:s12] =	ssyncset.done $0x0  }
0x88: {  	s28 =	simm.s32 $0x9;
	[sflag:s12] =	ssyncadd.s32 $0xFFFFD800  }
0x89: {  	_ =	swait.ge [sflag:s28], $0x50  }
0x8a: {  	[sflag:s28] =	ssyncset.done $0x0  }
0x8b: {  	s6 =	simm.s32 $0xA;
	[sflag:s28] =	ssyncadd.s32 $0xFFFFFFB0  }
0x8c: {  	_ =	swait.ge [sflag:s6], $0x50  }
0x8d: {  	[sflag:s6] =	ssyncset.done $0x0  }
0x8e: {  	s13 =	simm.s32 $0xB;
	[sflag:s6] =	ssyncadd.s32 $0xFFFFFFB0  }
0x8f: {  	_ =	swait.ge [sflag:s13], $0x50  }
0x90: {  	[sflag:s13] =	ssyncset.done $0x0  }
0x91: {  	s25 =	simm.s32 $0xC;
	[sflag:s13] =	ssyncadd.s32 $0xFFFFFFB0  }
0x92: {  	_ =	swait.ge [sflag:s25], $0x50  }
0x93: {  	[sflag:s25] =	ssyncset.done $0x0  }
0x94: {  	[sflag:s25] =	ssyncadd.s32 $0xFFFFFFB0  }
0x95: {  	s6 =	rddreg [dreg:$0x1]  }
0x96: {  	[spmem:s6] =	stream.indirect.scatter.add.f32 [tilespmem:s8], [sflag:$0x15], $0x80, s15, s18, $0xb8;
	[tilespmem:$0x1E800] =	vst v63  }
0x97: {  	_ = 	snop  }
0x98: {  	[spmem:s6] =	stream.indirect.scatter.add.f32 [tilespmem:s23], [sflag:$0x16], $0x80, s9, s18, $0xb8;
	[tilespmem:$0x1E800] =	vst v63  }
0x99: {  	_ = 	snop  }
0x9a: {  	[spmem:s6] =	stream.indirect.scatter.add.f32 [tilespmem:s31], [sflag:$0x17], $0x80, s16, s18, $0xb8;
	[tilespmem:$0x1E800] =	vst v63  }
0x9b: {  	s26 =	rddreg [dreg:$0xb]  }
0x9c: {  	[spmem:s6] =	stream.indirect.scatter.add.f32 [tilespmem:s10], [sflag:$0x18], $0x80, s22, s18, $0xb8;
	[tilespmem:$0x1E800] =	vst v63  }
0x9d: {  	s24 =	sadd.s32 $0x0, s26  }
0x9e: {  	[tilespmem:s3], [sflag:$0x1] =	stream.linear.gather [hbm4b:s24+s3], $0x50, $0x38;
	[tilespmem:$0x1E800] =	vst v63  }
0x9f: {  	s28 =	rddreg [dreg:$0x10];
	s24 =	sadd.s32 $0xA, s24  }
0xa0: {  	[tilespmem:s17], [sflag:$0x2] =	stream.linear.gather [hbm4b:s24+s3], $0x50, $0x38;
	[tilespmem:$0x1E800] =	vst v63  }
0xa1: {  	s13 =	rddreg [dreg:$0xe];
	s26 =	sadd.s32 $0x0, s28  }
0xa2: {  	[tilespmem:s14], [sflag:$0x3] =	stream.linear.gather [hbm4b:s26+s3], $0x50, $0x38;
	[tilespmem:$0x1E800] =	vst v63  }
0xa3: {  	s25 =	simm.s32 $0x5;
	s24 =	sadd.s32 $0x0, s13  }
0xa4: {  	[tilespmem:s19], [sflag:$0x4] =	stream.linear.gather [hbm4b:s24+s3], $0x50, $0x38;
	[tilespmem:$0x1E800] =	vst v63  }
0xa5: {  	_ =	swait.ge [sflag:s25], $0x50  }
0xa6: {  	[sflag:s25] =	ssyncset.done $0x0  }
0xa7: {  	s26 =	simm.s32 $0x6;
	[sflag:s25] =	ssyncadd.s32 $0xFFFFFFB0  }
0xa8: {  	_ =	swait.ge [sflag:s26], $0x50  }
0xa9: {  	[sflag:s26] =	ssyncset.done $0x0  }
0xaa: {  	s28 =	simm.s32 $0x7;
	[sflag:s26] =	ssyncadd.s32 $0xFFFFFFB0  }
0xab: {  	_ =	swait.ge [sflag:s28], $0x50  }
0xac: {  	[sflag:s28] =	ssyncset.done $0x0  }
0xad: {  	s13 =	simm.s32 $0x8;
	[sflag:s28] =	ssyncadd.s32 $0xFFFFFFB0  }
0xae: {  	_ =	swait.ge [sflag:s13], $0x50  }
0xaf: {  	[sflag:s13] =	ssyncset.done $0x0  }
0xb0: {  	[sflag:s13] =	ssyncadd.s32 $0xFFFFFFB0;
	s13 =	simm.s32 $0x15  }
0xb1: {  	_ =	swait.ge [sflag:s13], $0x2800  }
0xb2: {  	[sflag:s13] =	ssyncset.done $0x0  }
0xb3: {  	s2 =	simm.s32 $0x200;
	[sflag:s13] =	ssyncadd.s32 $0xFFFFD800  }
0xb4: {  	[tilespmem:s8], [sflag:$0x11] =	stream.indirect.gather [hbm4b:s20+s18], $0x80, s2, s18, $0xb8;
	[tilespmem:$0x1E800] =	vst v63  }
0xb5: {  	s2 =	simm.s32 $0x16  }
0xb6: {  	_ =	swait.ge [sflag:s2], $0x2800  }
0xb7: {  	[sflag:s2] =	ssyncset.done $0x0  }
0xb8: {  	s4 =	simm.s32 $0x280;
	[sflag:s2] =	ssyncadd.s32 $0xFFFFD800  }
0xb9: {  	[tilespmem:s23], [sflag:$0x12] =	stream.indirect.gather [hbm4b:s20+s18], $0x80, s4, s18, $0xb8;
	[tilespmem:$0x1E800] =	vst v63  }
0xba: {  	s4 =	simm.s32 $0x17  }
0xbb: {  	_ =	swait.ge [sflag:s4], $0x2800  }
0xbc: {  	[sflag:s4] =	ssyncset.done $0x0  }
0xbd: {  	s5 =	simm.s32 $0x300;
	[sflag:s4] =	ssyncadd.s32 $0xFFFFD800  }
0xbe: {  	[tilespmem:s31], [sflag:$0x13] =	stream.indirect.gather [hbm4b:s20+s18], $0x80, s5, s18, $0xb8;
	[tilespmem:$0x1E800] =	vst v63  }
0xbf: {  	s5 =	simm.s32 $0x18  }
0xc0: {  	_ =	swait.ge [sflag:s5], $0x2800  }
0xc1: {  	[sflag:s5] =	ssyncset.done $0x0  }
0xc2: {  	s25 =	simm.s32 $0x380;
	s24 =	rddreg [dreg:$0xc];
	[sflag:s5] =	ssyncadd.s32 $0xFFFFD800  }
0xc3: {  	[tilespmem:s10], [sflag:$0x14] =	stream.indirect.gather [hbm4b:s20+s18], $0x80, s25, s18, $0xb8;
	[tilespmem:$0x1E800] =	vst v63  }
0xc4: {  	s24 =	sadd.s32 $0x0, s24  }
0xc5: {  	[tilespmem:s15], [sflag:$0x9] =	stream.linear.gather [hbm4b:s24+s3], $0x50, $0x38;
	[tilespmem:$0x1E800] =	vst v63  }
0xc6: {  	s26 =	rddreg [dreg:$0xf];
	s24 =	sadd.s32 $0xA, s24  }
0xc7: {  	[tilespmem:s9], [sflag:$0xA] =	stream.linear.gather [hbm4b:s24+s3], $0x50, $0x38;
	[tilespmem:$0x1E800] =	vst v63  }
0xc8: {  	s26 =	sadd.s32 $0x0, s26;
	s15 =	rddreg [dreg:$0xd]  }
0xc9: {  	[tilespmem:s16], [sflag:$0xB] =	stream.linear.gather [hbm4b:s26+s3], $0x50, $0x38;
	[tilespmem:$0x1E800] =	vst v63  }
0xca: {  	s24 =	sadd.s32 $0x0, s15  }
0xcb: {  	[tilespmem:s22], [sflag:$0xC] =	stream.linear.gather [hbm4b:s24+s3], $0x50, $0x38;
	[tilespmem:$0x1E800] =	vst v63  }
0xcc: {  	_ =	swait.ge [sflag:s0], $0x2800  }
0xcd: {  	[sflag:s0] =	ssyncset.done $0x0  }
0xce: {  	[sflag:s0] =	ssyncadd.s32 $0xFFFFD800  }
0xcf: {  	_ =	swait.ge [sflag:s1], $0x2800  }
0xd0: {  	[sflag:s1] =	ssyncset.done $0x0  }
0xd1: {  	[sflag:s1] =	ssyncadd.s32 $0xFFFFD800  }
0xd2: {  	_ =	swait.ge [sflag:s11], $0x2800  }
0xd3: {  	[sflag:s11] =	ssyncset.done $0x0  }
0xd4: {  	[sflag:s11] =	ssyncadd.s32 $0xFFFFD800  }
0xd5: {  	_ =	swait.ge [sflag:s12], $0x2800  }
0xd6: {  	[sflag:s12] =	ssyncset.done $0x0  }
0xd7: {  	s1 =	simm.s32 $0xD;
	[sflag:s12] =	ssyncadd.s32 $0xFFFFD800  }
0xd8: {  	_ =	swait.ge [sflag:s1], $0x50  }
0xd9: {  	[sflag:s1] =	ssyncset.done $0x0  }
0xda: {  	s9 =	simm.s32 $0xE;
	[sflag:s1] =	ssyncadd.s32 $0xFFFFFFB0  }
0xdb: {  	_ =	swait.ge [sflag:s9], $0x50  }
0xdc: {  	[sflag:s9] =	ssyncset.done $0x0  }
0xdd: {  	s11 =	simm.s32 $0xF;
	[sflag:s9] =	ssyncadd.s32 $0xFFFFFFB0  }
0xde: {  	_ =	swait.ge [sflag:s11], $0x50  }
0xdf: {  	[sflag:s11] =	ssyncset.done $0x0  }
0xe0: {  	s12 =	simm.s32 $0x10;
	[sflag:s11] =	ssyncadd.s32 $0xFFFFFFB0  }
0xe1: {  	_ =	swait.ge [sflag:s12], $0x50  }
0xe2: {  	[sflag:s12] =	ssyncset.done $0x0  }
0xe3: {  	s0 =	simm.s32 $0x600;
	[sflag:s12] =	ssyncadd.s32 $0xFFFFFFB0  }
0xe4: {  	[spmem:s6] =	stream.indirect.scatter.add.f32 [tilespmem:s8], [sflag:$0x15], $0x80, s0, s18, $0xb8;
	[tilespmem:$0x1E800] =	vst v63  }
0xe5: {  	s1 =	simm.s32 $0x680  }
0xe6: {  	[spmem:s6] =	stream.indirect.scatter.add.f32 [tilespmem:s23], [sflag:$0x16], $0x80, s1, s18, $0xb8;
	[tilespmem:$0x1E800] =	vst v63  }
0xe7: {  	s9 =	simm.s32 $0x700  }
0xe8: {  	[spmem:s6] =	stream.indirect.scatter.add.f32 [tilespmem:s31], [sflag:$0x17], $0x80, s9, s18, $0xb8;
	[tilespmem:$0x1E800] =	vst v63  }
0xe9: {  	s22 =	simm.s32 $0x780;
	s15 =	rddreg [dreg:$0x4]  }
0xea: {  	[spmem:s6] =	stream.indirect.scatter.add.f32 [tilespmem:s10], [sflag:$0x18], $0x80, s22, s18, $0xb8;
	[tilespmem:$0x1E800] =	vst v63  }
0xeb: {  	s16 =	rddreg [dreg:$0xa];
	s24 =	sadd.s32 $0x0, s15;
	s12 =	simm.s32 $0x200  }
0xec: {  	[tilespmem:s12], [sflag:$0x5] =	stream.linear.gather [hbm4b:s24+s3], $0x50, $0x38;
	[tilespmem:$0x1E800] =	vst v63  }
0xed: {  	s15 =	rddreg [dreg:$0x8];
	s26 =	sadd.s32 $0x0, s16;
	s16 =	simm.s32 $0x280  }
0xee: {  	[tilespmem:s16], [sflag:$0x6] =	stream.linear.gather [hbm4b:s26+s3], $0x50, $0x38;
	[tilespmem:$0x1E800] =	vst v63  }
0xef: {  	s28 =	simm.s32 $0x300;
	s22 =	rddreg [dreg:$0x6];
	s24 =	sadd.s32 $0x0, s15  }
0xf0: {  	[tilespmem:s28], [sflag:$0x7] =	stream.linear.gather [hbm4b:s24+s3], $0x50, $0x38;
	[tilespmem:$0x1E800] =	vst v63  }
0xf1: {  	s25 =	simm.s32 $0x380;
	s26 =	sadd.s32 $0x0, s22  }
0xf2: {  	[tilespmem:s25], [sflag:$0x8] =	stream.linear.gather [hbm4b:s26+s3], $0x50, $0x38;
	[tilespmem:$0x1E800] =	vst v63  }
0xf3: {  	_ =	swait.ge [sflag:s29], $0x50  }
0xf4: {  	[sflag:s29] =	ssyncset.done $0x0  }
0xf5: {  	[sflag:s29] =	ssyncadd.s32 $0xFFFFFFB0  }
0xf6: {  	_ =	swait.ge [sflag:s21], $0x50  }
0xf7: {  	[sflag:s21] =	ssyncset.done $0x0  }
0xf8: {  	[sflag:s21] =	ssyncadd.s32 $0xFFFFFFB0  }
0xf9: {  	_ =	swait.ge [sflag:s30], $0x50  }
0xfa: {  	[sflag:s30] =	ssyncset.done $0x0  }
0xfb: {  	[sflag:s30] =	ssyncadd.s32 $0xFFFFFFB0  }
0xfc: {  	_ =	swait.ge [sflag:s7], $0x50  }
0xfd: {  	[sflag:s7] =	ssyncset.done $0x0  }
0xfe: {  	[sflag:s7] =	ssyncadd.s32 $0xFFFFFFB0  }
0xff: {  	_ =	swait.ge [sflag:s13], $0x2800  }
0x100: {  	[sflag:s13] =	ssyncset.done $0x0  }
0x101: {  	[sflag:s13] =	ssyncadd.s32 $0xFFFFD800  }
0x102: {  	[tilespmem:s8], [sflag:$0x11] =	stream.indirect.gather [hbm4b:s20+s18], $0x80, s3, s18, $0xb8;
	[tilespmem:$0x1E800] =	vst v63  }
0x103: {  	_ =	swait.ge [sflag:s2], $0x2800  }
0x104: {  	[sflag:s2] =	ssyncset.done $0x0  }
0x105: {  	[sflag:s2] =	ssyncadd.s32 $0xFFFFD800  }
0x106: {  	[tilespmem:s23], [sflag:$0x12] =	stream.indirect.gather [hbm4b:s20+s18], $0x80, s17, s18, $0xb8;
	[tilespmem:$0x1E800] =	vst v63  }
0x107: {  	_ =	swait.ge [sflag:s4], $0x2800  }
0x108: {  	[sflag:s4] =	ssyncset.done $0x0  }
0x109: {  	[sflag:s4] =	ssyncadd.s32 $0xFFFFD800  }
0x10a: {  	[tilespmem:s31], [sflag:$0x13] =	stream.indirect.gather [hbm4b:s20+s18], $0x80, s14, s18, $0xb8;
	[tilespmem:$0x1E800] =	vst v63  }
0x10b: {  	_ =	swait.ge [sflag:s5], $0x2800  }
0x10c: {  	[sflag:s5] =	ssyncset.done $0x0  }
0x10d: {  	s28 =	rddreg [dreg:$0x3];
	[sflag:s5] =	ssyncadd.s32 $0xFFFFD800  }
0x10e: {  	[tilespmem:s10], [sflag:$0x14] =	stream.indirect.gather [hbm4b:s20+s18], $0x80, s19, s18, $0xb8;
	[tilespmem:$0x1E800] =	vst v63  }
0x10f: {  	s29 =	rddreg [dreg:$0x9];
	s24 =	sadd.s32 $0x0, s28  }
0x110: {  	[tilespmem:s0], [sflag:$0xD] =	stream.linear.gather [hbm4b:s24+s3], $0x50, $0x38;
	[tilespmem:$0x1E800] =	vst v63  }
0x111: {  	s30 =	rddreg [dreg:$0x7];
	s26 =	sadd.s32 $0x0, s29  }
0x112: {  	[tilespmem:s1], [sflag:$0xE] =	stream.linear.gather [hbm4b:s26+s3], $0x50, $0x38;
	[tilespmem:$0x1E800] =	vst v63  }
0x113: {  	s31 =	rddreg [dreg:$0x5];
	s24 =	sadd.s32 $0x0, s30  }
0x114: {  	[tilespmem:s9], [sflag:$0xF] =	stream.linear.gather [hbm4b:s24+s3], $0x50, $0x38;
	[tilespmem:$0x1E800] =	vst v63  }
0x115: {  	s26 =	sadd.s32 $0x0, s31;
	s24 =	simm.s32 $0x50  }
.LBB2_2:
0x116: {  	s17 =	simm.s32 $0x780;
	s28 =	simm.s32 $0x11  }
0x117: {  	[tilespmem:s17], [sflag:$0x10] =	stream.linear.gather [hbm4b:s26+s3], $0x50, $0x38;
	[tilespmem:$0x1E800] =	vst v63  }
0x118: {  	_ =	swait.ge [sflag:s28], $0x2800  }
0x119: {  	[sflag:s28] =	ssyncset.done $0x0  }
0x11a: {  	s30 =	simm.s32 $0x12;
	[sflag:s28] =	ssyncadd.s32 $0xFFFFD800  }
0x11b: {  	_ =	swait.ge [sflag:s30], $0x2800  }
0x11c: {  	[sflag:s30] =	ssyncset.done $0x0  }
0x11d: {  	s11 =	simm.s32 $0x13;
	[sflag:s30] =	ssyncadd.s32 $0xFFFFD800  }
0x11e: {  	_ =	swait.ge [sflag:s11], $0x2800  }
0x11f: {  	[sflag:s11] =	ssyncset.done $0x0  }
0x120: {  	s12 =	simm.s32 $0x14;
	[sflag:s11] =	ssyncadd.s32 $0xFFFFD800  }
0x121: {  	_ =	swait.ge [sflag:s12], $0x2800  }
0x122: {  	[sflag:s12] =	ssyncset.done $0x0  }
0x123: {  	s0 =	simm.s32 $0x9;
	[sflag:s12] =	ssyncadd.s32 $0xFFFFD800  }
0x124: {  	_ =	swait.ge [sflag:s0], $0x50  }
0x125: {  	[sflag:s0] =	ssyncset.done $0x0  }
0x126: {  	s8 =	simm.s32 $0xA;
	[sflag:s0] =	ssyncadd.s32 $0xFFFFFFB0  }
0x127: {  	_ =	swait.ge [sflag:s8], $0x50  }
0x128: {  	[sflag:s8] =	ssyncset.done $0x0  }
0x129: {  	s9 =	simm.s32 $0xB;
	[sflag:s8] =	ssyncadd.s32 $0xFFFFFFB0  }
0x12a: {  	_ =	swait.ge [sflag:s9], $0x50  }
0x12b: {  	[sflag:s9] =	ssyncset.done $0x0  }
0x12c: {  	s10 =	simm.s32 $0xC;
	[sflag:s9] =	ssyncadd.s32 $0xFFFFFFB0  }
0x12d: {  	_ =	swait.ge [sflag:s10], $0x50  }
0x12e: {  	[sflag:s10] =	ssyncset.done $0x0  }
0x12f: {  	[sflag:s10] =	ssyncadd.s32 $0xFFFFFFB0  }
0x130: {  	s4 =	simm.s32 $0x400;
	s21 =	simm.s32 $0x800;
	s6 =	rddreg [dreg:$0x1]  }
0x131: {  	[spmem:s6] =	stream.indirect.scatter.add.f32 [tilespmem:s21], [sflag:$0x15], $0x80, s4, s18, $0xb8;
	[tilespmem:$0x1E800] =	vst v63  }
0x132: {  	s7 =	simm.s32 $0x480;
	s23 =	simm.s32 $0x3000  }
0x133: {  	[spmem:s6] =	stream.indirect.scatter.add.f32 [tilespmem:s23], [sflag:$0x16], $0x80, s7, s18, $0xb8;
	[tilespmem:$0x1E800] =	vst v63  }
0x134: {  	s31 =	simm.s32 $0x5800;
	s16 =	simm.s32 $0x580;
	s9 =	simm.s32 $0x500  }
0x135: {  	[spmem:s6] =	stream.indirect.scatter.add.f32 [tilespmem:s31], [sflag:$0x17], $0x80, s9, s18, $0xb8;
	[tilespmem:$0x1E800] =	vst v63  }
0x136: {  	s26 =	smov.u32 s24;
	s29 =	rddreg [dreg:$0xb];
	s10 =	simm.s32 $0x8000  }
0x137: {  	[spmem:s6] =	stream.indirect.scatter.add.f32 [tilespmem:s10], [sflag:$0x18], $0x80, s16, s18, $0xb8;
	[tilespmem:$0x1E800] =	vst v63  }
0x138: {  	s29 =	sadd.s32 s26, s29  }
0x139: {  	[tilespmem:s3], [sflag:$0x1] =	stream.linear.gather [hbm4b:s29+s3], $0x50, $0x38;
	[tilespmem:$0x1E800] =	vst v63  }
0x13a: {  	s2 =	simm.s32 $0x80;
	s13 =	rddreg [dreg:$0x10];
	s29 =	sadd.s32 $0xA, s29  }
0x13b: {  	[tilespmem:s2], [sflag:$0x2] =	stream.linear.gather [hbm4b:s29+s3], $0x50, $0x38;
	[tilespmem:$0x1E800] =	vst v63  }
0x13c: {  	s1 =	rddreg [dreg:$0xe];
	s0 =	sadd.s32 s26, s13  }
0x13d: {  	[tilespmem:s14], [sflag:$0x3] =	stream.linear.gather [hbm4b:s0+s3], $0x50, $0x38;
	[tilespmem:$0x1E800] =	vst v63  }
0x13e: {  	s15 =	sadd.s32 s26, s1  }
0x13f: {  	[tilespmem:s19], [sflag:$0x4] =	stream.linear.gather [hbm4b:s15+s3], $0x50, $0x38;
	[tilespmem:$0x1E800] =	vst v63  }
0x140: {  	s19 =	simm.s32 $0x5  }
0x141: {  	_ =	swait.ge [sflag:s19], $0x50  }
0x142: {  	[sflag:s19] =	ssyncset.done $0x0  }
0x143: {  	s22 =	simm.s32 $0x6;
	[sflag:s19] =	ssyncadd.s32 $0xFFFFFFB0  }
0x144: {  	_ =	swait.ge [sflag:s22], $0x50  }
0x145: {  	[sflag:s22] =	ssyncset.done $0x0  }
0x146: {  	s25 =	simm.s32 $0x7;
	[sflag:s22] =	ssyncadd.s32 $0xFFFFFFB0  }
0x147: {  	_ =	swait.ge [sflag:s25], $0x50  }
0x148: {  	[sflag:s25] =	ssyncset.done $0x0  }
0x149: {  	s29 =	simm.s32 $0x8;
	[sflag:s25] =	ssyncadd.s32 $0xFFFFFFB0  }
0x14a: {  	_ =	swait.ge [sflag:s29], $0x50  }
0x14b: {  	[sflag:s29] =	ssyncset.done $0x0  }
0x14c: {  	s13 =	simm.s32 $0x15;
	[sflag:s29] =	ssyncadd.s32 $0xFFFFFFB0  }
0x14d: {  	_ =	swait.ge [sflag:s13], $0x2800  }
0x14e: {  	[sflag:s13] =	ssyncset.done $0x0  }
0x14f: {  	s5 =	simm.s32 $0x200;
	s2 =	simm.s32 $0x16;
	[sflag:s13] =	ssyncadd.s32 $0xFFFFD800  }
0x150: {  	[tilespmem:s21], [sflag:$0x11] =	stream.indirect.gather [hbm4b:s20+s18], $0x80, s5, s18, $0xb8;
	[tilespmem:$0x1E800] =	vst v63  }
0x151: {  	_ =	swait.ge [sflag:s2], $0x2800  }
0x152: {  	[sflag:s2] =	ssyncset.done $0x0  }
0x153: {  	s14 =	simm.s32 $0x280;
	s15 =	simm.s32 $0x17;
	[sflag:s2] =	ssyncadd.s32 $0xFFFFD800  }
0x154: {  	[tilespmem:s23], [sflag:$0x12] =	stream.indirect.gather [hbm4b:s20+s18], $0x80, s14, s18, $0xb8;
	[tilespmem:$0x1E800] =	vst v63  }
0x155: {  	_ =	swait.ge [sflag:s15], $0x2800  }
0x156: {  	[sflag:s15] =	ssyncset.done $0x0  }
0x157: {  	s19 =	simm.s32 $0x300;
	s25 =	simm.s32 $0x18;
	[sflag:s15] =	ssyncadd.s32 $0xFFFFD800  }
0x158: {  	[tilespmem:s31], [sflag:$0x13] =	stream.indirect.gather [hbm4b:s20+s18], $0x80, s19, s18, $0xb8;
	[tilespmem:$0x1E800] =	vst v63  }
0x159: {  	_ =	swait.ge [sflag:s25], $0x2800  }
0x15a: {  	[sflag:s25] =	ssyncset.done $0x0  }
0x15b: {  	s8 =	simm.s32 $0x380;
	s1 =	rddreg [dreg:$0xc];
	[sflag:s25] =	ssyncadd.s32 $0xFFFFD800  }
0x15c: {  	[tilespmem:s10], [sflag:$0x14] =	stream.indirect.gather [hbm4b:s20+s18], $0x80, s8, s18, $0xb8;
	[tilespmem:$0x1E800] =	vst v63  }
0x15d: {  	s0 =	sadd.s32 s26, s1  }
0x15e: {  	[tilespmem:s4], [sflag:$0x9] =	stream.linear.gather [hbm4b:s0+s3], $0x50, $0x38;
	[tilespmem:$0x1E800] =	vst v63  }
0x15f: {  	s22 =	rddreg [dreg:$0xf];
	s0 =	sadd.s32 $0xA, s0  }
0x160: {  	[tilespmem:s7], [sflag:$0xA] =	stream.linear.gather [hbm4b:s0+s3], $0x50, $0x38;
	[tilespmem:$0x1E800] =	vst v63  }
0x161: {  	s22 =	sadd.s32 s26, s22;
	s4 =	rddreg [dreg:$0xd]  }
0x162: {  	[tilespmem:s9], [sflag:$0xB] =	stream.linear.gather [hbm4b:s22+s3], $0x50, $0x38;
	[tilespmem:$0x1E800] =	vst v63  }
0x163: {  	s29 =	sadd.s32 s26, s4  }
0x164: {  	[tilespmem:s16], [sflag:$0xC] =	stream.linear.gather [hbm4b:s29+s3], $0x50, $0x38;
	[tilespmem:$0x1E800] =	vst v63  }
0x165: {  	_ =	swait.ge [sflag:s28], $0x2800  }
0x166: {  	[sflag:s28] =	ssyncset.done $0x0  }
0x167: {  	[sflag:s28] =	ssyncadd.s32 $0xFFFFD800  }
0x168: {  	_ =	swait.ge [sflag:s30], $0x2800  }
0x169: {  	[sflag:s30] =	ssyncset.done $0x0  }
0x16a: {  	[sflag:s30] =	ssyncadd.s32 $0xFFFFD800  }
0x16b: {  	_ =	swait.ge [sflag:s11], $0x2800  }
0x16c: {  	[sflag:s11] =	ssyncset.done $0x0  }
0x16d: {  	[sflag:s11] =	ssyncadd.s32 $0xFFFFD800  }
0x16e: {  	_ =	swait.ge [sflag:s12], $0x2800  }
0x16f: {  	[sflag:s12] =	ssyncset.done $0x0  }
0x170: {  	s1 =	simm.s32 $0xD;
	[sflag:s12] =	ssyncadd.s32 $0xFFFFD800  }
0x171: {  	_ =	swait.ge [sflag:s1], $0x50  }
0x172: {  	[sflag:s1] =	ssyncset.done $0x0  }
0x173: {  	s4 =	simm.s32 $0xE;
	[sflag:s1] =	ssyncadd.s32 $0xFFFFFFB0  }
0x174: {  	_ =	swait.ge [sflag:s4], $0x50  }
0x175: {  	[sflag:s4] =	ssyncset.done $0x0  }
0x176: {  	s7 =	simm.s32 $0xF;
	[sflag:s4] =	ssyncadd.s32 $0xFFFFFFB0  }
0x177: {  	_ =	swait.ge [sflag:s7], $0x50  }
0x178: {  	[sflag:s7] =	ssyncset.done $0x0  }
0x179: {  	s9 =	simm.s32 $0x10;
	[sflag:s7] =	ssyncadd.s32 $0xFFFFFFB0  }
0x17a: {  	_ =	swait.ge [sflag:s9], $0x50  }
0x17b: {  	[sflag:s9] =	ssyncset.done $0x0  }
0x17c: {  	s7 =	simm.s32 $0x600;
	[sflag:s9] =	ssyncadd.s32 $0xFFFFFFB0  }
0x17d: {  	[spmem:s6] =	stream.indirect.scatter.add.f32 [tilespmem:s21], [sflag:$0x15], $0x80, s7, s18, $0xb8;
	[tilespmem:$0x1E800] =	vst v63  }
0x17e: {  	s16 =	simm.s32 $0x680  }
0x17f: {  	[spmem:s6] =	stream.indirect.scatter.add.f32 [tilespmem:s23], [sflag:$0x16], $0x80, s16, s18, $0xb8;
	[tilespmem:$0x1E800] =	vst v63  }
0x180: {  	s28 =	simm.s32 $0x700  }
0x181: {  	[spmem:s6] =	stream.indirect.scatter.add.f32 [tilespmem:s31], [sflag:$0x17], $0x80, s28, s18, $0xb8;
	[tilespmem:$0x1E800] =	vst v63  }
0x182: {  	s11 =	rddreg [dreg:$0x4]  }
0x183: {  	[spmem:s6] =	stream.indirect.scatter.add.f32 [tilespmem:s10], [sflag:$0x18], $0x80, s17, s18, $0xb8;
	[tilespmem:$0x1E800] =	vst v63  }
0x184: {  	s12 =	rddreg [dreg:$0xa];
	s0 =	sadd.s32 s26, s11  }
0x185: {  	[tilespmem:s5], [sflag:$0x5] =	stream.linear.gather [hbm4b:s0+s3], $0x50, $0x38;
	[tilespmem:$0x1E800] =	vst v63  }
0x186: {  	s11 =	sadd.s32 s26, s12;
	s6 =	rddreg [dreg:$0x8]  }
0x187: {  	[tilespmem:s14], [sflag:$0x6] =	stream.linear.gather [hbm4b:s11+s3], $0x50, $0x38;
	[tilespmem:$0x1E800] =	vst v63  }
0x188: {  	s12 =	rddreg [dreg:$0x6];
	s29 =	sadd.s32 s26, s6  }
0x189: {  	[tilespmem:s19], [sflag:$0x7] =	stream.linear.gather [hbm4b:s29+s3], $0x50, $0x38;
	[tilespmem:$0x1E800] =	vst v63  }
0x18a: {  	s1 =	sadd.s32 s26, s12;
	s5 =	simm.s32 $0x1  }
0x18b: {  	[tilespmem:s8], [sflag:$0x8] =	stream.linear.gather [hbm4b:s1+s3], $0x50, $0x38;
	[tilespmem:$0x1E800] =	vst v63  }
0x18c: {  	_ =	swait.ge [sflag:s5], $0x50  }
0x18d: {  	[sflag:s5] =	ssyncset.done $0x0  }
0x18e: {  	s6 =	simm.s32 $0x2;
	[sflag:s5] =	ssyncadd.s32 $0xFFFFFFB0  }
0x18f: {  	_ =	swait.ge [sflag:s6], $0x50  }
0x190: {  	[sflag:s6] =	ssyncset.done $0x0  }
0x191: {  	s8 =	simm.s32 $0x3;
	[sflag:s6] =	ssyncadd.s32 $0xFFFFFFB0  }
0x192: {  	_ =	swait.ge [sflag:s8], $0x50  }
0x193: {  	[sflag:s8] =	ssyncset.done $0x0  }
0x194: {  	s11 =	simm.s32 $0x4;
	[sflag:s8] =	ssyncadd.s32 $0xFFFFFFB0  }
0x195: {  	_ =	swait.ge [sflag:s11], $0x50  }
0x196: {  	[sflag:s11] =	ssyncset.done $0x0  }
0x197: {  	[sflag:s11] =	ssyncadd.s32 $0xFFFFFFB0  }
0x198: {  	_ =	swait.ge [sflag:s13], $0x2800  }
0x199: {  	[sflag:s13] =	ssyncset.done $0x0  }
0x19a: {  	[sflag:s13] =	ssyncadd.s32 $0xFFFFD800  }
0x19b: {  	[tilespmem:s21], [sflag:$0x11] =	stream.indirect.gather [hbm4b:s20+s18], $0x80, s3, s18, $0xb8;
	[tilespmem:$0x1E800] =	vst v63  }
0x19c: {  	_ =	swait.ge [sflag:s2], $0x2800  }
0x19d: {  	[sflag:s2] =	ssyncset.done $0x0  }
0x19e: {  	s12 =	simm.s32 $0x80;
	[sflag:s2] =	ssyncadd.s32 $0xFFFFD800  }
0x19f: {  	[tilespmem:s23], [sflag:$0x12] =	stream.indirect.gather [hbm4b:s20+s18], $0x80, s12, s18, $0xb8;
	[tilespmem:$0x1E800] =	vst v63  }
0x1a0: {  	_ =	swait.ge [sflag:s15], $0x2800  }
0x1a1: {  	p0 =	sne.s32 s24, $0x460;
	[sflag:s15] =	ssyncset.done $0x0  }
0x1a2: {  	s24 =	sadd.s32 $0x50, s24;
	s14 =	simm.s32 $0x100;
	[sflag:s15] =	ssyncadd.s32 $0xFFFFD800  }
0x1a3: {  	[tilespmem:s31], [sflag:$0x13] =	stream.indirect.gather [hbm4b:s20+s18], $0x80, s14, s18, $0xb8;
	[tilespmem:$0x1E800] =	vst v63  }
0x1a4: {  	s22 =	simm.s32 $0x580;
	s30 =	simm.s32 $0x380;
	_ =	swait.ge [sflag:s25], $0x2800  }
0x1a5: {  	s4 =	simm.s32 $0x200;
	s9 =	simm.s32 $0x280;
	[sflag:s25] =	ssyncset.done $0x0  }
0x1a6: {  	s19 =	simm.s32 $0x180;
	s13 =	rddreg [dreg:$0x3];
	[sflag:s25] =	ssyncadd.s32 $0xFFFFD800  }
0x1a7: {  	[tilespmem:s10], [sflag:$0x14] =	stream.indirect.gather [hbm4b:s20+s18], $0x80, s19, s18, $0xb8;
	[tilespmem:$0x1E800] =	vst v63  }
0x1a8: {  	s17 =	simm.s32 $0x300;
	s15 =	rddreg [dreg:$0x9];
	s0 =	sadd.s32 s26, s13  }
0x1a9: {  	[tilespmem:s7], [sflag:$0xD] =	stream.linear.gather [hbm4b:s0+s3], $0x50, $0x38;
	[tilespmem:$0x1E800] =	vst v63  }
.Ltmp0:
0x1aa: {  	s5 =	simm.s32 $0x600;
	s21 =	rddreg [dreg:$0x7];
	(pc) =	sbr.rel @p0 .LBB2_2-.Ltmp0, $4  }
0x1ab: {  	s23 =	sadd.s32 s26, s15;
	s25 =	rddreg [dreg:$0x5];
	s31 =	sadd.s32 s26, s21  }
0x1ac: {  	[tilespmem:s16], [sflag:$0xE] =	stream.linear.gather [hbm4b:s23+s3], $0x50, $0x38;
	[tilespmem:$0x1E800] =	vst v63  }
0x1ad: {  	s26 =	sadd.s32 s26, s25;
	s7 =	simm.s32 $0x680;
	s16 =	simm.s32 $0x700  }
0x1ae: {  	[tilespmem:s28], [sflag:$0xF] =	stream.linear.gather [hbm4b:s31+s3], $0x50, $0x38;
	[tilespmem:$0x1E800] =	vst v63  }
0x1af: {  	s0 =	simm.s32 $0x780;
	s21 =	simm.s32 $0x11  }
0x1b0: {  	[tilespmem:s0], [sflag:$0x10] =	stream.linear.gather [hbm4b:s26+s3], $0x50, $0x38;
	[tilespmem:$0x1E800] =	vst v63  }
0x1b1: {  	_ =	swait.ge [sflag:s21], $0x2800  }
0x1b2: {  	[sflag:s21] =	ssyncset.done $0x0  }
0x1b3: {  	s23 =	simm.s32 $0x12;
	[sflag:s21] =	ssyncadd.s32 $0xFFFFD800  }
0x1b4: {  	_ =	swait.ge [sflag:s23], $0x2800  }
0x1b5: {  	[sflag:s23] =	ssyncset.done $0x0  }
0x1b6: {  	s11 =	simm.s32 $0x13;
	[sflag:s23] =	ssyncadd.s32 $0xFFFFD800  }
0x1b7: {  	_ =	swait.ge [sflag:s11], $0x2800  }
0x1b8: {  	[sflag:s11] =	ssyncset.done $0x0  }
0x1b9: {  	s12 =	simm.s32 $0x14;
	[sflag:s11] =	ssyncadd.s32 $0xFFFFD800  }
0x1ba: {  	_ =	swait.ge [sflag:s12], $0x2800  }
0x1bb: {  	[sflag:s12] =	ssyncset.done $0x0  }
0x1bc: {  	s1 =	simm.s32 $0x9;
	[sflag:s12] =	ssyncadd.s32 $0xFFFFD800  }
0x1bd: {  	_ =	swait.ge [sflag:s1], $0x50  }
0x1be: {  	[sflag:s1] =	ssyncset.done $0x0  }
0x1bf: {  	s13 =	simm.s32 $0xA;
	[sflag:s1] =	ssyncadd.s32 $0xFFFFFFB0  }
0x1c0: {  	_ =	swait.ge [sflag:s13], $0x50  }
0x1c1: {  	[sflag:s13] =	ssyncset.done $0x0  }
0x1c2: {  	s15 =	simm.s32 $0xB;
	[sflag:s13] =	ssyncadd.s32 $0xFFFFFFB0  }
0x1c3: {  	_ =	swait.ge [sflag:s15], $0x50  }
0x1c4: {  	[sflag:s15] =	ssyncset.done $0x0  }
0x1c5: {  	s24 =	simm.s32 $0xC;
	[sflag:s15] =	ssyncadd.s32 $0xFFFFFFB0  }
0x1c6: {  	_ =	swait.ge [sflag:s24], $0x50  }
0x1c7: {  	[sflag:s24] =	ssyncset.done $0x0  }
0x1c8: {  	[sflag:s24] =	ssyncadd.s32 $0xFFFFFFB0  }
0x1c9: {  	s2 =	simm.s32 $0x400;
	s1 =	simm.s32 $0x800;
	s24 =	rddreg [dreg:$0x1]  }
0x1ca: {  	[spmem:s24] =	stream.indirect.scatter.add.f32 [tilespmem:s1], [sflag:$0x15], $0x80, s2, s18, $0xb8;
	[tilespmem:$0x1E800] =	vst v63  }
0x1cb: {  	s6 =	simm.s32 $0x3000;
	s25 =	simm.s32 $0x480  }
0x1cc: {  	[spmem:s24] =	stream.indirect.scatter.add.f32 [tilespmem:s6], [sflag:$0x16], $0x80, s25, s18, $0xb8;
	[tilespmem:$0x1E800] =	vst v63  }
0x1cd: {  	s8 =	simm.s32 $0x5800;
	s26 =	simm.s32 $0x500  }
0x1ce: {  	[spmem:s24] =	stream.indirect.scatter.add.f32 [tilespmem:s8], [sflag:$0x17], $0x80, s26, s18, $0xb8;
	[tilespmem:$0x1E800] =	vst v63  }
0x1cf: {  	s10 =	simm.s32 $0x8000;
	s15 =	simm.s32 $0x5  }
0x1d0: {  	[spmem:s24] =	stream.indirect.scatter.add.f32 [tilespmem:s10], [sflag:$0x18], $0x80, s22, s18, $0xb8;
	[tilespmem:$0x1E800] =	vst v63  }
0x1d1: {  	_ =	swait.ge [sflag:s15], $0x50  }
0x1d2: {  	[sflag:s15] =	ssyncset.done $0x0  }
0x1d3: {  	s28 =	simm.s32 $0x6;
	[sflag:s15] =	ssyncadd.s32 $0xFFFFFFB0  }
0x1d4: {  	_ =	swait.ge [sflag:s28], $0x50  }
0x1d5: {  	[sflag:s28] =	ssyncset.done $0x0  }
0x1d6: {  	s31 =	simm.s32 $0x7;
	[sflag:s28] =	ssyncadd.s32 $0xFFFFFFB0  }
0x1d7: {  	_ =	swait.ge [sflag:s31], $0x50  }
0x1d8: {  	[sflag:s31] =	ssyncset.done $0x0  }
0x1d9: {  	s2 =	simm.s32 $0x8;
	[sflag:s31] =	ssyncadd.s32 $0xFFFFFFB0  }
0x1da: {  	_ =	swait.ge [sflag:s2], $0x50  }
0x1db: {  	[sflag:s2] =	ssyncset.done $0x0  }
0x1dc: {  	s13 =	simm.s32 $0x15;
	[sflag:s2] =	ssyncadd.s32 $0xFFFFFFB0  }
0x1dd: {  	_ =	swait.ge [sflag:s13], $0x2800  }
0x1de: {  	[sflag:s13] =	ssyncset.done $0x0  }
0x1df: {  	[sflag:s13] =	ssyncadd.s32 $0xFFFFD800  }
0x1e0: {  	[tilespmem:s1], [sflag:$0x11] =	stream.indirect.gather [hbm4b:s20+s18], $0x80, s4, s18, $0xb8;
	[tilespmem:$0x1E800] =	vst v63  }
0x1e1: {  	s4 =	simm.s32 $0x16  }
0x1e2: {  	_ =	swait.ge [sflag:s4], $0x2800  }
0x1e3: {  	[sflag:s4] =	ssyncset.done $0x0  }
0x1e4: {  	[sflag:s4] =	ssyncadd.s32 $0xFFFFD800  }
0x1e5: {  	[tilespmem:s6], [sflag:$0x12] =	stream.indirect.gather [hbm4b:s20+s18], $0x80, s9, s18, $0xb8;
	[tilespmem:$0x1E800] =	vst v63  }
0x1e6: {  	s9 =	simm.s32 $0x17  }
0x1e7: {  	_ =	swait.ge [sflag:s9], $0x2800  }
0x1e8: {  	[sflag:s9] =	ssyncset.done $0x0  }
0x1e9: {  	s15 =	simm.s32 $0x18;
	[sflag:s9] =	ssyncadd.s32 $0xFFFFD800  }
0x1ea: {  	[tilespmem:s8], [sflag:$0x13] =	stream.indirect.gather [hbm4b:s20+s18], $0x80, s17, s18, $0xb8;
	[tilespmem:$0x1E800] =	vst v63  }
0x1eb: {  	_ =	swait.ge [sflag:s15], $0x2800  }
0x1ec: {  	[sflag:s15] =	ssyncset.done $0x0  }
0x1ed: {  	[sflag:s15] =	ssyncadd.s32 $0xFFFFD800  }
0x1ee: {  	[tilespmem:s10], [sflag:$0x14] =	stream.indirect.gather [hbm4b:s20+s18], $0x80, s30, s18, $0xb8;
	[tilespmem:$0x1E800] =	vst v63  }
0x1ef: {  	_ =	swait.ge [sflag:s21], $0x2800  }
0x1f0: {  	[sflag:s21] =	ssyncset.done $0x0  }
0x1f1: {  	[sflag:s21] =	ssyncadd.s32 $0xFFFFD800  }
0x1f2: {  	_ =	swait.ge [sflag:s23], $0x2800  }
0x1f3: {  	[sflag:s23] =	ssyncset.done $0x0  }
0x1f4: {  	[sflag:s23] =	ssyncadd.s32 $0xFFFFD800  }
0x1f5: {  	_ =	swait.ge [sflag:s11], $0x2800  }
0x1f6: {  	[sflag:s11] =	ssyncset.done $0x0  }
0x1f7: {  	[sflag:s11] =	ssyncadd.s32 $0xFFFFD800  }
0x1f8: {  	_ =	swait.ge [sflag:s12], $0x2800  }
0x1f9: {  	[sflag:s12] =	ssyncset.done $0x0  }
0x1fa: {  	s17 =	simm.s32 $0xD;
	[sflag:s12] =	ssyncadd.s32 $0xFFFFD800  }
0x1fb: {  	_ =	swait.ge [sflag:s17], $0x50  }
0x1fc: {  	[sflag:s17] =	ssyncset.done $0x0  }
0x1fd: {  	s21 =	simm.s32 $0xE;
	[sflag:s17] =	ssyncadd.s32 $0xFFFFFFB0  }
0x1fe: {  	_ =	swait.ge [sflag:s21], $0x50  }
0x1ff: {  	[sflag:s21] =	ssyncset.done $0x0  }
0x200: {  	s22 =	simm.s32 $0xF;
	[sflag:s21] =	ssyncadd.s32 $0xFFFFFFB0  }
0x201: {  	_ =	swait.ge [sflag:s22], $0x50  }
0x202: {  	[sflag:s22] =	ssyncset.done $0x0  }
0x203: {  	s23 =	simm.s32 $0x10;
	[sflag:s22] =	ssyncadd.s32 $0xFFFFFFB0  }
0x204: {  	_ =	swait.ge [sflag:s23], $0x50  }
0x205: {  	[sflag:s23] =	ssyncset.done $0x0  }
0x206: {  	[sflag:s23] =	ssyncadd.s32 $0xFFFFFFB0  }
0x207: {  	[spmem:s24] =	stream.indirect.scatter.add.f32 [tilespmem:s1], [sflag:$0x15], $0x80, s5, s18, $0xb8;
	[tilespmem:$0x1E800] =	vst v63  }
0x208: {  	_ = 	snop  }
0x209: {  	[spmem:s24] =	stream.indirect.scatter.add.f32 [tilespmem:s6], [sflag:$0x16], $0x80, s7, s18, $0xb8;
	[tilespmem:$0x1E800] =	vst v63  }
0x20a: {  	_ = 	snop  }
0x20b: {  	[spmem:s24] =	stream.indirect.scatter.add.f32 [tilespmem:s8], [sflag:$0x17], $0x80, s16, s18, $0xb8;
	[tilespmem:$0x1E800] =	vst v63  }
0x20c: {  	_ = 	snop  }
0x20d: {  	[spmem:s24] =	stream.indirect.scatter.add.f32 [tilespmem:s10], [sflag:$0x18], $0x80, s0, s18, $0xb8;
	[tilespmem:$0x1E800] =	vst v63  }
0x20e: {  	_ =	swait.ge [sflag:s13], $0x2800  }
0x20f: {  	[sflag:s13] =	ssyncset.done $0x0  }
0x210: {  	[sflag:s13] =	ssyncadd.s32 $0xFFFFD800  }
0x211: {  	_ =	swait.ge [sflag:s4], $0x2800  }
0x212: {  	[sflag:s4] =	ssyncset.done $0x0  }
0x213: {  	[sflag:s4] =	ssyncadd.s32 $0xFFFFD800  }
0x214: {  	_ =	swait.ge [sflag:s9], $0x2800  }
0x215: {  	[sflag:s9] =	ssyncset.done $0x0  }
0x216: {  	[sflag:s9] =	ssyncadd.s32 $0xFFFFD800  }
0x217: {  	_ =	swait.ge [sflag:s15], $0x2800  }
0x218: {  	[sflag:s15] =	ssyncset.done $0x0  }
0x219: {  	[sflag:s15] =	ssyncadd.s32 $0xFFFFD800  }
0x21a: {  	[bflag:$0x0] =	sbarrier.arrive $0xFFFF  }
0x21b: {  	s24 =	sld [smem:$0x7FD]  }
0x21c: {  	s25 =	sld [smem:$0x7F6]  }
0x21d: {  	s26 =	sld [smem:$0x7F3];
	_ =	sdelay $0x2  }
0x21e: {  	[hbm:s25], [sflag:s24] =	dma.local [spmem:s26], $0x2800  }
0x21f: {  	s26 =	simm.s32 $0x19  }
0x220: {  	_ =	swait.ge [sflag:s26], $0x2800  }
0x221: {  	s28 =	sld [smem:$0x7F2]  }
0x222: {  	s31 =	sld [smem:$0x7F7];
	_ =	sdelay $0x1  }
0x223: {  	s1 =	sadd.s32 $0x1, s28  }
0x224: {  	p0 =	sne.s32 s1, s31  }
.Ltmp1:
0x225: {  	_ = 	snop;
	(pc) =	sbr.rel @p0 .LBB2_1-.Ltmp1, $3  }
0x226: {  	_ =	sdelay $0x1  }
0x227: {  	s29 =	simm.s32 $0x1;
	s30 =	simm.s32 $0x3;
	[sflag:s26] =	ssyncset.done $0x0  }
0x228: {  	s17 =	simm.s32 $0x80;
	s21 =	simm.s32 $0x2;
	[sflag:s26] =	ssyncadd.s32 $0xFFFFD800  }
0x229: {  	_ =	sfence.sel $0x180000  }
0x22a: {  	[bflag:$0x0] =	sbarrier.arrive $0xFFFF  }
0x22b: {  	_ =	strace $0x9000004A  }
0x22c: {  	s0 =	stileid.u32;
	[bflag:$0x2] =	sbarrier.arrive $0xFFFF  }
0x22d: {  	p0 =	sne.s32 s0, $0x0;
	s0 =	rddreg [dreg:$0x2]  }
0x22e: {  	s0 =	sadd.s32 @!p0 $0x100000, s0  }
0x22f: {  	[sflag:s0] =	ssyncadd.tile.s32 @!p0 $0x1;
	_ =	shalt  }
.Lfunc_end2:
_tile_overlayer_lowered:
.L_overlay_start_2:
0x230: {  	(tag) =	ssettag $0x2  }
0x231: {  	s0 =	rddreg [dreg:$0x0];
	s2 =	stileid.u32  }
0x232: {  	s1 =	rddreg [dreg:$0x1];
	p0 =	sne.s32 s2, $0x0  }
0x233: {  	s3 =	rddreg [dreg:$0x2];
	[bflag:$0x3] =	sbarrier.arrive $0xFFFF;
	s2 =	simm.s32 @!p0 $0x1C19  }
0x234: {  	[timem:s3], [sflag:s2] =	dma.local @!p0 [hbm:s0], s1  }
0x235: {  	s0 =	simm.s32 @!p0 $0x19  }
0x236: {  	_ =	swait.ge @!p0 [sflag:s0], s1  }
0x237: {  	s1 =	ssub.s32 @!p0 $0x0, s1;
	[sflag:s0] =	ssyncset.done @!p0 $0x0  }
0x238: {  	[sflag:s0] =	ssyncadd.s32 @!p0 s1  }
0x239: {  	[bflag:$0x3] =	sbarrier.arrive $0xFFFF  }
0x23a: {  	_ =	shalt  }

</sc_bundles>
